<compile_context>
chip_gen: v7x
topology: tpu7x:2x2x1
jax: 0.10.2.dev20260603
libtpu: 0.0.44.dev20260713+nightly
codegen_flags: <defaults>
</compile_context>

<pallas_src>
import jax
import jax.numpy as jnp
from jax import lax
from jax.experimental import pallas as pl
from jax.experimental.pallas import tpu as pltpu
from jax.experimental.pallas import tpu_sc as plsc

N = 50000
E = 800000
H = 32
IN_DIM = 128
NCLS = 9
STEPS = 3

NB = 512
GN = 98
NP = NB * GN
NW = 32
EPW = 25600
EP = NW * EPW
CG = 128
NCH = EPW // CG
CGG = 512
NCHG = EPW // CGG
RING = 2
EP8 = EP // 8
EB8 = 1024
GE8 = EP8 // EB8
NSTRIPE = NP // 16
SPAN = 512
NSPAN = EPW // SPAN
KPS = SPAN // CG

f32 = jnp.float32
i32 = jnp.int32

_SC_MESH = plsc.VectorSubcoreMesh(core_axis_name="c", subcore_axis_name="s")



def _gather_body(a_h, b_h, src_h, dst_h, ga_h, gb_h,
                 srcv, dstv, bufa, bufb, g0, g1, t0, t1):
    gsems = (g0, g1)
    ssems = (t0, t1)
    cid = lax.axis_index("c")
    sid = lax.axis_index("s")
    wid = sid * 2 + cid
    base = wid * EPW
    pltpu.sync_copy(src_h.at[pl.ds(base, EPW)], srcv)
    pltpu.sync_copy(dst_h.at[pl.ds(base, EPW)], dstv)

    def start_gather(j, b):
        pltpu.async_copy(a_h.at[srcv.at[pl.ds(j * CGG, CGG)]], bufa.at[b], gsems[b])
        pltpu.async_copy(b_h.at[dstv.at[pl.ds(j * CGG, CGG)]], bufb.at[b], gsems[b])

    def wait_gather(j, b):
        pltpu.make_async_copy(a_h.at[srcv.at[pl.ds(j * CGG, CGG)]], bufa.at[b], gsems[b]).wait()
        pltpu.make_async_copy(b_h.at[dstv.at[pl.ds(j * CGG, CGG)]], bufb.at[b], gsems[b]).wait()

    def wait_store(j, b):
        pltpu.make_async_copy(bufa.at[b], ga_h.at[pl.ds(base + j * CGG, CGG)], ssems[b]).wait()
        pltpu.make_async_copy(bufb.at[b], gb_h.at[pl.ds(base + j * CGG, CGG)], ssems[b]).wait()

    start_gather(0, 0)

    def body(g, carry):
        for bb in range(RING):
            j = g * RING + bb
            wait_gather(j, bb)
            pltpu.async_copy(bufa.at[bb], ga_h.at[pl.ds(base + j * CGG, CGG)], ssems[bb])
            pltpu.async_copy(bufb.at[bb], gb_h.at[pl.ds(base + j * CGG, CGG)], ssems[bb])
            jn = j + 1
            bn = (bb + 1) % RING

            @pl.when(jn < NCHG)
            def _():
                @pl.when(jn >= RING)
                def _():
                    wait_store(jn - RING, bn)

                start_gather(jn, bn)

        return carry

    lax.fori_loop(0, NCHG // RING, body, 0)
    for j in range(NCHG - RING, NCHG):
        wait_store(j, j % RING)


def _sc_gather(a_t, b_t, src_p, dst_p):
    bf16 = jnp.bfloat16
    k = pl.kernel(
        _gather_body,
        out_type=[jax.ShapeDtypeStruct((EP, H // 2), i32),
                  jax.ShapeDtypeStruct((EP, H // 2), i32)],
        mesh=_SC_MESH,
        scratch_types=[
            pltpu.VMEM((EPW,), i32),
            pltpu.VMEM((EPW,), i32),
            pltpu.VMEM((RING, CGG, H // 2), i32),
            pltpu.VMEM((RING, CGG, H // 2), i32),
            pltpu.SemaphoreType.DMA,
            pltpu.SemaphoreType.DMA,
            pltpu.SemaphoreType.DMA,
            pltpu.SemaphoreType.DMA,
        ],
        compiler_params=pltpu.CompilerParams(use_tc_tiling_on_sc=False),
    )
    return k(a_t, b_t, src_p, dst_p)



def _scatter_body(msg_h, src3_h, zeros_h, agg0_h, agg1_h, shared, idxb, msgv):
    cid = lax.axis_index("c")
    sid = lax.axis_index("s")
    wid = sid * 2 + cid
    base = wid * EPW
    stripe = pl.ds(sid * NSTRIPE, NSTRIPE)
    pltpu.sync_copy(zeros_h.at[stripe], shared.at[stripe])
    plsc.subcore_barrier()

    def body(sp, carry):
        pltpu.sync_copy(msg_h.at[pl.ds(base + sp * SPAN, SPAN)], msgv)

        def inner(kk, c2):
            j = sp * KPS + kk
            pltpu.sync_copy(src3_h.at[wid, j], idxb)
            pltpu.sync_copy(msgv.at[pl.ds(kk * CG, CG)], shared.at[idxb], add=True)
            return c2

        lax.fori_loop(0, KPS, inner, 0)
        return carry

    lax.fori_loop(0, NSPAN, body, 0)
    plsc.subcore_barrier()

    @pl.when(cid == 0)
    def _():
        pltpu.sync_copy(shared.at[stripe], agg0_h.at[stripe])

    @pl.when(cid == 1)
    def _():
        pltpu.sync_copy(shared.at[stripe], agg1_h.at[stripe])


def _sc_scatter(msg, src3, zeros_np):
    k = pl.kernel(
        _scatter_body,
        out_type=[jax.ShapeDtypeStruct((NP, H), f32),
                  jax.ShapeDtypeStruct((NP, H), f32)],
        mesh=_SC_MESH,
        scratch_types=[
            pltpu.VMEM_SHARED((NP, H), f32),
            pltpu.VMEM((CG,), i32),
            pltpu.VMEM((SPAN, H), f32),
        ],
        compiler_params=pltpu.CompilerParams(use_tc_tiling_on_sc=False),
    )
    return k(msg, src3, zeros_np)



def _sigm(x):
    return 1.0 / (1.0 + jnp.exp(-x))


def _dot(a, b):
    return jax.lax.dot_general(a, b, (((1,), (0,)), ((), ())),
                               preferred_element_type=f32)



def _pack_bf16_pair(x):
    half = x.shape[1] // 2
    lo = lax.bitcast_convert_type(x[:, :half], i32)
    hi = lax.bitcast_convert_type(x[:, half:], i32)
    lo = jnp.right_shift(lo + 0x7FFF + jnp.bitwise_and(jnp.right_shift(lo, 16), 1), 16)
    hi = jnp.bitwise_and(hi + 0x7FFF + jnp.bitwise_and(jnp.right_shift(hi, 16), 1),
                         jnp.int32(-65536))
    return jnp.bitwise_or(jnp.bitwise_and(lo, 0xFFFF), hi)


def _pre_body(x_ref, pw0, pb0, pw1, pb1, pw2, pb2, pw3, pb3, w1s, w1d,
              x0_ref, a_ref, b_ref):
    h = x_ref[...]
    h = jnp.maximum(_dot(h, pw0[...]) + pb0[...], 0.0)
    h = jnp.maximum(_dot(h, pw1[...]) + pb1[...], 0.0)
    h = jnp.maximum(_dot(h, pw2[...]) + pb2[...], 0.0)
    h = _dot(h, pw3[...]) + pb3[...]
    x0_ref[...] = h
    a_ref[...] = _pack_bf16_pair(_dot(h, w1s[...]))
    b_ref[...] = _pack_bf16_pair(_dot(h, w1d[...]))


def _lo_f32(x):
    return lax.bitcast_convert_type(jnp.left_shift(x, 16), f32)


def _hi_f32(x):
    return lax.bitcast_convert_type(jnp.bitwise_and(x, jnp.int32(-65536)), f32)


def _edge_body(ga_ref, gb_ref, b1e, b1o, w2e, w2o, b2, w3, b3, w4, b4, out_ref):
    xa = ga_ref[...]
    xb = gb_ref[...]
    he = jnp.maximum(_lo_f32(xa) + _lo_f32(xb) + b1e[...], 0.0)
    ho = jnp.maximum(_hi_f32(xa) + _hi_f32(xb) + b1o[...], 0.0)
    h = jnp.maximum(_dot(he.astype(jnp.bfloat16), w2e[...])
                    + _dot(ho.astype(jnp.bfloat16), w2o[...]) + b2[...], 0.0)
    h = jnp.maximum(_dot(h.astype(jnp.bfloat16), w3[...]) + b3[...], 0.0)
    out_ref[...] = _dot(h.astype(jnp.bfloat16), w4[...]) + b4[...]


def _node_body(a0_ref, a1_ref, x0_ref, c_ref, h_ref, tgt_ref,
               qw0a, qw0b, qb0, qw1, qb1, qw2, qb2, qw3, qb3,
               wlx, wlh, bl, w1s, w1d, wo, bo,
               cout, hout, aout, bout, loss_ref):
    i = pl.program_id(0)
    agg = a0_ref[...] + a1_ref[...]
    x0 = x0_ref[...]
    u = jnp.maximum(_dot(agg, qw0a[...]) + _dot(x0, qw0b[...]) + qb0[...], 0.0)
    u = jnp.maximum(_dot(u, qw1[...]) + qb1[...], 0.0)
    u = jnp.maximum(_dot(u, qw2[...]) + qb2[...], 0.0)
    xc = _dot(u, qw3[...]) + qb3[...]
    z = _dot(xc, wlx[...]) + _dot(h_ref[...], wlh[...]) + bl[...]
    zi = z[:, 0:H]
    zj = z[:, H:2 * H]
    zf = z[:, 2 * H:3 * H]
    zo = z[:, 3 * H:4 * H]
    cn = c_ref[...] * _sigm(zf + 1.0) + _sigm(zi) * jnp.tanh(zj)
    hn = _sigm(zo) * jnp.tanh(cn)
    cout[...] = cn
    hout[...] = hn
    aout[...] = _pack_bf16_pair(_dot(hn, w1s[...]))
    bout[...] = _pack_bf16_pair(_dot(hn, w1d[...]))
    logits = _dot(hn, wo[...]) + bo[...]
    m = jnp.max(logits, axis=1, keepdims=True)
    lse = m + jnp.log(jnp.sum(jnp.exp(logits - m), axis=1, keepdims=True))
    t2 = tgt_ref[...].reshape(NB, 1)
    onehot = (t2 == lax.broadcasted_iota(i32, (NB, NCLS), 1)).astype(f32)
    picked = jnp.sum(logits * onehot, axis=1, keepdims=True)
    ce = lse - picked
    rows = i * NB + lax.broadcasted_iota(i32, (NB, 1), 0)
    part = jnp.sum(jnp.where(rows < N, ce, 0.0))

    @pl.when(i == 0)
    def _():
        loss_ref[...] = part.reshape(1, 1)

    @pl.when(i > 0)
    def _():
        loss_ref[...] = loss_ref[...] + part.reshape(1, 1)


def _full(shape):
    return pl.BlockSpec(shape, lambda *_: tuple(0 for _ in shape))


def _tc_pre(xp, pre_ws, w1s, w1d):
    specs = [pl.BlockSpec((NB, IN_DIM), lambda i: (i, 0))]
    args = [xp]
    for (w, b) in pre_ws:
        specs += [_full(w.shape), _full((1, H))]
        args += [w, b.reshape(1, H)]
    specs += [_full((H, H)), _full((H, H))]
    args += [w1s, w1d]
    out = pl.pallas_call(
        _pre_body,
        grid=(GN,),
        in_specs=specs,
        out_specs=[pl.BlockSpec((NB, H), lambda i: (i, 0)),
                   pl.BlockSpec((NB, H // 2), lambda i: (i, 0)),
                   pl.BlockSpec((NB, H // 2), lambda i: (i, 0))],
        out_shape=[jax.ShapeDtypeStruct((NP, H), f32),
                   jax.ShapeDtypeStruct((NP, H // 2), i32),
                   jax.ShapeDtypeStruct((NP, H // 2), i32)],
    )(*args)
    return out


def _bd8(w):
    a, b = w.shape
    z = jnp.zeros((8 * a, 8 * b), w.dtype)
    for k in range(8):
        z = z.at[k * a:(k + 1) * a, k * b:(k + 1) * b].set(w)
    return z


def _tc_edge(ga_p, gb_p, msg_ws):
    (w2, b2), (w3, b3), (w4, b4) = msg_ws[1], msg_ws[2], msg_ws[3]
    b1 = msg_ws[0][1]
    bf16 = jnp.bfloat16
    specs = [pl.BlockSpec((EB8, 4 * H), lambda i: (i, 0))] * 2
    specs += [_full((1, 4 * H)), _full((1, 4 * H)),
              _full((4 * H, 8 * H)), _full((4 * H, 8 * H)), _full((1, 8 * H)),
              _full((8 * H, 8 * H)), _full((1, 8 * H)),
              _full((8 * H, 8 * H)), _full((1, 8 * H))]
    out = pl.pallas_call(
        _edge_body,
        grid=(GE8,),
        in_specs=specs,
        out_specs=pl.BlockSpec((EB8, 8 * H), lambda i: (i, 0)),
        out_shape=jax.ShapeDtypeStruct((EP8, 8 * H), f32),
    )(ga_p, gb_p,
      jnp.tile(b1[:H // 2], 8).reshape(1, 4 * H),
      jnp.tile(b1[H // 2:], 8).reshape(1, 4 * H),
      _bd8(w2[:H // 2]).astype(bf16), _bd8(w2[H // 2:]).astype(bf16),
      jnp.tile(b2, 8).reshape(1, 8 * H),
      _bd8(w3).astype(bf16), jnp.tile(b3, 8).reshape(1, 8 * H),
      _bd8(w4).astype(bf16), jnp.tile(b4, 8).reshape(1, 8 * H))
    return out


def _tc_node(a0, a1, x0, c_st, h_st, tp, post_ws, lstm_w, lstm_b, w1s, w1d, wo, bo):
    (q0, qb0), (q1, qb1), (q2, qb2), (q3, qb3) = post_ws
    nodeblk = pl.BlockSpec((NB, H), lambda i: (i, 0))
    specs = [nodeblk] * 5 + [pl.BlockSpec((1, 1, NB), lambda i: (i, 0, 0))]
    specs += [_full((H, H)), _full((H, H)), _full((1, H)),
              _full((H, H)), _full((1, H)), _full((H, H)), _full((1, H)),
              _full((H, H)), _full((1, H)),
              _full((H, 4 * H)), _full((H, 4 * H)), _full((1, 4 * H)),
              _full((H, H)), _full((H, H)),
              _full((H, NCLS)), _full((1, NCLS))]
    out = pl.pallas_call(
        _node_body,
        grid=(GN,),
        in_specs=specs,
        out_specs=[nodeblk, nodeblk,
                   pl.BlockSpec((NB, H // 2), lambda i: (i, 0)),
                   pl.BlockSpec((NB, H // 2), lambda i: (i, 0)),
                   pl.BlockSpec((1, 1), lambda i: (0, 0))],
        out_shape=[jax.ShapeDtypeStruct((NP, H), f32),
                   jax.ShapeDtypeStruct((NP, H), f32),
                   jax.ShapeDtypeStruct((NP, H // 2), i32),
                   jax.ShapeDtypeStruct((NP, H // 2), i32),
                   jax.ShapeDtypeStruct((1, 1), f32)],
        compiler_params=pltpu.CompilerParams(
            dimension_semantics=("arbitrary",)),
    )(a0, a1, x0, c_st, h_st, tp,
      q0[:H], q0[H:], qb0.reshape(1, H),
      q1, qb1.reshape(1, H), q2, qb2.reshape(1, H), q3, qb3.reshape(1, H),
      lstm_w[:H], lstm_w[H:], lstm_b.reshape(1, 4 * H),
      w1s, w1d, wo, bo.reshape(1, NCLS))
    return out



def kernel(x, edge_index, edge_attr, targets, params):
    del edge_attr
    p = params
    src = edge_index[0].astype(i32)
    dst = edge_index[1].astype(i32)
    pad = jnp.full((EP - E,), N, i32)
    src_p = jnp.concatenate([src, pad])
    dst_p = jnp.concatenate([dst, pad])
    src3 = src_p.reshape(NW, NCH, CG)
    xp = jnp.pad(x, ((0, NP - N), (0, 0)))
    tp = jnp.pad(targets.astype(i32), (0, NP - N)).reshape(GN, 1, NB)
    zeros_np = jnp.zeros((NP, H), f32)

    w1 = p["msg"][0][0]
    w1s = w1[:H]
    w1d = w1[H:2 * H]

    x0, a_t, b_t = _tc_pre(xp, p["pre"], w1s, w1d)
    c_st = jnp.zeros((NP, H), f32)
    h_st = jnp.zeros((NP, H), f32)
    losses = []
    for _ in range(STEPS):
        ga, gb = _sc_gather(a_t, b_t, src_p, dst_p)
        msg_p = _tc_edge(ga.reshape(EP8, 4 * H), gb.reshape(EP8, 4 * H),
                         p["msg"])
        agg0, agg1 = _sc_scatter(msg_p.reshape(EP, H), src3, zeros_np)
        c_st, h_st, a_t, b_t, lsum = _tc_node(
            agg0, agg1, x0, c_st, h_st, tp, p["post"],
            p["lstm_W"], p["lstm_b"], w1s, w1d, p["out_W"], p["out_b"])
        losses.append(lsum[0, 0] / (N * jnp.log(2.0)))
    return jnp.mean(jnp.stack(losses))

# --- scband reference (transcript-rebuilt; emitter-appended) ---
"""Pipeline reference for scband-greedy-rrn-39608188403858 (READ-ONLY COPY).

The authoritative reference and input builder live on the scoring server;
editing this copy changes nothing except your own understanding.
"""

import jax, jax.numpy as jnp
import numpy as np

N_NODES = 50000
IN_DIM = 128
H = 32
N_STEPS = 3
N_CLASSES = 9
N_EDGES = 800000


def _mlp_params(key, d_in, d_h, d_out, n_hidden_layers=3):
    params = []
    dims = [d_in] + [d_h] * n_hidden_layers + [d_out]
    for i in range(len(dims) - 1):
        key, k = jax.random.split(key)
        W = jax.random.normal(k, (dims[i], dims[i + 1]), jnp.float32) * (1.0 / np.sqrt(dims[i]))
        params.append((W, jnp.zeros((dims[i + 1],), jnp.float32)))
    return params


def _mlp(params, x):
    for W, b in params[:-1]:
        x = jax.nn.relu(x @ W + b)
    W, b = params[-1]
    return x @ W + b


def setup_inputs(seed: int = 0):
    key = jax.random.key(seed)
    ks = jax.random.split(key, 10)
    x = jax.random.normal(ks[0], (N_NODES, IN_DIM), jnp.float32)
    edge_index = jax.random.randint(ks[1], (2, N_EDGES), 0, N_NODES, dtype=jnp.int32).astype(jnp.int64)
    edge_attr = jnp.zeros((N_EDGES, 1), jnp.float32)
    targets = jax.random.randint(ks[2], (N_NODES,), 0, N_CLASSES, dtype=jnp.int32).astype(jnp.int64)
    params = {
        "pre": _mlp_params(ks[3], IN_DIM, H, H),
        "msg": _mlp_params(ks[4], 2 * H + 1, H, H),
        "post": _mlp_params(ks[5], 2 * H, H, H),
        "lstm_W": jax.random.normal(ks[6], (2 * H, 4 * H), jnp.float32) * (1.0 / np.sqrt(2 * H)),
        "lstm_b": jnp.zeros((4 * H,), jnp.float32),
        "out_W": jax.random.normal(ks[7], (H, N_CLASSES), jnp.float32) * (1.0 / np.sqrt(H)),
        "out_b": jnp.zeros((N_CLASSES,), jnp.float32),
    }
    return {"x": x, "edge_index": edge_index, "edge_attr": edge_attr, "targets": targets, "params": params}


def reference(x, edge_index, edge_attr, targets, params):
    # pre-MLP on node inputs (cities + one-hot indices analogue)
    x0 = _mlp(params["pre"], x)
    xcur = x0
    src = edge_index[0]
    dst = edge_index[1]
    state_c = jnp.zeros((N_NODES, H), jnp.float32)
    state_h = jnp.zeros((N_NODES, H), jnp.float32)
    losses = []
    for step in range(N_STEPS):
        # message passing: gather both endpoints, concat edge features, message MLP, scatter-sum at edges[:,0]
        m_in = jnp.concatenate([jnp.take(xcur, src, axis=0), jnp.take(xcur, dst, axis=0), edge_attr], axis=1)
        messages = _mlp(params["msg"], m_in)
        agg = jax.ops.segment_sum(messages, src, num_segments=N_NODES)
        # post MLP on [aggregated, x0]
        xcur = _mlp(params["post"], jnp.concatenate([agg, x0], axis=1))
        # LSTMCell (TF gate order i, j, f, o; forget_bias=1.0)
        z = jnp.concatenate([xcur, state_h], axis=1) @ params["lstm_W"] + params["lstm_b"]
        i, j, f, o = jnp.split(z, 4, axis=1)
        state_c = state_c * jax.nn.sigmoid(f + 1.0) + jax.nn.sigmoid(i) * jnp.tanh(j)
        state_h = jax.nn.sigmoid(o) * jnp.tanh(state_c)
        xcur = state_h
        logits = xcur @ params["out_W"] + params["out_b"]
        logp = jax.nn.log_softmax(logits, axis=-1)
        ce = -jnp.take_along_axis(logp, targets[:, None].astype(jnp.int32), axis=1)[:, 0] / jnp.log(2.0)
        losses.append(jnp.mean(ce))
    return jnp.mean(jnp.stack(losses))

if __name__ == "__main__":
    import jax
    _d = setup_inputs()
    print(jax.jit(kernel)(*tuple(_d.values())))

</pallas_src>

<mosaic_0001>
#map = affine_map<(d0, d1) -> (0, 0)>
#map1 = affine_map<(d0, d1) -> (0, 0, 0)>
module attributes {stable_mosaic.version = 14 : i64} {
  func.func @_scatter_body(%arg0: i32, %arg1: i32, %arg2: memref<819200x32xf32, #tpu.memory_space<hbm>>, %arg3: memref<32x200x128xi32, #tpu.memory_space<hbm>>, %arg4: memref<50176x32xf32, #tpu.memory_space<hbm>>, %arg5: memref<50176x32xf32, #tpu.memory_space<hbm>>, %arg6: memref<50176x32xf32, #tpu.memory_space<hbm>>, %arg7: memref<50176x32xf32, #tpu.memory_space<vmem_shared>>, %arg8: memref<128xi32, #tpu.memory_space<vmem>>, %arg9: memref<512x32xf32, #tpu.memory_space<vmem>>) attributes {dimension_semantics = [#tpu.dimension_semantics<core_parallel>, #tpu.dimension_semantics<subcore_parallel>], iteration_bounds = array<i64: 2, 16>, scalar_prefetch = 0 : i64, scratch_operands = 3 : i64, tpu.core_type = #tpu.core_type<sc_vector_subcore>, window_params = [{transform_indices = #map}, {transform_indices = #map1}, {transform_indices = #map}, {transform_indices = #map}, {transform_indices = #map}]} {
    %mul3A = arith.constant 2 : i32
    %mul3A_0 = arith.muli %arg1, %mul3A : i32
    %add3A = arith.addi %mul3A_0, %arg0 : i32
    %mul3A_1 = arith.constant 25600 : i32
    %mul3A_2 = arith.muli %add3A, %mul3A_1 : i32
    %mul3A_3 = arith.constant 3136 : i32
    %mul3A_4 = arith.muli %arg1, %mul3A_3 : i32
    "tpu.region"() ({
      %run_scoped3A = tpu.sem_alloc : memref<!tpu.dma_semaphore, #tpu.memory_space<semaphore_mem>>
      %dma_start3A = arith.constant 0 : i32
      %dma_start3A_18 = tpu.memref_slice %arg7[%mul3A_4, %dma_start3A] : memref<50176x32xf32, #tpu.memory_space<vmem_shared>> -> memref<3136x32xf32, #tpu.memory_space<vmem_shared>>
      %dma_start3A_19 = arith.constant 0 : i32
      %dma_start3A_20 = tpu.memref_slice %arg4[%mul3A_4, %dma_start3A_19] : memref<50176x32xf32, #tpu.memory_space<hbm>> -> memref<3136x32xf32, #tpu.memory_space<hbm>>
      tpu.enqueue_dma source(%dma_start3A_20 : memref<3136x32xf32, #tpu.memory_space<hbm>>) target(%dma_start3A_18 : memref<3136x32xf32, #tpu.memory_space<vmem_shared>>) target_semaphore(%run_scoped3A : memref<!tpu.dma_semaphore, #tpu.memory_space<semaphore_mem>>)
      %dma_wait3A = arith.constant 0 : i32
      %dma_wait3A_21 = tpu.memref_slice %arg7[%mul3A_4, %dma_wait3A] : memref<50176x32xf32, #tpu.memory_space<vmem_shared>> -> memref<3136x32xf32, #tpu.memory_space<vmem_shared>>
      %dma_wait3A_22 = arith.constant 0 : i32
      %dma_wait3A_23 = tpu.memref_slice %arg4[%mul3A_4, %dma_wait3A_22] : memref<50176x32xf32, #tpu.memory_space<hbm>> -> memref<3136x32xf32, #tpu.memory_space<hbm>>
      tpu.wait_dma2 semaphore(%run_scoped3A : memref<!tpu.dma_semaphore, #tpu.memory_space<semaphore_mem>>) src(%dma_wait3A_23 : memref<3136x32xf32, #tpu.memory_space<hbm>>) dst(%dma_wait3A_21 : memref<3136x32xf32, #tpu.memory_space<vmem_shared>>)
      tpu.yield
    }) : () -> ()
    %barrier3A = arith.constant 0 : index
    tpu.barrier barrier_id(%barrier3A)
    %scan3A = arith.constant 0 : i32
    %scan3A_5 = arith.constant 0 : i32
    %scan3A_6 = arith.constant 50 : i32
    %scan3A_7 = arith.addi %scan3A_5, %scan3A_6 : i32
    %scan3A_8 = arith.constant 1 : i32
    scf.for %scan3A_18 = %scan3A_5 to %scan3A_7 step %scan3A_8  : i32 {
      %mul3A_19 = arith.constant 512 : i32
      %mul3A_20 = arith.muli %scan3A_18, %mul3A_19 : i32
      %add3A_21 = arith.addi %mul3A_2, %mul3A_20 : i32
      "tpu.region"() ({
        %run_scoped3A = tpu.sem_alloc : memref<!tpu.dma_semaphore, #tpu.memory_space<semaphore_mem>>
        %dma_start3A = arith.constant 0 : i32
        %dma_start3A_28 = tpu.memref_slice %arg2[%add3A_21, %dma_start3A] : memref<819200x32xf32, #tpu.memory_space<hbm>> -> memref<512x32xf32, #tpu.memory_space<hbm>>
        %dma_start3A_29 = arith.constant 0 : i32
        %dma_start3A_30 = tpu.memref_slice %arg2[%add3A_21, %dma_start3A_29] : memref<819200x32xf32, #tpu.memory_space<hbm>> -> memref<512x32xf32, #tpu.memory_space<hbm>>
        tpu.enqueue_dma source(%dma_start3A_30 : memref<512x32xf32, #tpu.memory_space<hbm>>) target(%arg9 : memref<512x32xf32, #tpu.memory_space<vmem>>) target_semaphore(%run_scoped3A : memref<!tpu.dma_semaphore, #tpu.memory_space<semaphore_mem>>)
        %dma_wait3A = arith.constant 0 : i32
        %dma_wait3A_31 = tpu.memref_slice %arg2[%add3A_21, %dma_wait3A] : memref<819200x32xf32, #tpu.memory_space<hbm>> -> memref<512x32xf32, #tpu.memory_space<hbm>>
        %dma_wait3A_32 = arith.constant 0 : i32
        %dma_wait3A_33 = tpu.memref_slice %arg2[%add3A_21, %dma_wait3A_32] : memref<819200x32xf32, #tpu.memory_space<hbm>> -> memref<512x32xf32, #tpu.memory_space<hbm>>
        tpu.wait_dma2 semaphore(%run_scoped3A : memref<!tpu.dma_semaphore, #tpu.memory_space<semaphore_mem>>) src(%dma_wait3A_33 : memref<512x32xf32, #tpu.memory_space<hbm>>) dst(%arg9 : memref<512x32xf32, #tpu.memory_space<vmem>>)
        tpu.yield
      }) : () -> ()
      %scan3A_22 = arith.constant 0 : i32
      %scan3A_23 = arith.constant 0 : i32
      %scan3A_24 = arith.constant 4 : i32
      %scan3A_25 = arith.addi %scan3A_23, %scan3A_24 : i32
      %scan3A_26 = arith.constant 1 : i32
      scf.for %scan3A_28 = %scan3A_23 to %scan3A_25 step %scan3A_26  : i32 {
        %mul3A_29 = arith.constant 4 : i32
        %mul3A_30 = arith.muli %scan3A_18, %mul3A_29 : i32
        %add3A_31 = arith.addi %mul3A_30, %scan3A_28 : i32
        "tpu.region"() ({
          %run_scoped3A = tpu.sem_alloc : memref<!tpu.dma_semaphore, #tpu.memory_space<semaphore_mem>>
          %dma_start3A = arith.constant 0 : i32
          %dma_start3A_34 = tpu.memref_slice %arg3[%add3A, %add3A_31, %dma_start3A] : memref<32x200x128xi32, #tpu.memory_space<hbm>> -> memref<1x1x128xi32, #tpu.memory_space<hbm>>
          %dma_start3A_35 = tpu.memref_squeeze %dma_start3A_34 : memref<1x1x128xi32, #tpu.memory_space<hbm>> -> memref<128xi32, #tpu.memory_space<hbm>>
          %dma_start3A_36 = arith.constant 0 : i32
          %dma_start3A_37 = tpu.memref_slice %arg3[%add3A, %add3A_31, %dma_start3A_36] : memref<32x200x128xi32, #tpu.memory_space<hbm>> -> memref<1x1x128xi32, #tpu.memory_space<hbm>>
          %dma_start3A_38 = tpu.memref_squeeze %dma_start3A_37 : memref<1x1x128xi32, #tpu.memory_space<hbm>> -> memref<128xi32, #tpu.memory_space<hbm>>
          tpu.enqueue_dma source(%dma_start3A_38 : memref<128xi32, #tpu.memory_space<hbm>>) target(%arg8 : memref<128xi32, #tpu.memory_space<vmem>>) target_semaphore(%run_scoped3A : memref<!tpu.dma_semaphore, #tpu.memory_space<semaphore_mem>>)
          %dma_wait3A = arith.constant 0 : i32
          %dma_wait3A_39 = tpu.memref_slice %arg3[%add3A, %add3A_31, %dma_wait3A] : memref<32x200x128xi32, #tpu.memory_space<hbm>> -> memref<1x1x128xi32, #tpu.memory_space<hbm>>
          %dma_wait3A_40 = tpu.memref_squeeze %dma_wait3A_39 : memref<1x1x128xi32, #tpu.memory_space<hbm>> -> memref<128xi32, #tpu.memory_space<hbm>>
          %dma_wait3A_41 = arith.constant 0 : i32
          %dma_wait3A_42 = tpu.memref_slice %arg3[%add3A, %add3A_31, %dma_wait3A_41] : memref<32x200x128xi32, #tpu.memory_space<hbm>> -> memref<1x1x128xi32, #tpu.memory_space<hbm>>
          %dma_wait3A_43 = tpu.memref_squeeze %dma_wait3A_42 : memref<1x1x128xi32, #tpu.memory_space<hbm>> -> memref<128xi32, #tpu.memory_space<hbm>>
          tpu.wait_dma2 semaphore(%run_scoped3A : memref<!tpu.dma_semaphore, #tpu.memory_space<semaphore_mem>>) src(%dma_wait3A_43 : memref<128xi32, #tpu.memory_space<hbm>>) dst(%arg8 : memref<128xi32, #tpu.memory_space<vmem>>)
          tpu.yield
        }) : () -> ()
        %mul3A_32 = arith.constant 128 : i32
        %mul3A_33 = arith.muli %scan3A_28, %mul3A_32 : i32
        "tpu.region"() ({
          %run_scoped3A = tpu.sem_alloc : memref<!tpu.dma_semaphore, #tpu.memory_space<semaphore_mem>>
          %dma_start3A = arith.constant 0 : i32
          %dma_start3A_34 = tpu.memref_slice %arg9[%mul3A_33, %dma_start3A] : memref<512x32xf32, #tpu.memory_space<vmem>> -> memref<128x32xf32, #tpu.memory_space<vmem>>
          %dma_start3A_35 = arith.constant 0 : i32
          %dma_start3A_36 = arith.constant 0 : i32
          %dma_start3A_37 = tpu.memref_slice %arg7[%dma_start3A_35, %dma_start3A_36] : memref<50176x32xf32, #tpu.memory_space<vmem_shared>> -> memref<50176x32xf32, #tpu.memory_space<vmem_shared>>
          tpu.enqueue_indirect_dma source(%dma_start3A_34 : memref<128x32xf32, #tpu.memory_space<vmem>>) target(%dma_start3A_37 : memref<50176x32xf32, #tpu.memory_space<vmem_shared>>) offsets(%arg8 : memref<128xi32, #tpu.memory_space<vmem>>) semaphore(%run_scoped3A : memref<!tpu.dma_semaphore, #tpu.memory_space<semaphore_mem>>) {add = true}
          %dma_wait3A = arith.constant 0 : i32
          %dma_wait3A_38 = tpu.memref_slice %arg9[%mul3A_33, %dma_wait3A] : memref<512x32xf32, #tpu.memory_space<vmem>> -> memref<128x32xf32, #tpu.memory_space<vmem>>
          %dma_wait3A_39 = arith.constant 0 : i32
          %dma_wait3A_40 = arith.constant 0 : i32
          %dma_wait3A_41 = tpu.memref_slice %arg7[%dma_wait3A_39, %dma_wait3A_40] : memref<50176x32xf32, #tpu.memory_space<vmem_shared>> -> memref<50176x32xf32, #tpu.memory_space<vmem_shared>>
          tpu.wait_indirect_dma semaphore(%run_scoped3A : memref<!tpu.dma_semaphore, #tpu.memory_space<semaphore_mem>>) src(%dma_wait3A_38 : memref<128x32xf32, #tpu.memory_space<vmem>>) dst(%dma_wait3A_41 : memref<50176x32xf32, #tpu.memory_space<vmem_shared>>)
          tpu.yield
        }) : () -> ()
      }
      %scan3A_27 = arith.constant 4 : i32
    }
    %scan3A_9 = arith.constant 50 : i32
    %barrier3A_10 = arith.constant 0 : index
    tpu.barrier barrier_id(%barrier3A_10)
    %eq3A = arith.constant 0 : i32
    %eq3A_11 = arith.cmpi eq, %arg0, %eq3A : i32
    %convert_element_type3A = arith.extui %eq3A_11 : i1 to i32
    %cond3A = arith.constant 0 : i32
    %cond3A_12 = arith.cmpi ne, %convert_element_type3A, %cond3A : i32
    scf.if %cond3A_12 {
      "tpu.region"() ({
        %run_scoped3A = tpu.sem_alloc : memref<!tpu.dma_semaphore, #tpu.memory_space<semaphore_mem>>
        %dma_start3A = arith.constant 0 : i32
        %dma_start3A_18 = tpu.memref_slice %arg5[%mul3A_4, %dma_start3A] : memref<50176x32xf32, #tpu.memory_space<hbm>> -> memref<3136x32xf32, #tpu.memory_space<hbm>>
        %dma_start3A_19 = arith.constant 0 : i32
        %dma_start3A_20 = tpu.memref_slice %arg7[%mul3A_4, %dma_start3A_19] : memref<50176x32xf32, #tpu.memory_space<vmem_shared>> -> memref<3136x32xf32, #tpu.memory_space<vmem_shared>>
        tpu.enqueue_dma source(%dma_start3A_20 : memref<3136x32xf32, #tpu.memory_space<vmem_shared>>) target(%dma_start3A_18 : memref<3136x32xf32, #tpu.memory_space<hbm>>) target_semaphore(%run_scoped3A : memref<!tpu.dma_semaphore, #tpu.memory_space<semaphore_mem>>)
        %dma_wait3A = arith.constant 0 : i32
        %dma_wait3A_21 = tpu.memref_slice %arg5[%mul3A_4, %dma_wait3A] : memref<50176x32xf32, #tpu.memory_space<hbm>> -> memref<3136x32xf32, #tpu.memory_space<hbm>>
        %dma_wait3A_22 = arith.constant 0 : i32
        %dma_wait3A_23 = tpu.memref_slice %arg7[%mul3A_4, %dma_wait3A_22] : memref<50176x32xf32, #tpu.memory_space<vmem_shared>> -> memref<3136x32xf32, #tpu.memory_space<vmem_shared>>
        tpu.wait_dma2 semaphore(%run_scoped3A : memref<!tpu.dma_semaphore, #tpu.memory_space<semaphore_mem>>) src(%dma_wait3A_23 : memref<3136x32xf32, #tpu.memory_space<vmem_shared>>) dst(%dma_wait3A_21 : memref<3136x32xf32, #tpu.memory_space<hbm>>)
        tpu.yield
      }) : () -> ()
    } else {
    }
    %eq3A_13 = arith.constant 1 : i32
    %eq3A_14 = arith.cmpi eq, %arg0, %eq3A_13 : i32
    %convert_element_type3A_15 = arith.extui %eq3A_14 : i1 to i32
    %cond3A_16 = arith.constant 0 : i32
    %cond3A_17 = arith.cmpi ne, %convert_element_type3A_15, %cond3A_16 : i32
    scf.if %cond3A_17 {
      "tpu.region"() ({
        %run_scoped3A = tpu.sem_alloc : memref<!tpu.dma_semaphore, #tpu.memory_space<semaphore_mem>>
        %dma_start3A = arith.constant 0 : i32
        %dma_start3A_18 = tpu.memref_slice %arg6[%mul3A_4, %dma_start3A] : memref<50176x32xf32, #tpu.memory_space<hbm>> -> memref<3136x32xf32, #tpu.memory_space<hbm>>
        %dma_start3A_19 = arith.constant 0 : i32
        %dma_start3A_20 = tpu.memref_slice %arg7[%mul3A_4, %dma_start3A_19] : memref<50176x32xf32, #tpu.memory_space<vmem_shared>> -> memref<3136x32xf32, #tpu.memory_space<vmem_shared>>
        tpu.enqueue_dma source(%dma_start3A_20 : memref<3136x32xf32, #tpu.memory_space<vmem_shared>>) target(%dma_start3A_18 : memref<3136x32xf32, #tpu.memory_space<hbm>>) target_semaphore(%run_scoped3A : memref<!tpu.dma_semaphore, #tpu.memory_space<semaphore_mem>>)
        %dma_wait3A = arith.constant 0 : i32
        %dma_wait3A_21 = tpu.memref_slice %arg6[%mul3A_4, %dma_wait3A] : memref<50176x32xf32, #tpu.memory_space<hbm>> -> memref<3136x32xf32, #tpu.memory_space<hbm>>
        %dma_wait3A_22 = arith.constant 0 : i32
        %dma_wait3A_23 = tpu.memref_slice %arg7[%mul3A_4, %dma_wait3A_22] : memref<50176x32xf32, #tpu.memory_space<vmem_shared>> -> memref<3136x32xf32, #tpu.memory_space<vmem_shared>>
        tpu.wait_dma2 semaphore(%run_scoped3A : memref<!tpu.dma_semaphore, #tpu.memory_space<semaphore_mem>>) src(%dma_wait3A_23 : memref<3136x32xf32, #tpu.memory_space<vmem_shared>>) dst(%dma_wait3A_21 : memref<3136x32xf32, #tpu.memory_space<hbm>>)
        tpu.yield
      }) : () -> ()
    } else {
    }
    return
  }
}

#map = affine_map<(d0, d1) -> (0, 0)>
#map1 = affine_map<(d0, d1) -> (0)>
module attributes {stable_mosaic.version = 14 : i64} {
  func.func @_gather_body(%arg0: i32, %arg1: i32, %arg2: memref<50176x16xi32, #tpu.memory_space<hbm>>, %arg3: memref<50176x16xi32, #tpu.memory_space<hbm>>, %arg4: memref<819200xi32, #tpu.memory_space<hbm>>, %arg5: memref<819200xi32, #tpu.memory_space<hbm>>, %arg6: memref<819200x16xi32, #tpu.memory_space<hbm>>, %arg7: memref<819200x16xi32, #tpu.memory_space<hbm>>, %arg8: memref<25600xi32, #tpu.memory_space<vmem>>, %arg9: memref<25600xi32, #tpu.memory_space<vmem>>, %arg10: memref<2x512x16xi32, #tpu.memory_space<vmem>>, %arg11: memref<2x512x16xi32, #tpu.memory_space<vmem>>, %arg12: memref<!tpu.dma_semaphore, #tpu.memory_space<semaphore_mem>>, %arg13: memref<!tpu.dma_semaphore, #tpu.memory_space<semaphore_mem>>, %arg14: memref<!tpu.dma_semaphore, #tpu.memory_space<semaphore_mem>>, %arg15: memref<!tpu.dma_semaphore, #tpu.memory_space<semaphore_mem>>) attributes {dimension_semantics = [#tpu.dimension_semantics<core_parallel>, #tpu.dimension_semantics<subcore_parallel>], iteration_bounds = array<i64: 2, 16>, scalar_prefetch = 0 : i64, scratch_operands = 8 : i64, tpu.core_type = #tpu.core_type<sc_vector_subcore>, window_params = [{transform_indices = #map}, {transform_indices = #map}, {transform_indices = #map1}, {transform_indices = #map1}, {transform_indices = #map}, {transform_indices = #map}]} {
    %mul3A = arith.constant 2 : i32
    %mul3A_0 = arith.muli %arg1, %mul3A : i32
    %add3A = arith.addi %mul3A_0, %arg0 : i32
    %mul3A_1 = arith.constant 25600 : i32
    %mul3A_2 = arith.muli %add3A, %mul3A_1 : i32
    "tpu.region"() ({
      %run_scoped3A = tpu.sem_alloc : memref<!tpu.dma_semaphore, #tpu.memory_space<semaphore_mem>>
      %dma_start3A_86 = tpu.memref_slice %arg4[%mul3A_2] : memref<819200xi32, #tpu.memory_space<hbm>> -> memref<25600xi32, #tpu.memory_space<hbm>>
      %dma_start3A_87 = tpu.memref_slice %arg4[%mul3A_2] : memref<819200xi32, #tpu.memory_space<hbm>> -> memref<25600xi32, #tpu.memory_space<hbm>>
      tpu.enqueue_dma source(%dma_start3A_87 : memref<25600xi32, #tpu.memory_space<hbm>>) target(%arg8 : memref<25600xi32, #tpu.memory_space<vmem>>) target_semaphore(%run_scoped3A : memref<!tpu.dma_semaphore, #tpu.memory_space<semaphore_mem>>)
      %dma_wait3A_88 = tpu.memref_slice %arg4[%mul3A_2] : memref<819200xi32, #tpu.memory_space<hbm>> -> memref<25600xi32, #tpu.memory_space<hbm>>
      %dma_wait3A_89 = tpu.memref_slice %arg4[%mul3A_2] : memref<819200xi32, #tpu.memory_space<hbm>> -> memref<25600xi32, #tpu.memory_space<hbm>>
      tpu.wait_dma2 semaphore(%run_scoped3A : memref<!tpu.dma_semaphore, #tpu.memory_space<semaphore_mem>>) src(%dma_wait3A_89 : memref<25600xi32, #tpu.memory_space<hbm>>) dst(%arg8 : memref<25600xi32, #tpu.memory_space<vmem>>)
      tpu.yield
    }) : () -> ()
    "tpu.region"() ({
      %run_scoped3A = tpu.sem_alloc : memref<!tpu.dma_semaphore, #tpu.memory_space<semaphore_mem>>
      %dma_start3A_86 = tpu.memref_slice %arg5[%mul3A_2] : memref<819200xi32, #tpu.memory_space<hbm>> -> memref<25600xi32, #tpu.memory_space<hbm>>
      %dma_start3A_87 = tpu.memref_slice %arg5[%mul3A_2] : memref<819200xi32, #tpu.memory_space<hbm>> -> memref<25600xi32, #tpu.memory_space<hbm>>
      tpu.enqueue_dma source(%dma_start3A_87 : memref<25600xi32, #tpu.memory_space<hbm>>) target(%arg9 : memref<25600xi32, #tpu.memory_space<vmem>>) target_semaphore(%run_scoped3A : memref<!tpu.dma_semaphore, #tpu.memory_space<semaphore_mem>>)
      %dma_wait3A_88 = tpu.memref_slice %arg5[%mul3A_2] : memref<819200xi32, #tpu.memory_space<hbm>> -> memref<25600xi32, #tpu.memory_space<hbm>>
      %dma_wait3A_89 = tpu.memref_slice %arg5[%mul3A_2] : memref<819200xi32, #tpu.memory_space<hbm>> -> memref<25600xi32, #tpu.memory_space<hbm>>
      tpu.wait_dma2 semaphore(%run_scoped3A : memref<!tpu.dma_semaphore, #tpu.memory_space<semaphore_mem>>) src(%dma_wait3A_89 : memref<25600xi32, #tpu.memory_space<hbm>>) dst(%arg9 : memref<25600xi32, #tpu.memory_space<vmem>>)
      tpu.yield
    }) : () -> ()
    %dma_start3A = arith.constant 0 : i32
    %dma_start3A_3 = arith.constant 0 : i32
    %dma_start3A_4 = arith.constant 0 : i32
    %dma_start3A_5 = tpu.memref_slice %arg10[%dma_start3A, %dma_start3A_3, %dma_start3A_4] : memref<2x512x16xi32, #tpu.memory_space<vmem>> -> memref<1x512x16xi32, #tpu.memory_space<vmem>>
    %dma_start3A_6 = tpu.memref_squeeze %dma_start3A_5 : memref<1x512x16xi32, #tpu.memory_space<vmem>> -> memref<512x16xi32, #tpu.memory_space<vmem>>
    %dma_start3A_7 = arith.constant 0 : i32
    %dma_start3A_8 = tpu.memref_slice %arg8[%dma_start3A_7] : memref<25600xi32, #tpu.memory_space<vmem>> -> memref<512xi32, #tpu.memory_space<vmem>>
    %dma_start3A_9 = arith.constant 0 : i32
    %dma_start3A_10 = arith.constant 0 : i32
    %dma_start3A_11 = tpu.memref_slice %arg2[%dma_start3A_9, %dma_start3A_10] : memref<50176x16xi32, #tpu.memory_space<hbm>> -> memref<50176x16xi32, #tpu.memory_space<hbm>>
    tpu.enqueue_indirect_dma source(%dma_start3A_11 : memref<50176x16xi32, #tpu.memory_space<hbm>>) target(%dma_start3A_6 : memref<512x16xi32, #tpu.memory_space<vmem>>) offsets(%dma_start3A_8 : memref<512xi32, #tpu.memory_space<vmem>>) semaphore(%arg12 : memref<!tpu.dma_semaphore, #tpu.memory_space<semaphore_mem>>)
    %dma_start3A_12 = arith.constant 0 : i32
    %dma_start3A_13 = arith.constant 0 : i32
    %dma_start3A_14 = arith.constant 0 : i32
    %dma_start3A_15 = tpu.memref_slice %arg11[%dma_start3A_12, %dma_start3A_13, %dma_start3A_14] : memref<2x512x16xi32, #tpu.memory_space<vmem>> -> memref<1x512x16xi32, #tpu.memory_space<vmem>>
    %dma_start3A_16 = tpu.memref_squeeze %dma_start3A_15 : memref<1x512x16xi32, #tpu.memory_space<vmem>> -> memref<512x16xi32, #tpu.memory_space<vmem>>
    %dma_start3A_17 = arith.constant 0 : i32
    %dma_start3A_18 = tpu.memref_slice %arg9[%dma_start3A_17] : memref<25600xi32, #tpu.memory_space<vmem>> -> memref<512xi32, #tpu.memory_space<vmem>>
    %dma_start3A_19 = arith.constant 0 : i32
    %dma_start3A_20 = arith.constant 0 : i32
    %dma_start3A_21 = tpu.memref_slice %arg3[%dma_start3A_19, %dma_start3A_20] : memref<50176x16xi32, #tpu.memory_space<hbm>> -> memref<50176x16xi32, #tpu.memory_space<hbm>>
    tpu.enqueue_indirect_dma source(%dma_start3A_21 : memref<50176x16xi32, #tpu.memory_space<hbm>>) target(%dma_start3A_16 : memref<512x16xi32, #tpu.memory_space<vmem>>) offsets(%dma_start3A_18 : memref<512xi32, #tpu.memory_space<vmem>>) semaphore(%arg12 : memref<!tpu.dma_semaphore, #tpu.memory_space<semaphore_mem>>)
    %scan3A = arith.constant 0 : i32
    %scan3A_22 = arith.constant 0 : i32
    %scan3A_23 = arith.constant 25 : i32
    %scan3A_24 = arith.addi %scan3A_22, %scan3A_23 : i32
    %scan3A_25 = arith.constant 1 : i32
    scf.for %scan3A_86 = %scan3A_22 to %scan3A_24 step %scan3A_25  : i32 {
      %mul3A_87 = arith.constant 2 : i32
      %mul3A_88 = arith.muli %scan3A_86, %mul3A_87 : i32
      %add3A_89 = arith.constant 0 : i32
      %add3A_90 = arith.addi %mul3A_88, %add3A_89 : i32
      %mul3A_91 = arith.constant 512 : i32
      %mul3A_92 = arith.muli %add3A_90, %mul3A_91 : i32
      %dma_wait3A_93 = arith.constant 0 : i32
      %dma_wait3A_94 = arith.constant 0 : i32
      %dma_wait3A_95 = arith.constant 0 : i32
      %dma_wait3A_96 = tpu.memref_slice %arg10[%dma_wait3A_93, %dma_wait3A_94, %dma_wait3A_95] : memref<2x512x16xi32, #tpu.memory_space<vmem>> -> memref<1x512x16xi32, #tpu.memory_space<vmem>>
      %dma_wait3A_97 = tpu.memref_squeeze %dma_wait3A_96 : memref<1x512x16xi32, #tpu.memory_space<vmem>> -> memref<512x16xi32, #tpu.memory_space<vmem>>
      %dma_wait3A_98 = tpu.memref_slice %arg8[%mul3A_92] : memref<25600xi32, #tpu.memory_space<vmem>> -> memref<512xi32, #tpu.memory_space<vmem>>
      %dma_wait3A_99 = arith.constant 0 : i32
      %dma_wait3A_100 = arith.constant 0 : i32
      %dma_wait3A_101 = tpu.memref_slice %arg2[%dma_wait3A_99, %dma_wait3A_100] : memref<50176x16xi32, #tpu.memory_space<hbm>> -> memref<50176x16xi32, #tpu.memory_space<hbm>>
      tpu.wait_indirect_dma semaphore(%arg12 : memref<!tpu.dma_semaphore, #tpu.memory_space<semaphore_mem>>) src(%dma_wait3A_101 : memref<50176x16xi32, #tpu.memory_space<hbm>>) dst(%dma_wait3A_97 : memref<512x16xi32, #tpu.memory_space<vmem>>)
      %mul3A_102 = arith.constant 512 : i32
      %mul3A_103 = arith.muli %add3A_90, %mul3A_102 : i32
      %dma_wait3A_104 = arith.constant 0 : i32
      %dma_wait3A_105 = arith.constant 0 : i32
      %dma_wait3A_106 = arith.constant 0 : i32
      %dma_wait3A_107 = tpu.memref_slice %arg11[%dma_wait3A_104, %dma_wait3A_105, %dma_wait3A_106] : memref<2x512x16xi32, #tpu.memory_space<vmem>> -> memref<1x512x16xi32, #tpu.memory_space<vmem>>
      %dma_wait3A_108 = tpu.memref_squeeze %dma_wait3A_107 : memref<1x512x16xi32, #tpu.memory_space<vmem>> -> memref<512x16xi32, #tpu.memory_space<vmem>>
      %dma_wait3A_109 = tpu.memref_slice %arg9[%mul3A_103] : memref<25600xi32, #tpu.memory_space<vmem>> -> memref<512xi32, #tpu.memory_space<vmem>>
      %dma_wait3A_110 = arith.constant 0 : i32
      %dma_wait3A_111 = arith.constant 0 : i32
      %dma_wait3A_112 = tpu.memref_slice %arg3[%dma_wait3A_110, %dma_wait3A_111] : memref<50176x16xi32, #tpu.memory_space<hbm>> -> memref<50176x16xi32, #tpu.memory_space<hbm>>
      tpu.wait_indirect_dma semaphore(%arg12 : memref<!tpu.dma_semaphore, #tpu.memory_space<semaphore_mem>>) src(%dma_wait3A_112 : memref<50176x16xi32, #tpu.memory_space<hbm>>) dst(%dma_wait3A_108 : memref<512x16xi32, #tpu.memory_space<vmem>>)
      %mul3A_113 = arith.constant 512 : i32
      %mul3A_114 = arith.muli %add3A_90, %mul3A_113 : i32
      %add3A_115 = arith.addi %mul3A_2, %mul3A_114 : i32
      %dma_start3A_116 = arith.constant 0 : i32
      %dma_start3A_117 = arith.constant 0 : i32
      %dma_start3A_118 = arith.constant 0 : i32
      %dma_start3A_119 = tpu.memref_slice %arg10[%dma_start3A_116, %dma_start3A_117, %dma_start3A_118] : memref<2x512x16xi32, #tpu.memory_space<vmem>> -> memref<1x512x16xi32, #tpu.memory_space<vmem>>
      %dma_start3A_120 = tpu.memref_squeeze %dma_start3A_119 : memref<1x512x16xi32, #tpu.memory_space<vmem>> -> memref<512x16xi32, #tpu.memory_space<vmem>>
      %dma_start3A_121 = arith.constant 0 : i32
      %dma_start3A_122 = tpu.memref_slice %arg6[%add3A_115, %dma_start3A_121] : memref<819200x16xi32, #tpu.memory_space<hbm>> -> memref<512x16xi32, #tpu.memory_space<hbm>>
      %dma_start3A_123 = arith.constant 0 : i32
      %dma_start3A_124 = tpu.memref_slice %arg6[%add3A_115, %dma_start3A_123] : memref<819200x16xi32, #tpu.memory_space<hbm>> -> memref<512x16xi32, #tpu.memory_space<hbm>>
      %dma_start3A_125 = arith.constant 0 : i32
      %dma_start3A_126 = arith.constant 0 : i32
      %dma_start3A_127 = tpu.memref_slice %arg10[%dma_start3A_116, %dma_start3A_125, %dma_start3A_126] : memref<2x512x16xi32, #tpu.memory_space<vmem>> -> memref<1x512x16xi32, #tpu.memory_space<vmem>>
      %dma_start3A_128 = tpu.memref_squeeze %dma_start3A_127 : memref<1x512x16xi32, #tpu.memory_space<vmem>> -> memref<512x16xi32, #tpu.memory_space<vmem>>
      tpu.enqueue_dma source(%dma_start3A_128 : memref<512x16xi32, #tpu.memory_space<vmem>>) target(%dma_start3A_124 : memref<512x16xi32, #tpu.memory_space<hbm>>) target_semaphore(%arg14 : memref<!tpu.dma_semaphore, #tpu.memory_space<semaphore_mem>>)
      %mul3A_129 = arith.constant 512 : i32
      %mul3A_130 = arith.muli %add3A_90, %mul3A_129 : i32
      %add3A_131 = arith.addi %mul3A_2, %mul3A_130 : i32
      %dma_start3A_132 = arith.constant 0 : i32
      %dma_start3A_133 = arith.constant 0 : i32
      %dma_start3A_134 = arith.constant 0 : i32
      %dma_start3A_135 = tpu.memref_slice %arg11[%dma_start3A_132, %dma_start3A_133, %dma_start3A_134] : memref<2x512x16xi32, #tpu.memory_space<vmem>> -> memref<1x512x16xi32, #tpu.memory_space<vmem>>
      %dma_start3A_136 = tpu.memref_squeeze %dma_start3A_135 : memref<1x512x16xi32, #tpu.memory_space<vmem>> -> memref<512x16xi32, #tpu.memory_space<vmem>>
      %dma_start3A_137 = arith.constant 0 : i32
      %dma_start3A_138 = tpu.memref_slice %arg7[%add3A_131, %dma_start3A_137] : memref<819200x16xi32, #tpu.memory_space<hbm>> -> memref<512x16xi32, #tpu.memory_space<hbm>>
      %dma_start3A_139 = arith.constant 0 : i32
      %dma_start3A_140 = tpu.memref_slice %arg7[%add3A_131, %dma_start3A_139] : memref<819200x16xi32, #tpu.memory_space<hbm>> -> memref<512x16xi32, #tpu.memory_space<hbm>>
      %dma_start3A_141 = arith.constant 0 : i32
      %dma_start3A_142 = arith.constant 0 : i32
      %dma_start3A_143 = tpu.memref_slice %arg11[%dma_start3A_132, %dma_start3A_141, %dma_start3A_142] : memref<2x512x16xi32, #tpu.memory_space<vmem>> -> memref<1x512x16xi32, #tpu.memory_space<vmem>>
      %dma_start3A_144 = tpu.memref_squeeze %dma_start3A_143 : memref<1x512x16xi32, #tpu.memory_space<vmem>> -> memref<512x16xi32, #tpu.memory_space<vmem>>
      tpu.enqueue_dma source(%dma_start3A_144 : memref<512x16xi32, #tpu.memory_space<vmem>>) target(%dma_start3A_140 : memref<512x16xi32, #tpu.memory_space<hbm>>) target_semaphore(%arg14 : memref<!tpu.dma_semaphore, #tpu.memory_space<semaphore_mem>>)
      %add3A_145 = arith.constant 1 : i32
      %add3A_146 = arith.addi %add3A_90, %add3A_145 : i32
      %lt3A = arith.constant 50 : i32
      %lt3A_147 = arith.cmpi slt, %add3A_146, %lt3A : i32
      %convert_element_type3A = arith.extui %lt3A_147 : i1 to i32
      %cond3A = arith.constant 0 : i32
      %cond3A_148 = arith.cmpi ne, %convert_element_type3A, %cond3A : i32
      scf.if %cond3A_148 {
        %ge3A = arith.constant 2 : i32
        %ge3A_214 = arith.cmpi sge, %add3A_146, %ge3A : i32
        %convert_element_type3A_215 = arith.extui %ge3A_214 : i1 to i32
        %cond3A_216 = arith.constant 0 : i32
        %cond3A_217 = arith.cmpi ne, %convert_element_type3A_215, %cond3A_216 : i32
        scf.if %cond3A_217 {
          %sub3A = arith.constant 2 : i32
          %sub3A_240 = arith.subi %add3A_146, %sub3A : i32
          %mul3A_241 = arith.constant 512 : i32
          %mul3A_242 = arith.muli %sub3A_240, %mul3A_241 : i32
          %add3A_243 = arith.addi %mul3A_2, %mul3A_242 : i32
          %dma_wait3A_244 = arith.constant 1 : i32
          %dma_wait3A_245 = arith.constant 0 : i32
          %dma_wait3A_246 = arith.constant 0 : i32
          %dma_wait3A_247 = tpu.memref_slice %arg10[%dma_wait3A_244, %dma_wait3A_245, %dma_wait3A_246] : memref<2x512x16xi32, #tpu.memory_space<vmem>> -> memref<1x512x16xi32, #tpu.memory_space<vmem>>
          %dma_wait3A_248 = tpu.memref_squeeze %dma_wait3A_247 : memref<1x512x16xi32, #tpu.memory_space<vmem>> -> memref<512x16xi32, #tpu.memory_space<vmem>>
          %dma_wait3A_249 = arith.constant 0 : i32
          %dma_wait3A_250 = tpu.memref_slice %arg6[%add3A_243, %dma_wait3A_249] : memref<819200x16xi32, #tpu.memory_space<hbm>> -> memref<512x16xi32, #tpu.memory_space<hbm>>
          %dma_wait3A_251 = arith.constant 0 : i32
          %dma_wait3A_252 = tpu.memref_slice %arg6[%add3A_243, %dma_wait3A_251] : memref<819200x16xi32, #tpu.memory_space<hbm>> -> memref<512x16xi32, #tpu.memory_space<hbm>>
          %dma_wait3A_253 = arith.constant 0 : i32
          %dma_wait3A_254 = arith.constant 0 : i32
          %dma_wait3A_255 = tpu.memref_slice %arg10[%dma_wait3A_244, %dma_wait3A_253, %dma_wait3A_254] : memref<2x512x16xi32, #tpu.memory_space<vmem>> -> memref<1x512x16xi32, #tpu.memory_space<vmem>>
          %dma_wait3A_256 = tpu.memref_squeeze %dma_wait3A_255 : memref<1x512x16xi32, #tpu.memory_space<vmem>> -> memref<512x16xi32, #tpu.memory_space<vmem>>
          tpu.wait_dma2 semaphore(%arg15 : memref<!tpu.dma_semaphore, #tpu.memory_space<semaphore_mem>>) src(%dma_wait3A_256 : memref<512x16xi32, #tpu.memory_space<vmem>>) dst(%dma_wait3A_252 : memref<512x16xi32, #tpu.memory_space<hbm>>)
          %mul3A_257 = arith.constant 512 : i32
          %mul3A_258 = arith.muli %sub3A_240, %mul3A_257 : i32
          %add3A_259 = arith.addi %mul3A_2, %mul3A_258 : i32
          %dma_wait3A_260 = arith.constant 1 : i32
          %dma_wait3A_261 = arith.constant 0 : i32
          %dma_wait3A_262 = arith.constant 0 : i32
          %dma_wait3A_263 = tpu.memref_slice %arg11[%dma_wait3A_260, %dma_wait3A_261, %dma_wait3A_262] : memref<2x512x16xi32, #tpu.memory_space<vmem>> -> memref<1x512x16xi32, #tpu.memory_space<vmem>>
          %dma_wait3A_264 = tpu.memref_squeeze %dma_wait3A_263 : memref<1x512x16xi32, #tpu.memory_space<vmem>> -> memref<512x16xi32, #tpu.memory_space<vmem>>
          %dma_wait3A_265 = arith.constant 0 : i32
          %dma_wait3A_266 = tpu.memref_slice %arg7[%add3A_259, %dma_wait3A_265] : memref<819200x16xi32, #tpu.memory_space<hbm>> -> memref<512x16xi32, #tpu.memory_space<hbm>>
          %dma_wait3A_267 = arith.constant 0 : i32
          %dma_wait3A_268 = tpu.memref_slice %arg7[%add3A_259, %dma_wait3A_267] : memref<819200x16xi32, #tpu.memory_space<hbm>> -> memref<512x16xi32, #tpu.memory_space<hbm>>
          %dma_wait3A_269 = arith.constant 0 : i32
          %dma_wait3A_270 = arith.constant 0 : i32
          %dma_wait3A_271 = tpu.memref_slice %arg11[%dma_wait3A_260, %dma_wait3A_269, %dma_wait3A_270] : memref<2x512x16xi32, #tpu.memory_space<vmem>> -> memref<1x512x16xi32, #tpu.memory_space<vmem>>
          %dma_wait3A_272 = tpu.memref_squeeze %dma_wait3A_271 : memref<1x512x16xi32, #tpu.memory_space<vmem>> -> memref<512x16xi32, #tpu.memory_space<vmem>>
          tpu.wait_dma2 semaphore(%arg15 : memref<!tpu.dma_semaphore, #tpu.memory_space<semaphore_mem>>) src(%dma_wait3A_272 : memref<512x16xi32, #tpu.memory_space<vmem>>) dst(%dma_wait3A_268 : memref<512x16xi32, #tpu.memory_space<hbm>>)
        } else {
        }
        %mul3A_218 = arith.constant 512 : i32
        %mul3A_219 = arith.muli %add3A_146, %mul3A_218 : i32
        %dma_start3A_220 = arith.constant 1 : i32
        %dma_start3A_221 = arith.constant 0 : i32
        %dma_start3A_222 = arith.constant 0 : i32
        %dma_start3A_223 = tpu.memref_slice %arg10[%dma_start3A_220, %dma_start3A_221, %dma_start3A_222] : memref<2x512x16xi32, #tpu.memory_space<vmem>> -> memref<1x512x16xi32, #tpu.memory_space<vmem>>
        %dma_start3A_224 = tpu.memref_squeeze %dma_start3A_223 : memref<1x512x16xi32, #tpu.memory_space<vmem>> -> memref<512x16xi32, #tpu.memory_space<vmem>>
        %dma_start3A_225 = tpu.memref_slice %arg8[%mul3A_219] : memref<25600xi32, #tpu.memory_space<vmem>> -> memref<512xi32, #tpu.memory_space<vmem>>
        %dma_start3A_226 = arith.constant 0 : i32
        %dma_start3A_227 = arith.constant 0 : i32
        %dma_start3A_228 = tpu.memref_slice %arg2[%dma_start3A_226, %dma_start3A_227] : memref<50176x16xi32, #tpu.memory_space<hbm>> -> memref<50176x16xi32, #tpu.memory_space<hbm>>
        tpu.enqueue_indirect_dma source(%dma_start3A_228 : memref<50176x16xi32, #tpu.memory_space<hbm>>) target(%dma_start3A_224 : memref<512x16xi32, #tpu.memory_space<vmem>>) offsets(%dma_start3A_225 : memref<512xi32, #tpu.memory_space<vmem>>) semaphore(%arg13 : memref<!tpu.dma_semaphore, #tpu.memory_space<semaphore_mem>>)
        %mul3A_229 = arith.constant 512 : i32
        %mul3A_230 = arith.muli %add3A_146, %mul3A_229 : i32
        %dma_start3A_231 = arith.constant 1 : i32
        %dma_start3A_232 = arith.constant 0 : i32
        %dma_start3A_233 = arith.constant 0 : i32
        %dma_start3A_234 = tpu.memref_slice %arg11[%dma_start3A_231, %dma_start3A_232, %dma_start3A_233] : memref<2x512x16xi32, #tpu.memory_space<vmem>> -> memref<1x512x16xi32, #tpu.memory_space<vmem>>
        %dma_start3A_235 = tpu.memref_squeeze %dma_start3A_234 : memref<1x512x16xi32, #tpu.memory_space<vmem>> -> memref<512x16xi32, #tpu.memory_space<vmem>>
        %dma_start3A_236 = tpu.memref_slice %arg9[%mul3A_230] : memref<25600xi32, #tpu.memory_space<vmem>> -> memref<512xi32, #tpu.memory_space<vmem>>
        %dma_start3A_237 = arith.constant 0 : i32
        %dma_start3A_238 = arith.constant 0 : i32
        %dma_start3A_239 = tpu.memref_slice %arg3[%dma_start3A_237, %dma_start3A_238] : memref<50176x16xi32, #tpu.memory_space<hbm>> -> memref<50176x16xi32, #tpu.memory_space<hbm>>
        tpu.enqueue_indirect_dma source(%dma_start3A_239 : memref<50176x16xi32, #tpu.memory_space<hbm>>) target(%dma_start3A_235 : memref<512x16xi32, #tpu.memory_space<vmem>>) offsets(%dma_start3A_236 : memref<512xi32, #tpu.memory_space<vmem>>) semaphore(%arg13 : memref<!tpu.dma_semaphore, #tpu.memory_space<semaphore_mem>>)
      } else {
      }
      %mul3A_149 = arith.constant 2 : i32
      %mul3A_150 = arith.muli %scan3A_86, %mul3A_149 : i32
      %add3A_151 = arith.constant 1 : i32
      %add3A_152 = arith.addi %mul3A_150, %add3A_151 : i32
      %mul3A_153 = arith.constant 512 : i32
      %mul3A_154 = arith.muli %add3A_152, %mul3A_153 : i32
      %dma_wait3A_155 = arith.constant 1 : i32
      %dma_wait3A_156 = arith.constant 0 : i32
      %dma_wait3A_157 = arith.constant 0 : i32
      %dma_wait3A_158 = tpu.memref_slice %arg10[%dma_wait3A_155, %dma_wait3A_156, %dma_wait3A_157] : memref<2x512x16xi32, #tpu.memory_space<vmem>> -> memref<1x512x16xi32, #tpu.memory_space<vmem>>
      %dma_wait3A_159 = tpu.memref_squeeze %dma_wait3A_158 : memref<1x512x16xi32, #tpu.memory_space<vmem>> -> memref<512x16xi32, #tpu.memory_space<vmem>>
      %dma_wait3A_160 = tpu.memref_slice %arg8[%mul3A_154] : memref<25600xi32, #tpu.memory_space<vmem>> -> memref<512xi32, #tpu.memory_space<vmem>>
      %dma_wait3A_161 = arith.constant 0 : i32
      %dma_wait3A_162 = arith.constant 0 : i32
      %dma_wait3A_163 = tpu.memref_slice %arg2[%dma_wait3A_161, %dma_wait3A_162] : memref<50176x16xi32, #tpu.memory_space<hbm>> -> memref<50176x16xi32, #tpu.memory_space<hbm>>
      tpu.wait_indirect_dma semaphore(%arg13 : memref<!tpu.dma_semaphore, #tpu.memory_space<semaphore_mem>>) src(%dma_wait3A_163 : memref<50176x16xi32, #tpu.memory_space<hbm>>) dst(%dma_wait3A_159 : memref<512x16xi32, #tpu.memory_space<vmem>>)
      %mul3A_164 = arith.constant 512 : i32
      %mul3A_165 = arith.muli %add3A_152, %mul3A_164 : i32
      %dma_wait3A_166 = arith.constant 1 : i32
      %dma_wait3A_167 = arith.constant 0 : i32
      %dma_wait3A_168 = arith.constant 0 : i32
      %dma_wait3A_169 = tpu.memref_slice %arg11[%dma_wait3A_166, %dma_wait3A_167, %dma_wait3A_168] : memref<2x512x16xi32, #tpu.memory_space<vmem>> -> memref<1x512x16xi32, #tpu.memory_space<vmem>>
      %dma_wait3A_170 = tpu.memref_squeeze %dma_wait3A_169 : memref<1x512x16xi32, #tpu.memory_space<vmem>> -> memref<512x16xi32, #tpu.memory_space<vmem>>
      %dma_wait3A_171 = tpu.memref_slice %arg9[%mul3A_165] : memref<25600xi32, #tpu.memory_space<vmem>> -> memref<512xi32, #tpu.memory_space<vmem>>
      %dma_wait3A_172 = arith.constant 0 : i32
      %dma_wait3A_173 = arith.constant 0 : i32
      %dma_wait3A_174 = tpu.memref_slice %arg3[%dma_wait3A_172, %dma_wait3A_173] : memref<50176x16xi32, #tpu.memory_space<hbm>> -> memref<50176x16xi32, #tpu.memory_space<hbm>>
      tpu.wait_indirect_dma semaphore(%arg13 : memref<!tpu.dma_semaphore, #tpu.memory_space<semaphore_mem>>) src(%dma_wait3A_174 : memref<50176x16xi32, #tpu.memory_space<hbm>>) dst(%dma_wait3A_170 : memref<512x16xi32, #tpu.memory_space<vmem>>)
      %mul3A_175 = arith.constant 512 : i32
      %mul3A_176 = arith.muli %add3A_152, %mul3A_175 : i32
      %add3A_177 = arith.addi %mul3A_2, %mul3A_176 : i32
      %dma_start3A_178 = arith.constant 1 : i32
      %dma_start3A_179 = arith.constant 0 : i32
      %dma_start3A_180 = arith.constant 0 : i32
      %dma_start3A_181 = tpu.memref_slice %arg10[%dma_start3A_178, %dma_start3A_179, %dma_start3A_180] : memref<2x512x16xi32, #tpu.memory_space<vmem>> -> memref<1x512x16xi32, #tpu.memory_space<vmem>>
      %dma_start3A_182 = tpu.memref_squeeze %dma_start3A_181 : memref<1x512x16xi32, #tpu.memory_space<vmem>> -> memref<512x16xi32, #tpu.memory_space<vmem>>
      %dma_start3A_183 = arith.constant 0 : i32
      %dma_start3A_184 = tpu.memref_slice %arg6[%add3A_177, %dma_start3A_183] : memref<819200x16xi32, #tpu.memory_space<hbm>> -> memref<512x16xi32, #tpu.memory_space<hbm>>
      %dma_start3A_185 = arith.constant 0 : i32
      %dma_start3A_186 = tpu.memref_slice %arg6[%add3A_177, %dma_start3A_185] : memref<819200x16xi32, #tpu.memory_space<hbm>> -> memref<512x16xi32, #tpu.memory_space<hbm>>
      %dma_start3A_187 = arith.constant 0 : i32
      %dma_start3A_188 = arith.constant 0 : i32
      %dma_start3A_189 = tpu.memref_slice %arg10[%dma_start3A_178, %dma_start3A_187, %dma_start3A_188] : memref<2x512x16xi32, #tpu.memory_space<vmem>> -> memref<1x512x16xi32, #tpu.memory_space<vmem>>
      %dma_start3A_190 = tpu.memref_squeeze %dma_start3A_189 : memref<1x512x16xi32, #tpu.memory_space<vmem>> -> memref<512x16xi32, #tpu.memory_space<vmem>>
      tpu.enqueue_dma source(%dma_start3A_190 : memref<512x16xi32, #tpu.memory_space<vmem>>) target(%dma_start3A_186 : memref<512x16xi32, #tpu.memory_space<hbm>>) target_semaphore(%arg15 : memref<!tpu.dma_semaphore, #tpu.memory_space<semaphore_mem>>)
      %mul3A_191 = arith.constant 512 : i32
      %mul3A_192 = arith.muli %add3A_152, %mul3A_191 : i32
      %add3A_193 = arith.addi %mul3A_2, %mul3A_192 : i32
      %dma_start3A_194 = arith.constant 1 : i32
      %dma_start3A_195 = arith.constant 0 : i32
      %dma_start3A_196 = arith.constant 0 : i32
      %dma_start3A_197 = tpu.memref_slice %arg11[%dma_start3A_194, %dma_start3A_195, %dma_start3A_196] : memref<2x512x16xi32, #tpu.memory_space<vmem>> -> memref<1x512x16xi32, #tpu.memory_space<vmem>>
      %dma_start3A_198 = tpu.memref_squeeze %dma_start3A_197 : memref<1x512x16xi32, #tpu.memory_space<vmem>> -> memref<512x16xi32, #tpu.memory_space<vmem>>
      %dma_start3A_199 = arith.constant 0 : i32
      %dma_start3A_200 = tpu.memref_slice %arg7[%add3A_193, %dma_start3A_199] : memref<819200x16xi32, #tpu.memory_space<hbm>> -> memref<512x16xi32, #tpu.memory_space<hbm>>
      %dma_start3A_201 = arith.constant 0 : i32
      %dma_start3A_202 = tpu.memref_slice %arg7[%add3A_193, %dma_start3A_201] : memref<819200x16xi32, #tpu.memory_space<hbm>> -> memref<512x16xi32, #tpu.memory_space<hbm>>
      %dma_start3A_203 = arith.constant 0 : i32
      %dma_start3A_204 = arith.constant 0 : i32
      %dma_start3A_205 = tpu.memref_slice %arg11[%dma_start3A_194, %dma_start3A_203, %dma_start3A_204] : memref<2x512x16xi32, #tpu.memory_space<vmem>> -> memref<1x512x16xi32, #tpu.memory_space<vmem>>
      %dma_start3A_206 = tpu.memref_squeeze %dma_start3A_205 : memref<1x512x16xi32, #tpu.memory_space<vmem>> -> memref<512x16xi32, #tpu.memory_space<vmem>>
      tpu.enqueue_dma source(%dma_start3A_206 : memref<512x16xi32, #tpu.memory_space<vmem>>) target(%dma_start3A_202 : memref<512x16xi32, #tpu.memory_space<hbm>>) target_semaphore(%arg15 : memref<!tpu.dma_semaphore, #tpu.memory_space<semaphore_mem>>)
      %add3A_207 = arith.constant 1 : i32
      %add3A_208 = arith.addi %add3A_152, %add3A_207 : i32
      %lt3A_209 = arith.constant 50 : i32
      %lt3A_210 = arith.cmpi slt, %add3A_208, %lt3A_209 : i32
      %convert_element_type3A_211 = arith.extui %lt3A_210 : i1 to i32
      %cond3A_212 = arith.constant 0 : i32
      %cond3A_213 = arith.cmpi ne, %convert_element_type3A_211, %cond3A_212 : i32
      scf.if %cond3A_213 {
        %ge3A = arith.constant 2 : i32
        %ge3A_214 = arith.cmpi sge, %add3A_208, %ge3A : i32
        %convert_element_type3A_215 = arith.extui %ge3A_214 : i1 to i32
        %cond3A_216 = arith.constant 0 : i32
        %cond3A_217 = arith.cmpi ne, %convert_element_type3A_215, %cond3A_216 : i32
        scf.if %cond3A_217 {
          %sub3A = arith.constant 2 : i32
          %sub3A_240 = arith.subi %add3A_208, %sub3A : i32
          %mul3A_241 = arith.constant 512 : i32
          %mul3A_242 = arith.muli %sub3A_240, %mul3A_241 : i32
          %add3A_243 = arith.addi %mul3A_2, %mul3A_242 : i32
          %dma_wait3A_244 = arith.constant 0 : i32
          %dma_wait3A_245 = arith.constant 0 : i32
          %dma_wait3A_246 = arith.constant 0 : i32
          %dma_wait3A_247 = tpu.memref_slice %arg10[%dma_wait3A_244, %dma_wait3A_245, %dma_wait3A_246] : memref<2x512x16xi32, #tpu.memory_space<vmem>> -> memref<1x512x16xi32, #tpu.memory_space<vmem>>
          %dma_wait3A_248 = tpu.memref_squeeze %dma_wait3A_247 : memref<1x512x16xi32, #tpu.memory_space<vmem>> -> memref<512x16xi32, #tpu.memory_space<vmem>>
          %dma_wait3A_249 = arith.constant 0 : i32
          %dma_wait3A_250 = tpu.memref_slice %arg6[%add3A_243, %dma_wait3A_249] : memref<819200x16xi32, #tpu.memory_space<hbm>> -> memref<512x16xi32, #tpu.memory_space<hbm>>
          %dma_wait3A_251 = arith.constant 0 : i32
          %dma_wait3A_252 = tpu.memref_slice %arg6[%add3A_243, %dma_wait3A_251] : memref<819200x16xi32, #tpu.memory_space<hbm>> -> memref<512x16xi32, #tpu.memory_space<hbm>>
          %dma_wait3A_253 = arith.constant 0 : i32
          %dma_wait3A_254 = arith.constant 0 : i32
          %dma_wait3A_255 = tpu.memref_slice %arg10[%dma_wait3A_244, %dma_wait3A_253, %dma_wait3A_254] : memref<2x512x16xi32, #tpu.memory_space<vmem>> -> memref<1x512x16xi32, #tpu.memory_space<vmem>>
          %dma_wait3A_256 = tpu.memref_squeeze %dma_wait3A_255 : memref<1x512x16xi32, #tpu.memory_space<vmem>> -> memref<512x16xi32, #tpu.memory_space<vmem>>
          tpu.wait_dma2 semaphore(%arg14 : memref<!tpu.dma_semaphore, #tpu.memory_space<semaphore_mem>>) src(%dma_wait3A_256 : memref<512x16xi32, #tpu.memory_space<vmem>>) dst(%dma_wait3A_252 : memref<512x16xi32, #tpu.memory_space<hbm>>)
          %mul3A_257 = arith.constant 512 : i32
          %mul3A_258 = arith.muli %sub3A_240, %mul3A_257 : i32
          %add3A_259 = arith.addi %mul3A_2, %mul3A_258 : i32
          %dma_wait3A_260 = arith.constant 0 : i32
          %dma_wait3A_261 = arith.constant 0 : i32
          %dma_wait3A_262 = arith.constant 0 : i32
          %dma_wait3A_263 = tpu.memref_slice %arg11[%dma_wait3A_260, %dma_wait3A_261, %dma_wait3A_262] : memref<2x512x16xi32, #tpu.memory_space<vmem>> -> memref<1x512x16xi32, #tpu.memory_space<vmem>>
          %dma_wait3A_264 = tpu.memref_squeeze %dma_wait3A_263 : memref<1x512x16xi32, #tpu.memory_space<vmem>> -> memref<512x16xi32, #tpu.memory_space<vmem>>
          %dma_wait3A_265 = arith.constant 0 : i32
          %dma_wait3A_266 = tpu.memref_slice %arg7[%add3A_259, %dma_wait3A_265] : memref<819200x16xi32, #tpu.memory_space<hbm>> -> memref<512x16xi32, #tpu.memory_space<hbm>>
          %dma_wait3A_267 = arith.constant 0 : i32
          %dma_wait3A_268 = tpu.memref_slice %arg7[%add3A_259, %dma_wait3A_267] : memref<819200x16xi32, #tpu.memory_space<hbm>> -> memref<512x16xi32, #tpu.memory_space<hbm>>
          %dma_wait3A_269 = arith.constant 0 : i32
          %dma_wait3A_270 = arith.constant 0 : i32
          %dma_wait3A_271 = tpu.memref_slice %arg11[%dma_wait3A_260, %dma_wait3A_269, %dma_wait3A_270] : memref<2x512x16xi32, #tpu.memory_space<vmem>> -> memref<1x512x16xi32, #tpu.memory_space<vmem>>
          %dma_wait3A_272 = tpu.memref_squeeze %dma_wait3A_271 : memref<1x512x16xi32, #tpu.memory_space<vmem>> -> memref<512x16xi32, #tpu.memory_space<vmem>>
          tpu.wait_dma2 semaphore(%arg14 : memref<!tpu.dma_semaphore, #tpu.memory_space<semaphore_mem>>) src(%dma_wait3A_272 : memref<512x16xi32, #tpu.memory_space<vmem>>) dst(%dma_wait3A_268 : memref<512x16xi32, #tpu.memory_space<hbm>>)
        } else {
        }
        %mul3A_218 = arith.constant 512 : i32
        %mul3A_219 = arith.muli %add3A_208, %mul3A_218 : i32
        %dma_start3A_220 = arith.constant 0 : i32
        %dma_start3A_221 = arith.constant 0 : i32
        %dma_start3A_222 = arith.constant 0 : i32
        %dma_start3A_223 = tpu.memref_slice %arg10[%dma_start3A_220, %dma_start3A_221, %dma_start3A_222] : memref<2x512x16xi32, #tpu.memory_space<vmem>> -> memref<1x512x16xi32, #tpu.memory_space<vmem>>
        %dma_start3A_224 = tpu.memref_squeeze %dma_start3A_223 : memref<1x512x16xi32, #tpu.memory_space<vmem>> -> memref<512x16xi32, #tpu.memory_space<vmem>>
        %dma_start3A_225 = tpu.memref_slice %arg8[%mul3A_219] : memref<25600xi32, #tpu.memory_space<vmem>> -> memref<512xi32, #tpu.memory_space<vmem>>
        %dma_start3A_226 = arith.constant 0 : i32
        %dma_start3A_227 = arith.constant 0 : i32
        %dma_start3A_228 = tpu.memref_slice %arg2[%dma_start3A_226, %dma_start3A_227] : memref<50176x16xi32, #tpu.memory_space<hbm>> -> memref<50176x16xi32, #tpu.memory_space<hbm>>
        tpu.enqueue_indirect_dma source(%dma_start3A_228 : memref<50176x16xi32, #tpu.memory_space<hbm>>) target(%dma_start3A_224 : memref<512x16xi32, #tpu.memory_space<vmem>>) offsets(%dma_start3A_225 : memref<512xi32, #tpu.memory_space<vmem>>) semaphore(%arg12 : memref<!tpu.dma_semaphore, #tpu.memory_space<semaphore_mem>>)
        %mul3A_229 = arith.constant 512 : i32
        %mul3A_230 = arith.muli %add3A_208, %mul3A_229 : i32
        %dma_start3A_231 = arith.constant 0 : i32
        %dma_start3A_232 = arith.constant 0 : i32
        %dma_start3A_233 = arith.constant 0 : i32
        %dma_start3A_234 = tpu.memref_slice %arg11[%dma_start3A_231, %dma_start3A_232, %dma_start3A_233] : memref<2x512x16xi32, #tpu.memory_space<vmem>> -> memref<1x512x16xi32, #tpu.memory_space<vmem>>
        %dma_start3A_235 = tpu.memref_squeeze %dma_start3A_234 : memref<1x512x16xi32, #tpu.memory_space<vmem>> -> memref<512x16xi32, #tpu.memory_space<vmem>>
        %dma_start3A_236 = tpu.memref_slice %arg9[%mul3A_230] : memref<25600xi32, #tpu.memory_space<vmem>> -> memref<512xi32, #tpu.memory_space<vmem>>
        %dma_start3A_237 = arith.constant 0 : i32
        %dma_start3A_238 = arith.constant 0 : i32
        %dma_start3A_239 = tpu.memref_slice %arg3[%dma_start3A_237, %dma_start3A_238] : memref<50176x16xi32, #tpu.memory_space<hbm>> -> memref<50176x16xi32, #tpu.memory_space<hbm>>
        tpu.enqueue_indirect_dma source(%dma_start3A_239 : memref<50176x16xi32, #tpu.memory_space<hbm>>) target(%dma_start3A_235 : memref<512x16xi32, #tpu.memory_space<vmem>>) offsets(%dma_start3A_236 : memref<512xi32, #tpu.memory_space<vmem>>) semaphore(%arg12 : memref<!tpu.dma_semaphore, #tpu.memory_space<semaphore_mem>>)
      } else {
      }
    }
    %scan3A_26 = arith.constant 25 : i32
    %add3A_27 = arith.constant 24576 : i32
    %add3A_28 = arith.addi %mul3A_2, %add3A_27 : i32
    %dma_wait3A = arith.constant 0 : i32
    %dma_wait3A_29 = arith.constant 0 : i32
    %dma_wait3A_30 = arith.constant 0 : i32
    %dma_wait3A_31 = tpu.memref_slice %arg10[%dma_wait3A, %dma_wait3A_29, %dma_wait3A_30] : memref<2x512x16xi32, #tpu.memory_space<vmem>> -> memref<1x512x16xi32, #tpu.memory_space<vmem>>
    %dma_wait3A_32 = tpu.memref_squeeze %dma_wait3A_31 : memref<1x512x16xi32, #tpu.memory_space<vmem>> -> memref<512x16xi32, #tpu.memory_space<vmem>>
    %dma_wait3A_33 = arith.constant 0 : i32
    %dma_wait3A_34 = tpu.memref_slice %arg6[%add3A_28, %dma_wait3A_33] : memref<819200x16xi32, #tpu.memory_space<hbm>> -> memref<512x16xi32, #tpu.memory_space<hbm>>
    %dma_wait3A_35 = arith.constant 0 : i32
    %dma_wait3A_36 = tpu.memref_slice %arg6[%add3A_28, %dma_wait3A_35] : memref<819200x16xi32, #tpu.memory_space<hbm>> -> memref<512x16xi32, #tpu.memory_space<hbm>>
    %dma_wait3A_37 = arith.constant 0 : i32
    %dma_wait3A_38 = arith.constant 0 : i32
    %dma_wait3A_39 = tpu.memref_slice %arg10[%dma_wait3A, %dma_wait3A_37, %dma_wait3A_38] : memref<2x512x16xi32, #tpu.memory_space<vmem>> -> memref<1x512x16xi32, #tpu.memory_space<vmem>>
    %dma_wait3A_40 = tpu.memref_squeeze %dma_wait3A_39 : memref<1x512x16xi32, #tpu.memory_space<vmem>> -> memref<512x16xi32, #tpu.memory_space<vmem>>
    tpu.wait_dma2 semaphore(%arg14 : memref<!tpu.dma_semaphore, #tpu.memory_space<semaphore_mem>>) src(%dma_wait3A_40 : memref<512x16xi32, #tpu.memory_space<vmem>>) dst(%dma_wait3A_36 : memref<512x16xi32, #tpu.memory_space<hbm>>)
    %add3A_41 = arith.constant 24576 : i32
    %add3A_42 = arith.addi %mul3A_2, %add3A_41 : i32
    %dma_wait3A_43 = arith.constant 0 : i32
    %dma_wait3A_44 = arith.constant 0 : i32
    %dma_wait3A_45 = arith.constant 0 : i32
    %dma_wait3A_46 = tpu.memref_slice %arg11[%dma_wait3A_43, %dma_wait3A_44, %dma_wait3A_45] : memref<2x512x16xi32, #tpu.memory_space<vmem>> -> memref<1x512x16xi32, #tpu.memory_space<vmem>>
    %dma_wait3A_47 = tpu.memref_squeeze %dma_wait3A_46 : memref<1x512x16xi32, #tpu.memory_space<vmem>> -> memref<512x16xi32, #tpu.memory_space<vmem>>
    %dma_wait3A_48 = arith.constant 0 : i32
    %dma_wait3A_49 = tpu.memref_slice %arg7[%add3A_42, %dma_wait3A_48] : memref<819200x16xi32, #tpu.memory_space<hbm>> -> memref<512x16xi32, #tpu.memory_space<hbm>>
    %dma_wait3A_50 = arith.constant 0 : i32
    %dma_wait3A_51 = tpu.memref_slice %arg7[%add3A_42, %dma_wait3A_50] : memref<819200x16xi32, #tpu.memory_space<hbm>> -> memref<512x16xi32, #tpu.memory_space<hbm>>
    %dma_wait3A_52 = arith.constant 0 : i32
    %dma_wait3A_53 = arith.constant 0 : i32
    %dma_wait3A_54 = tpu.memref_slice %arg11[%dma_wait3A_43, %dma_wait3A_52, %dma_wait3A_53] : memref<2x512x16xi32, #tpu.memory_space<vmem>> -> memref<1x512x16xi32, #tpu.memory_space<vmem>>
    %dma_wait3A_55 = tpu.memref_squeeze %dma_wait3A_54 : memref<1x512x16xi32, #tpu.memory_space<vmem>> -> memref<512x16xi32, #tpu.memory_space<vmem>>
    tpu.wait_dma2 semaphore(%arg14 : memref<!tpu.dma_semaphore, #tpu.memory_space<semaphore_mem>>) src(%dma_wait3A_55 : memref<512x16xi32, #tpu.memory_space<vmem>>) dst(%dma_wait3A_51 : memref<512x16xi32, #tpu.memory_space<hbm>>)
    %add3A_56 = arith.constant 25088 : i32
    %add3A_57 = arith.addi %mul3A_2, %add3A_56 : i32
    %dma_wait3A_58 = arith.constant 1 : i32
    %dma_wait3A_59 = arith.constant 0 : i32
    %dma_wait3A_60 = arith.constant 0 : i32
    %dma_wait3A_61 = tpu.memref_slice %arg10[%dma_wait3A_58, %dma_wait3A_59, %dma_wait3A_60] : memref<2x512x16xi32, #tpu.memory_space<vmem>> -> memref<1x512x16xi32, #tpu.memory_space<vmem>>
    %dma_wait3A_62 = tpu.memref_squeeze %dma_wait3A_61 : memref<1x512x16xi32, #tpu.memory_space<vmem>> -> memref<512x16xi32, #tpu.memory_space<vmem>>
    %dma_wait3A_63 = arith.constant 0 : i32
    %dma_wait3A_64 = tpu.memref_slice %arg6[%add3A_57, %dma_wait3A_63] : memref<819200x16xi32, #tpu.memory_space<hbm>> -> memref<512x16xi32, #tpu.memory_space<hbm>>
    %dma_wait3A_65 = arith.constant 0 : i32
    %dma_wait3A_66 = tpu.memref_slice %arg6[%add3A_57, %dma_wait3A_65] : memref<819200x16xi32, #tpu.memory_space<hbm>> -> memref<512x16xi32, #tpu.memory_space<hbm>>
    %dma_wait3A_67 = arith.constant 0 : i32
    %dma_wait3A_68 = arith.constant 0 : i32
    %dma_wait3A_69 = tpu.memref_slice %arg10[%dma_wait3A_58, %dma_wait3A_67, %dma_wait3A_68] : memref<2x512x16xi32, #tpu.memory_space<vmem>> -> memref<1x512x16xi32, #tpu.memory_space<vmem>>
    %dma_wait3A_70 = tpu.memref_squeeze %dma_wait3A_69 : memref<1x512x16xi32, #tpu.memory_space<vmem>> -> memref<512x16xi32, #tpu.memory_space<vmem>>
    tpu.wait_dma2 semaphore(%arg15 : memref<!tpu.dma_semaphore, #tpu.memory_space<semaphore_mem>>) src(%dma_wait3A_70 : memref<512x16xi32, #tpu.memory_space<vmem>>) dst(%dma_wait3A_66 : memref<512x16xi32, #tpu.memory_space<hbm>>)
    %add3A_71 = arith.constant 25088 : i32
    %add3A_72 = arith.addi %mul3A_2, %add3A_71 : i32
    %dma_wait3A_73 = arith.constant 1 : i32
    %dma_wait3A_74 = arith.constant 0 : i32
    %dma_wait3A_75 = arith.constant 0 : i32
    %dma_wait3A_76 = tpu.memref_slice %arg11[%dma_wait3A_73, %dma_wait3A_74, %dma_wait3A_75] : memref<2x512x16xi32, #tpu.memory_space<vmem>> -> memref<1x512x16xi32, #tpu.memory_space<vmem>>
    %dma_wait3A_77 = tpu.memref_squeeze %dma_wait3A_76 : memref<1x512x16xi32, #tpu.memory_space<vmem>> -> memref<512x16xi32, #tpu.memory_space<vmem>>
    %dma_wait3A_78 = arith.constant 0 : i32
    %dma_wait3A_79 = tpu.memref_slice %arg7[%add3A_72, %dma_wait3A_78] : memref<819200x16xi32, #tpu.memory_space<hbm>> -> memref<512x16xi32, #tpu.memory_space<hbm>>
    %dma_wait3A_80 = arith.constant 0 : i32
    %dma_wait3A_81 = tpu.memref_slice %arg7[%add3A_72, %dma_wait3A_80] : memref<819200x16xi32, #tpu.memory_space<hbm>> -> memref<512x16xi32, #tpu.memory_space<hbm>>
    %dma_wait3A_82 = arith.constant 0 : i32
    %dma_wait3A_83 = arith.constant 0 : i32
    %dma_wait3A_84 = tpu.memref_slice %arg11[%dma_wait3A_73, %dma_wait3A_82, %dma_wait3A_83] : memref<2x512x16xi32, #tpu.memory_space<vmem>> -> memref<1x512x16xi32, #tpu.memory_space<vmem>>
    %dma_wait3A_85 = tpu.memref_squeeze %dma_wait3A_84 : memref<1x512x16xi32, #tpu.memory_space<vmem>> -> memref<512x16xi32, #tpu.memory_space<vmem>>
    tpu.wait_dma2 semaphore(%arg15 : memref<!tpu.dma_semaphore, #tpu.memory_space<semaphore_mem>>) src(%dma_wait3A_85 : memref<512x16xi32, #tpu.memory_space<vmem>>) dst(%dma_wait3A_81 : memref<512x16xi32, #tpu.memory_space<hbm>>)
    return
  }
}

#map = affine_map<(d0, d1) -> (0, 0)>
#map1 = affine_map<(d0, d1) -> (0)>
module attributes {stable_mosaic.version = 14 : i64} {
  func.func @_gather_body(%arg0: i32, %arg1: i32, %arg2: memref<50176x16xi32, #tpu.memory_space<hbm>>, %arg3: memref<50176x16xi32, #tpu.memory_space<hbm>>, %arg4: memref<819200xi32, #tpu.memory_space<hbm>>, %arg5: memref<819200xi32, #tpu.memory_space<hbm>>, %arg6: memref<819200x16xi32, #tpu.memory_space<hbm>>, %arg7: memref<819200x16xi32, #tpu.memory_space<hbm>>, %arg8: memref<25600xi32, #tpu.memory_space<vmem>>, %arg9: memref<25600xi32, #tpu.memory_space<vmem>>, %arg10: memref<2x512x16xi32, #tpu.memory_space<vmem>>, %arg11: memref<2x512x16xi32, #tpu.memory_space<vmem>>, %arg12: memref<!tpu.dma_semaphore, #tpu.memory_space<semaphore_mem>>, %arg13: memref<!tpu.dma_semaphore, #tpu.memory_space<semaphore_mem>>, %arg14: memref<!tpu.dma_semaphore, #tpu.memory_space<semaphore_mem>>, %arg15: memref<!tpu.dma_semaphore, #tpu.memory_space<semaphore_mem>>) attributes {dimension_semantics = [#tpu.dimension_semantics<core_parallel>, #tpu.dimension_semantics<subcore_parallel>], iteration_bounds = array<i64: 2, 16>, scalar_prefetch = 0 : i64, scratch_operands = 8 : i64, tpu.core_type = #tpu.core_type<sc_vector_subcore>, window_params = [{transform_indices = #map}, {transform_indices = #map}, {transform_indices = #map1}, {transform_indices = #map1}, {transform_indices = #map}, {transform_indices = #map}]} {
    %mul3A = arith.constant 2 : i32
    %mul3A_0 = arith.muli %arg1, %mul3A : i32
    %add3A = arith.addi %mul3A_0, %arg0 : i32
    %mul3A_1 = arith.constant 25600 : i32
    %mul3A_2 = arith.muli %add3A, %mul3A_1 : i32
    "tpu.region"() ({
      %run_scoped3A = tpu.sem_alloc : memref<!tpu.dma_semaphore, #tpu.memory_space<semaphore_mem>>
      %dma_start3A_86 = tpu.memref_slice %arg4[%mul3A_2] : memref<819200xi32, #tpu.memory_space<hbm>> -> memref<25600xi32, #tpu.memory_space<hbm>>
      %dma_start3A_87 = tpu.memref_slice %arg4[%mul3A_2] : memref<819200xi32, #tpu.memory_space<hbm>> -> memref<25600xi32, #tpu.memory_space<hbm>>
      tpu.enqueue_dma source(%dma_start3A_87 : memref<25600xi32, #tpu.memory_space<hbm>>) target(%arg8 : memref<25600xi32, #tpu.memory_space<vmem>>) target_semaphore(%run_scoped3A : memref<!tpu.dma_semaphore, #tpu.memory_space<semaphore_mem>>)
      %dma_wait3A_88 = tpu.memref_slice %arg4[%mul3A_2] : memref<819200xi32, #tpu.memory_space<hbm>> -> memref<25600xi32, #tpu.memory_space<hbm>>
      %dma_wait3A_89 = tpu.memref_slice %arg4[%mul3A_2] : memref<819200xi32, #tpu.memory_space<hbm>> -> memref<25600xi32, #tpu.memory_space<hbm>>
      tpu.wait_dma2 semaphore(%run_scoped3A : memref<!tpu.dma_semaphore, #tpu.memory_space<semaphore_mem>>) src(%dma_wait3A_89 : memref<25600xi32, #tpu.memory_space<hbm>>) dst(%arg8 : memref<25600xi32, #tpu.memory_space<vmem>>)
      tpu.yield
    }) : () -> ()
    "tpu.region"() ({
      %run_scoped3A = tpu.sem_alloc : memref<!tpu.dma_semaphore, #tpu.memory_space<semaphore_mem>>
      %dma_start3A_86 = tpu.memref_slice %arg5[%mul3A_2] : memref<819200xi32, #tpu.memory_space<hbm>> -> memref<25600xi32, #tpu.memory_space<hbm>>
      %dma_start3A_87 = tpu.memref_slice %arg5[%mul3A_2] : memref<819200xi32, #tpu.memory_space<hbm>> -> memref<25600xi32, #tpu.memory_space<hbm>>
      tpu.enqueue_dma source(%dma_start3A_87 : memref<25600xi32, #tpu.memory_space<hbm>>) target(%arg9 : memref<25600xi32, #tpu.memory_space<vmem>>) target_semaphore(%run_scoped3A : memref<!tpu.dma_semaphore, #tpu.memory_space<semaphore_mem>>)
      %dma_wait3A_88 = tpu.memref_slice %arg5[%mul3A_2] : memref<819200xi32, #tpu.memory_space<hbm>> -> memref<25600xi32, #tpu.memory_space<hbm>>
      %dma_wait3A_89 = tpu.memref_slice %arg5[%mul3A_2] : memref<819200xi32, #tpu.memory_space<hbm>> -> memref<25600xi32, #tpu.memory_space<hbm>>
      tpu.wait_dma2 semaphore(%run_scoped3A : memref<!tpu.dma_semaphore, #tpu.memory_space<semaphore_mem>>) src(%dma_wait3A_89 : memref<25600xi32, #tpu.memory_space<hbm>>) dst(%arg9 : memref<25600xi32, #tpu.memory_space<vmem>>)
      tpu.yield
    }) : () -> ()
    %dma_start3A = arith.constant 0 : i32
    %dma_start3A_3 = arith.constant 0 : i32
    %dma_start3A_4 = arith.constant 0 : i32
    %dma_start3A_5 = tpu.memref_slice %arg10[%dma_start3A, %dma_start3A_3, %dma_start3A_4] : memref<2x512x16xi32, #tpu.memory_space<vmem>> -> memref<1x512x16xi32, #tpu.memory_space<vmem>>
    %dma_start3A_6 = tpu.memref_squeeze %dma_start3A_5 : memref<1x512x16xi32, #tpu.memory_space<vmem>> -> memref<512x16xi32, #tpu.memory_space<vmem>>
    %dma_start3A_7 = arith.constant 0 : i32
    %dma_start3A_8 = tpu.memref_slice %arg8[%dma_start3A_7] : memref<25600xi32, #tpu.memory_space<vmem>> -> memref<512xi32, #tpu.memory_space<vmem>>
    %dma_start3A_9 = arith.constant 0 : i32
    %dma_start3A_10 = arith.constant 0 : i32
    %dma_start3A_11 = tpu.memref_slice %arg2[%dma_start3A_9, %dma_start3A_10] : memref<50176x16xi32, #tpu.memory_space<hbm>> -> memref<50176x16xi32, #tpu.memory_space<hbm>>
    tpu.enqueue_indirect_dma source(%dma_start3A_11 : memref<50176x16xi32, #tpu.memory_space<hbm>>) target(%dma_start3A_6 : memref<512x16xi32, #tpu.memory_space<vmem>>) offsets(%dma_start3A_8 : memref<512xi32, #tpu.memory_space<vmem>>) semaphore(%arg12 : memref<!tpu.dma_semaphore, #tpu.memory_space<semaphore_mem>>)
    %dma_start3A_12 = arith.constant 0 : i32
    %dma_start3A_13 = arith.constant 0 : i32
    %dma_start3A_14 = arith.constant 0 : i32
    %dma_start3A_15 = tpu.memref_slice %arg11[%dma_start3A_12, %dma_start3A_13, %dma_start3A_14] : memref<2x512x16xi32, #tpu.memory_space<vmem>> -> memref<1x512x16xi32, #tpu.memory_space<vmem>>
    %dma_start3A_16 = tpu.memref_squeeze %dma_start3A_15 : memref<1x512x16xi32, #tpu.memory_space<vmem>> -> memref<512x16xi32, #tpu.memory_space<vmem>>
    %dma_start3A_17 = arith.constant 0 : i32
    %dma_start3A_18 = tpu.memref_slice %arg9[%dma_start3A_17] : memref<25600xi32, #tpu.memory_space<vmem>> -> memref<512xi32, #tpu.memory_space<vmem>>
    %dma_start3A_19 = arith.constant 0 : i32
    %dma_start3A_20 = arith.constant 0 : i32
    %dma_start3A_21 = tpu.memref_slice %arg3[%dma_start3A_19, %dma_start3A_20] : memref<50176x16xi32, #tpu.memory_space<hbm>> -> memref<50176x16xi32, #tpu.memory_space<hbm>>
    tpu.enqueue_indirect_dma source(%dma_start3A_21 : memref<50176x16xi32, #tpu.memory_space<hbm>>) target(%dma_start3A_16 : memref<512x16xi32, #tpu.memory_space<vmem>>) offsets(%dma_start3A_18 : memref<512xi32, #tpu.memory_space<vmem>>) semaphore(%arg12 : memref<!tpu.dma_semaphore, #tpu.memory_space<semaphore_mem>>)
    %scan3A = arith.constant 0 : i32
    %scan3A_22 = arith.constant 0 : i32
    %scan3A_23 = arith.constant 25 : i32
    %scan3A_24 = arith.addi %scan3A_22, %scan3A_23 : i32
    %scan3A_25 = arith.constant 1 : i32
    scf.for %scan3A_86 = %scan3A_22 to %scan3A_24 step %scan3A_25  : i32 {
      %mul3A_87 = arith.constant 2 : i32
      %mul3A_88 = arith.muli %scan3A_86, %mul3A_87 : i32
      %add3A_89 = arith.constant 0 : i32
      %add3A_90 = arith.addi %mul3A_88, %add3A_89 : i32
      %mul3A_91 = arith.constant 512 : i32
      %mul3A_92 = arith.muli %add3A_90, %mul3A_91 : i32
      %dma_wait3A_93 = arith.constant 0 : i32
      %dma_wait3A_94 = arith.constant 0 : i32
      %dma_wait3A_95 = arith.constant 0 : i32
      %dma_wait3A_96 = tpu.memref_slice %arg10[%dma_wait3A_93, %dma_wait3A_94, %dma_wait3A_95] : memref<2x512x16xi32, #tpu.memory_space<vmem>> -> memref<1x512x16xi32, #tpu.memory_space<vmem>>
      %dma_wait3A_97 = tpu.memref_squeeze %dma_wait3A_96 : memref<1x512x16xi32, #tpu.memory_space<vmem>> -> memref<512x16xi32, #tpu.memory_space<vmem>>
      %dma_wait3A_98 = tpu.memref_slice %arg8[%mul3A_92] : memref<25600xi32, #tpu.memory_space<vmem>> -> memref<512xi32, #tpu.memory_space<vmem>>
      %dma_wait3A_99 = arith.constant 0 : i32
      %dma_wait3A_100 = arith.constant 0 : i32
      %dma_wait3A_101 = tpu.memref_slice %arg2[%dma_wait3A_99, %dma_wait3A_100] : memref<50176x16xi32, #tpu.memory_space<hbm>> -> memref<50176x16xi32, #tpu.memory_space<hbm>>
      tpu.wait_indirect_dma semaphore(%arg12 : memref<!tpu.dma_semaphore, #tpu.memory_space<semaphore_mem>>) src(%dma_wait3A_101 : memref<50176x16xi32, #tpu.memory_space<hbm>>) dst(%dma_wait3A_97 : memref<512x16xi32, #tpu.memory_space<vmem>>)
      %mul3A_102 = arith.constant 512 : i32
      %mul3A_103 = arith.muli %add3A_90, %mul3A_102 : i32
      %dma_wait3A_104 = arith.constant 0 : i32
      %dma_wait3A_105 = arith.constant 0 : i32
      %dma_wait3A_106 = arith.constant 0 : i32
      %dma_wait3A_107 = tpu.memref_slice %arg11[%dma_wait3A_104, %dma_wait3A_105, %dma_wait3A_106] : memref<2x512x16xi32, #tpu.memory_space<vmem>> -> memref<1x512x16xi32, #tpu.memory_space<vmem>>
      %dma_wait3A_108 = tpu.memref_squeeze %dma_wait3A_107 : memref<1x512x16xi32, #tpu.memory_space<vmem>> -> memref<512x16xi32, #tpu.memory_space<vmem>>
      %dma_wait3A_109 = tpu.memref_slice %arg9[%mul3A_103] : memref<25600xi32, #tpu.memory_space<vmem>> -> memref<512xi32, #tpu.memory_space<vmem>>
      %dma_wait3A_110 = arith.constant 0 : i32
      %dma_wait3A_111 = arith.constant 0 : i32
      %dma_wait3A_112 = tpu.memref_slice %arg3[%dma_wait3A_110, %dma_wait3A_111] : memref<50176x16xi32, #tpu.memory_space<hbm>> -> memref<50176x16xi32, #tpu.memory_space<hbm>>
      tpu.wait_indirect_dma semaphore(%arg12 : memref<!tpu.dma_semaphore, #tpu.memory_space<semaphore_mem>>) src(%dma_wait3A_112 : memref<50176x16xi32, #tpu.memory_space<hbm>>) dst(%dma_wait3A_108 : memref<512x16xi32, #tpu.memory_space<vmem>>)
      %mul3A_113 = arith.constant 512 : i32
      %mul3A_114 = arith.muli %add3A_90, %mul3A_113 : i32
      %add3A_115 = arith.addi %mul3A_2, %mul3A_114 : i32
      %dma_start3A_116 = arith.constant 0 : i32
      %dma_start3A_117 = arith.constant 0 : i32
      %dma_start3A_118 = arith.constant 0 : i32
      %dma_start3A_119 = tpu.memref_slice %arg10[%dma_start3A_116, %dma_start3A_117, %dma_start3A_118] : memref<2x512x16xi32, #tpu.memory_space<vmem>> -> memref<1x512x16xi32, #tpu.memory_space<vmem>>
      %dma_start3A_120 = tpu.memref_squeeze %dma_start3A_119 : memref<1x512x16xi32, #tpu.memory_space<vmem>> -> memref<512x16xi32, #tpu.memory_space<vmem>>
      %dma_start3A_121 = arith.constant 0 : i32
      %dma_start3A_122 = tpu.memref_slice %arg6[%add3A_115, %dma_start3A_121] : memref<819200x16xi32, #tpu.memory_space<hbm>> -> memref<512x16xi32, #tpu.memory_space<hbm>>
      %dma_start3A_123 = arith.constant 0 : i32
      %dma_start3A_124 = tpu.memref_slice %arg6[%add3A_115, %dma_start3A_123] : memref<819200x16xi32, #tpu.memory_space<hbm>> -> memref<512x16xi32, #tpu.memory_space<hbm>>
      %dma_start3A_125 = arith.constant 0 : i32
      %dma_start3A_126 = arith.constant 0 : i32
      %dma_start3A_127 = tpu.memref_slice %arg10[%dma_start3A_116, %dma_start3A_125, %dma_start3A_126] : memref<2x512x16xi32, #tpu.memory_space<vmem>> -> memref<1x512x16xi32, #tpu.memory_space<vmem>>
      %dma_start3A_128 = tpu.memref_squeeze %dma_start3A_127 : memref<1x512x16xi32, #tpu.memory_space<vmem>> -> memref<512x16xi32, #tpu.memory_space<vmem>>
      tpu.enqueue_dma source(%dma_start3A_128 : memref<512x16xi32, #tpu.memory_space<vmem>>) target(%dma_start3A_124 : memref<512x16xi32, #tpu.memory_space<hbm>>) target_semaphore(%arg14 : memref<!tpu.dma_semaphore, #tpu.memory_space<semaphore_mem>>)
      %mul3A_129 = arith.constant 512 : i32
      %mul3A_130 = arith.muli %add3A_90, %mul3A_129 : i32
      %add3A_131 = arith.addi %mul3A_2, %mul3A_130 : i32
      %dma_start3A_132 = arith.constant 0 : i32
      %dma_start3A_133 = arith.constant 0 : i32
      %dma_start3A_134 = arith.constant 0 : i32
      %dma_start3A_135 = tpu.memref_slice %arg11[%dma_start3A_132, %dma_start3A_133, %dma_start3A_134] : memref<2x512x16xi32, #tpu.memory_space<vmem>> -> memref<1x512x16xi32, #tpu.memory_space<vmem>>
      %dma_start3A_136 = tpu.memref_squeeze %dma_start3A_135 : memref<1x512x16xi32, #tpu.memory_space<vmem>> -> memref<512x16xi32, #tpu.memory_space<vmem>>
      %dma_start3A_137 = arith.constant 0 : i32
      %dma_start3A_138 = tpu.memref_slice %arg7[%add3A_131, %dma_start3A_137] : memref<819200x16xi32, #tpu.memory_space<hbm>> -> memref<512x16xi32, #tpu.memory_space<hbm>>
      %dma_start3A_139 = arith.constant 0 : i32
      %dma_start3A_140 = tpu.memref_slice %arg7[%add3A_131, %dma_start3A_139] : memref<819200x16xi32, #tpu.memory_space<hbm>> -> memref<512x16xi32, #tpu.memory_space<hbm>>
      %dma_start3A_141 = arith.constant 0 : i32
      %dma_start3A_142 = arith.constant 0 : i32
      %dma_start3A_143 = tpu.memref_slice %arg11[%dma_start3A_132, %dma_start3A_141, %dma_start3A_142] : memref<2x512x16xi32, #tpu.memory_space<vmem>> -> memref<1x512x16xi32, #tpu.memory_space<vmem>>
      %dma_start3A_144 = tpu.memref_squeeze %dma_start3A_143 : memref<1x512x16xi32, #tpu.memory_space<vmem>> -> memref<512x16xi32, #tpu.memory_space<vmem>>
      tpu.enqueue_dma source(%dma_start3A_144 : memref<512x16xi32, #tpu.memory_space<vmem>>) target(%dma_start3A_140 : memref<512x16xi32, #tpu.memory_space<hbm>>) target_semaphore(%arg14 : memref<!tpu.dma_semaphore, #tpu.memory_space<semaphore_mem>>)
      %add3A_145 = arith.constant 1 : i32
      %add3A_146 = arith.addi %add3A_90, %add3A_145 : i32
      %lt3A = arith.constant 50 : i32
      %lt3A_147 = arith.cmpi slt, %add3A_146, %lt3A : i32
      %convert_element_type3A = arith.extui %lt3A_147 : i1 to i32
      %cond3A = arith.constant 0 : i32
      %cond3A_148 = arith.cmpi ne, %convert_element_type3A, %cond3A : i32
      scf.if %cond3A_148 {
        %ge3A = arith.constant 2 : i32
        %ge3A_214 = arith.cmpi sge, %add3A_146, %ge3A : i32
        %convert_element_type3A_215 = arith.extui %ge3A_214 : i1 to i32
        %cond3A_216 = arith.constant 0 : i32
        %cond3A_217 = arith.cmpi ne, %convert_element_type3A_215, %cond3A_216 : i32
        scf.if %cond3A_217 {
          %sub3A = arith.constant 2 : i32
          %sub3A_240 = arith.subi %add3A_146, %sub3A : i32
          %mul3A_241 = arith.constant 512 : i32
          %mul3A_242 = arith.muli %sub3A_240, %mul3A_241 : i32
          %add3A_243 = arith.addi %mul3A_2, %mul3A_242 : i32
          %dma_wait3A_244 = arith.constant 1 : i32
          %dma_wait3A_245 = arith.constant 0 : i32
          %dma_wait3A_246 = arith.constant 0 : i32
          %dma_wait3A_247 = tpu.memref_slice %arg10[%dma_wait3A_244, %dma_wait3A_245, %dma_wait3A_246] : memref<2x512x16xi32, #tpu.memory_space<vmem>> -> memref<1x512x16xi32, #tpu.memory_space<vmem>>
          %dma_wait3A_248 = tpu.memref_squeeze %dma_wait3A_247 : memref<1x512x16xi32, #tpu.memory_space<vmem>> -> memref<512x16xi32, #tpu.memory_space<vmem>>
          %dma_wait3A_249 = arith.constant 0 : i32
          %dma_wait3A_250 = tpu.memref_slice %arg6[%add3A_243, %dma_wait3A_249] : memref<819200x16xi32, #tpu.memory_space<hbm>> -> memref<512x16xi32, #tpu.memory_space<hbm>>
          %dma_wait3A_251 = arith.constant 0 : i32
          %dma_wait3A_252 = tpu.memref_slice %arg6[%add3A_243, %dma_wait3A_251] : memref<819200x16xi32, #tpu.memory_space<hbm>> -> memref<512x16xi32, #tpu.memory_space<hbm>>
          %dma_wait3A_253 = arith.constant 0 : i32
          %dma_wait3A_254 = arith.constant 0 : i32
          %dma_wait3A_255 = tpu.memref_slice %arg10[%dma_wait3A_244, %dma_wait3A_253, %dma_wait3A_254] : memref<2x512x16xi32, #tpu.memory_space<vmem>> -> memref<1x512x16xi32, #tpu.memory_space<vmem>>
          %dma_wait3A_256 = tpu.memref_squeeze %dma_wait3A_255 : memref<1x512x16xi32, #tpu.memory_space<vmem>> -> memref<512x16xi32, #tpu.memory_space<vmem>>
          tpu.wait_dma2 semaphore(%arg15 : memref<!tpu.dma_semaphore, #tpu.memory_space<semaphore_mem>>) src(%dma_wait3A_256 : memref<512x16xi32, #tpu.memory_space<vmem>>) dst(%dma_wait3A_252 : memref<512x16xi32, #tpu.memory_space<hbm>>)
          %mul3A_257 = arith.constant 512 : i32
          %mul3A_258 = arith.muli %sub3A_240, %mul3A_257 : i32
          %add3A_259 = arith.addi %mul3A_2, %mul3A_258 : i32
          %dma_wait3A_260 = arith.constant 1 : i32
          %dma_wait3A_261 = arith.constant 0 : i32
          %dma_wait3A_262 = arith.constant 0 : i32
          %dma_wait3A_263 = tpu.memref_slice %arg11[%dma_wait3A_260, %dma_wait3A_261, %dma_wait3A_262] : memref<2x512x16xi32, #tpu.memory_space<vmem>> -> memref<1x512x16xi32, #tpu.memory_space<vmem>>
          %dma_wait3A_264 = tpu.memref_squeeze %dma_wait3A_263 : memref<1x512x16xi32, #tpu.memory_space<vmem>> -> memref<512x16xi32, #tpu.memory_space<vmem>>
          %dma_wait3A_265 = arith.constant 0 : i32
          %dma_wait3A_266 = tpu.memref_slice %arg7[%add3A_259, %dma_wait3A_265] : memref<819200x16xi32, #tpu.memory_space<hbm>> -> memref<512x16xi32, #tpu.memory_space<hbm>>
          %dma_wait3A_267 = arith.constant 0 : i32
          %dma_wait3A_268 = tpu.memref_slice %arg7[%add3A_259, %dma_wait3A_267] : memref<819200x16xi32, #tpu.memory_space<hbm>> -> memref<512x16xi32, #tpu.memory_space<hbm>>
          %dma_wait3A_269 = arith.constant 0 : i32
          %dma_wait3A_270 = arith.constant 0 : i32
          %dma_wait3A_271 = tpu.memref_slice %arg11[%dma_wait3A_260, %dma_wait3A_269, %dma_wait3A_270] : memref<2x512x16xi32, #tpu.memory_space<vmem>> -> memref<1x512x16xi32, #tpu.memory_space<vmem>>
          %dma_wait3A_272 = tpu.memref_squeeze %dma_wait3A_271 : memref<1x512x16xi32, #tpu.memory_space<vmem>> -> memref<512x16xi32, #tpu.memory_space<vmem>>
          tpu.wait_dma2 semaphore(%arg15 : memref<!tpu.dma_semaphore, #tpu.memory_space<semaphore_mem>>) src(%dma_wait3A_272 : memref<512x16xi32, #tpu.memory_space<vmem>>) dst(%dma_wait3A_268 : memref<512x16xi32, #tpu.memory_space<hbm>>)
        } else {
        }
        %mul3A_218 = arith.constant 512 : i32
        %mul3A_219 = arith.muli %add3A_146, %mul3A_218 : i32
        %dma_start3A_220 = arith.constant 1 : i32
        %dma_start3A_221 = arith.constant 0 : i32
        %dma_start3A_222 = arith.constant 0 : i32
        %dma_start3A_223 = tpu.memref_slice %arg10[%dma_start3A_220, %dma_start3A_221, %dma_start3A_222] : memref<2x512x16xi32, #tpu.memory_space<vmem>> -> memref<1x512x16xi32, #tpu.memory_space<vmem>>
        %dma_start3A_224 = tpu.memref_squeeze %dma_start3A_223 : memref<1x512x16xi32, #tpu.memory_space<vmem>> -> memref<512x16xi32, #tpu.memory_space<vmem>>
        %dma_start3A_225 = tpu.memref_slice %arg8[%mul3A_219] : memref<25600xi32, #tpu.memory_space<vmem>> -> memref<512xi32, #tpu.memory_space<vmem>>
        %dma_start3A_226 = arith.constant 0 : i32
        %dma_start3A_227 = arith.constant 0 : i32
        %dma_start3A_228 = tpu.memref_slice %arg2[%dma_start3A_226, %dma_start3A_227] : memref<50176x16xi32, #tpu.memory_space<hbm>> -> memref<50176x16xi32, #tpu.memory_space<hbm>>
        tpu.enqueue_indirect_dma source(%dma_start3A_228 : memref<50176x16xi32, #tpu.memory_space<hbm>>) target(%dma_start3A_224 : memref<512x16xi32, #tpu.memory_space<vmem>>) offsets(%dma_start3A_225 : memref<512xi32, #tpu.memory_space<vmem>>) semaphore(%arg13 : memref<!tpu.dma_semaphore, #tpu.memory_space<semaphore_mem>>)
        %mul3A_229 = arith.constant 512 : i32
        %mul3A_230 = arith.muli %add3A_146, %mul3A_229 : i32
        %dma_start3A_231 = arith.constant 1 : i32
        %dma_start3A_232 = arith.constant 0 : i32
        %dma_start3A_233 = arith.constant 0 : i32
        %dma_start3A_234 = tpu.memref_slice %arg11[%dma_start3A_231, %dma_start3A_232, %dma_start3A_233] : memref<2x512x16xi32, #tpu.memory_space<vmem>> -> memref<1x512x16xi32, #tpu.memory_space<vmem>>
        %dma_start3A_235 = tpu.memref_squeeze %dma_start3A_234 : memref<1x512x16xi32, #tpu.memory_space<vmem>> -> memref<512x16xi32, #tpu.memory_space<vmem>>
        %dma_start3A_236 = tpu.memref_slice %arg9[%mul3A_230] : memref<25600xi32, #tpu.memory_space<vmem>> -> memref<512xi32, #tpu.memory_space<vmem>>
        %dma_start3A_237 = arith.constant 0 : i32
        %dma_start3A_238 = arith.constant 0 : i32
        %dma_start3A_239 = tpu.memref_slice %arg3[%dma_start3A_237, %dma_start3A_238] : memref<50176x16xi32, #tpu.memory_space<hbm>> -> memref<50176x16xi32, #tpu.memory_space<hbm>>
        tpu.enqueue_indirect_dma source(%dma_start3A_239 : memref<50176x16xi32, #tpu.memory_space<hbm>>) target(%dma_start3A_235 : memref<512x16xi32, #tpu.memory_space<vmem>>) offsets(%dma_start3A_236 : memref<512xi32, #tpu.memory_space<vmem>>) semaphore(%arg13 : memref<!tpu.dma_semaphore, #tpu.memory_space<semaphore_mem>>)
      } else {
      }
      %mul3A_149 = arith.constant 2 : i32
      %mul3A_150 = arith.muli %scan3A_86, %mul3A_149 : i32
      %add3A_151 = arith.constant 1 : i32
      %add3A_152 = arith.addi %mul3A_150, %add3A_151 : i32
      %mul3A_153 = arith.constant 512 : i32
      %mul3A_154 = arith.muli %add3A_152, %mul3A_153 : i32
      %dma_wait3A_155 = arith.constant 1 : i32
      %dma_wait3A_156 = arith.constant 0 : i32
      %dma_wait3A_157 = arith.constant 0 : i32
      %dma_wait3A_158 = tpu.memref_slice %arg10[%dma_wait3A_155, %dma_wait3A_156, %dma_wait3A_157] : memref<2x512x16xi32, #tpu.memory_space<vmem>> -> memref<1x512x16xi32, #tpu.memory_space<vmem>>
      %dma_wait3A_159 = tpu.memref_squeeze %dma_wait3A_158 : memref<1x512x16xi32, #tpu.memory_space<vmem>> -> memref<512x16xi32, #tpu.memory_space<vmem>>
      %dma_wait3A_160 = tpu.memref_slice %arg8[%mul3A_154] : memref<25600xi32, #tpu.memory_space<vmem>> -> memref<512xi32, #tpu.memory_space<vmem>>
      %dma_wait3A_161 = arith.constant 0 : i32
      %dma_wait3A_162 = arith.constant 0 : i32
      %dma_wait3A_163 = tpu.memref_slice %arg2[%dma_wait3A_161, %dma_wait3A_162] : memref<50176x16xi32, #tpu.memory_space<hbm>> -> memref<50176x16xi32, #tpu.memory_space<hbm>>
      tpu.wait_indirect_dma semaphore(%arg13 : memref<!tpu.dma_semaphore, #tpu.memory_space<semaphore_mem>>) src(%dma_wait3A_163 : memref<50176x16xi32, #tpu.memory_space<hbm>>) dst(%dma_wait3A_159 : memref<512x16xi32, #tpu.memory_space<vmem>>)
      %mul3A_164 = arith.constant 512 : i32
      %mul3A_165 = arith.muli %add3A_152, %mul3A_164 : i32
      %dma_wait3A_166 = arith.constant 1 : i32
      %dma_wait3A_167 = arith.constant 0 : i32
      %dma_wait3A_168 = arith.constant 0 : i32
      %dma_wait3A_169 = tpu.memref_slice %arg11[%dma_wait3A_166, %dma_wait3A_167, %dma_wait3A_168] : memref<2x512x16xi32, #tpu.memory_space<vmem>> -> memref<1x512x16xi32, #tpu.memory_space<vmem>>
      %dma_wait3A_170 = tpu.memref_squeeze %dma_wait3A_169 : memref<1x512x16xi32, #tpu.memory_space<vmem>> -> memref<512x16xi32, #tpu.memory_space<vmem>>
      %dma_wait3A_171 = tpu.memref_slice %arg9[%mul3A_165] : memref<25600xi32, #tpu.memory_space<vmem>> -> memref<512xi32, #tpu.memory_space<vmem>>
      %dma_wait3A_172 = arith.constant 0 : i32
      %dma_wait3A_173 = arith.constant 0 : i32
      %dma_wait3A_174 = tpu.memref_slice %arg3[%dma_wait3A_172, %dma_wait3A_173] : memref<50176x16xi32, #tpu.memory_space<hbm>> -> memref<50176x16xi32, #tpu.memory_space<hbm>>
      tpu.wait_indirect_dma semaphore(%arg13 : memref<!tpu.dma_semaphore, #tpu.memory_space<semaphore_mem>>) src(%dma_wait3A_174 : memref<50176x16xi32, #tpu.memory_space<hbm>>) dst(%dma_wait3A_170 : memref<512x16xi32, #tpu.memory_space<vmem>>)
      %mul3A_175 = arith.constant 512 : i32
      %mul3A_176 = arith.muli %add3A_152, %mul3A_175 : i32
      %add3A_177 = arith.addi %mul3A_2, %mul3A_176 : i32
      %dma_start3A_178 = arith.constant 1 : i32
      %dma_start3A_179 = arith.constant 0 : i32
      %dma_start3A_180 = arith.constant 0 : i32
      %dma_start3A_181 = tpu.memref_slice %arg10[%dma_start3A_178, %dma_start3A_179, %dma_start3A_180] : memref<2x512x16xi32, #tpu.memory_space<vmem>> -> memref<1x512x16xi32, #tpu.memory_space<vmem>>
      %dma_start3A_182 = tpu.memref_squeeze %dma_start3A_181 : memref<1x512x16xi32, #tpu.memory_space<vmem>> -> memref<512x16xi32, #tpu.memory_space<vmem>>
      %dma_start3A_183 = arith.constant 0 : i32
      %dma_start3A_184 = tpu.memref_slice %arg6[%add3A_177, %dma_start3A_183] : memref<819200x16xi32, #tpu.memory_space<hbm>> -> memref<512x16xi32, #tpu.memory_space<hbm>>
      %dma_start3A_185 = arith.constant 0 : i32
      %dma_start3A_186 = tpu.memref_slice %arg6[%add3A_177, %dma_start3A_185] : memref<819200x16xi32, #tpu.memory_space<hbm>> -> memref<512x16xi32, #tpu.memory_space<hbm>>
      %dma_start3A_187 = arith.constant 0 : i32
      %dma_start3A_188 = arith.constant 0 : i32
      %dma_start3A_189 = tpu.memref_slice %arg10[%dma_start3A_178, %dma_start3A_187, %dma_start3A_188] : memref<2x512x16xi32, #tpu.memory_space<vmem>> -> memref<1x512x16xi32, #tpu.memory_space<vmem>>
      %dma_start3A_190 = tpu.memref_squeeze %dma_start3A_189 : memref<1x512x16xi32, #tpu.memory_space<vmem>> -> memref<512x16xi32, #tpu.memory_space<vmem>>
      tpu.enqueue_dma source(%dma_start3A_190 : memref<512x16xi32, #tpu.memory_space<vmem>>) target(%dma_start3A_186 : memref<512x16xi32, #tpu.memory_space<hbm>>) target_semaphore(%arg15 : memref<!tpu.dma_semaphore, #tpu.memory_space<semaphore_mem>>)
      %mul3A_191 = arith.constant 512 : i32
      %mul3A_192 = arith.muli %add3A_152, %mul3A_191 : i32
      %add3A_193 = arith.addi %mul3A_2, %mul3A_192 : i32
      %dma_start3A_194 = arith.constant 1 : i32
      %dma_start3A_195 = arith.constant 0 : i32
      %dma_start3A_196 = arith.constant 0 : i32
      %dma_start3A_197 = tpu.memref_slice %arg11[%dma_start3A_194, %dma_start3A_195, %dma_start3A_196] : memref<2x512x16xi32, #tpu.memory_space<vmem>> -> memref<1x512x16xi32, #tpu.memory_space<vmem>>
      %dma_start3A_198 = tpu.memref_squeeze %dma_start3A_197 : memref<1x512x16xi32, #tpu.memory_space<vmem>> -> memref<512x16xi32, #tpu.memory_space<vmem>>
      %dma_start3A_199 = arith.constant 0 : i32
      %dma_start3A_200 = tpu.memref_slice %arg7[%add3A_193, %dma_start3A_199] : memref<819200x16xi32, #tpu.memory_space<hbm>> -> memref<512x16xi32, #tpu.memory_space<hbm>>
      %dma_start3A_201 = arith.constant 0 : i32
      %dma_start3A_202 = tpu.memref_slice %arg7[%add3A_193, %dma_start3A_201] : memref<819200x16xi32, #tpu.memory_space<hbm>> -> memref<512x16xi32, #tpu.memory_space<hbm>>
      %dma_start3A_203 = arith.constant 0 : i32
      %dma_start3A_204 = arith.constant 0 : i32
      %dma_start3A_205 = tpu.memref_slice %arg11[%dma_start3A_194, %dma_start3A_203, %dma_start3A_204] : memref<2x512x16xi32, #tpu.memory_space<vmem>> -> memref<1x512x16xi32, #tpu.memory_space<vmem>>
      %dma_start3A_206 = tpu.memref_squeeze %dma_start3A_205 : memref<1x512x16xi32, #tpu.memory_space<vmem>> -> memref<512x16xi32, #tpu.memory_space<vmem>>
      tpu.enqueue_dma source(%dma_start3A_206 : memref<512x16xi32, #tpu.memory_space<vmem>>) target(%dma_start3A_202 : memref<512x16xi32, #tpu.memory_space<hbm>>) target_semaphore(%arg15 : memref<!tpu.dma_semaphore, #tpu.memory_space<semaphore_mem>>)
      %add3A_207 = arith.constant 1 : i32
      %add3A_208 = arith.addi %add3A_152, %add3A_207 : i32
      %lt3A_209 = arith.constant 50 : i32
      %lt3A_210 = arith.cmpi slt, %add3A_208, %lt3A_209 : i32
      %convert_element_type3A_211 = arith.extui %lt3A_210 : i1 to i32
      %cond3A_212 = arith.constant 0 : i32
      %cond3A_213 = arith.cmpi ne, %convert_element_type3A_211, %cond3A_212 : i32
      scf.if %cond3A_213 {
        %ge3A = arith.constant 2 : i32
        %ge3A_214 = arith.cmpi sge, %add3A_208, %ge3A : i32
        %convert_element_type3A_215 = arith.extui %ge3A_214 : i1 to i32
        %cond3A_216 = arith.constant 0 : i32
        %cond3A_217 = arith.cmpi ne, %convert_element_type3A_215, %cond3A_216 : i32
        scf.if %cond3A_217 {
          %sub3A = arith.constant 2 : i32
          %sub3A_240 = arith.subi %add3A_208, %sub3A : i32
          %mul3A_241 = arith.constant 512 : i32
          %mul3A_242 = arith.muli %sub3A_240, %mul3A_241 : i32
          %add3A_243 = arith.addi %mul3A_2, %mul3A_242 : i32
          %dma_wait3A_244 = arith.constant 0 : i32
          %dma_wait3A_245 = arith.constant 0 : i32
          %dma_wait3A_246 = arith.constant 0 : i32
          %dma_wait3A_247 = tpu.memref_slice %arg10[%dma_wait3A_244, %dma_wait3A_245, %dma_wait3A_246] : memref<2x512x16xi32, #tpu.memory_space<vmem>> -> memref<1x512x16xi32, #tpu.memory_space<vmem>>
          %dma_wait3A_248 = tpu.memref_squeeze %dma_wait3A_247 : memref<1x512x16xi32, #tpu.memory_space<vmem>> -> memref<512x16xi32, #tpu.memory_space<vmem>>
          %dma_wait3A_249 = arith.constant 0 : i32
          %dma_wait3A_250 = tpu.memref_slice %arg6[%add3A_243, %dma_wait3A_249] : memref<819200x16xi32, #tpu.memory_space<hbm>> -> memref<512x16xi32, #tpu.memory_space<hbm>>
          %dma_wait3A_251 = arith.constant 0 : i32
          %dma_wait3A_252 = tpu.memref_slice %arg6[%add3A_243, %dma_wait3A_251] : memref<819200x16xi32, #tpu.memory_space<hbm>> -> memref<512x16xi32, #tpu.memory_space<hbm>>
          %dma_wait3A_253 = arith.constant 0 : i32
          %dma_wait3A_254 = arith.constant 0 : i32
          %dma_wait3A_255 = tpu.memref_slice %arg10[%dma_wait3A_244, %dma_wait3A_253, %dma_wait3A_254] : memref<2x512x16xi32, #tpu.memory_space<vmem>> -> memref<1x512x16xi32, #tpu.memory_space<vmem>>
          %dma_wait3A_256 = tpu.memref_squeeze %dma_wait3A_255 : memref<1x512x16xi32, #tpu.memory_space<vmem>> -> memref<512x16xi32, #tpu.memory_space<vmem>>
          tpu.wait_dma2 semaphore(%arg14 : memref<!tpu.dma_semaphore, #tpu.memory_space<semaphore_mem>>) src(%dma_wait3A_256 : memref<512x16xi32, #tpu.memory_space<vmem>>) dst(%dma_wait3A_252 : memref<512x16xi32, #tpu.memory_space<hbm>>)
          %mul3A_257 = arith.constant 512 : i32
          %mul3A_258 = arith.muli %sub3A_240, %mul3A_257 : i32
          %add3A_259 = arith.addi %mul3A_2, %mul3A_258 : i32
          %dma_wait3A_260 = arith.constant 0 : i32
          %dma_wait3A_261 = arith.constant 0 : i32
          %dma_wait3A_262 = arith.constant 0 : i32
          %dma_wait3A_263 = tpu.memref_slice %arg11[%dma_wait3A_260, %dma_wait3A_261, %dma_wait3A_262] : memref<2x512x16xi32, #tpu.memory_space<vmem>> -> memref<1x512x16xi32, #tpu.memory_space<vmem>>
          %dma_wait3A_264 = tpu.memref_squeeze %dma_wait3A_263 : memref<1x512x16xi32, #tpu.memory_space<vmem>> -> memref<512x16xi32, #tpu.memory_space<vmem>>
          %dma_wait3A_265 = arith.constant 0 : i32
          %dma_wait3A_266 = tpu.memref_slice %arg7[%add3A_259, %dma_wait3A_265] : memref<819200x16xi32, #tpu.memory_space<hbm>> -> memref<512x16xi32, #tpu.memory_space<hbm>>
          %dma_wait3A_267 = arith.constant 0 : i32
          %dma_wait3A_268 = tpu.memref_slice %arg7[%add3A_259, %dma_wait3A_267] : memref<819200x16xi32, #tpu.memory_space<hbm>> -> memref<512x16xi32, #tpu.memory_space<hbm>>
          %dma_wait3A_269 = arith.constant 0 : i32
          %dma_wait3A_270 = arith.constant 0 : i32
          %dma_wait3A_271 = tpu.memref_slice %arg11[%dma_wait3A_260, %dma_wait3A_269, %dma_wait3A_270] : memref<2x512x16xi32, #tpu.memory_space<vmem>> -> memref<1x512x16xi32, #tpu.memory_space<vmem>>
          %dma_wait3A_272 = tpu.memref_squeeze %dma_wait3A_271 : memref<1x512x16xi32, #tpu.memory_space<vmem>> -> memref<512x16xi32, #tpu.memory_space<vmem>>
          tpu.wait_dma2 semaphore(%arg14 : memref<!tpu.dma_semaphore, #tpu.memory_space<semaphore_mem>>) src(%dma_wait3A_272 : memref<512x16xi32, #tpu.memory_space<vmem>>) dst(%dma_wait3A_268 : memref<512x16xi32, #tpu.memory_space<hbm>>)
        } else {
        }
        %mul3A_218 = arith.constant 512 : i32
        %mul3A_219 = arith.muli %add3A_208, %mul3A_218 : i32
        %dma_start3A_220 = arith.constant 0 : i32
        %dma_start3A_221 = arith.constant 0 : i32
        %dma_start3A_222 = arith.constant 0 : i32
        %dma_start3A_223 = tpu.memref_slice %arg10[%dma_start3A_220, %dma_start3A_221, %dma_start3A_222] : memref<2x512x16xi32, #tpu.memory_space<vmem>> -> memref<1x512x16xi32, #tpu.memory_space<vmem>>
        %dma_start3A_224 = tpu.memref_squeeze %dma_start3A_223 : memref<1x512x16xi32, #tpu.memory_space<vmem>> -> memref<512x16xi32, #tpu.memory_space<vmem>>
        %dma_start3A_225 = tpu.memref_slice %arg8[%mul3A_219] : memref<25600xi32, #tpu.memory_space<vmem>> -> memref<512xi32, #tpu.memory_space<vmem>>
        %dma_start3A_226 = arith.constant 0 : i32
        %dma_start3A_227 = arith.constant 0 : i32
        %dma_start3A_228 = tpu.memref_slice %arg2[%dma_start3A_226, %dma_start3A_227] : memref<50176x16xi32, #tpu.memory_space<hbm>> -> memref<50176x16xi32, #tpu.memory_space<hbm>>
        tpu.enqueue_indirect_dma source(%dma_start3A_228 : memref<50176x16xi32, #tpu.memory_space<hbm>>) target(%dma_start3A_224 : memref<512x16xi32, #tpu.memory_space<vmem>>) offsets(%dma_start3A_225 : memref<512xi32, #tpu.memory_space<vmem>>) semaphore(%arg12 : memref<!tpu.dma_semaphore, #tpu.memory_space<semaphore_mem>>)
        %mul3A_229 = arith.constant 512 : i32
        %mul3A_230 = arith.muli %add3A_208, %mul3A_229 : i32
        %dma_start3A_231 = arith.constant 0 : i32
        %dma_start3A_232 = arith.constant 0 : i32
        %dma_start3A_233 = arith.constant 0 : i32
        %dma_start3A_234 = tpu.memref_slice %arg11[%dma_start3A_231, %dma_start3A_232, %dma_start3A_233] : memref<2x512x16xi32, #tpu.memory_space<vmem>> -> memref<1x512x16xi32, #tpu.memory_space<vmem>>
        %dma_start3A_235 = tpu.memref_squeeze %dma_start3A_234 : memref<1x512x16xi32, #tpu.memory_space<vmem>> -> memref<512x16xi32, #tpu.memory_space<vmem>>
        %dma_start3A_236 = tpu.memref_slice %arg9[%mul3A_230] : memref<25600xi32, #tpu.memory_space<vmem>> -> memref<512xi32, #tpu.memory_space<vmem>>
        %dma_start3A_237 = arith.constant 0 : i32
        %dma_start3A_238 = arith.constant 0 : i32
        %dma_start3A_239 = tpu.memref_slice %arg3[%dma_start3A_237, %dma_start3A_238] : memref<50176x16xi32, #tpu.memory_space<hbm>> -> memref<50176x16xi32, #tpu.memory_space<hbm>>
        tpu.enqueue_indirect_dma source(%dma_start3A_239 : memref<50176x16xi32, #tpu.memory_space<hbm>>) target(%dma_start3A_235 : memref<512x16xi32, #tpu.memory_space<vmem>>) offsets(%dma_start3A_236 : memref<512xi32, #tpu.memory_space<vmem>>) semaphore(%arg12 : memref<!tpu.dma_semaphore, #tpu.memory_space<semaphore_mem>>)
      } else {
      }
    }
    %scan3A_26 = arith.constant 25 : i32
    %add3A_27 = arith.constant 24576 : i32
    %add3A_28 = arith.addi %mul3A_2, %add3A_27 : i32
    %dma_wait3A = arith.constant 0 : i32
    %dma_wait3A_29 = arith.constant 0 : i32
    %dma_wait3A_30 = arith.constant 0 : i32
    %dma_wait3A_31 = tpu.memref_slice %arg10[%dma_wait3A, %dma_wait3A_29, %dma_wait3A_30] : memref<2x512x16xi32, #tpu.memory_space<vmem>> -> memref<1x512x16xi32, #tpu.memory_space<vmem>>
    %dma_wait3A_32 = tpu.memref_squeeze %dma_wait3A_31 : memref<1x512x16xi32, #tpu.memory_space<vmem>> -> memref<512x16xi32, #tpu.memory_space<vmem>>
    %dma_wait3A_33 = arith.constant 0 : i32
    %dma_wait3A_34 = tpu.memref_slice %arg6[%add3A_28, %dma_wait3A_33] : memref<819200x16xi32, #tpu.memory_space<hbm>> -> memref<512x16xi32, #tpu.memory_space<hbm>>
    %dma_wait3A_35 = arith.constant 0 : i32
    %dma_wait3A_36 = tpu.memref_slice %arg6[%add3A_28, %dma_wait3A_35] : memref<819200x16xi32, #tpu.memory_space<hbm>> -> memref<512x16xi32, #tpu.memory_space<hbm>>
    %dma_wait3A_37 = arith.constant 0 : i32
    %dma_wait3A_38 = arith.constant 0 : i32
    %dma_wait3A_39 = tpu.memref_slice %arg10[%dma_wait3A, %dma_wait3A_37, %dma_wait3A_38] : memref<2x512x16xi32, #tpu.memory_space<vmem>> -> memref<1x512x16xi32, #tpu.memory_space<vmem>>
    %dma_wait3A_40 = tpu.memref_squeeze %dma_wait3A_39 : memref<1x512x16xi32, #tpu.memory_space<vmem>> -> memref<512x16xi32, #tpu.memory_space<vmem>>
    tpu.wait_dma2 semaphore(%arg14 : memref<!tpu.dma_semaphore, #tpu.memory_space<semaphore_mem>>) src(%dma_wait3A_40 : memref<512x16xi32, #tpu.memory_space<vmem>>) dst(%dma_wait3A_36 : memref<512x16xi32, #tpu.memory_space<hbm>>)
    %add3A_41 = arith.constant 24576 : i32
    %add3A_42 = arith.addi %mul3A_2, %add3A_41 : i32
    %dma_wait3A_43 = arith.constant 0 : i32
    %dma_wait3A_44 = arith.constant 0 : i32
    %dma_wait3A_45 = arith.constant 0 : i32
    %dma_wait3A_46 = tpu.memref_slice %arg11[%dma_wait3A_43, %dma_wait3A_44, %dma_wait3A_45] : memref<2x512x16xi32, #tpu.memory_space<vmem>> -> memref<1x512x16xi32, #tpu.memory_space<vmem>>
    %dma_wait3A_47 = tpu.memref_squeeze %dma_wait3A_46 : memref<1x512x16xi32, #tpu.memory_space<vmem>> -> memref<512x16xi32, #tpu.memory_space<vmem>>
    %dma_wait3A_48 = arith.constant 0 : i32
    %dma_wait3A_49 = tpu.memref_slice %arg7[%add3A_42, %dma_wait3A_48] : memref<819200x16xi32, #tpu.memory_space<hbm>> -> memref<512x16xi32, #tpu.memory_space<hbm>>
    %dma_wait3A_50 = arith.constant 0 : i32
    %dma_wait3A_51 = tpu.memref_slice %arg7[%add3A_42, %dma_wait3A_50] : memref<819200x16xi32, #tpu.memory_space<hbm>> -> memref<512x16xi32, #tpu.memory_space<hbm>>
    %dma_wait3A_52 = arith.constant 0 : i32
    %dma_wait3A_53 = arith.constant 0 : i32
    %dma_wait3A_54 = tpu.memref_slice %arg11[%dma_wait3A_43, %dma_wait3A_52, %dma_wait3A_53] : memref<2x512x16xi32, #tpu.memory_space<vmem>> -> memref<1x512x16xi32, #tpu.memory_space<vmem>>
    %dma_wait3A_55 = tpu.memref_squeeze %dma_wait3A_54 : memref<1x512x16xi32, #tpu.memory_space<vmem>> -> memref<512x16xi32, #tpu.memory_space<vmem>>
    tpu.wait_dma2 semaphore(%arg14 : memref<!tpu.dma_semaphore, #tpu.memory_space<semaphore_mem>>) src(%dma_wait3A_55 : memref<512x16xi32, #tpu.memory_space<vmem>>) dst(%dma_wait3A_51 : memref<512x16xi32, #tpu.memory_space<hbm>>)
    %add3A_56 = arith.constant 25088 : i32
    %add3A_57 = arith.addi %mul3A_2, %add3A_56 : i32
    %dma_wait3A_58 = arith.constant 1 : i32
    %dma_wait3A_59 = arith.constant 0 : i32
    %dma_wait3A_60 = arith.constant 0 : i32
    %dma_wait3A_61 = tpu.memref_slice %arg10[%dma_wait3A_58, %dma_wait3A_59, %dma_wait3A_60] : memref<2x512x16xi32, #tpu.memory_space<vmem>> -> memref<1x512x16xi32, #tpu.memory_space<vmem>>
    %dma_wait3A_62 = tpu.memref_squeeze %dma_wait3A_61 : memref<1x512x16xi32, #tpu.memory_space<vmem>> -> memref<512x16xi32, #tpu.memory_space<vmem>>
    %dma_wait3A_63 = arith.constant 0 : i32
    %dma_wait3A_64 = tpu.memref_slice %arg6[%add3A_57, %dma_wait3A_63] : memref<819200x16xi32, #tpu.memory_space<hbm>> -> memref<512x16xi32, #tpu.memory_space<hbm>>
    %dma_wait3A_65 = arith.constant 0 : i32
    %dma_wait3A_66 = tpu.memref_slice %arg6[%add3A_57, %dma_wait3A_65] : memref<819200x16xi32, #tpu.memory_space<hbm>> -> memref<512x16xi32, #tpu.memory_space<hbm>>
    %dma_wait3A_67 = arith.constant 0 : i32
    %dma_wait3A_68 = arith.constant 0 : i32
    %dma_wait3A_69 = tpu.memref_slice %arg10[%dma_wait3A_58, %dma_wait3A_67, %dma_wait3A_68] : memref<2x512x16xi32, #tpu.memory_space<vmem>> -> memref<1x512x16xi32, #tpu.memory_space<vmem>>
    %dma_wait3A_70 = tpu.memref_squeeze %dma_wait3A_69 : memref<1x512x16xi32, #tpu.memory_space<vmem>> -> memref<512x16xi32, #tpu.memory_space<vmem>>
    tpu.wait_dma2 semaphore(%arg15 : memref<!tpu.dma_semaphore, #tpu.memory_space<semaphore_mem>>) src(%dma_wait3A_70 : memref<512x16xi32, #tpu.memory_space<vmem>>) dst(%dma_wait3A_66 : memref<512x16xi32, #tpu.memory_space<hbm>>)
    %add3A_71 = arith.constant 25088 : i32
    %add3A_72 = arith.addi %mul3A_2, %add3A_71 : i32
    %dma_wait3A_73 = arith.constant 1 : i32
    %dma_wait3A_74 = arith.constant 0 : i32
    %dma_wait3A_75 = arith.constant 0 : i32
    %dma_wait3A_76 = tpu.memref_slice %arg11[%dma_wait3A_73, %dma_wait3A_74, %dma_wait3A_75] : memref<2x512x16xi32, #tpu.memory_space<vmem>> -> memref<1x512x16xi32, #tpu.memory_space<vmem>>
    %dma_wait3A_77 = tpu.memref_squeeze %dma_wait3A_76 : memref<1x512x16xi32, #tpu.memory_space<vmem>> -> memref<512x16xi32, #tpu.memory_space<vmem>>
    %dma_wait3A_78 = arith.constant 0 : i32
    %dma_wait3A_79 = tpu.memref_slice %arg7[%add3A_72, %dma_wait3A_78] : memref<819200x16xi32, #tpu.memory_space<hbm>> -> memref<512x16xi32, #tpu.memory_space<hbm>>
    %dma_wait3A_80 = arith.constant 0 : i32
    %dma_wait3A_81 = tpu.memref_slice %arg7[%add3A_72, %dma_wait3A_80] : memref<819200x16xi32, #tpu.memory_space<hbm>> -> memref<512x16xi32, #tpu.memory_space<hbm>>
    %dma_wait3A_82 = arith.constant 0 : i32
    %dma_wait3A_83 = arith.constant 0 : i32
    %dma_wait3A_84 = tpu.memref_slice %arg11[%dma_wait3A_73, %dma_wait3A_82, %dma_wait3A_83] : memref<2x512x16xi32, #tpu.memory_space<vmem>> -> memref<1x512x16xi32, #tpu.memory_space<vmem>>
    %dma_wait3A_85 = tpu.memref_squeeze %dma_wait3A_84 : memref<1x512x16xi32, #tpu.memory_space<vmem>> -> memref<512x16xi32, #tpu.memory_space<vmem>>
    tpu.wait_dma2 semaphore(%arg15 : memref<!tpu.dma_semaphore, #tpu.memory_space<semaphore_mem>>) src(%dma_wait3A_85 : memref<512x16xi32, #tpu.memory_space<vmem>>) dst(%dma_wait3A_81 : memref<512x16xi32, #tpu.memory_space<hbm>>)
    return
  }
}

#map = affine_map<(d0, d1) -> (0, 0)>
#map1 = affine_map<(d0, d1) -> (0, 0, 0)>
module attributes {stable_mosaic.version = 14 : i64} {
  func.func @_scatter_body(%arg0: i32, %arg1: i32, %arg2: memref<819200x32xf32, #tpu.memory_space<hbm>>, %arg3: memref<32x200x128xi32, #tpu.memory_space<hbm>>, %arg4: memref<50176x32xf32, #tpu.memory_space<hbm>>, %arg5: memref<50176x32xf32, #tpu.memory_space<hbm>>, %arg6: memref<50176x32xf32, #tpu.memory_space<hbm>>, %arg7: memref<50176x32xf32, #tpu.memory_space<vmem_shared>>, %arg8: memref<128xi32, #tpu.memory_space<vmem>>, %arg9: memref<512x32xf32, #tpu.memory_space<vmem>>) attributes {dimension_semantics = [#tpu.dimension_semantics<core_parallel>, #tpu.dimension_semantics<subcore_parallel>], iteration_bounds = array<i64: 2, 16>, scalar_prefetch = 0 : i64, scratch_operands = 3 : i64, tpu.core_type = #tpu.core_type<sc_vector_subcore>, window_params = [{transform_indices = #map}, {transform_indices = #map1}, {transform_indices = #map}, {transform_indices = #map}, {transform_indices = #map}]} {
    %mul3A = arith.constant 2 : i32
    %mul3A_0 = arith.muli %arg1, %mul3A : i32
    %add3A = arith.addi %mul3A_0, %arg0 : i32
    %mul3A_1 = arith.constant 25600 : i32
    %mul3A_2 = arith.muli %add3A, %mul3A_1 : i32
    %mul3A_3 = arith.constant 3136 : i32
    %mul3A_4 = arith.muli %arg1, %mul3A_3 : i32
    "tpu.region"() ({
      %run_scoped3A = tpu.sem_alloc : memref<!tpu.dma_semaphore, #tpu.memory_space<semaphore_mem>>
      %dma_start3A = arith.constant 0 : i32
      %dma_start3A_18 = tpu.memref_slice %arg7[%mul3A_4, %dma_start3A] : memref<50176x32xf32, #tpu.memory_space<vmem_shared>> -> memref<3136x32xf32, #tpu.memory_space<vmem_shared>>
      %dma_start3A_19 = arith.constant 0 : i32
      %dma_start3A_20 = tpu.memref_slice %arg4[%mul3A_4, %dma_start3A_19] : memref<50176x32xf32, #tpu.memory_space<hbm>> -> memref<3136x32xf32, #tpu.memory_space<hbm>>
      tpu.enqueue_dma source(%dma_start3A_20 : memref<3136x32xf32, #tpu.memory_space<hbm>>) target(%dma_start3A_18 : memref<3136x32xf32, #tpu.memory_space<vmem_shared>>) target_semaphore(%run_scoped3A : memref<!tpu.dma_semaphore, #tpu.memory_space<semaphore_mem>>)
      %dma_wait3A = arith.constant 0 : i32
      %dma_wait3A_21 = tpu.memref_slice %arg7[%mul3A_4, %dma_wait3A] : memref<50176x32xf32, #tpu.memory_space<vmem_shared>> -> memref<3136x32xf32, #tpu.memory_space<vmem_shared>>
      %dma_wait3A_22 = arith.constant 0 : i32
      %dma_wait3A_23 = tpu.memref_slice %arg4[%mul3A_4, %dma_wait3A_22] : memref<50176x32xf32, #tpu.memory_space<hbm>> -> memref<3136x32xf32, #tpu.memory_space<hbm>>
      tpu.wait_dma2 semaphore(%run_scoped3A : memref<!tpu.dma_semaphore, #tpu.memory_space<semaphore_mem>>) src(%dma_wait3A_23 : memref<3136x32xf32, #tpu.memory_space<hbm>>) dst(%dma_wait3A_21 : memref<3136x32xf32, #tpu.memory_space<vmem_shared>>)
      tpu.yield
    }) : () -> ()
    %barrier3A = arith.constant 0 : index
    tpu.barrier barrier_id(%barrier3A)
    %scan3A = arith.constant 0 : i32
    %scan3A_5 = arith.constant 0 : i32
    %scan3A_6 = arith.constant 50 : i32
    %scan3A_7 = arith.addi %scan3A_5, %scan3A_6 : i32
    %scan3A_8 = arith.constant 1 : i32
    scf.for %scan3A_18 = %scan3A_5 to %scan3A_7 step %scan3A_8  : i32 {
      %mul3A_19 = arith.constant 512 : i32
      %mul3A_20 = arith.muli %scan3A_18, %mul3A_19 : i32
      %add3A_21 = arith.addi %mul3A_2, %mul3A_20 : i32
      "tpu.region"() ({
        %run_scoped3A = tpu.sem_alloc : memref<!tpu.dma_semaphore, #tpu.memory_space<semaphore_mem>>
        %dma_start3A = arith.constant 0 : i32
        %dma_start3A_28 = tpu.memref_slice %arg2[%add3A_21, %dma_start3A] : memref<819200x32xf32, #tpu.memory_space<hbm>> -> memref<512x32xf32, #tpu.memory_space<hbm>>
        %dma_start3A_29 = arith.constant 0 : i32
        %dma_start3A_30 = tpu.memref_slice %arg2[%add3A_21, %dma_start3A_29] : memref<819200x32xf32, #tpu.memory_space<hbm>> -> memref<512x32xf32, #tpu.memory_space<hbm>>
        tpu.enqueue_dma source(%dma_start3A_30 : memref<512x32xf32, #tpu.memory_space<hbm>>) target(%arg9 : memref<512x32xf32, #tpu.memory_space<vmem>>) target_semaphore(%run_scoped3A : memref<!tpu.dma_semaphore, #tpu.memory_space<semaphore_mem>>)
        %dma_wait3A = arith.constant 0 : i32
        %dma_wait3A_31 = tpu.memref_slice %arg2[%add3A_21, %dma_wait3A] : memref<819200x32xf32, #tpu.memory_space<hbm>> -> memref<512x32xf32, #tpu.memory_space<hbm>>
        %dma_wait3A_32 = arith.constant 0 : i32
        %dma_wait3A_33 = tpu.memref_slice %arg2[%add3A_21, %dma_wait3A_32] : memref<819200x32xf32, #tpu.memory_space<hbm>> -> memref<512x32xf32, #tpu.memory_space<hbm>>
        tpu.wait_dma2 semaphore(%run_scoped3A : memref<!tpu.dma_semaphore, #tpu.memory_space<semaphore_mem>>) src(%dma_wait3A_33 : memref<512x32xf32, #tpu.memory_space<hbm>>) dst(%arg9 : memref<512x32xf32, #tpu.memory_space<vmem>>)
        tpu.yield
      }) : () -> ()
      %scan3A_22 = arith.constant 0 : i32
      %scan3A_23 = arith.constant 0 : i32
      %scan3A_24 = arith.constant 4 : i32
      %scan3A_25 = arith.addi %scan3A_23, %scan3A_24 : i32
      %scan3A_26 = arith.constant 1 : i32
      scf.for %scan3A_28 = %scan3A_23 to %scan3A_25 step %scan3A_26  : i32 {
        %mul3A_29 = arith.constant 4 : i32
        %mul3A_30 = arith.muli %scan3A_18, %mul3A_29 : i32
        %add3A_31 = arith.addi %mul3A_30, %scan3A_28 : i32
        "tpu.region"() ({
          %run_scoped3A = tpu.sem_alloc : memref<!tpu.dma_semaphore, #tpu.memory_space<semaphore_mem>>
          %dma_start3A = arith.constant 0 : i32
          %dma_start3A_34 = tpu.memref_slice %arg3[%add3A, %add3A_31, %dma_start3A] : memref<32x200x128xi32, #tpu.memory_space<hbm>> -> memref<1x1x128xi32, #tpu.memory_space<hbm>>
          %dma_start3A_35 = tpu.memref_squeeze %dma_start3A_34 : memref<1x1x128xi32, #tpu.memory_space<hbm>> -> memref<128xi32, #tpu.memory_space<hbm>>
          %dma_start3A_36 = arith.constant 0 : i32
          %dma_start3A_37 = tpu.memref_slice %arg3[%add3A, %add3A_31, %dma_start3A_36] : memref<32x200x128xi32, #tpu.memory_space<hbm>> -> memref<1x1x128xi32, #tpu.memory_space<hbm>>
          %dma_start3A_38 = tpu.memref_squeeze %dma_start3A_37 : memref<1x1x128xi32, #tpu.memory_space<hbm>> -> memref<128xi32, #tpu.memory_space<hbm>>
          tpu.enqueue_dma source(%dma_start3A_38 : memref<128xi32, #tpu.memory_space<hbm>>) target(%arg8 : memref<128xi32, #tpu.memory_space<vmem>>) target_semaphore(%run_scoped3A : memref<!tpu.dma_semaphore, #tpu.memory_space<semaphore_mem>>)
          %dma_wait3A = arith.constant 0 : i32
          %dma_wait3A_39 = tpu.memref_slice %arg3[%add3A, %add3A_31, %dma_wait3A] : memref<32x200x128xi32, #tpu.memory_space<hbm>> -> memref<1x1x128xi32, #tpu.memory_space<hbm>>
          %dma_wait3A_40 = tpu.memref_squeeze %dma_wait3A_39 : memref<1x1x128xi32, #tpu.memory_space<hbm>> -> memref<128xi32, #tpu.memory_space<hbm>>
          %dma_wait3A_41 = arith.constant 0 : i32
          %dma_wait3A_42 = tpu.memref_slice %arg3[%add3A, %add3A_31, %dma_wait3A_41] : memref<32x200x128xi32, #tpu.memory_space<hbm>> -> memref<1x1x128xi32, #tpu.memory_space<hbm>>
          %dma_wait3A_43 = tpu.memref_squeeze %dma_wait3A_42 : memref<1x1x128xi32, #tpu.memory_space<hbm>> -> memref<128xi32, #tpu.memory_space<hbm>>
          tpu.wait_dma2 semaphore(%run_scoped3A : memref<!tpu.dma_semaphore, #tpu.memory_space<semaphore_mem>>) src(%dma_wait3A_43 : memref<128xi32, #tpu.memory_space<hbm>>) dst(%arg8 : memref<128xi32, #tpu.memory_space<vmem>>)
          tpu.yield
        }) : () -> ()
        %mul3A_32 = arith.constant 128 : i32
        %mul3A_33 = arith.muli %scan3A_28, %mul3A_32 : i32
        "tpu.region"() ({
          %run_scoped3A = tpu.sem_alloc : memref<!tpu.dma_semaphore, #tpu.memory_space<semaphore_mem>>
          %dma_start3A = arith.constant 0 : i32
          %dma_start3A_34 = tpu.memref_slice %arg9[%mul3A_33, %dma_start3A] : memref<512x32xf32, #tpu.memory_space<vmem>> -> memref<128x32xf32, #tpu.memory_space<vmem>>
          %dma_start3A_35 = arith.constant 0 : i32
          %dma_start3A_36 = arith.constant 0 : i32
          %dma_start3A_37 = tpu.memref_slice %arg7[%dma_start3A_35, %dma_start3A_36] : memref<50176x32xf32, #tpu.memory_space<vmem_shared>> -> memref<50176x32xf32, #tpu.memory_space<vmem_shared>>
          tpu.enqueue_indirect_dma source(%dma_start3A_34 : memref<128x32xf32, #tpu.memory_space<vmem>>) target(%dma_start3A_37 : memref<50176x32xf32, #tpu.memory_space<vmem_shared>>) offsets(%arg8 : memref<128xi32, #tpu.memory_space<vmem>>) semaphore(%run_scoped3A : memref<!tpu.dma_semaphore, #tpu.memory_space<semaphore_mem>>) {add = true}
          %dma_wait3A = arith.constant 0 : i32
          %dma_wait3A_38 = tpu.memref_slice %arg9[%mul3A_33, %dma_wait3A] : memref<512x32xf32, #tpu.memory_space<vmem>> -> memref<128x32xf32, #tpu.memory_space<vmem>>
          %dma_wait3A_39 = arith.constant 0 : i32
          %dma_wait3A_40 = arith.constant 0 : i32
          %dma_wait3A_41 = tpu.memref_slice %arg7[%dma_wait3A_39, %dma_wait3A_40] : memref<50176x32xf32, #tpu.memory_space<vmem_shared>> -> memref<50176x32xf32, #tpu.memory_space<vmem_shared>>
          tpu.wait_indirect_dma semaphore(%run_scoped3A : memref<!tpu.dma_semaphore, #tpu.memory_space<semaphore_mem>>) src(%dma_wait3A_38 : memref<128x32xf32, #tpu.memory_space<vmem>>) dst(%dma_wait3A_41 : memref<50176x32xf32, #tpu.memory_space<vmem_shared>>)
          tpu.yield
        }) : () -> ()
      }
      %scan3A_27 = arith.constant 4 : i32
    }
    %scan3A_9 = arith.constant 50 : i32
    %barrier3A_10 = arith.constant 0 : index
    tpu.barrier barrier_id(%barrier3A_10)
    %eq3A = arith.constant 0 : i32
    %eq3A_11 = arith.cmpi eq, %arg0, %eq3A : i32
    %convert_element_type3A = arith.extui %eq3A_11 : i1 to i32
    %cond3A = arith.constant 0 : i32
    %cond3A_12 = arith.cmpi ne, %convert_element_type3A, %cond3A : i32
    scf.if %cond3A_12 {
      "tpu.region"() ({
        %run_scoped3A = tpu.sem_alloc : memref<!tpu.dma_semaphore, #tpu.memory_space<semaphore_mem>>
        %dma_start3A = arith.constant 0 : i32
        %dma_start3A_18 = tpu.memref_slice %arg5[%mul3A_4, %dma_start3A] : memref<50176x32xf32, #tpu.memory_space<hbm>> -> memref<3136x32xf32, #tpu.memory_space<hbm>>
        %dma_start3A_19 = arith.constant 0 : i32
        %dma_start3A_20 = tpu.memref_slice %arg7[%mul3A_4, %dma_start3A_19] : memref<50176x32xf32, #tpu.memory_space<vmem_shared>> -> memref<3136x32xf32, #tpu.memory_space<vmem_shared>>
        tpu.enqueue_dma source(%dma_start3A_20 : memref<3136x32xf32, #tpu.memory_space<vmem_shared>>) target(%dma_start3A_18 : memref<3136x32xf32, #tpu.memory_space<hbm>>) target_semaphore(%run_scoped3A : memref<!tpu.dma_semaphore, #tpu.memory_space<semaphore_mem>>)
        %dma_wait3A = arith.constant 0 : i32
        %dma_wait3A_21 = tpu.memref_slice %arg5[%mul3A_4, %dma_wait3A] : memref<50176x32xf32, #tpu.memory_space<hbm>> -> memref<3136x32xf32, #tpu.memory_space<hbm>>
        %dma_wait3A_22 = arith.constant 0 : i32
        %dma_wait3A_23 = tpu.memref_slice %arg7[%mul3A_4, %dma_wait3A_22] : memref<50176x32xf32, #tpu.memory_space<vmem_shared>> -> memref<3136x32xf32, #tpu.memory_space<vmem_shared>>
        tpu.wait_dma2 semaphore(%run_scoped3A : memref<!tpu.dma_semaphore, #tpu.memory_space<semaphore_mem>>) src(%dma_wait3A_23 : memref<3136x32xf32, #tpu.memory_space<vmem_shared>>) dst(%dma_wait3A_21 : memref<3136x32xf32, #tpu.memory_space<hbm>>)
        tpu.yield
      }) : () -> ()
    } else {
    }
    %eq3A_13 = arith.constant 1 : i32
    %eq3A_14 = arith.cmpi eq, %arg0, %eq3A_13 : i32
    %convert_element_type3A_15 = arith.extui %eq3A_14 : i1 to i32
    %cond3A_16 = arith.constant 0 : i32
    %cond3A_17 = arith.cmpi ne, %convert_element_type3A_15, %cond3A_16 : i32
    scf.if %cond3A_17 {
      "tpu.region"() ({
        %run_scoped3A = tpu.sem_alloc : memref<!tpu.dma_semaphore, #tpu.memory_space<semaphore_mem>>
        %dma_start3A = arith.constant 0 : i32
        %dma_start3A_18 = tpu.memref_slice %arg6[%mul3A_4, %dma_start3A] : memref<50176x32xf32, #tpu.memory_space<hbm>> -> memref<3136x32xf32, #tpu.memory_space<hbm>>
        %dma_start3A_19 = arith.constant 0 : i32
        %dma_start3A_20 = tpu.memref_slice %arg7[%mul3A_4, %dma_start3A_19] : memref<50176x32xf32, #tpu.memory_space<vmem_shared>> -> memref<3136x32xf32, #tpu.memory_space<vmem_shared>>
        tpu.enqueue_dma source(%dma_start3A_20 : memref<3136x32xf32, #tpu.memory_space<vmem_shared>>) target(%dma_start3A_18 : memref<3136x32xf32, #tpu.memory_space<hbm>>) target_semaphore(%run_scoped3A : memref<!tpu.dma_semaphore, #tpu.memory_space<semaphore_mem>>)
        %dma_wait3A = arith.constant 0 : i32
        %dma_wait3A_21 = tpu.memref_slice %arg6[%mul3A_4, %dma_wait3A] : memref<50176x32xf32, #tpu.memory_space<hbm>> -> memref<3136x32xf32, #tpu.memory_space<hbm>>
        %dma_wait3A_22 = arith.constant 0 : i32
        %dma_wait3A_23 = tpu.memref_slice %arg7[%mul3A_4, %dma_wait3A_22] : memref<50176x32xf32, #tpu.memory_space<vmem_shared>> -> memref<3136x32xf32, #tpu.memory_space<vmem_shared>>
        tpu.wait_dma2 semaphore(%run_scoped3A : memref<!tpu.dma_semaphore, #tpu.memory_space<semaphore_mem>>) src(%dma_wait3A_23 : memref<3136x32xf32, #tpu.memory_space<vmem_shared>>) dst(%dma_wait3A_21 : memref<3136x32xf32, #tpu.memory_space<hbm>>)
        tpu.yield
      }) : () -> ()
    } else {
    }
    return
  }
}

#map = affine_map<(d0, d1) -> (0, 0)>
#map1 = affine_map<(d0, d1) -> (0)>
module attributes {stable_mosaic.version = 14 : i64} {
  func.func @_gather_body(%arg0: i32, %arg1: i32, %arg2: memref<50176x16xi32, #tpu.memory_space<hbm>>, %arg3: memref<50176x16xi32, #tpu.memory_space<hbm>>, %arg4: memref<819200xi32, #tpu.memory_space<hbm>>, %arg5: memref<819200xi32, #tpu.memory_space<hbm>>, %arg6: memref<819200x16xi32, #tpu.memory_space<hbm>>, %arg7: memref<819200x16xi32, #tpu.memory_space<hbm>>, %arg8: memref<25600xi32, #tpu.memory_space<vmem>>, %arg9: memref<25600xi32, #tpu.memory_space<vmem>>, %arg10: memref<2x512x16xi32, #tpu.memory_space<vmem>>, %arg11: memref<2x512x16xi32, #tpu.memory_space<vmem>>, %arg12: memref<!tpu.dma_semaphore, #tpu.memory_space<semaphore_mem>>, %arg13: memref<!tpu.dma_semaphore, #tpu.memory_space<semaphore_mem>>, %arg14: memref<!tpu.dma_semaphore, #tpu.memory_space<semaphore_mem>>, %arg15: memref<!tpu.dma_semaphore, #tpu.memory_space<semaphore_mem>>) attributes {dimension_semantics = [#tpu.dimension_semantics<core_parallel>, #tpu.dimension_semantics<subcore_parallel>], iteration_bounds = array<i64: 2, 16>, scalar_prefetch = 0 : i64, scratch_operands = 8 : i64, tpu.core_type = #tpu.core_type<sc_vector_subcore>, window_params = [{transform_indices = #map}, {transform_indices = #map}, {transform_indices = #map1}, {transform_indices = #map1}, {transform_indices = #map}, {transform_indices = #map}]} {
    %mul3A = arith.constant 2 : i32
    %mul3A_0 = arith.muli %arg1, %mul3A : i32
    %add3A = arith.addi %mul3A_0, %arg0 : i32
    %mul3A_1 = arith.constant 25600 : i32
    %mul3A_2 = arith.muli %add3A, %mul3A_1 : i32
    "tpu.region"() ({
      %run_scoped3A = tpu.sem_alloc : memref<!tpu.dma_semaphore, #tpu.memory_space<semaphore_mem>>
      %dma_start3A_86 = tpu.memref_slice %arg4[%mul3A_2] : memref<819200xi32, #tpu.memory_space<hbm>> -> memref<25600xi32, #tpu.memory_space<hbm>>
      %dma_start3A_87 = tpu.memref_slice %arg4[%mul3A_2] : memref<819200xi32, #tpu.memory_space<hbm>> -> memref<25600xi32, #tpu.memory_space<hbm>>
      tpu.enqueue_dma source(%dma_start3A_87 : memref<25600xi32, #tpu.memory_space<hbm>>) target(%arg8 : memref<25600xi32, #tpu.memory_space<vmem>>) target_semaphore(%run_scoped3A : memref<!tpu.dma_semaphore, #tpu.memory_space<semaphore_mem>>)
      %dma_wait3A_88 = tpu.memref_slice %arg4[%mul3A_2] : memref<819200xi32, #tpu.memory_space<hbm>> -> memref<25600xi32, #tpu.memory_space<hbm>>
      %dma_wait3A_89 = tpu.memref_slice %arg4[%mul3A_2] : memref<819200xi32, #tpu.memory_space<hbm>> -> memref<25600xi32, #tpu.memory_space<hbm>>
      tpu.wait_dma2 semaphore(%run_scoped3A : memref<!tpu.dma_semaphore, #tpu.memory_space<semaphore_mem>>) src(%dma_wait3A_89 : memref<25600xi32, #tpu.memory_space<hbm>>) dst(%arg8 : memref<25600xi32, #tpu.memory_space<vmem>>)
      tpu.yield
    }) : () -> ()
    "tpu.region"() ({
      %run_scoped3A = tpu.sem_alloc : memref<!tpu.dma_semaphore, #tpu.memory_space<semaphore_mem>>
      %dma_start3A_86 = tpu.memref_slice %arg5[%mul3A_2] : memref<819200xi32, #tpu.memory_space<hbm>> -> memref<25600xi32, #tpu.memory_space<hbm>>
      %dma_start3A_87 = tpu.memref_slice %arg5[%mul3A_2] : memref<819200xi32, #tpu.memory_space<hbm>> -> memref<25600xi32, #tpu.memory_space<hbm>>
      tpu.enqueue_dma source(%dma_start3A_87 : memref<25600xi32, #tpu.memory_space<hbm>>) target(%arg9 : memref<25600xi32, #tpu.memory_space<vmem>>) target_semaphore(%run_scoped3A : memref<!tpu.dma_semaphore, #tpu.memory_space<semaphore_mem>>)
      %dma_wait3A_88 = tpu.memref_slice %arg5[%mul3A_2] : memref<819200xi32, #tpu.memory_space<hbm>> -> memref<25600xi32, #tpu.memory_space<hbm>>
      %dma_wait3A_89 = tpu.memref_slice %arg5[%mul3A_2] : memref<819200xi32, #tpu.memory_space<hbm>> -> memref<25600xi32, #tpu.memory_space<hbm>>
      tpu.wait_dma2 semaphore(%run_scoped3A : memref<!tpu.dma_semaphore, #tpu.memory_space<semaphore_mem>>) src(%dma_wait3A_89 : memref<25600xi32, #tpu.memory_space<hbm>>) dst(%arg9 : memref<25600xi32, #tpu.memory_space<vmem>>)
      tpu.yield
    }) : () -> ()
    %dma_start3A = arith.constant 0 : i32
    %dma_start3A_3 = arith.constant 0 : i32
    %dma_start3A_4 = arith.constant 0 : i32
    %dma_start3A_5 = tpu.memref_slice %arg10[%dma_start3A, %dma_start3A_3, %dma_start3A_4] : memref<2x512x16xi32, #tpu.memory_space<vmem>> -> memref<1x512x16xi32, #tpu.memory_space<vmem>>
    %dma_start3A_6 = tpu.memref_squeeze %dma_start3A_5 : memref<1x512x16xi32, #tpu.memory_space<vmem>> -> memref<512x16xi32, #tpu.memory_space<vmem>>
    %dma_start3A_7 = arith.constant 0 : i32
    %dma_start3A_8 = tpu.memref_slice %arg8[%dma_start3A_7] : memref<25600xi32, #tpu.memory_space<vmem>> -> memref<512xi32, #tpu.memory_space<vmem>>
    %dma_start3A_9 = arith.constant 0 : i32
    %dma_start3A_10 = arith.constant 0 : i32
    %dma_start3A_11 = tpu.memref_slice %arg2[%dma_start3A_9, %dma_start3A_10] : memref<50176x16xi32, #tpu.memory_space<hbm>> -> memref<50176x16xi32, #tpu.memory_space<hbm>>
    tpu.enqueue_indirect_dma source(%dma_start3A_11 : memref<50176x16xi32, #tpu.memory_space<hbm>>) target(%dma_start3A_6 : memref<512x16xi32, #tpu.memory_space<vmem>>) offsets(%dma_start3A_8 : memref<512xi32, #tpu.memory_space<vmem>>) semaphore(%arg12 : memref<!tpu.dma_semaphore, #tpu.memory_space<semaphore_mem>>)
    %dma_start3A_12 = arith.constant 0 : i32
    %dma_start3A_13 = arith.constant 0 : i32
    %dma_start3A_14 = arith.constant 0 : i32
    %dma_start3A_15 = tpu.memref_slice %arg11[%dma_start3A_12, %dma_start3A_13, %dma_start3A_14] : memref<2x512x16xi32, #tpu.memory_space<vmem>> -> memref<1x512x16xi32, #tpu.memory_space<vmem>>
    %dma_start3A_16 = tpu.memref_squeeze %dma_start3A_15 : memref<1x512x16xi32, #tpu.memory_space<vmem>> -> memref<512x16xi32, #tpu.memory_space<vmem>>
    %dma_start3A_17 = arith.constant 0 : i32
    %dma_start3A_18 = tpu.memref_slice %arg9[%dma_start3A_17] : memref<25600xi32, #tpu.memory_space<vmem>> -> memref<512xi32, #tpu.memory_space<vmem>>
    %dma_start3A_19 = arith.constant 0 : i32
    %dma_start3A_20 = arith.constant 0 : i32
    %dma_start3A_21 = tpu.memref_slice %arg3[%dma_start3A_19, %dma_start3A_20] : memref<50176x16xi32, #tpu.memory_space<hbm>> -> memref<50176x16xi32, #tpu.memory_space<hbm>>
    tpu.enqueue_indirect_dma source(%dma_start3A_21 : memref<50176x16xi32, #tpu.memory_space<hbm>>) target(%dma_start3A_16 : memref<512x16xi32, #tpu.memory_space<vmem>>) offsets(%dma_start3A_18 : memref<512xi32, #tpu.memory_space<vmem>>) semaphore(%arg12 : memref<!tpu.dma_semaphore, #tpu.memory_space<semaphore_mem>>)
    %scan3A = arith.constant 0 : i32
    %scan3A_22 = arith.constant 0 : i32
    %scan3A_23 = arith.constant 25 : i32
    %scan3A_24 = arith.addi %scan3A_22, %scan3A_23 : i32
    %scan3A_25 = arith.constant 1 : i32
    scf.for %scan3A_86 = %scan3A_22 to %scan3A_24 step %scan3A_25  : i32 {
      %mul3A_87 = arith.constant 2 : i32
      %mul3A_88 = arith.muli %scan3A_86, %mul3A_87 : i32
      %add3A_89 = arith.constant 0 : i32
      %add3A_90 = arith.addi %mul3A_88, %add3A_89 : i32
      %mul3A_91 = arith.constant 512 : i32
      %mul3A_92 = arith.muli %add3A_90, %mul3A_91 : i32
      %dma_wait3A_93 = arith.constant 0 : i32
      %dma_wait3A_94 = arith.constant 0 : i32
      %dma_wait3A_95 = arith.constant 0 : i32
      %dma_wait3A_96 = tpu.memref_slice %arg10[%dma_wait3A_93, %dma_wait3A_94, %dma_wait3A_95] : memref<2x512x16xi32, #tpu.memory_space<vmem>> -> memref<1x512x16xi32, #tpu.memory_space<vmem>>
      %dma_wait3A_97 = tpu.memref_squeeze %dma_wait3A_96 : memref<1x512x16xi32, #tpu.memory_space<vmem>> -> memref<512x16xi32, #tpu.memory_space<vmem>>
      %dma_wait3A_98 = tpu.memref_slice %arg8[%mul3A_92] : memref<25600xi32, #tpu.memory_space<vmem>> -> memref<512xi32, #tpu.memory_space<vmem>>
      %dma_wait3A_99 = arith.constant 0 : i32
      %dma_wait3A_100 = arith.constant 0 : i32
      %dma_wait3A_101 = tpu.memref_slice %arg2[%dma_wait3A_99, %dma_wait3A_100] : memref<50176x16xi32, #tpu.memory_space<hbm>> -> memref<50176x16xi32, #tpu.memory_space<hbm>>
      tpu.wait_indirect_dma semaphore(%arg12 : memref<!tpu.dma_semaphore, #tpu.memory_space<semaphore_mem>>) src(%dma_wait3A_101 : memref<50176x16xi32, #tpu.memory_space<hbm>>) dst(%dma_wait3A_97 : memref<512x16xi32, #tpu.memory_space<vmem>>)
      %mul3A_102 = arith.constant 512 : i32
      %mul3A_103 = arith.muli %add3A_90, %mul3A_102 : i32
      %dma_wait3A_104 = arith.constant 0 : i32
      %dma_wait3A_105 = arith.constant 0 : i32
      %dma_wait3A_106 = arith.constant 0 : i32
      %dma_wait3A_107 = tpu.memref_slice %arg11[%dma_wait3A_104, %dma_wait3A_105, %dma_wait3A_106] : memref<2x512x16xi32, #tpu.memory_space<vmem>> -> memref<1x512x16xi32, #tpu.memory_space<vmem>>
      %dma_wait3A_108 = tpu.memref_squeeze %dma_wait3A_107 : memref<1x512x16xi32, #tpu.memory_space<vmem>> -> memref<512x16xi32, #tpu.memory_space<vmem>>
      %dma_wait3A_109 = tpu.memref_slice %arg9[%mul3A_103] : memref<25600xi32, #tpu.memory_space<vmem>> -> memref<512xi32, #tpu.memory_space<vmem>>
      %dma_wait3A_110 = arith.constant 0 : i32
      %dma_wait3A_111 = arith.constant 0 : i32
      %dma_wait3A_112 = tpu.memref_slice %arg3[%dma_wait3A_110, %dma_wait3A_111] : memref<50176x16xi32, #tpu.memory_space<hbm>> -> memref<50176x16xi32, #tpu.memory_space<hbm>>
      tpu.wait_indirect_dma semaphore(%arg12 : memref<!tpu.dma_semaphore, #tpu.memory_space<semaphore_mem>>) src(%dma_wait3A_112 : memref<50176x16xi32, #tpu.memory_space<hbm>>) dst(%dma_wait3A_108 : memref<512x16xi32, #tpu.memory_space<vmem>>)
      %mul3A_113 = arith.constant 512 : i32
      %mul3A_114 = arith.muli %add3A_90, %mul3A_113 : i32
      %add3A_115 = arith.addi %mul3A_2, %mul3A_114 : i32
      %dma_start3A_116 = arith.constant 0 : i32
      %dma_start3A_117 = arith.constant 0 : i32
      %dma_start3A_118 = arith.constant 0 : i32
      %dma_start3A_119 = tpu.memref_slice %arg10[%dma_start3A_116, %dma_start3A_117, %dma_start3A_118] : memref<2x512x16xi32, #tpu.memory_space<vmem>> -> memref<1x512x16xi32, #tpu.memory_space<vmem>>
      %dma_start3A_120 = tpu.memref_squeeze %dma_start3A_119 : memref<1x512x16xi32, #tpu.memory_space<vmem>> -> memref<512x16xi32, #tpu.memory_space<vmem>>
      %dma_start3A_121 = arith.constant 0 : i32
      %dma_start3A_122 = tpu.memref_slice %arg6[%add3A_115, %dma_start3A_121] : memref<819200x16xi32, #tpu.memory_space<hbm>> -> memref<512x16xi32, #tpu.memory_space<hbm>>
      %dma_start3A_123 = arith.constant 0 : i32
      %dma_start3A_124 = tpu.memref_slice %arg6[%add3A_115, %dma_start3A_123] : memref<819200x16xi32, #tpu.memory_space<hbm>> -> memref<512x16xi32, #tpu.memory_space<hbm>>
      %dma_start3A_125 = arith.constant 0 : i32
      %dma_start3A_126 = arith.constant 0 : i32
      %dma_start3A_127 = tpu.memref_slice %arg10[%dma_start3A_116, %dma_start3A_125, %dma_start3A_126] : memref<2x512x16xi32, #tpu.memory_space<vmem>> -> memref<1x512x16xi32, #tpu.memory_space<vmem>>
      %dma_start3A_128 = tpu.memref_squeeze %dma_start3A_127 : memref<1x512x16xi32, #tpu.memory_space<vmem>> -> memref<512x16xi32, #tpu.memory_space<vmem>>
      tpu.enqueue_dma source(%dma_start3A_128 : memref<512x16xi32, #tpu.memory_space<vmem>>) target(%dma_start3A_124 : memref<512x16xi32, #tpu.memory_space<hbm>>) target_semaphore(%arg14 : memref<!tpu.dma_semaphore, #tpu.memory_space<semaphore_mem>>)
      %mul3A_129 = arith.constant 512 : i32
      %mul3A_130 = arith.muli %add3A_90, %mul3A_129 : i32
      %add3A_131 = arith.addi %mul3A_2, %mul3A_130 : i32
      %dma_start3A_132 = arith.constant 0 : i32
      %dma_start3A_133 = arith.constant 0 : i32
      %dma_start3A_134 = arith.constant 0 : i32
      %dma_start3A_135 = tpu.memref_slice %arg11[%dma_start3A_132, %dma_start3A_133, %dma_start3A_134] : memref<2x512x16xi32, #tpu.memory_space<vmem>> -> memref<1x512x16xi32, #tpu.memory_space<vmem>>
      %dma_start3A_136 = tpu.memref_squeeze %dma_start3A_135 : memref<1x512x16xi32, #tpu.memory_space<vmem>> -> memref<512x16xi32, #tpu.memory_space<vmem>>
      %dma_start3A_137 = arith.constant 0 : i32
      %dma_start3A_138 = tpu.memref_slice %arg7[%add3A_131, %dma_start3A_137] : memref<819200x16xi32, #tpu.memory_space<hbm>> -> memref<512x16xi32, #tpu.memory_space<hbm>>
      %dma_start3A_139 = arith.constant 0 : i32
      %dma_start3A_140 = tpu.memref_slice %arg7[%add3A_131, %dma_start3A_139] : memref<819200x16xi32, #tpu.memory_space<hbm>> -> memref<512x16xi32, #tpu.memory_space<hbm>>
      %dma_start3A_141 = arith.constant 0 : i32
      %dma_start3A_142 = arith.constant 0 : i32
      %dma_start3A_143 = tpu.memref_slice %arg11[%dma_start3A_132, %dma_start3A_141, %dma_start3A_142] : memref<2x512x16xi32, #tpu.memory_space<vmem>> -> memref<1x512x16xi32, #tpu.memory_space<vmem>>
      %dma_start3A_144 = tpu.memref_squeeze %dma_start3A_143 : memref<1x512x16xi32, #tpu.memory_space<vmem>> -> memref<512x16xi32, #tpu.memory_space<vmem>>
      tpu.enqueue_dma source(%dma_start3A_144 : memref<512x16xi32, #tpu.memory_space<vmem>>) target(%dma_start3A_140 : memref<512x16xi32, #tpu.memory_space<hbm>>) target_semaphore(%arg14 : memref<!tpu.dma_semaphore, #tpu.memory_space<semaphore_mem>>)
      %add3A_145 = arith.constant 1 : i32
      %add3A_146 = arith.addi %add3A_90, %add3A_145 : i32
      %lt3A = arith.constant 50 : i32
      %lt3A_147 = arith.cmpi slt, %add3A_146, %lt3A : i32
      %convert_element_type3A = arith.extui %lt3A_147 : i1 to i32
      %cond3A = arith.constant 0 : i32
      %cond3A_148 = arith.cmpi ne, %convert_element_type3A, %cond3A : i32
      scf.if %cond3A_148 {
        %ge3A = arith.constant 2 : i32
        %ge3A_214 = arith.cmpi sge, %add3A_146, %ge3A : i32
        %convert_element_type3A_215 = arith.extui %ge3A_214 : i1 to i32
        %cond3A_216 = arith.constant 0 : i32
        %cond3A_217 = arith.cmpi ne, %convert_element_type3A_215, %cond3A_216 : i32
        scf.if %cond3A_217 {
          %sub3A = arith.constant 2 : i32
          %sub3A_240 = arith.subi %add3A_146, %sub3A : i32
          %mul3A_241 = arith.constant 512 : i32
          %mul3A_242 = arith.muli %sub3A_240, %mul3A_241 : i32
          %add3A_243 = arith.addi %mul3A_2, %mul3A_242 : i32
          %dma_wait3A_244 = arith.constant 1 : i32
          %dma_wait3A_245 = arith.constant 0 : i32
          %dma_wait3A_246 = arith.constant 0 : i32
          %dma_wait3A_247 = tpu.memref_slice %arg10[%dma_wait3A_244, %dma_wait3A_245, %dma_wait3A_246] : memref<2x512x16xi32, #tpu.memory_space<vmem>> -> memref<1x512x16xi32, #tpu.memory_space<vmem>>
          %dma_wait3A_248 = tpu.memref_squeeze %dma_wait3A_247 : memref<1x512x16xi32, #tpu.memory_space<vmem>> -> memref<512x16xi32, #tpu.memory_space<vmem>>
          %dma_wait3A_249 = arith.constant 0 : i32
          %dma_wait3A_250 = tpu.memref_slice %arg6[%add3A_243, %dma_wait3A_249] : memref<819200x16xi32, #tpu.memory_space<hbm>> -> memref<512x16xi32, #tpu.memory_space<hbm>>
          %dma_wait3A_251 = arith.constant 0 : i32
          %dma_wait3A_252 = tpu.memref_slice %arg6[%add3A_243, %dma_wait3A_251] : memref<819200x16xi32, #tpu.memory_space<hbm>> -> memref<512x16xi32, #tpu.memory_space<hbm>>
          %dma_wait3A_253 = arith.constant 0 : i32
          %dma_wait3A_254 = arith.constant 0 : i32
          %dma_wait3A_255 = tpu.memref_slice %arg10[%dma_wait3A_244, %dma_wait3A_253, %dma_wait3A_254] : memref<2x512x16xi32, #tpu.memory_space<vmem>> -> memref<1x512x16xi32, #tpu.memory_space<vmem>>
          %dma_wait3A_256 = tpu.memref_squeeze %dma_wait3A_255 : memref<1x512x16xi32, #tpu.memory_space<vmem>> -> memref<512x16xi32, #tpu.memory_space<vmem>>
          tpu.wait_dma2 semaphore(%arg15 : memref<!tpu.dma_semaphore, #tpu.memory_space<semaphore_mem>>) src(%dma_wait3A_256 : memref<512x16xi32, #tpu.memory_space<vmem>>) dst(%dma_wait3A_252 : memref<512x16xi32, #tpu.memory_space<hbm>>)
          %mul3A_257 = arith.constant 512 : i32
          %mul3A_258 = arith.muli %sub3A_240, %mul3A_257 : i32
          %add3A_259 = arith.addi %mul3A_2, %mul3A_258 : i32
          %dma_wait3A_260 = arith.constant 1 : i32
          %dma_wait3A_261 = arith.constant 0 : i32
          %dma_wait3A_262 = arith.constant 0 : i32
          %dma_wait3A_263 = tpu.memref_slice %arg11[%dma_wait3A_260, %dma_wait3A_261, %dma_wait3A_262] : memref<2x512x16xi32, #tpu.memory_space<vmem>> -> memref<1x512x16xi32, #tpu.memory_space<vmem>>
          %dma_wait3A_264 = tpu.memref_squeeze %dma_wait3A_263 : memref<1x512x16xi32, #tpu.memory_space<vmem>> -> memref<512x16xi32, #tpu.memory_space<vmem>>
          %dma_wait3A_265 = arith.constant 0 : i32
          %dma_wait3A_266 = tpu.memref_slice %arg7[%add3A_259, %dma_wait3A_265] : memref<819200x16xi32, #tpu.memory_space<hbm>> -> memref<512x16xi32, #tpu.memory_space<hbm>>
          %dma_wait3A_267 = arith.constant 0 : i32
          %dma_wait3A_268 = tpu.memref_slice %arg7[%add3A_259, %dma_wait3A_267] : memref<819200x16xi32, #tpu.memory_space<hbm>> -> memref<512x16xi32, #tpu.memory_space<hbm>>
          %dma_wait3A_269 = arith.constant 0 : i32
          %dma_wait3A_270 = arith.constant 0 : i32
          %dma_wait3A_271 = tpu.memref_slice %arg11[%dma_wait3A_260, %dma_wait3A_269, %dma_wait3A_270] : memref<2x512x16xi32, #tpu.memory_space<vmem>> -> memref<1x512x16xi32, #tpu.memory_space<vmem>>
          %dma_wait3A_272 = tpu.memref_squeeze %dma_wait3A_271 : memref<1x512x16xi32, #tpu.memory_space<vmem>> -> memref<512x16xi32, #tpu.memory_space<vmem>>
          tpu.wait_dma2 semaphore(%arg15 : memref<!tpu.dma_semaphore, #tpu.memory_space<semaphore_mem>>) src(%dma_wait3A_272 : memref<512x16xi32, #tpu.memory_space<vmem>>) dst(%dma_wait3A_268 : memref<512x16xi32, #tpu.memory_space<hbm>>)
        } else {
        }
        %mul3A_218 = arith.constant 512 : i32
        %mul3A_219 = arith.muli %add3A_146, %mul3A_218 : i32
        %dma_start3A_220 = arith.constant 1 : i32
        %dma_start3A_221 = arith.constant 0 : i32
        %dma_start3A_222 = arith.constant 0 : i32
        %dma_start3A_223 = tpu.memref_slice %arg10[%dma_start3A_220, %dma_start3A_221, %dma_start3A_222] : memref<2x512x16xi32, #tpu.memory_space<vmem>> -> memref<1x512x16xi32, #tpu.memory_space<vmem>>
        %dma_start3A_224 = tpu.memref_squeeze %dma_start3A_223 : memref<1x512x16xi32, #tpu.memory_space<vmem>> -> memref<512x16xi32, #tpu.memory_space<vmem>>
        %dma_start3A_225 = tpu.memref_slice %arg8[%mul3A_219] : memref<25600xi32, #tpu.memory_space<vmem>> -> memref<512xi32, #tpu.memory_space<vmem>>
        %dma_start3A_226 = arith.constant 0 : i32
        %dma_start3A_227 = arith.constant 0 : i32
        %dma_start3A_228 = tpu.memref_slice %arg2[%dma_start3A_226, %dma_start3A_227] : memref<50176x16xi32, #tpu.memory_space<hbm>> -> memref<50176x16xi32, #tpu.memory_space<hbm>>
        tpu.enqueue_indirect_dma source(%dma_start3A_228 : memref<50176x16xi32, #tpu.memory_space<hbm>>) target(%dma_start3A_224 : memref<512x16xi32, #tpu.memory_space<vmem>>) offsets(%dma_start3A_225 : memref<512xi32, #tpu.memory_space<vmem>>) semaphore(%arg13 : memref<!tpu.dma_semaphore, #tpu.memory_space<semaphore_mem>>)
        %mul3A_229 = arith.constant 512 : i32
        %mul3A_230 = arith.muli %add3A_146, %mul3A_229 : i32
        %dma_start3A_231 = arith.constant 1 : i32
        %dma_start3A_232 = arith.constant 0 : i32
        %dma_start3A_233 = arith.constant 0 : i32
        %dma_start3A_234 = tpu.memref_slice %arg11[%dma_start3A_231, %dma_start3A_232, %dma_start3A_233] : memref<2x512x16xi32, #tpu.memory_space<vmem>> -> memref<1x512x16xi32, #tpu.memory_space<vmem>>
        %dma_start3A_235 = tpu.memref_squeeze %dma_start3A_234 : memref<1x512x16xi32, #tpu.memory_space<vmem>> -> memref<512x16xi32, #tpu.memory_space<vmem>>
        %dma_start3A_236 = tpu.memref_slice %arg9[%mul3A_230] : memref<25600xi32, #tpu.memory_space<vmem>> -> memref<512xi32, #tpu.memory_space<vmem>>
        %dma_start3A_237 = arith.constant 0 : i32
        %dma_start3A_238 = arith.constant 0 : i32
        %dma_start3A_239 = tpu.memref_slice %arg3[%dma_start3A_237, %dma_start3A_238] : memref<50176x16xi32, #tpu.memory_space<hbm>> -> memref<50176x16xi32, #tpu.memory_space<hbm>>
        tpu.enqueue_indirect_dma source(%dma_start3A_239 : memref<50176x16xi32, #tpu.memory_space<hbm>>) target(%dma_start3A_235 : memref<512x16xi32, #tpu.memory_space<vmem>>) offsets(%dma_start3A_236 : memref<512xi32, #tpu.memory_space<vmem>>) semaphore(%arg13 : memref<!tpu.dma_semaphore, #tpu.memory_space<semaphore_mem>>)
      } else {
      }
      %mul3A_149 = arith.constant 2 : i32
      %mul3A_150 = arith.muli %scan3A_86, %mul3A_149 : i32
      %add3A_151 = arith.constant 1 : i32
      %add3A_152 = arith.addi %mul3A_150, %add3A_151 : i32
      %mul3A_153 = arith.constant 512 : i32
      %mul3A_154 = arith.muli %add3A_152, %mul3A_153 : i32
      %dma_wait3A_155 = arith.constant 1 : i32
      %dma_wait3A_156 = arith.constant 0 : i32
      %dma_wait3A_157 = arith.constant 0 : i32
      %dma_wait3A_158 = tpu.memref_slice %arg10[%dma_wait3A_155, %dma_wait3A_156, %dma_wait3A_157] : memref<2x512x16xi32, #tpu.memory_space<vmem>> -> memref<1x512x16xi32, #tpu.memory_space<vmem>>
      %dma_wait3A_159 = tpu.memref_squeeze %dma_wait3A_158 : memref<1x512x16xi32, #tpu.memory_space<vmem>> -> memref<512x16xi32, #tpu.memory_space<vmem>>
      %dma_wait3A_160 = tpu.memref_slice %arg8[%mul3A_154] : memref<25600xi32, #tpu.memory_space<vmem>> -> memref<512xi32, #tpu.memory_space<vmem>>
      %dma_wait3A_161 = arith.constant 0 : i32
      %dma_wait3A_162 = arith.constant 0 : i32
      %dma_wait3A_163 = tpu.memref_slice %arg2[%dma_wait3A_161, %dma_wait3A_162] : memref<50176x16xi32, #tpu.memory_space<hbm>> -> memref<50176x16xi32, #tpu.memory_space<hbm>>
      tpu.wait_indirect_dma semaphore(%arg13 : memref<!tpu.dma_semaphore, #tpu.memory_space<semaphore_mem>>) src(%dma_wait3A_163 : memref<50176x16xi32, #tpu.memory_space<hbm>>) dst(%dma_wait3A_159 : memref<512x16xi32, #tpu.memory_space<vmem>>)
      %mul3A_164 = arith.constant 512 : i32
      %mul3A_165 = arith.muli %add3A_152, %mul3A_164 : i32
      %dma_wait3A_166 = arith.constant 1 : i32
      %dma_wait3A_167 = arith.constant 0 : i32
      %dma_wait3A_168 = arith.constant 0 : i32
      %dma_wait3A_169 = tpu.memref_slice %arg11[%dma_wait3A_166, %dma_wait3A_167, %dma_wait3A_168] : memref<2x512x16xi32, #tpu.memory_space<vmem>> -> memref<1x512x16xi32, #tpu.memory_space<vmem>>
      %dma_wait3A_170 = tpu.memref_squeeze %dma_wait3A_169 : memref<1x512x16xi32, #tpu.memory_space<vmem>> -> memref<512x16xi32, #tpu.memory_space<vmem>>
      %dma_wait3A_171 = tpu.memref_slice %arg9[%mul3A_165] : memref<25600xi32, #tpu.memory_space<vmem>> -> memref<512xi32, #tpu.memory_space<vmem>>
      %dma_wait3A_172 = arith.constant 0 : i32
      %dma_wait3A_173 = arith.constant 0 : i32
      %dma_wait3A_174 = tpu.memref_slice %arg3[%dma_wait3A_172, %dma_wait3A_173] : memref<50176x16xi32, #tpu.memory_space<hbm>> -> memref<50176x16xi32, #tpu.memory_space<hbm>>
      tpu.wait_indirect_dma semaphore(%arg13 : memref<!tpu.dma_semaphore, #tpu.memory_space<semaphore_mem>>) src(%dma_wait3A_174 : memref<50176x16xi32, #tpu.memory_space<hbm>>) dst(%dma_wait3A_170 : memref<512x16xi32, #tpu.memory_space<vmem>>)
      %mul3A_175 = arith.constant 512 : i32
      %mul3A_176 = arith.muli %add3A_152, %mul3A_175 : i32
      %add3A_177 = arith.addi %mul3A_2, %mul3A_176 : i32
      %dma_start3A_178 = arith.constant 1 : i32
      %dma_start3A_179 = arith.constant 0 : i32
      %dma_start3A_180 = arith.constant 0 : i32
      %dma_start3A_181 = tpu.memref_slice %arg10[%dma_start3A_178, %dma_start3A_179, %dma_start3A_180] : memref<2x512x16xi32, #tpu.memory_space<vmem>> -> memref<1x512x16xi32, #tpu.memory_space<vmem>>
      %dma_start3A_182 = tpu.memref_squeeze %dma_start3A_181 : memref<1x512x16xi32, #tpu.memory_space<vmem>> -> memref<512x16xi32, #tpu.memory_space<vmem>>
      %dma_start3A_183 = arith.constant 0 : i32
      %dma_start3A_184 = tpu.memref_slice %arg6[%add3A_177, %dma_start3A_183] : memref<819200x16xi32, #tpu.memory_space<hbm>> -> memref<512x16xi32, #tpu.memory_space<hbm>>
      %dma_start3A_185 = arith.constant 0 : i32
      %dma_start3A_186 = tpu.memref_slice %arg6[%add3A_177, %dma_start3A_185] : memref<819200x16xi32, #tpu.memory_space<hbm>> -> memref<512x16xi32, #tpu.memory_space<hbm>>
      %dma_start3A_187 = arith.constant 0 : i32
      %dma_start3A_188 = arith.constant 0 : i32
      %dma_start3A_189 = tpu.memref_slice %arg10[%dma_start3A_178, %dma_start3A_187, %dma_start3A_188] : memref<2x512x16xi32, #tpu.memory_space<vmem>> -> memref<1x512x16xi32, #tpu.memory_space<vmem>>
      %dma_start3A_190 = tpu.memref_squeeze %dma_start3A_189 : memref<1x512x16xi32, #tpu.memory_space<vmem>> -> memref<512x16xi32, #tpu.memory_space<vmem>>
      tpu.enqueue_dma source(%dma_start3A_190 : memref<512x16xi32, #tpu.memory_space<vmem>>) target(%dma_start3A_186 : memref<512x16xi32, #tpu.memory_space<hbm>>) target_semaphore(%arg15 : memref<!tpu.dma_semaphore, #tpu.memory_space<semaphore_mem>>)
      %mul3A_191 = arith.constant 512 : i32
      %mul3A_192 = arith.muli %add3A_152, %mul3A_191 : i32
      %add3A_193 = arith.addi %mul3A_2, %mul3A_192 : i32
      %dma_start3A_194 = arith.constant 1 : i32
      %dma_start3A_195 = arith.constant 0 : i32
      %dma_start3A_196 = arith.constant 0 : i32
      %dma_start3A_197 = tpu.memref_slice %arg11[%dma_start3A_194, %dma_start3A_195, %dma_start3A_196] : memref<2x512x16xi32, #tpu.memory_space<vmem>> -> memref<1x512x16xi32, #tpu.memory_space<vmem>>
      %dma_start3A_198 = tpu.memref_squeeze %dma_start3A_197 : memref<1x512x16xi32, #tpu.memory_space<vmem>> -> memref<512x16xi32, #tpu.memory_space<vmem>>
      %dma_start3A_199 = arith.constant 0 : i32
      %dma_start3A_200 = tpu.memref_slice %arg7[%add3A_193, %dma_start3A_199] : memref<819200x16xi32, #tpu.memory_space<hbm>> -> memref<512x16xi32, #tpu.memory_space<hbm>>
      %dma_start3A_201 = arith.constant 0 : i32
      %dma_start3A_202 = tpu.memref_slice %arg7[%add3A_193, %dma_start3A_201] : memref<819200x16xi32, #tpu.memory_space<hbm>> -> memref<512x16xi32, #tpu.memory_space<hbm>>
      %dma_start3A_203 = arith.constant 0 : i32
      %dma_start3A_204 = arith.constant 0 : i32
      %dma_start3A_205 = tpu.memref_slice %arg11[%dma_start3A_194, %dma_start3A_203, %dma_start3A_204] : memref<2x512x16xi32, #tpu.memory_space<vmem>> -> memref<1x512x16xi32, #tpu.memory_space<vmem>>
      %dma_start3A_206 = tpu.memref_squeeze %dma_start3A_205 : memref<1x512x16xi32, #tpu.memory_space<vmem>> -> memref<512x16xi32, #tpu.memory_space<vmem>>
      tpu.enqueue_dma source(%dma_start3A_206 : memref<512x16xi32, #tpu.memory_space<vmem>>) target(%dma_start3A_202 : memref<512x16xi32, #tpu.memory_space<hbm>>) target_semaphore(%arg15 : memref<!tpu.dma_semaphore, #tpu.memory_space<semaphore_mem>>)
      %add3A_207 = arith.constant 1 : i32
      %add3A_208 = arith.addi %add3A_152, %add3A_207 : i32
      %lt3A_209 = arith.constant 50 : i32
      %lt3A_210 = arith.cmpi slt, %add3A_208, %lt3A_209 : i32
      %convert_element_type3A_211 = arith.extui %lt3A_210 : i1 to i32
      %cond3A_212 = arith.constant 0 : i32
      %cond3A_213 = arith.cmpi ne, %convert_element_type3A_211, %cond3A_212 : i32
      scf.if %cond3A_213 {
        %ge3A = arith.constant 2 : i32
        %ge3A_214 = arith.cmpi sge, %add3A_208, %ge3A : i32
        %convert_element_type3A_215 = arith.extui %ge3A_214 : i1 to i32
        %cond3A_216 = arith.constant 0 : i32
        %cond3A_217 = arith.cmpi ne, %convert_element_type3A_215, %cond3A_216 : i32
        scf.if %cond3A_217 {
          %sub3A = arith.constant 2 : i32
          %sub3A_240 = arith.subi %add3A_208, %sub3A : i32
          %mul3A_241 = arith.constant 512 : i32
          %mul3A_242 = arith.muli %sub3A_240, %mul3A_241 : i32
          %add3A_243 = arith.addi %mul3A_2, %mul3A_242 : i32
          %dma_wait3A_244 = arith.constant 0 : i32
          %dma_wait3A_245 = arith.constant 0 : i32
          %dma_wait3A_246 = arith.constant 0 : i32
          %dma_wait3A_247 = tpu.memref_slice %arg10[%dma_wait3A_244, %dma_wait3A_245, %dma_wait3A_246] : memref<2x512x16xi32, #tpu.memory_space<vmem>> -> memref<1x512x16xi32, #tpu.memory_space<vmem>>
          %dma_wait3A_248 = tpu.memref_squeeze %dma_wait3A_247 : memref<1x512x16xi32, #tpu.memory_space<vmem>> -> memref<512x16xi32, #tpu.memory_space<vmem>>
          %dma_wait3A_249 = arith.constant 0 : i32
          %dma_wait3A_250 = tpu.memref_slice %arg6[%add3A_243, %dma_wait3A_249] : memref<819200x16xi32, #tpu.memory_space<hbm>> -> memref<512x16xi32, #tpu.memory_space<hbm>>
          %dma_wait3A_251 = arith.constant 0 : i32
          %dma_wait3A_252 = tpu.memref_slice %arg6[%add3A_243, %dma_wait3A_251] : memref<819200x16xi32, #tpu.memory_space<hbm>> -> memref<512x16xi32, #tpu.memory_space<hbm>>
          %dma_wait3A_253 = arith.constant 0 : i32
          %dma_wait3A_254 = arith.constant 0 : i32
          %dma_wait3A_255 = tpu.memref_slice %arg10[%dma_wait3A_244, %dma_wait3A_253, %dma_wait3A_254] : memref<2x512x16xi32, #tpu.memory_space<vmem>> -> memref<1x512x16xi32, #tpu.memory_space<vmem>>
          %dma_wait3A_256 = tpu.memref_squeeze %dma_wait3A_255 : memref<1x512x16xi32, #tpu.memory_space<vmem>> -> memref<512x16xi32, #tpu.memory_space<vmem>>
          tpu.wait_dma2 semaphore(%arg14 : memref<!tpu.dma_semaphore, #tpu.memory_space<semaphore_mem>>) src(%dma_wait3A_256 : memref<512x16xi32, #tpu.memory_space<vmem>>) dst(%dma_wait3A_252 : memref<512x16xi32, #tpu.memory_space<hbm>>)
          %mul3A_257 = arith.constant 512 : i32
          %mul3A_258 = arith.muli %sub3A_240, %mul3A_257 : i32
          %add3A_259 = arith.addi %mul3A_2, %mul3A_258 : i32
          %dma_wait3A_260 = arith.constant 0 : i32
          %dma_wait3A_261 = arith.constant 0 : i32
          %dma_wait3A_262 = arith.constant 0 : i32
          %dma_wait3A_263 = tpu.memref_slice %arg11[%dma_wait3A_260, %dma_wait3A_261, %dma_wait3A_262] : memref<2x512x16xi32, #tpu.memory_space<vmem>> -> memref<1x512x16xi32, #tpu.memory_space<vmem>>
          %dma_wait3A_264 = tpu.memref_squeeze %dma_wait3A_263 : memref<1x512x16xi32, #tpu.memory_space<vmem>> -> memref<512x16xi32, #tpu.memory_space<vmem>>
          %dma_wait3A_265 = arith.constant 0 : i32
          %dma_wait3A_266 = tpu.memref_slice %arg7[%add3A_259, %dma_wait3A_265] : memref<819200x16xi32, #tpu.memory_space<hbm>> -> memref<512x16xi32, #tpu.memory_space<hbm>>
          %dma_wait3A_267 = arith.constant 0 : i32
          %dma_wait3A_268 = tpu.memref_slice %arg7[%add3A_259, %dma_wait3A_267] : memref<819200x16xi32, #tpu.memory_space<hbm>> -> memref<512x16xi32, #tpu.memory_space<hbm>>
          %dma_wait3A_269 = arith.constant 0 : i32
          %dma_wait3A_270 = arith.constant 0 : i32
          %dma_wait3A_271 = tpu.memref_slice %arg11[%dma_wait3A_260, %dma_wait3A_269, %dma_wait3A_270] : memref<2x512x16xi32, #tpu.memory_space<vmem>> -> memref<1x512x16xi32, #tpu.memory_space<vmem>>
          %dma_wait3A_272 = tpu.memref_squeeze %dma_wait3A_271 : memref<1x512x16xi32, #tpu.memory_space<vmem>> -> memref<512x16xi32, #tpu.memory_space<vmem>>
          tpu.wait_dma2 semaphore(%arg14 : memref<!tpu.dma_semaphore, #tpu.memory_space<semaphore_mem>>) src(%dma_wait3A_272 : memref<512x16xi32, #tpu.memory_space<vmem>>) dst(%dma_wait3A_268 : memref<512x16xi32, #tpu.memory_space<hbm>>)
        } else {
        }
        %mul3A_218 = arith.constant 512 : i32
        %mul3A_219 = arith.muli %add3A_208, %mul3A_218 : i32
        %dma_start3A_220 = arith.constant 0 : i32
        %dma_start3A_221 = arith.constant 0 : i32
        %dma_start3A_222 = arith.constant 0 : i32
        %dma_start3A_223 = tpu.memref_slice %arg10[%dma_start3A_220, %dma_start3A_221, %dma_start3A_222] : memref<2x512x16xi32, #tpu.memory_space<vmem>> -> memref<1x512x16xi32, #tpu.memory_space<vmem>>
        %dma_start3A_224 = tpu.memref_squeeze %dma_start3A_223 : memref<1x512x16xi32, #tpu.memory_space<vmem>> -> memref<512x16xi32, #tpu.memory_space<vmem>>
        %dma_start3A_225 = tpu.memref_slice %arg8[%mul3A_219] : memref<25600xi32, #tpu.memory_space<vmem>> -> memref<512xi32, #tpu.memory_space<vmem>>
        %dma_start3A_226 = arith.constant 0 : i32
        %dma_start3A_227 = arith.constant 0 : i32
        %dma_start3A_228 = tpu.memref_slice %arg2[%dma_start3A_226, %dma_start3A_227] : memref<50176x16xi32, #tpu.memory_space<hbm>> -> memref<50176x16xi32, #tpu.memory_space<hbm>>
        tpu.enqueue_indirect_dma source(%dma_start3A_228 : memref<50176x16xi32, #tpu.memory_space<hbm>>) target(%dma_start3A_224 : memref<512x16xi32, #tpu.memory_space<vmem>>) offsets(%dma_start3A_225 : memref<512xi32, #tpu.memory_space<vmem>>) semaphore(%arg12 : memref<!tpu.dma_semaphore, #tpu.memory_space<semaphore_mem>>)
        %mul3A_229 = arith.constant 512 : i32
        %mul3A_230 = arith.muli %add3A_208, %mul3A_229 : i32
        %dma_start3A_231 = arith.constant 0 : i32
        %dma_start3A_232 = arith.constant 0 : i32
        %dma_start3A_233 = arith.constant 0 : i32
        %dma_start3A_234 = tpu.memref_slice %arg11[%dma_start3A_231, %dma_start3A_232, %dma_start3A_233] : memref<2x512x16xi32, #tpu.memory_space<vmem>> -> memref<1x512x16xi32, #tpu.memory_space<vmem>>
        %dma_start3A_235 = tpu.memref_squeeze %dma_start3A_234 : memref<1x512x16xi32, #tpu.memory_space<vmem>> -> memref<512x16xi32, #tpu.memory_space<vmem>>
        %dma_start3A_236 = tpu.memref_slice %arg9[%mul3A_230] : memref<25600xi32, #tpu.memory_space<vmem>> -> memref<512xi32, #tpu.memory_space<vmem>>
        %dma_start3A_237 = arith.constant 0 : i32
        %dma_start3A_238 = arith.constant 0 : i32
        %dma_start3A_239 = tpu.memref_slice %arg3[%dma_start3A_237, %dma_start3A_238] : memref<50176x16xi32, #tpu.memory_space<hbm>> -> memref<50176x16xi32, #tpu.memory_space<hbm>>
        tpu.enqueue_indirect_dma source(%dma_start3A_239 : memref<50176x16xi32, #tpu.memory_space<hbm>>) target(%dma_start3A_235 : memref<512x16xi32, #tpu.memory_space<vmem>>) offsets(%dma_start3A_236 : memref<512xi32, #tpu.memory_space<vmem>>) semaphore(%arg12 : memref<!tpu.dma_semaphore, #tpu.memory_space<semaphore_mem>>)
      } else {
      }
    }
    %scan3A_26 = arith.constant 25 : i32
    %add3A_27 = arith.constant 24576 : i32
    %add3A_28 = arith.addi %mul3A_2, %add3A_27 : i32
    %dma_wait3A = arith.constant 0 : i32
    %dma_wait3A_29 = arith.constant 0 : i32
    %dma_wait3A_30 = arith.constant 0 : i32
    %dma_wait3A_31 = tpu.memref_slice %arg10[%dma_wait3A, %dma_wait3A_29, %dma_wait3A_30] : memref<2x512x16xi32, #tpu.memory_space<vmem>> -> memref<1x512x16xi32, #tpu.memory_space<vmem>>
    %dma_wait3A_32 = tpu.memref_squeeze %dma_wait3A_31 : memref<1x512x16xi32, #tpu.memory_space<vmem>> -> memref<512x16xi32, #tpu.memory_space<vmem>>
    %dma_wait3A_33 = arith.constant 0 : i32
    %dma_wait3A_34 = tpu.memref_slice %arg6[%add3A_28, %dma_wait3A_33] : memref<819200x16xi32, #tpu.memory_space<hbm>> -> memref<512x16xi32, #tpu.memory_space<hbm>>
    %dma_wait3A_35 = arith.constant 0 : i32
    %dma_wait3A_36 = tpu.memref_slice %arg6[%add3A_28, %dma_wait3A_35] : memref<819200x16xi32, #tpu.memory_space<hbm>> -> memref<512x16xi32, #tpu.memory_space<hbm>>
    %dma_wait3A_37 = arith.constant 0 : i32
    %dma_wait3A_38 = arith.constant 0 : i32
    %dma_wait3A_39 = tpu.memref_slice %arg10[%dma_wait3A, %dma_wait3A_37, %dma_wait3A_38] : memref<2x512x16xi32, #tpu.memory_space<vmem>> -> memref<1x512x16xi32, #tpu.memory_space<vmem>>
    %dma_wait3A_40 = tpu.memref_squeeze %dma_wait3A_39 : memref<1x512x16xi32, #tpu.memory_space<vmem>> -> memref<512x16xi32, #tpu.memory_space<vmem>>
    tpu.wait_dma2 semaphore(%arg14 : memref<!tpu.dma_semaphore, #tpu.memory_space<semaphore_mem>>) src(%dma_wait3A_40 : memref<512x16xi32, #tpu.memory_space<vmem>>) dst(%dma_wait3A_36 : memref<512x16xi32, #tpu.memory_space<hbm>>)
    %add3A_41 = arith.constant 24576 : i32
    %add3A_42 = arith.addi %mul3A_2, %add3A_41 : i32
    %dma_wait3A_43 = arith.constant 0 : i32
    %dma_wait3A_44 = arith.constant 0 : i32
    %dma_wait3A_45 = arith.constant 0 : i32
    %dma_wait3A_46 = tpu.memref_slice %arg11[%dma_wait3A_43, %dma_wait3A_44, %dma_wait3A_45] : memref<2x512x16xi32, #tpu.memory_space<vmem>> -> memref<1x512x16xi32, #tpu.memory_space<vmem>>
    %dma_wait3A_47 = tpu.memref_squeeze %dma_wait3A_46 : memref<1x512x16xi32, #tpu.memory_space<vmem>> -> memref<512x16xi32, #tpu.memory_space<vmem>>
    %dma_wait3A_48 = arith.constant 0 : i32
    %dma_wait3A_49 = tpu.memref_slice %arg7[%add3A_42, %dma_wait3A_48] : memref<819200x16xi32, #tpu.memory_space<hbm>> -> memref<512x16xi32, #tpu.memory_space<hbm>>
    %dma_wait3A_50 = arith.constant 0 : i32
    %dma_wait3A_51 = tpu.memref_slice %arg7[%add3A_42, %dma_wait3A_50] : memref<819200x16xi32, #tpu.memory_space<hbm>> -> memref<512x16xi32, #tpu.memory_space<hbm>>
    %dma_wait3A_52 = arith.constant 0 : i32
    %dma_wait3A_53 = arith.constant 0 : i32
    %dma_wait3A_54 = tpu.memref_slice %arg11[%dma_wait3A_43, %dma_wait3A_52, %dma_wait3A_53] : memref<2x512x16xi32, #tpu.memory_space<vmem>> -> memref<1x512x16xi32, #tpu.memory_space<vmem>>
    %dma_wait3A_55 = tpu.memref_squeeze %dma_wait3A_54 : memref<1x512x16xi32, #tpu.memory_space<vmem>> -> memref<512x16xi32, #tpu.memory_space<vmem>>
    tpu.wait_dma2 semaphore(%arg14 : memref<!tpu.dma_semaphore, #tpu.memory_space<semaphore_mem>>) src(%dma_wait3A_55 : memref<512x16xi32, #tpu.memory_space<vmem>>) dst(%dma_wait3A_51 : memref<512x16xi32, #tpu.memory_space<hbm>>)
    %add3A_56 = arith.constant 25088 : i32
    %add3A_57 = arith.addi %mul3A_2, %add3A_56 : i32
    %dma_wait3A_58 = arith.constant 1 : i32
    %dma_wait3A_59 = arith.constant 0 : i32
    %dma_wait3A_60 = arith.constant 0 : i32
    %dma_wait3A_61 = tpu.memref_slice %arg10[%dma_wait3A_58, %dma_wait3A_59, %dma_wait3A_60] : memref<2x512x16xi32, #tpu.memory_space<vmem>> -> memref<1x512x16xi32, #tpu.memory_space<vmem>>
    %dma_wait3A_62 = tpu.memref_squeeze %dma_wait3A_61 : memref<1x512x16xi32, #tpu.memory_space<vmem>> -> memref<512x16xi32, #tpu.memory_space<vmem>>
    %dma_wait3A_63 = arith.constant 0 : i32
    %dma_wait3A_64 = tpu.memref_slice %arg6[%add3A_57, %dma_wait3A_63] : memref<819200x16xi32, #tpu.memory_space<hbm>> -> memref<512x16xi32, #tpu.memory_space<hbm>>
    %dma_wait3A_65 = arith.constant 0 : i32
    %dma_wait3A_66 = tpu.memref_slice %arg6[%add3A_57, %dma_wait3A_65] : memref<819200x16xi32, #tpu.memory_space<hbm>> -> memref<512x16xi32, #tpu.memory_space<hbm>>
    %dma_wait3A_67 = arith.constant 0 : i32
    %dma_wait3A_68 = arith.constant 0 : i32
    %dma_wait3A_69 = tpu.memref_slice %arg10[%dma_wait3A_58, %dma_wait3A_67, %dma_wait3A_68] : memref<2x512x16xi32, #tpu.memory_space<vmem>> -> memref<1x512x16xi32, #tpu.memory_space<vmem>>
    %dma_wait3A_70 = tpu.memref_squeeze %dma_wait3A_69 : memref<1x512x16xi32, #tpu.memory_space<vmem>> -> memref<512x16xi32, #tpu.memory_space<vmem>>
    tpu.wait_dma2 semaphore(%arg15 : memref<!tpu.dma_semaphore, #tpu.memory_space<semaphore_mem>>) src(%dma_wait3A_70 : memref<512x16xi32, #tpu.memory_space<vmem>>) dst(%dma_wait3A_66 : memref<512x16xi32, #tpu.memory_space<hbm>>)
    %add3A_71 = arith.constant 25088 : i32
    %add3A_72 = arith.addi %mul3A_2, %add3A_71 : i32
    %dma_wait3A_73 = arith.constant 1 : i32
    %dma_wait3A_74 = arith.constant 0 : i32
    %dma_wait3A_75 = arith.constant 0 : i32
    %dma_wait3A_76 = tpu.memref_slice %arg11[%dma_wait3A_73, %dma_wait3A_74, %dma_wait3A_75] : memref<2x512x16xi32, #tpu.memory_space<vmem>> -> memref<1x512x16xi32, #tpu.memory_space<vmem>>
    %dma_wait3A_77 = tpu.memref_squeeze %dma_wait3A_76 : memref<1x512x16xi32, #tpu.memory_space<vmem>> -> memref<512x16xi32, #tpu.memory_space<vmem>>
    %dma_wait3A_78 = arith.constant 0 : i32
    %dma_wait3A_79 = tpu.memref_slice %arg7[%add3A_72, %dma_wait3A_78] : memref<819200x16xi32, #tpu.memory_space<hbm>> -> memref<512x16xi32, #tpu.memory_space<hbm>>
    %dma_wait3A_80 = arith.constant 0 : i32
    %dma_wait3A_81 = tpu.memref_slice %arg7[%add3A_72, %dma_wait3A_80] : memref<819200x16xi32, #tpu.memory_space<hbm>> -> memref<512x16xi32, #tpu.memory_space<hbm>>
    %dma_wait3A_82 = arith.constant 0 : i32
    %dma_wait3A_83 = arith.constant 0 : i32
    %dma_wait3A_84 = tpu.memref_slice %arg11[%dma_wait3A_73, %dma_wait3A_82, %dma_wait3A_83] : memref<2x512x16xi32, #tpu.memory_space<vmem>> -> memref<1x512x16xi32, #tpu.memory_space<vmem>>
    %dma_wait3A_85 = tpu.memref_squeeze %dma_wait3A_84 : memref<1x512x16xi32, #tpu.memory_space<vmem>> -> memref<512x16xi32, #tpu.memory_space<vmem>>
    tpu.wait_dma2 semaphore(%arg15 : memref<!tpu.dma_semaphore, #tpu.memory_space<semaphore_mem>>) src(%dma_wait3A_85 : memref<512x16xi32, #tpu.memory_space<vmem>>) dst(%dma_wait3A_81 : memref<512x16xi32, #tpu.memory_space<hbm>>)
    return
  }
}

#map = affine_map<(d0, d1) -> (0, 0)>
#map1 = affine_map<(d0, d1) -> (0, 0, 0)>
module attributes {stable_mosaic.version = 14 : i64} {
  func.func @_scatter_body(%arg0: i32, %arg1: i32, %arg2: memref<819200x32xf32, #tpu.memory_space<hbm>>, %arg3: memref<32x200x128xi32, #tpu.memory_space<hbm>>, %arg4: memref<50176x32xf32, #tpu.memory_space<hbm>>, %arg5: memref<50176x32xf32, #tpu.memory_space<hbm>>, %arg6: memref<50176x32xf32, #tpu.memory_space<hbm>>, %arg7: memref<50176x32xf32, #tpu.memory_space<vmem_shared>>, %arg8: memref<128xi32, #tpu.memory_space<vmem>>, %arg9: memref<512x32xf32, #tpu.memory_space<vmem>>) attributes {dimension_semantics = [#tpu.dimension_semantics<core_parallel>, #tpu.dimension_semantics<subcore_parallel>], iteration_bounds = array<i64: 2, 16>, scalar_prefetch = 0 : i64, scratch_operands = 3 : i64, tpu.core_type = #tpu.core_type<sc_vector_subcore>, window_params = [{transform_indices = #map}, {transform_indices = #map1}, {transform_indices = #map}, {transform_indices = #map}, {transform_indices = #map}]} {
    %mul3A = arith.constant 2 : i32
    %mul3A_0 = arith.muli %arg1, %mul3A : i32
    %add3A = arith.addi %mul3A_0, %arg0 : i32
    %mul3A_1 = arith.constant 25600 : i32
    %mul3A_2 = arith.muli %add3A, %mul3A_1 : i32
    %mul3A_3 = arith.constant 3136 : i32
    %mul3A_4 = arith.muli %arg1, %mul3A_3 : i32
    "tpu.region"() ({
      %run_scoped3A = tpu.sem_alloc : memref<!tpu.dma_semaphore, #tpu.memory_space<semaphore_mem>>
      %dma_start3A = arith.constant 0 : i32
      %dma_start3A_18 = tpu.memref_slice %arg7[%mul3A_4, %dma_start3A] : memref<50176x32xf32, #tpu.memory_space<vmem_shared>> -> memref<3136x32xf32, #tpu.memory_space<vmem_shared>>
      %dma_start3A_19 = arith.constant 0 : i32
      %dma_start3A_20 = tpu.memref_slice %arg4[%mul3A_4, %dma_start3A_19] : memref<50176x32xf32, #tpu.memory_space<hbm>> -> memref<3136x32xf32, #tpu.memory_space<hbm>>
      tpu.enqueue_dma source(%dma_start3A_20 : memref<3136x32xf32, #tpu.memory_space<hbm>>) target(%dma_start3A_18 : memref<3136x32xf32, #tpu.memory_space<vmem_shared>>) target_semaphore(%run_scoped3A : memref<!tpu.dma_semaphore, #tpu.memory_space<semaphore_mem>>)
      %dma_wait3A = arith.constant 0 : i32
      %dma_wait3A_21 = tpu.memref_slice %arg7[%mul3A_4, %dma_wait3A] : memref<50176x32xf32, #tpu.memory_space<vmem_shared>> -> memref<3136x32xf32, #tpu.memory_space<vmem_shared>>
      %dma_wait3A_22 = arith.constant 0 : i32
      %dma_wait3A_23 = tpu.memref_slice %arg4[%mul3A_4, %dma_wait3A_22] : memref<50176x32xf32, #tpu.memory_space<hbm>> -> memref<3136x32xf32, #tpu.memory_space<hbm>>
      tpu.wait_dma2 semaphore(%run_scoped3A : memref<!tpu.dma_semaphore, #tpu.memory_space<semaphore_mem>>) src(%dma_wait3A_23 : memref<3136x32xf32, #tpu.memory_space<hbm>>) dst(%dma_wait3A_21 : memref<3136x32xf32, #tpu.memory_space<vmem_shared>>)
      tpu.yield
    }) : () -> ()
    %barrier3A = arith.constant 0 : index
    tpu.barrier barrier_id(%barrier3A)
    %scan3A = arith.constant 0 : i32
    %scan3A_5 = arith.constant 0 : i32
    %scan3A_6 = arith.constant 50 : i32
    %scan3A_7 = arith.addi %scan3A_5, %scan3A_6 : i32
    %scan3A_8 = arith.constant 1 : i32
    scf.for %scan3A_18 = %scan3A_5 to %scan3A_7 step %scan3A_8  : i32 {
      %mul3A_19 = arith.constant 512 : i32
      %mul3A_20 = arith.muli %scan3A_18, %mul3A_19 : i32
      %add3A_21 = arith.addi %mul3A_2, %mul3A_20 : i32
      "tpu.region"() ({
        %run_scoped3A = tpu.sem_alloc : memref<!tpu.dma_semaphore, #tpu.memory_space<semaphore_mem>>
        %dma_start3A = arith.constant 0 : i32
        %dma_start3A_28 = tpu.memref_slice %arg2[%add3A_21, %dma_start3A] : memref<819200x32xf32, #tpu.memory_space<hbm>> -> memref<512x32xf32, #tpu.memory_space<hbm>>
        %dma_start3A_29 = arith.constant 0 : i32
        %dma_start3A_30 = tpu.memref_slice %arg2[%add3A_21, %dma_start3A_29] : memref<819200x32xf32, #tpu.memory_space<hbm>> -> memref<512x32xf32, #tpu.memory_space<hbm>>
        tpu.enqueue_dma source(%dma_start3A_30 : memref<512x32xf32, #tpu.memory_space<hbm>>) target(%arg9 : memref<512x32xf32, #tpu.memory_space<vmem>>) target_semaphore(%run_scoped3A : memref<!tpu.dma_semaphore, #tpu.memory_space<semaphore_mem>>)
        %dma_wait3A = arith.constant 0 : i32
        %dma_wait3A_31 = tpu.memref_slice %arg2[%add3A_21, %dma_wait3A] : memref<819200x32xf32, #tpu.memory_space<hbm>> -> memref<512x32xf32, #tpu.memory_space<hbm>>
        %dma_wait3A_32 = arith.constant 0 : i32
        %dma_wait3A_33 = tpu.memref_slice %arg2[%add3A_21, %dma_wait3A_32] : memref<819200x32xf32, #tpu.memory_space<hbm>> -> memref<512x32xf32, #tpu.memory_space<hbm>>
        tpu.wait_dma2 semaphore(%run_scoped3A : memref<!tpu.dma_semaphore, #tpu.memory_space<semaphore_mem>>) src(%dma_wait3A_33 : memref<512x32xf32, #tpu.memory_space<hbm>>) dst(%arg9 : memref<512x32xf32, #tpu.memory_space<vmem>>)
        tpu.yield
      }) : () -> ()
      %scan3A_22 = arith.constant 0 : i32
      %scan3A_23 = arith.constant 0 : i32
      %scan3A_24 = arith.constant 4 : i32
      %scan3A_25 = arith.addi %scan3A_23, %scan3A_24 : i32
      %scan3A_26 = arith.constant 1 : i32
      scf.for %scan3A_28 = %scan3A_23 to %scan3A_25 step %scan3A_26  : i32 {
        %mul3A_29 = arith.constant 4 : i32
        %mul3A_30 = arith.muli %scan3A_18, %mul3A_29 : i32
        %add3A_31 = arith.addi %mul3A_30, %scan3A_28 : i32
        "tpu.region"() ({
          %run_scoped3A = tpu.sem_alloc : memref<!tpu.dma_semaphore, #tpu.memory_space<semaphore_mem>>
          %dma_start3A = arith.constant 0 : i32
          %dma_start3A_34 = tpu.memref_slice %arg3[%add3A, %add3A_31, %dma_start3A] : memref<32x200x128xi32, #tpu.memory_space<hbm>> -> memref<1x1x128xi32, #tpu.memory_space<hbm>>
          %dma_start3A_35 = tpu.memref_squeeze %dma_start3A_34 : memref<1x1x128xi32, #tpu.memory_space<hbm>> -> memref<128xi32, #tpu.memory_space<hbm>>
          %dma_start3A_36 = arith.constant 0 : i32
          %dma_start3A_37 = tpu.memref_slice %arg3[%add3A, %add3A_31, %dma_start3A_36] : memref<32x200x128xi32, #tpu.memory_space<hbm>> -> memref<1x1x128xi32, #tpu.memory_space<hbm>>
          %dma_start3A_38 = tpu.memref_squeeze %dma_start3A_37 : memref<1x1x128xi32, #tpu.memory_space<hbm>> -> memref<128xi32, #tpu.memory_space<hbm>>
          tpu.enqueue_dma source(%dma_start3A_38 : memref<128xi32, #tpu.memory_space<hbm>>) target(%arg8 : memref<128xi32, #tpu.memory_space<vmem>>) target_semaphore(%run_scoped3A : memref<!tpu.dma_semaphore, #tpu.memory_space<semaphore_mem>>)
          %dma_wait3A = arith.constant 0 : i32
          %dma_wait3A_39 = tpu.memref_slice %arg3[%add3A, %add3A_31, %dma_wait3A] : memref<32x200x128xi32, #tpu.memory_space<hbm>> -> memref<1x1x128xi32, #tpu.memory_space<hbm>>
          %dma_wait3A_40 = tpu.memref_squeeze %dma_wait3A_39 : memref<1x1x128xi32, #tpu.memory_space<hbm>> -> memref<128xi32, #tpu.memory_space<hbm>>
          %dma_wait3A_41 = arith.constant 0 : i32
          %dma_wait3A_42 = tpu.memref_slice %arg3[%add3A, %add3A_31, %dma_wait3A_41] : memref<32x200x128xi32, #tpu.memory_space<hbm>> -> memref<1x1x128xi32, #tpu.memory_space<hbm>>
          %dma_wait3A_43 = tpu.memref_squeeze %dma_wait3A_42 : memref<1x1x128xi32, #tpu.memory_space<hbm>> -> memref<128xi32, #tpu.memory_space<hbm>>
          tpu.wait_dma2 semaphore(%run_scoped3A : memref<!tpu.dma_semaphore, #tpu.memory_space<semaphore_mem>>) src(%dma_wait3A_43 : memref<128xi32, #tpu.memory_space<hbm>>) dst(%arg8 : memref<128xi32, #tpu.memory_space<vmem>>)
          tpu.yield
        }) : () -> ()
        %mul3A_32 = arith.constant 128 : i32
        %mul3A_33 = arith.muli %scan3A_28, %mul3A_32 : i32
        "tpu.region"() ({
          %run_scoped3A = tpu.sem_alloc : memref<!tpu.dma_semaphore, #tpu.memory_space<semaphore_mem>>
          %dma_start3A = arith.constant 0 : i32
          %dma_start3A_34 = tpu.memref_slice %arg9[%mul3A_33, %dma_start3A] : memref<512x32xf32, #tpu.memory_space<vmem>> -> memref<128x32xf32, #tpu.memory_space<vmem>>
          %dma_start3A_35 = arith.constant 0 : i32
          %dma_start3A_36 = arith.constant 0 : i32
          %dma_start3A_37 = tpu.memref_slice %arg7[%dma_start3A_35, %dma_start3A_36] : memref<50176x32xf32, #tpu.memory_space<vmem_shared>> -> memref<50176x32xf32, #tpu.memory_space<vmem_shared>>
          tpu.enqueue_indirect_dma source(%dma_start3A_34 : memref<128x32xf32, #tpu.memory_space<vmem>>) target(%dma_start3A_37 : memref<50176x32xf32, #tpu.memory_space<vmem_shared>>) offsets(%arg8 : memref<128xi32, #tpu.memory_space<vmem>>) semaphore(%run_scoped3A : memref<!tpu.dma_semaphore, #tpu.memory_space<semaphore_mem>>) {add = true}
          %dma_wait3A = arith.constant 0 : i32
          %dma_wait3A_38 = tpu.memref_slice %arg9[%mul3A_33, %dma_wait3A] : memref<512x32xf32, #tpu.memory_space<vmem>> -> memref<128x32xf32, #tpu.memory_space<vmem>>
          %dma_wait3A_39 = arith.constant 0 : i32
          %dma_wait3A_40 = arith.constant 0 : i32
          %dma_wait3A_41 = tpu.memref_slice %arg7[%dma_wait3A_39, %dma_wait3A_40] : memref<50176x32xf32, #tpu.memory_space<vmem_shared>> -> memref<50176x32xf32, #tpu.memory_space<vmem_shared>>
          tpu.wait_indirect_dma semaphore(%run_scoped3A : memref<!tpu.dma_semaphore, #tpu.memory_space<semaphore_mem>>) src(%dma_wait3A_38 : memref<128x32xf32, #tpu.memory_space<vmem>>) dst(%dma_wait3A_41 : memref<50176x32xf32, #tpu.memory_space<vmem_shared>>)
          tpu.yield
        }) : () -> ()
      }
      %scan3A_27 = arith.constant 4 : i32
    }
    %scan3A_9 = arith.constant 50 : i32
    %barrier3A_10 = arith.constant 0 : index
    tpu.barrier barrier_id(%barrier3A_10)
    %eq3A = arith.constant 0 : i32
    %eq3A_11 = arith.cmpi eq, %arg0, %eq3A : i32
    %convert_element_type3A = arith.extui %eq3A_11 : i1 to i32
    %cond3A = arith.constant 0 : i32
    %cond3A_12 = arith.cmpi ne, %convert_element_type3A, %cond3A : i32
    scf.if %cond3A_12 {
      "tpu.region"() ({
        %run_scoped3A = tpu.sem_alloc : memref<!tpu.dma_semaphore, #tpu.memory_space<semaphore_mem>>
        %dma_start3A = arith.constant 0 : i32
        %dma_start3A_18 = tpu.memref_slice %arg5[%mul3A_4, %dma_start3A] : memref<50176x32xf32, #tpu.memory_space<hbm>> -> memref<3136x32xf32, #tpu.memory_space<hbm>>
        %dma_start3A_19 = arith.constant 0 : i32
        %dma_start3A_20 = tpu.memref_slice %arg7[%mul3A_4, %dma_start3A_19] : memref<50176x32xf32, #tpu.memory_space<vmem_shared>> -> memref<3136x32xf32, #tpu.memory_space<vmem_shared>>
        tpu.enqueue_dma source(%dma_start3A_20 : memref<3136x32xf32, #tpu.memory_space<vmem_shared>>) target(%dma_start3A_18 : memref<3136x32xf32, #tpu.memory_space<hbm>>) target_semaphore(%run_scoped3A : memref<!tpu.dma_semaphore, #tpu.memory_space<semaphore_mem>>)
        %dma_wait3A = arith.constant 0 : i32
        %dma_wait3A_21 = tpu.memref_slice %arg5[%mul3A_4, %dma_wait3A] : memref<50176x32xf32, #tpu.memory_space<hbm>> -> memref<3136x32xf32, #tpu.memory_space<hbm>>
        %dma_wait3A_22 = arith.constant 0 : i32
        %dma_wait3A_23 = tpu.memref_slice %arg7[%mul3A_4, %dma_wait3A_22] : memref<50176x32xf32, #tpu.memory_space<vmem_shared>> -> memref<3136x32xf32, #tpu.memory_space<vmem_shared>>
        tpu.wait_dma2 semaphore(%run_scoped3A : memref<!tpu.dma_semaphore, #tpu.memory_space<semaphore_mem>>) src(%dma_wait3A_23 : memref<3136x32xf32, #tpu.memory_space<vmem_shared>>) dst(%dma_wait3A_21 : memref<3136x32xf32, #tpu.memory_space<hbm>>)
        tpu.yield
      }) : () -> ()
    } else {
    }
    %eq3A_13 = arith.constant 1 : i32
    %eq3A_14 = arith.cmpi eq, %arg0, %eq3A_13 : i32
    %convert_element_type3A_15 = arith.extui %eq3A_14 : i1 to i32
    %cond3A_16 = arith.constant 0 : i32
    %cond3A_17 = arith.cmpi ne, %convert_element_type3A_15, %cond3A_16 : i32
    scf.if %cond3A_17 {
      "tpu.region"() ({
        %run_scoped3A = tpu.sem_alloc : memref<!tpu.dma_semaphore, #tpu.memory_space<semaphore_mem>>
        %dma_start3A = arith.constant 0 : i32
        %dma_start3A_18 = tpu.memref_slice %arg6[%mul3A_4, %dma_start3A] : memref<50176x32xf32, #tpu.memory_space<hbm>> -> memref<3136x32xf32, #tpu.memory_space<hbm>>
        %dma_start3A_19 = arith.constant 0 : i32
        %dma_start3A_20 = tpu.memref_slice %arg7[%mul3A_4, %dma_start3A_19] : memref<50176x32xf32, #tpu.memory_space<vmem_shared>> -> memref<3136x32xf32, #tpu.memory_space<vmem_shared>>
        tpu.enqueue_dma source(%dma_start3A_20 : memref<3136x32xf32, #tpu.memory_space<vmem_shared>>) target(%dma_start3A_18 : memref<3136x32xf32, #tpu.memory_space<hbm>>) target_semaphore(%run_scoped3A : memref<!tpu.dma_semaphore, #tpu.memory_space<semaphore_mem>>)
        %dma_wait3A = arith.constant 0 : i32
        %dma_wait3A_21 = tpu.memref_slice %arg6[%mul3A_4, %dma_wait3A] : memref<50176x32xf32, #tpu.memory_space<hbm>> -> memref<3136x32xf32, #tpu.memory_space<hbm>>
        %dma_wait3A_22 = arith.constant 0 : i32
        %dma_wait3A_23 = tpu.memref_slice %arg7[%mul3A_4, %dma_wait3A_22] : memref<50176x32xf32, #tpu.memory_space<vmem_shared>> -> memref<3136x32xf32, #tpu.memory_space<vmem_shared>>
        tpu.wait_dma2 semaphore(%run_scoped3A : memref<!tpu.dma_semaphore, #tpu.memory_space<semaphore_mem>>) src(%dma_wait3A_23 : memref<3136x32xf32, #tpu.memory_space<vmem_shared>>) dst(%dma_wait3A_21 : memref<3136x32xf32, #tpu.memory_space<hbm>>)
        tpu.yield
      }) : () -> ()
    } else {
    }
    return
  }
}

module attributes {stable_mosaic.version = 14 : i64} {
  func.func @_pre_body(%arg0: i32, %arg1: memref<512x128xf32, #tpu.memory_space<vmem>>, %arg2: memref<128x32xf32, #tpu.memory_space<vmem>>, %arg3: memref<1x32xf32, #tpu.memory_space<vmem>>, %arg4: memref<32x32xf32, #tpu.memory_space<vmem>>, %arg5: memref<1x32xf32, #tpu.memory_space<vmem>>, %arg6: memref<32x32xf32, #tpu.memory_space<vmem>>, %arg7: memref<1x32xf32, #tpu.memory_space<vmem>>, %arg8: memref<32x32xf32, #tpu.memory_space<vmem>>, %arg9: memref<1x32xf32, #tpu.memory_space<vmem>>, %arg10: memref<32x32xf32, #tpu.memory_space<vmem>>, %arg11: memref<32x32xf32, #tpu.memory_space<vmem>>, %arg12: memref<512x32xf32, #tpu.memory_space<vmem>>, %arg13: memref<512x16xi32, #tpu.memory_space<vmem>>, %arg14: memref<512x16xi32, #tpu.memory_space<vmem>>) attributes {dimension_semantics = [#tpu.dimension_semantics<arbitrary>], iteration_bounds = array<i64: 98>, scalar_prefetch = 0 : i64, scratch_operands = 0 : i64, tpu.core_type = #tpu.core_type<tc>, window_params = [{transform_indices = @transform_0, window_bounds = array<i64: 512, 128>}, {pipeline_mode = #tpu.pipeline_mode<synchronous>, transform_indices = @transform_1, window_bounds = array<i64: 128, 32>}, {pipeline_mode = #tpu.pipeline_mode<synchronous>, transform_indices = @transform_2, window_bounds = array<i64: 1, 32>}, {pipeline_mode = #tpu.pipeline_mode<synchronous>, transform_indices = @transform_3, window_bounds = array<i64: 32, 32>}, {pipeline_mode = #tpu.pipeline_mode<synchronous>, transform_indices = @transform_4, window_bounds = array<i64: 1, 32>}, {pipeline_mode = #tpu.pipeline_mode<synchronous>, transform_indices = @transform_5, window_bounds = array<i64: 32, 32>}, {pipeline_mode = #tpu.pipeline_mode<synchronous>, transform_indices = @transform_6, window_bounds = array<i64: 1, 32>}, {pipeline_mode = #tpu.pipeline_mode<synchronous>, transform_indices = @transform_7, window_bounds = array<i64: 32, 32>}, {pipeline_mode = #tpu.pipeline_mode<synchronous>, transform_indices = @transform_8, window_bounds = array<i64: 1, 32>}, {pipeline_mode = #tpu.pipeline_mode<synchronous>, transform_indices = @transform_9, window_bounds = array<i64: 32, 32>}, {pipeline_mode = #tpu.pipeline_mode<synchronous>, transform_indices = @transform_10, window_bounds = array<i64: 32, 32>}, {transform_indices = @transform_11, window_bounds = array<i64: 512, 32>}, {transform_indices = @transform_12, window_bounds = array<i64: 512, 16>}, {transform_indices = @transform_13, window_bounds = array<i64: 512, 16>}]} {
    %get3A = arith.constant 0 : index
    %get3A_0 = arith.constant 0 : index
    %get3A_1 = vector.load %arg1[%get3A, %get3A_0] : memref<512x128xf32, #tpu.memory_space<vmem>>, vector<512x128xf32>
    %get3A_2 = arith.constant 0 : index
    %get3A_3 = arith.constant 0 : index
    %get3A_4 = vector.load %arg2[%get3A_2, %get3A_3] : memref<128x32xf32, #tpu.memory_space<vmem>>, vector<128x32xf32>
    %dot_general3A = arith.constant dense<0.000000e+00> : vector<512x32xf32>
    %dot_general3A_5 = tpu.matmul %get3A_1, %get3A_4, %dot_general3A {dimension_numbers = #tpu.dot_dimension_numbers<[1], [0], [0], [1], [0, 0, 1, 1], [], []>, transpose_lhs_hint = false} : vector<512x128xf32>, vector<128x32xf32>, vector<512x32xf32> -> vector<512x32xf32>
    %get3A_6 = arith.constant 0 : index
    %get3A_7 = arith.constant 0 : index
    %get3A_8 = vector.load %arg3[%get3A_6, %get3A_7] : memref<1x32xf32, #tpu.memory_space<vmem>>, vector<1x32xf32>
    %add3A = vector.broadcast %get3A_8 : vector<1x32xf32> to vector<512x32xf32>
    %add3A_9 = arith.addf %dot_general3A_5, %add3A : vector<512x32xf32>
    %max3A = arith.constant 0.000000e+00 : f32
    %max3A_10 = vector.broadcast %max3A : f32 to vector<512x32xf32>
    %max3A_11 = arith.maximumf %add3A_9, %max3A_10 : vector<512x32xf32>
    %get3A_12 = arith.constant 0 : index
    %get3A_13 = arith.constant 0 : index
    %get3A_14 = vector.load %arg4[%get3A_12, %get3A_13] : memref<32x32xf32, #tpu.memory_space<vmem>>, vector<32x32xf32>
    %dot_general3A_15 = arith.constant dense<0.000000e+00> : vector<512x32xf32>
    %dot_general3A_16 = tpu.matmul %max3A_11, %get3A_14, %dot_general3A_15 {dimension_numbers = #tpu.dot_dimension_numbers<[1], [0], [0], [1], [0, 0, 1, 1], [], []>, transpose_lhs_hint = false} : vector<512x32xf32>, vector<32x32xf32>, vector<512x32xf32> -> vector<512x32xf32>
    %get3A_17 = arith.constant 0 : index
    %get3A_18 = arith.constant 0 : index
    %get3A_19 = vector.load %arg5[%get3A_17, %get3A_18] : memref<1x32xf32, #tpu.memory_space<vmem>>, vector<1x32xf32>
    %add3A_20 = vector.broadcast %get3A_19 : vector<1x32xf32> to vector<512x32xf32>
    %add3A_21 = arith.addf %dot_general3A_16, %add3A_20 : vector<512x32xf32>
    %max3A_22 = arith.constant 0.000000e+00 : f32
    %max3A_23 = vector.broadcast %max3A_22 : f32 to vector<512x32xf32>
    %max3A_24 = arith.maximumf %add3A_21, %max3A_23 : vector<512x32xf32>
    %get3A_25 = arith.constant 0 : index
    %get3A_26 = arith.constant 0 : index
    %get3A_27 = vector.load %arg6[%get3A_25, %get3A_26] : memref<32x32xf32, #tpu.memory_space<vmem>>, vector<32x32xf32>
    %dot_general3A_28 = arith.constant dense<0.000000e+00> : vector<512x32xf32>
    %dot_general3A_29 = tpu.matmul %max3A_24, %get3A_27, %dot_general3A_28 {dimension_numbers = #tpu.dot_dimension_numbers<[1], [0], [0], [1], [0, 0, 1, 1], [], []>, transpose_lhs_hint = false} : vector<512x32xf32>, vector<32x32xf32>, vector<512x32xf32> -> vector<512x32xf32>
    %get3A_30 = arith.constant 0 : index
    %get3A_31 = arith.constant 0 : index
    %get3A_32 = vector.load %arg7[%get3A_30, %get3A_31] : memref<1x32xf32, #tpu.memory_space<vmem>>, vector<1x32xf32>
    %add3A_33 = vector.broadcast %get3A_32 : vector<1x32xf32> to vector<512x32xf32>
    %add3A_34 = arith.addf %dot_general3A_29, %add3A_33 : vector<512x32xf32>
    %max3A_35 = arith.constant 0.000000e+00 : f32
    %max3A_36 = vector.broadcast %max3A_35 : f32 to vector<512x32xf32>
    %max3A_37 = arith.maximumf %add3A_34, %max3A_36 : vector<512x32xf32>
    %get3A_38 = arith.constant 0 : index
    %get3A_39 = arith.constant 0 : index
    %get3A_40 = vector.load %arg8[%get3A_38, %get3A_39] : memref<32x32xf32, #tpu.memory_space<vmem>>, vector<32x32xf32>
    %dot_general3A_41 = arith.constant dense<0.000000e+00> : vector<512x32xf32>
    %dot_general3A_42 = tpu.matmul %max3A_37, %get3A_40, %dot_general3A_41 {dimension_numbers = #tpu.dot_dimension_numbers<[1], [0], [0], [1], [0, 0, 1, 1], [], []>, transpose_lhs_hint = false} : vector<512x32xf32>, vector<32x32xf32>, vector<512x32xf32> -> vector<512x32xf32>
    %get3A_43 = arith.constant 0 : index
    %get3A_44 = arith.constant 0 : index
    %get3A_45 = vector.load %arg9[%get3A_43, %get3A_44] : memref<1x32xf32, #tpu.memory_space<vmem>>, vector<1x32xf32>
    %add3A_46 = vector.broadcast %get3A_45 : vector<1x32xf32> to vector<512x32xf32>
    %add3A_47 = arith.addf %dot_general3A_42, %add3A_46 : vector<512x32xf32>
    %swap3A = arith.constant 0 : index
    %swap3A_48 = arith.constant 0 : index
    %swap3A_49 = vector.load %arg12[%swap3A, %swap3A_48] : memref<512x32xf32, #tpu.memory_space<vmem>>, vector<512x32xf32>
    tpu.vector_store %arg12[%swap3A, %swap3A_48], %add3A_47 {strides = array<i32>} : memref<512x32xf32, #tpu.memory_space<vmem>>, vector<512x32xf32>,
    %get3A_50 = arith.constant 0 : index
    %get3A_51 = arith.constant 0 : index
    %get3A_52 = vector.load %arg10[%get3A_50, %get3A_51] : memref<32x32xf32, #tpu.memory_space<vmem>>, vector<32x32xf32>
    %dot_general3A_53 = arith.constant dense<0.000000e+00> : vector<512x32xf32>
    %dot_general3A_54 = tpu.matmul %add3A_47, %get3A_52, %dot_general3A_53 {dimension_numbers = #tpu.dot_dimension_numbers<[1], [0], [0], [1], [0, 0, 1, 1], [], []>, transpose_lhs_hint = false} : vector<512x32xf32>, vector<32x32xf32>, vector<512x32xf32> -> vector<512x32xf32>
    %slice3A = vector.extract_strided_slice %dot_general3A_54 {offsets = [0, 0], sizes = [512, 16], strides = [1, 1]} : vector<512x32xf32> to vector<512x16xf32>
    %bitcast_convert_type3A = tpu.bitcast %slice3A : vector<512x16xf32> -> vector<512x16xi32>
    %slice3A_55 = vector.extract_strided_slice %dot_general3A_54 {offsets = [0, 16], sizes = [512, 16], strides = [1, 1]} : vector<512x32xf32> to vector<512x16xf32>
    %bitcast_convert_type3A_56 = tpu.bitcast %slice3A_55 : vector<512x16xf32> -> vector<512x16xi32>
    %add3A_57 = arith.constant 32767 : i32
    %add3A_58 = vector.broadcast %add3A_57 : i32 to vector<512x16xi32>
    %add3A_59 = arith.addi %bitcast_convert_type3A, %add3A_58 : vector<512x16xi32>
    %shift_right_arithmetic3A = arith.constant 16 : i32
    %shift_right_arithmetic3A_60 = vector.broadcast %shift_right_arithmetic3A : i32 to vector<512x16xi32>
    %shift_right_arithmetic3A_61 = arith.shrsi %bitcast_convert_type3A, %shift_right_arithmetic3A_60 : vector<512x16xi32>
    %and3A = arith.constant 1 : i32
    %and3A_62 = vector.broadcast %and3A : i32 to vector<512x16xi32>
    %and3A_63 = arith.andi %shift_right_arithmetic3A_61, %and3A_62 : vector<512x16xi32>
    %add3A_64 = arith.addi %add3A_59, %and3A_63 : vector<512x16xi32>
    %shift_right_arithmetic3A_65 = arith.constant 16 : i32
    %shift_right_arithmetic3A_66 = vector.broadcast %shift_right_arithmetic3A_65 : i32 to vector<512x16xi32>
    %shift_right_arithmetic3A_67 = arith.shrsi %add3A_64, %shift_right_arithmetic3A_66 : vector<512x16xi32>
    %add3A_68 = arith.constant 32767 : i32
    %add3A_69 = vector.broadcast %add3A_68 : i32 to vector<512x16xi32>
    %add3A_70 = arith.addi %bitcast_convert_type3A_56, %add3A_69 : vector<512x16xi32>
    %shift_right_arithmetic3A_71 = arith.constant 16 : i32
    %shift_right_arithmetic3A_72 = vector.broadcast %shift_right_arithmetic3A_71 : i32 to vector<512x16xi32>
    %shift_right_arithmetic3A_73 = arith.shrsi %bitcast_convert_type3A_56, %shift_right_arithmetic3A_72 : vector<512x16xi32>
    %and3A_74 = arith.constant 1 : i32
    %and3A_75 = vector.broadcast %and3A_74 : i32 to vector<512x16xi32>
    %and3A_76 = arith.andi %shift_right_arithmetic3A_73, %and3A_75 : vector<512x16xi32>
    %add3A_77 = arith.addi %add3A_70, %and3A_76 : vector<512x16xi32>
    %and3A_78 = arith.constant -65536 : i32
    %and3A_79 = vector.broadcast %and3A_78 : i32 to vector<512x16xi32>
    %and3A_80 = arith.andi %add3A_77, %and3A_79 : vector<512x16xi32>
    %and3A_81 = arith.constant 65535 : i32
    %and3A_82 = vector.broadcast %and3A_81 : i32 to vector<512x16xi32>
    %and3A_83 = arith.andi %shift_right_arithmetic3A_67, %and3A_82 : vector<512x16xi32>
    %or3A = arith.ori %and3A_83, %and3A_80 : vector<512x16xi32>
    %swap3A_84 = arith.constant 0 : index
    %swap3A_85 = arith.constant 0 : index
    %swap3A_86 = vector.load %arg13[%swap3A_84, %swap3A_85] : memref<512x16xi32, #tpu.memory_space<vmem>>, vector<512x16xi32>
    tpu.vector_store %arg13[%swap3A_84, %swap3A_85], %or3A {strides = array<i32>} : memref<512x16xi32, #tpu.memory_space<vmem>>, vector<512x16xi32>,
    %get3A_87 = arith.constant 0 : index
    %get3A_88 = arith.constant 0 : index
    %get3A_89 = vector.load %arg11[%get3A_87, %get3A_88] : memref<32x32xf32, #tpu.memory_space<vmem>>, vector<32x32xf32>
    %dot_general3A_90 = arith.constant dense<0.000000e+00> : vector<512x32xf32>
    %dot_general3A_91 = tpu.matmul %add3A_47, %get3A_89, %dot_general3A_90 {dimension_numbers = #tpu.dot_dimension_numbers<[1], [0], [0], [1], [0, 0, 1, 1], [], []>, transpose_lhs_hint = false} : vector<512x32xf32>, vector<32x32xf32>, vector<512x32xf32> -> vector<512x32xf32>
    %slice3A_92 = vector.extract_strided_slice %dot_general3A_91 {offsets = [0, 0], sizes = [512, 16], strides = [1, 1]} : vector<512x32xf32> to vector<512x16xf32>
    %bitcast_convert_type3A_93 = tpu.bitcast %slice3A_92 : vector<512x16xf32> -> vector<512x16xi32>
    %slice3A_94 = vector.extract_strided_slice %dot_general3A_91 {offsets = [0, 16], sizes = [512, 16], strides = [1, 1]} : vector<512x32xf32> to vector<512x16xf32>
    %bitcast_convert_type3A_95 = tpu.bitcast %slice3A_94 : vector<512x16xf32> -> vector<512x16xi32>
    %add3A_96 = arith.constant 32767 : i32
    %add3A_97 = vector.broadcast %add3A_96 : i32 to vector<512x16xi32>
    %add3A_98 = arith.addi %bitcast_convert_type3A_93, %add3A_97 : vector<512x16xi32>
    %shift_right_arithmetic3A_99 = arith.constant 16 : i32
    %shift_right_arithmetic3A_100 = vector.broadcast %shift_right_arithmetic3A_99 : i32 to vector<512x16xi32>
    %shift_right_arithmetic3A_101 = arith.shrsi %bitcast_convert_type3A_93, %shift_right_arithmetic3A_100 : vector<512x16xi32>
    %and3A_102 = arith.constant 1 : i32
    %and3A_103 = vector.broadcast %and3A_102 : i32 to vector<512x16xi32>
    %and3A_104 = arith.andi %shift_right_arithmetic3A_101, %and3A_103 : vector<512x16xi32>
    %add3A_105 = arith.addi %add3A_98, %and3A_104 : vector<512x16xi32>
    %shift_right_arithmetic3A_106 = arith.constant 16 : i32
    %shift_right_arithmetic3A_107 = vector.broadcast %shift_right_arithmetic3A_106 : i32 to vector<512x16xi32>
    %shift_right_arithmetic3A_108 = arith.shrsi %add3A_105, %shift_right_arithmetic3A_107 : vector<512x16xi32>
    %add3A_109 = arith.constant 32767 : i32
    %add3A_110 = vector.broadcast %add3A_109 : i32 to vector<512x16xi32>
    %add3A_111 = arith.addi %bitcast_convert_type3A_95, %add3A_110 : vector<512x16xi32>
    %shift_right_arithmetic3A_112 = arith.constant 16 : i32
    %shift_right_arithmetic3A_113 = vector.broadcast %shift_right_arithmetic3A_112 : i32 to vector<512x16xi32>
    %shift_right_arithmetic3A_114 = arith.shrsi %bitcast_convert_type3A_95, %shift_right_arithmetic3A_113 : vector<512x16xi32>
    %and3A_115 = arith.constant 1 : i32
    %and3A_116 = vector.broadcast %and3A_115 : i32 to vector<512x16xi32>
    %and3A_117 = arith.andi %shift_right_arithmetic3A_114, %and3A_116 : vector<512x16xi32>
    %add3A_118 = arith.addi %add3A_111, %and3A_117 : vector<512x16xi32>
    %and3A_119 = arith.constant -65536 : i32
    %and3A_120 = vector.broadcast %and3A_119 : i32 to vector<512x16xi32>
    %and3A_121 = arith.andi %add3A_118, %and3A_120 : vector<512x16xi32>
    %and3A_122 = arith.constant 65535 : i32
    %and3A_123 = vector.broadcast %and3A_122 : i32 to vector<512x16xi32>
    %and3A_124 = arith.andi %shift_right_arithmetic3A_108, %and3A_123 : vector<512x16xi32>
    %or3A_125 = arith.ori %and3A_124, %and3A_121 : vector<512x16xi32>
    %swap3A_126 = arith.constant 0 : index
    %swap3A_127 = arith.constant 0 : index
    %swap3A_128 = vector.load %arg14[%swap3A_126, %swap3A_127] : memref<512x16xi32, #tpu.memory_space<vmem>>, vector<512x16xi32>
    tpu.vector_store %arg14[%swap3A_126, %swap3A_127], %or3A_125 {strides = array<i32>} : memref<512x16xi32, #tpu.memory_space<vmem>>, vector<512x16xi32>,
    return
  }
  func.func @transform_0(%arg0: i32) -> (i32, i32) {
    %c0_i32 = arith.constant 0 : i32
    %c0_i32_0 = arith.constant 0 : i32
    return %arg0, %c0_i32 : i32, i32
  }
  func.func @transform_1(%arg0: i32) -> (i32, i32) {
    %c0_i32 = arith.constant 0 : i32
    %c0_i32_0 = arith.constant 0 : i32
    %c0_i32_1 = arith.constant 0 : i32
    return %c0_i32, %c0_i32_0 : i32, i32
  }
  func.func @transform_2(%arg0: i32) -> (i32, i32) {
    %c0_i32 = arith.constant 0 : i32
    %c0_i32_0 = arith.constant 0 : i32
    %c0_i32_1 = arith.constant 0 : i32
    return %c0_i32, %c0_i32_0 : i32, i32
  }
  func.func @transform_3(%arg0: i32) -> (i32, i32) {
    %c0_i32 = arith.constant 0 : i32
    %c0_i32_0 = arith.constant 0 : i32
    %c0_i32_1 = arith.constant 0 : i32
    return %c0_i32, %c0_i32_0 : i32, i32
  }
  func.func @transform_4(%arg0: i32) -> (i32, i32) {
    %c0_i32 = arith.constant 0 : i32
    %c0_i32_0 = arith.constant 0 : i32
    %c0_i32_1 = arith.constant 0 : i32
    return %c0_i32, %c0_i32_0 : i32, i32
  }
  func.func @transform_5(%arg0: i32) -> (i32, i32) {
    %c0_i32 = arith.constant 0 : i32
    %c0_i32_0 = arith.constant 0 : i32
    %c0_i32_1 = arith.constant 0 : i32
    return %c0_i32, %c0_i32_0 : i32, i32
  }
  func.func @transform_6(%arg0: i32) -> (i32, i32) {
    %c0_i32 = arith.constant 0 : i32
    %c0_i32_0 = arith.constant 0 : i32
    %c0_i32_1 = arith.constant 0 : i32
    return %c0_i32, %c0_i32_0 : i32, i32
  }
  func.func @transform_7(%arg0: i32) -> (i32, i32) {
    %c0_i32 = arith.constant 0 : i32
    %c0_i32_0 = arith.constant 0 : i32
    %c0_i32_1 = arith.constant 0 : i32
    return %c0_i32, %c0_i32_0 : i32, i32
  }
  func.func @transform_8(%arg0: i32) -> (i32, i32) {
    %c0_i32 = arith.constant 0 : i32
    %c0_i32_0 = arith.constant 0 : i32
    %c0_i32_1 = arith.constant 0 : i32
    return %c0_i32, %c0_i32_0 : i32, i32
  }
  func.func @transform_9(%arg0: i32) -> (i32, i32) {
    %c0_i32 = arith.constant 0 : i32
    %c0_i32_0 = arith.constant 0 : i32
    %c0_i32_1 = arith.constant 0 : i32
    return %c0_i32, %c0_i32_0 : i32, i32
  }
  func.func @transform_10(%arg0: i32) -> (i32, i32) {
    %c0_i32 = arith.constant 0 : i32
    %c0_i32_0 = arith.constant 0 : i32
    %c0_i32_1 = arith.constant 0 : i32
    return %c0_i32, %c0_i32_0 : i32, i32
  }
  func.func @transform_11(%arg0: i32) -> (i32, i32) {
    %c0_i32 = arith.constant 0 : i32
    %c0_i32_0 = arith.constant 0 : i32
    return %arg0, %c0_i32 : i32, i32
  }
  func.func @transform_12(%arg0: i32) -> (i32, i32) {
    %c0_i32 = arith.constant 0 : i32
    %c0_i32_0 = arith.constant 0 : i32
    return %arg0, %c0_i32 : i32, i32
  }
  func.func @transform_13(%arg0: i32) -> (i32, i32) {
    %c0_i32 = arith.constant 0 : i32
    %c0_i32_0 = arith.constant 0 : i32
    return %arg0, %c0_i32 : i32, i32
  }
}

module attributes {stable_mosaic.version = 14 : i64} {
  func.func @_edge_body(%arg0: i32, %arg1: memref<1024x128xi32, #tpu.memory_space<vmem>>, %arg2: memref<1024x128xi32, #tpu.memory_space<vmem>>, %arg3: memref<1x128xf32, #tpu.memory_space<vmem>>, %arg4: memref<1x128xf32, #tpu.memory_space<vmem>>, %arg5: memref<128x256xbf16, #tpu.memory_space<vmem>>, %arg6: memref<128x256xbf16, #tpu.memory_space<vmem>>, %arg7: memref<1x256xf32, #tpu.memory_space<vmem>>, %arg8: memref<256x256xbf16, #tpu.memory_space<vmem>>, %arg9: memref<1x256xf32, #tpu.memory_space<vmem>>, %arg10: memref<256x256xbf16, #tpu.memory_space<vmem>>, %arg11: memref<1x256xf32, #tpu.memory_space<vmem>>, %arg12: memref<1024x256xf32, #tpu.memory_space<vmem>>) attributes {dimension_semantics = [#tpu.dimension_semantics<arbitrary>], iteration_bounds = array<i64: 100>, scalar_prefetch = 0 : i64, scratch_operands = 0 : i64, tpu.core_type = #tpu.core_type<tc>, window_params = [{transform_indices = @transform_0, window_bounds = array<i64: 1024, 128>}, {transform_indices = @transform_1, window_bounds = array<i64: 1024, 128>}, {pipeline_mode = #tpu.pipeline_mode<synchronous>, transform_indices = @transform_2, window_bounds = array<i64: 1, 128>}, {pipeline_mode = #tpu.pipeline_mode<synchronous>, transform_indices = @transform_3, window_bounds = array<i64: 1, 128>}, {pipeline_mode = #tpu.pipeline_mode<synchronous>, transform_indices = @transform_4, window_bounds = array<i64: 128, 256>}, {pipeline_mode = #tpu.pipeline_mode<synchronous>, transform_indices = @transform_5, window_bounds = array<i64: 128, 256>}, {pipeline_mode = #tpu.pipeline_mode<synchronous>, transform_indices = @transform_6, window_bounds = array<i64: 1, 256>}, {pipeline_mode = #tpu.pipeline_mode<synchronous>, transform_indices = @transform_7, window_bounds = array<i64: 256, 256>}, {pipeline_mode = #tpu.pipeline_mode<synchronous>, transform_indices = @transform_8, window_bounds = array<i64: 1, 256>}, {pipeline_mode = #tpu.pipeline_mode<synchronous>, transform_indices = @transform_9, window_bounds = array<i64: 256, 256>}, {pipeline_mode = #tpu.pipeline_mode<synchronous>, transform_indices = @transform_10, window_bounds = array<i64: 1, 256>}, {transform_indices = @transform_11, window_bounds = array<i64: 1024, 256>}]} {
    %get3A = arith.constant 0 : index
    %get3A_0 = arith.constant 0 : index
    %get3A_1 = vector.load %arg1[%get3A, %get3A_0] : memref<1024x128xi32, #tpu.memory_space<vmem>>, vector<1024x128xi32>
    %get3A_2 = arith.constant 0 : index
    %get3A_3 = arith.constant 0 : index
    %get3A_4 = vector.load %arg2[%get3A_2, %get3A_3] : memref<1024x128xi32, #tpu.memory_space<vmem>>, vector<1024x128xi32>
    %shift_left3A = arith.constant 16 : i32
    %shift_left3A_5 = vector.broadcast %shift_left3A : i32 to vector<1024x128xi32>
    %shift_left3A_6 = arith.shli %get3A_1, %shift_left3A_5 : vector<1024x128xi32>
    %bitcast_convert_type3A = tpu.bitcast %shift_left3A_6 : vector<1024x128xi32> -> vector<1024x128xf32>
    %shift_left3A_7 = arith.constant 16 : i32
    %shift_left3A_8 = vector.broadcast %shift_left3A_7 : i32 to vector<1024x128xi32>
    %shift_left3A_9 = arith.shli %get3A_4, %shift_left3A_8 : vector<1024x128xi32>
    %bitcast_convert_type3A_10 = tpu.bitcast %shift_left3A_9 : vector<1024x128xi32> -> vector<1024x128xf32>
    %add3A = arith.addf %bitcast_convert_type3A, %bitcast_convert_type3A_10 : vector<1024x128xf32>
    %get3A_11 = arith.constant 0 : index
    %get3A_12 = arith.constant 0 : index
    %get3A_13 = vector.load %arg3[%get3A_11, %get3A_12] : memref<1x128xf32, #tpu.memory_space<vmem>>, vector<1x128xf32>
    %add3A_14 = vector.broadcast %get3A_13 : vector<1x128xf32> to vector<1024x128xf32>
    %add3A_15 = arith.addf %add3A, %add3A_14 : vector<1024x128xf32>
    %max3A = arith.constant 0.000000e+00 : f32
    %max3A_16 = vector.broadcast %max3A : f32 to vector<1024x128xf32>
    %max3A_17 = arith.maximumf %add3A_15, %max3A_16 : vector<1024x128xf32>
    %and3A = arith.constant -65536 : i32
    %and3A_18 = vector.broadcast %and3A : i32 to vector<1024x128xi32>
    %and3A_19 = arith.andi %get3A_1, %and3A_18 : vector<1024x128xi32>
    %bitcast_convert_type3A_20 = tpu.bitcast %and3A_19 : vector<1024x128xi32> -> vector<1024x128xf32>
    %and3A_21 = arith.constant -65536 : i32
    %and3A_22 = vector.broadcast %and3A_21 : i32 to vector<1024x128xi32>
    %and3A_23 = arith.andi %get3A_4, %and3A_22 : vector<1024x128xi32>
    %bitcast_convert_type3A_24 = tpu.bitcast %and3A_23 : vector<1024x128xi32> -> vector<1024x128xf32>
    %add3A_25 = arith.addf %bitcast_convert_type3A_20, %bitcast_convert_type3A_24 : vector<1024x128xf32>
    %get3A_26 = arith.constant 0 : index
    %get3A_27 = arith.constant 0 : index
    %get3A_28 = vector.load %arg4[%get3A_26, %get3A_27] : memref<1x128xf32, #tpu.memory_space<vmem>>, vector<1x128xf32>
    %add3A_29 = vector.broadcast %get3A_28 : vector<1x128xf32> to vector<1024x128xf32>
    %add3A_30 = arith.addf %add3A_25, %add3A_29 : vector<1024x128xf32>
    %max3A_31 = arith.constant 0.000000e+00 : f32
    %max3A_32 = vector.broadcast %max3A_31 : f32 to vector<1024x128xf32>
    %max3A_33 = arith.maximumf %add3A_30, %max3A_32 : vector<1024x128xf32>
    %convert_element_type3A = arith.truncf %max3A_17 : vector<1024x128xf32> to vector<1024x128xbf16>
    %get3A_34 = arith.constant 0 : index
    %get3A_35 = arith.constant 0 : index
    %get3A_36 = vector.load %arg5[%get3A_34, %get3A_35] : memref<128x256xbf16, #tpu.memory_space<vmem>>, vector<128x256xbf16>
    %dot_general3A = arith.constant dense<0.000000e+00> : vector<1024x256xf32>
    %dot_general3A_37 = tpu.matmul %convert_element_type3A, %get3A_36, %dot_general3A {dimension_numbers = #tpu.dot_dimension_numbers<[1], [0], [0], [1], [0, 0, 1, 1], [], []>, transpose_lhs_hint = false} : vector<1024x128xbf16>, vector<128x256xbf16>, vector<1024x256xf32> -> vector<1024x256xf32>
    %convert_element_type3A_38 = arith.truncf %max3A_33 : vector<1024x128xf32> to vector<1024x128xbf16>
    %get3A_39 = arith.constant 0 : index
    %get3A_40 = arith.constant 0 : index
    %get3A_41 = vector.load %arg6[%get3A_39, %get3A_40] : memref<128x256xbf16, #tpu.memory_space<vmem>>, vector<128x256xbf16>
    %dot_general3A_42 = arith.constant dense<0.000000e+00> : vector<1024x256xf32>
    %dot_general3A_43 = tpu.matmul %convert_element_type3A_38, %get3A_41, %dot_general3A_42 {dimension_numbers = #tpu.dot_dimension_numbers<[1], [0], [0], [1], [0, 0, 1, 1], [], []>, transpose_lhs_hint = false} : vector<1024x128xbf16>, vector<128x256xbf16>, vector<1024x256xf32> -> vector<1024x256xf32>
    %add3A_44 = arith.addf %dot_general3A_37, %dot_general3A_43 : vector<1024x256xf32>
    %get3A_45 = arith.constant 0 : index
    %get3A_46 = arith.constant 0 : index
    %get3A_47 = vector.load %arg7[%get3A_45, %get3A_46] : memref<1x256xf32, #tpu.memory_space<vmem>>, vector<1x256xf32>
    %add3A_48 = vector.broadcast %get3A_47 : vector<1x256xf32> to vector<1024x256xf32>
    %add3A_49 = arith.addf %add3A_44, %add3A_48 : vector<1024x256xf32>
    %max3A_50 = arith.constant 0.000000e+00 : f32
    %max3A_51 = vector.broadcast %max3A_50 : f32 to vector<1024x256xf32>
    %max3A_52 = arith.maximumf %add3A_49, %max3A_51 : vector<1024x256xf32>
    %convert_element_type3A_53 = arith.truncf %max3A_52 : vector<1024x256xf32> to vector<1024x256xbf16>
    %get3A_54 = arith.constant 0 : index
    %get3A_55 = arith.constant 0 : index
    %get3A_56 = vector.load %arg8[%get3A_54, %get3A_55] : memref<256x256xbf16, #tpu.memory_space<vmem>>, vector<256x256xbf16>
    %dot_general3A_57 = arith.constant dense<0.000000e+00> : vector<1024x256xf32>
    %dot_general3A_58 = tpu.matmul %convert_element_type3A_53, %get3A_56, %dot_general3A_57 {dimension_numbers = #tpu.dot_dimension_numbers<[1], [0], [0], [1], [0, 0, 1, 1], [], []>, transpose_lhs_hint = false} : vector<1024x256xbf16>, vector<256x256xbf16>, vector<1024x256xf32> -> vector<1024x256xf32>
    %get3A_59 = arith.constant 0 : index
    %get3A_60 = arith.constant 0 : index
    %get3A_61 = vector.load %arg9[%get3A_59, %get3A_60] : memref<1x256xf32, #tpu.memory_space<vmem>>, vector<1x256xf32>
    %add3A_62 = vector.broadcast %get3A_61 : vector<1x256xf32> to vector<1024x256xf32>
    %add3A_63 = arith.addf %dot_general3A_58, %add3A_62 : vector<1024x256xf32>
    %max3A_64 = arith.constant 0.000000e+00 : f32
    %max3A_65 = vector.broadcast %max3A_64 : f32 to vector<1024x256xf32>
    %max3A_66 = arith.maximumf %add3A_63, %max3A_65 : vector<1024x256xf32>
    %convert_element_type3A_67 = arith.truncf %max3A_66 : vector<1024x256xf32> to vector<1024x256xbf16>
    %get3A_68 = arith.constant 0 : index
    %get3A_69 = arith.constant 0 : index
    %get3A_70 = vector.load %arg10[%get3A_68, %get3A_69] : memref<256x256xbf16, #tpu.memory_space<vmem>>, vector<256x256xbf16>
    %dot_general3A_71 = arith.constant dense<0.000000e+00> : vector<1024x256xf32>
    %dot_general3A_72 = tpu.matmul %convert_element_type3A_67, %get3A_70, %dot_general3A_71 {dimension_numbers = #tpu.dot_dimension_numbers<[1], [0], [0], [1], [0, 0, 1, 1], [], []>, transpose_lhs_hint = false} : vector<1024x256xbf16>, vector<256x256xbf16>, vector<1024x256xf32> -> vector<1024x256xf32>
    %get3A_73 = arith.constant 0 : index
    %get3A_74 = arith.constant 0 : index
    %get3A_75 = vector.load %arg11[%get3A_73, %get3A_74] : memref<1x256xf32, #tpu.memory_space<vmem>>, vector<1x256xf32>
    %add3A_76 = vector.broadcast %get3A_75 : vector<1x256xf32> to vector<1024x256xf32>
    %add3A_77 = arith.addf %dot_general3A_72, %add3A_76 : vector<1024x256xf32>
    %swap3A = arith.constant 0 : index
    %swap3A_78 = arith.constant 0 : index
    %swap3A_79 = vector.load %arg12[%swap3A, %swap3A_78] : memref<1024x256xf32, #tpu.memory_space<vmem>>, vector<1024x256xf32>
    tpu.vector_store %arg12[%swap3A, %swap3A_78], %add3A_77 {strides = array<i32>} : memref<1024x256xf32, #tpu.memory_space<vmem>>, vector<1024x256xf32>,
    return
  }
  func.func @transform_0(%arg0: i32) -> (i32, i32) {
    %c0_i32 = arith.constant 0 : i32
    %c0_i32_0 = arith.constant 0 : i32
    return %arg0, %c0_i32 : i32, i32
  }
  func.func @transform_1(%arg0: i32) -> (i32, i32) {
    %c0_i32 = arith.constant 0 : i32
    %c0_i32_0 = arith.constant 0 : i32
    return %arg0, %c0_i32 : i32, i32
  }
  func.func @transform_2(%arg0: i32) -> (i32, i32) {
    %c0_i32 = arith.constant 0 : i32
    %c0_i32_0 = arith.constant 0 : i32
    %c0_i32_1 = arith.constant 0 : i32
    return %c0_i32, %c0_i32_0 : i32, i32
  }
  func.func @transform_3(%arg0: i32) -> (i32, i32) {
    %c0_i32 = arith.constant 0 : i32
    %c0_i32_0 = arith.constant 0 : i32
    %c0_i32_1 = arith.constant 0 : i32
    return %c0_i32, %c0_i32_0 : i32, i32
  }
  func.func @transform_4(%arg0: i32) -> (i32, i32) {
    %c0_i32 = arith.constant 0 : i32
    %c0_i32_0 = arith.constant 0 : i32
    %c0_i32_1 = arith.constant 0 : i32
    return %c0_i32, %c0_i32_0 : i32, i32
  }
  func.func @transform_5(%arg0: i32) -> (i32, i32) {
    %c0_i32 = arith.constant 0 : i32
    %c0_i32_0 = arith.constant 0 : i32
    %c0_i32_1 = arith.constant 0 : i32
    return %c0_i32, %c0_i32_0 : i32, i32
  }
  func.func @transform_6(%arg0: i32) -> (i32, i32) {
    %c0_i32 = arith.constant 0 : i32
    %c0_i32_0 = arith.constant 0 : i32
    %c0_i32_1 = arith.constant 0 : i32
    return %c0_i32, %c0_i32_0 : i32, i32
  }
  func.func @transform_7(%arg0: i32) -> (i32, i32) {
    %c0_i32 = arith.constant 0 : i32
    %c0_i32_0 = arith.constant 0 : i32
    %c0_i32_1 = arith.constant 0 : i32
    return %c0_i32, %c0_i32_0 : i32, i32
  }
  func.func @transform_8(%arg0: i32) -> (i32, i32) {
    %c0_i32 = arith.constant 0 : i32
    %c0_i32_0 = arith.constant 0 : i32
    %c0_i32_1 = arith.constant 0 : i32
    return %c0_i32, %c0_i32_0 : i32, i32
  }
  func.func @transform_9(%arg0: i32) -> (i32, i32) {
    %c0_i32 = arith.constant 0 : i32
    %c0_i32_0 = arith.constant 0 : i32
    %c0_i32_1 = arith.constant 0 : i32
    return %c0_i32, %c0_i32_0 : i32, i32
  }
  func.func @transform_10(%arg0: i32) -> (i32, i32) {
    %c0_i32 = arith.constant 0 : i32
    %c0_i32_0 = arith.constant 0 : i32
    %c0_i32_1 = arith.constant 0 : i32
    return %c0_i32, %c0_i32_0 : i32, i32
  }
  func.func @transform_11(%arg0: i32) -> (i32, i32) {
    %c0_i32 = arith.constant 0 : i32
    %c0_i32_0 = arith.constant 0 : i32
    return %arg0, %c0_i32 : i32, i32
  }
}

module attributes {stable_mosaic.version = 14 : i64} {
  func.func @_node_body(%arg0: i32, %arg1: memref<512x32xf32, #tpu.memory_space<vmem>>, %arg2: memref<512x32xf32, #tpu.memory_space<vmem>>, %arg3: memref<512x32xf32, #tpu.memory_space<vmem>>, %arg4: memref<512x32xf32, #tpu.memory_space<vmem>>, %arg5: memref<512x32xf32, #tpu.memory_space<vmem>>, %arg6: memref<1x1x512xi32, #tpu.memory_space<vmem>>, %arg7: memref<32x32xf32, #tpu.memory_space<vmem>>, %arg8: memref<32x32xf32, #tpu.memory_space<vmem>>, %arg9: memref<1x32xf32, #tpu.memory_space<vmem>>, %arg10: memref<32x32xf32, #tpu.memory_space<vmem>>, %arg11: memref<1x32xf32, #tpu.memory_space<vmem>>, %arg12: memref<32x32xf32, #tpu.memory_space<vmem>>, %arg13: memref<1x32xf32, #tpu.memory_space<vmem>>, %arg14: memref<32x32xf32, #tpu.memory_space<vmem>>, %arg15: memref<1x32xf32, #tpu.memory_space<vmem>>, %arg16: memref<32x128xf32, #tpu.memory_space<vmem>>, %arg17: memref<32x128xf32, #tpu.memory_space<vmem>>, %arg18: memref<1x128xf32, #tpu.memory_space<vmem>>, %arg19: memref<32x32xf32, #tpu.memory_space<vmem>>, %arg20: memref<32x32xf32, #tpu.memory_space<vmem>>, %arg21: memref<32x9xf32, #tpu.memory_space<vmem>>, %arg22: memref<1x9xf32, #tpu.memory_space<vmem>>, %arg23: memref<512x32xf32, #tpu.memory_space<vmem>>, %arg24: memref<512x32xf32, #tpu.memory_space<vmem>>, %arg25: memref<512x16xi32, #tpu.memory_space<vmem>>, %arg26: memref<512x16xi32, #tpu.memory_space<vmem>>, %arg27: memref<1x1xf32, #tpu.memory_space<vmem>>) attributes {dimension_semantics = [#tpu.dimension_semantics<arbitrary>], iteration_bounds = array<i64: 98>, scalar_prefetch = 0 : i64, scratch_operands = 0 : i64, tpu.core_type = #tpu.core_type<tc>, window_params = [{transform_indices = @transform_0, window_bounds = array<i64: 512, 32>}, {transform_indices = @transform_1, window_bounds = array<i64: 512, 32>}, {transform_indices = @transform_2, window_bounds = array<i64: 512, 32>}, {transform_indices = @transform_3, window_bounds = array<i64: 512, 32>}, {transform_indices = @transform_4, window_bounds = array<i64: 512, 32>}, {transform_indices = @transform_5, window_bounds = array<i64: 1, 1, 512>}, {pipeline_mode = #tpu.pipeline_mode<synchronous>, transform_indices = @transform_6, window_bounds = array<i64: 32, 32>}, {pipeline_mode = #tpu.pipeline_mode<synchronous>, transform_indices = @transform_7, window_bounds = array<i64: 32, 32>}, {pipeline_mode = #tpu.pipeline_mode<synchronous>, transform_indices = @transform_8, window_bounds = array<i64: 1, 32>}, {pipeline_mode = #tpu.pipeline_mode<synchronous>, transform_indices = @transform_9, window_bounds = array<i64: 32, 32>}, {pipeline_mode = #tpu.pipeline_mode<synchronous>, transform_indices = @transform_10, window_bounds = array<i64: 1, 32>}, {pipeline_mode = #tpu.pipeline_mode<synchronous>, transform_indices = @transform_11, window_bounds = array<i64: 32, 32>}, {pipeline_mode = #tpu.pipeline_mode<synchronous>, transform_indices = @transform_12, window_bounds = array<i64: 1, 32>}, {pipeline_mode = #tpu.pipeline_mode<synchronous>, transform_indices = @transform_13, window_bounds = array<i64: 32, 32>}, {pipeline_mode = #tpu.pipeline_mode<synchronous>, transform_indices = @transform_14, window_bounds = array<i64: 1, 32>}, {pipeline_mode = #tpu.pipeline_mode<synchronous>, transform_indices = @transform_15, window_bounds = array<i64: 32, 128>}, {pipeline_mode = #tpu.pipeline_mode<synchronous>, transform_indices = @transform_16, window_bounds = array<i64: 32, 128>}, {pipeline_mode = #tpu.pipeline_mode<synchronous>, transform_indices = @transform_17, window_bounds = array<i64: 1, 128>}, {pipeline_mode = #tpu.pipeline_mode<synchronous>, transform_indices = @transform_18, window_bounds = array<i64: 32, 32>}, {pipeline_mode = #tpu.pipeline_mode<synchronous>, transform_indices = @transform_19, window_bounds = array<i64: 32, 32>}, {pipeline_mode = #tpu.pipeline_mode<synchronous>, transform_indices = @transform_20, window_bounds = array<i64: 32, 9>}, {pipeline_mode = #tpu.pipeline_mode<synchronous>, transform_indices = @transform_21, window_bounds = array<i64: 1, 9>}, {transform_indices = @transform_22, window_bounds = array<i64: 512, 32>}, {transform_indices = @transform_23, window_bounds = array<i64: 512, 32>}, {transform_indices = @transform_24, window_bounds = array<i64: 512, 16>}, {transform_indices = @transform_25, window_bounds = array<i64: 512, 16>}, {pipeline_mode = #tpu.pipeline_mode<synchronous>, transform_indices = @transform_26, window_bounds = array<i64: 1, 1>}]} {
    %get3A = arith.constant 0 : index
    %get3A_0 = arith.constant 0 : index
    %get3A_1 = vector.load %arg1[%get3A, %get3A_0] : memref<512x32xf32, #tpu.memory_space<vmem>>, vector<512x32xf32>
    %get3A_2 = arith.constant 0 : index
    %get3A_3 = arith.constant 0 : index
    %get3A_4 = vector.load %arg2[%get3A_2, %get3A_3] : memref<512x32xf32, #tpu.memory_space<vmem>>, vector<512x32xf32>
    %add3A = arith.addf %get3A_1, %get3A_4 : vector<512x32xf32>
    %get3A_5 = arith.constant 0 : index
    %get3A_6 = arith.constant 0 : index
    %get3A_7 = vector.load %arg3[%get3A_5, %get3A_6] : memref<512x32xf32, #tpu.memory_space<vmem>>, vector<512x32xf32>
    %get3A_8 = arith.constant 0 : index
    %get3A_9 = arith.constant 0 : index
    %get3A_10 = vector.load %arg7[%get3A_8, %get3A_9] : memref<32x32xf32, #tpu.memory_space<vmem>>, vector<32x32xf32>
    %dot_general3A = arith.constant dense<0.000000e+00> : vector<512x32xf32>
    %dot_general3A_11 = tpu.matmul %add3A, %get3A_10, %dot_general3A {dimension_numbers = #tpu.dot_dimension_numbers<[1], [0], [0], [1], [0, 0, 1, 1], [], []>, transpose_lhs_hint = false} : vector<512x32xf32>, vector<32x32xf32>, vector<512x32xf32> -> vector<512x32xf32>
    %get3A_12 = arith.constant 0 : index
    %get3A_13 = arith.constant 0 : index
    %get3A_14 = vector.load %arg8[%get3A_12, %get3A_13] : memref<32x32xf32, #tpu.memory_space<vmem>>, vector<32x32xf32>
    %dot_general3A_15 = arith.constant dense<0.000000e+00> : vector<512x32xf32>
    %dot_general3A_16 = tpu.matmul %get3A_7, %get3A_14, %dot_general3A_15 {dimension_numbers = #tpu.dot_dimension_numbers<[1], [0], [0], [1], [0, 0, 1, 1], [], []>, transpose_lhs_hint = false} : vector<512x32xf32>, vector<32x32xf32>, vector<512x32xf32> -> vector<512x32xf32>
    %add3A_17 = arith.addf %dot_general3A_11, %dot_general3A_16 : vector<512x32xf32>
    %get3A_18 = arith.constant 0 : index
    %get3A_19 = arith.constant 0 : index
    %get3A_20 = vector.load %arg9[%get3A_18, %get3A_19] : memref<1x32xf32, #tpu.memory_space<vmem>>, vector<1x32xf32>
    %add3A_21 = vector.broadcast %get3A_20 : vector<1x32xf32> to vector<512x32xf32>
    %add3A_22 = arith.addf %add3A_17, %add3A_21 : vector<512x32xf32>
    %max3A = arith.constant 0.000000e+00 : f32
    %max3A_23 = vector.broadcast %max3A : f32 to vector<512x32xf32>
    %max3A_24 = arith.maximumf %add3A_22, %max3A_23 : vector<512x32xf32>
    %get3A_25 = arith.constant 0 : index
    %get3A_26 = arith.constant 0 : index
    %get3A_27 = vector.load %arg10[%get3A_25, %get3A_26] : memref<32x32xf32, #tpu.memory_space<vmem>>, vector<32x32xf32>
    %dot_general3A_28 = arith.constant dense<0.000000e+00> : vector<512x32xf32>
    %dot_general3A_29 = tpu.matmul %max3A_24, %get3A_27, %dot_general3A_28 {dimension_numbers = #tpu.dot_dimension_numbers<[1], [0], [0], [1], [0, 0, 1, 1], [], []>, transpose_lhs_hint = false} : vector<512x32xf32>, vector<32x32xf32>, vector<512x32xf32> -> vector<512x32xf32>
    %get3A_30 = arith.constant 0 : index
    %get3A_31 = arith.constant 0 : index
    %get3A_32 = vector.load %arg11[%get3A_30, %get3A_31] : memref<1x32xf32, #tpu.memory_space<vmem>>, vector<1x32xf32>
    %add3A_33 = vector.broadcast %get3A_32 : vector<1x32xf32> to vector<512x32xf32>
    %add3A_34 = arith.addf %dot_general3A_29, %add3A_33 : vector<512x32xf32>
    %max3A_35 = arith.constant 0.000000e+00 : f32
    %max3A_36 = vector.broadcast %max3A_35 : f32 to vector<512x32xf32>
    %max3A_37 = arith.maximumf %add3A_34, %max3A_36 : vector<512x32xf32>
    %get3A_38 = arith.constant 0 : index
    %get3A_39 = arith.constant 0 : index
    %get3A_40 = vector.load %arg12[%get3A_38, %get3A_39] : memref<32x32xf32, #tpu.memory_space<vmem>>, vector<32x32xf32>
    %dot_general3A_41 = arith.constant dense<0.000000e+00> : vector<512x32xf32>
    %dot_general3A_42 = tpu.matmul %max3A_37, %get3A_40, %dot_general3A_41 {dimension_numbers = #tpu.dot_dimension_numbers<[1], [0], [0], [1], [0, 0, 1, 1], [], []>, transpose_lhs_hint = false} : vector<512x32xf32>, vector<32x32xf32>, vector<512x32xf32> -> vector<512x32xf32>
    %get3A_43 = arith.constant 0 : index
    %get3A_44 = arith.constant 0 : index
    %get3A_45 = vector.load %arg13[%get3A_43, %get3A_44] : memref<1x32xf32, #tpu.memory_space<vmem>>, vector<1x32xf32>
    %add3A_46 = vector.broadcast %get3A_45 : vector<1x32xf32> to vector<512x32xf32>
    %add3A_47 = arith.addf %dot_general3A_42, %add3A_46 : vector<512x32xf32>
    %max3A_48 = arith.constant 0.000000e+00 : f32
    %max3A_49 = vector.broadcast %max3A_48 : f32 to vector<512x32xf32>
    %max3A_50 = arith.maximumf %add3A_47, %max3A_49 : vector<512x32xf32>
    %get3A_51 = arith.constant 0 : index
    %get3A_52 = arith.constant 0 : index
    %get3A_53 = vector.load %arg14[%get3A_51, %get3A_52] : memref<32x32xf32, #tpu.memory_space<vmem>>, vector<32x32xf32>
    %dot_general3A_54 = arith.constant dense<0.000000e+00> : vector<512x32xf32>
    %dot_general3A_55 = tpu.matmul %max3A_50, %get3A_53, %dot_general3A_54 {dimension_numbers = #tpu.dot_dimension_numbers<[1], [0], [0], [1], [0, 0, 1, 1], [], []>, transpose_lhs_hint = false} : vector<512x32xf32>, vector<32x32xf32>, vector<512x32xf32> -> vector<512x32xf32>
    %get3A_56 = arith.constant 0 : index
    %get3A_57 = arith.constant 0 : index
    %get3A_58 = vector.load %arg15[%get3A_56, %get3A_57] : memref<1x32xf32, #tpu.memory_space<vmem>>, vector<1x32xf32>
    %add3A_59 = vector.broadcast %get3A_58 : vector<1x32xf32> to vector<512x32xf32>
    %add3A_60 = arith.addf %dot_general3A_55, %add3A_59 : vector<512x32xf32>
    %get3A_61 = arith.constant 0 : index
    %get3A_62 = arith.constant 0 : index
    %get3A_63 = vector.load %arg16[%get3A_61, %get3A_62] : memref<32x128xf32, #tpu.memory_space<vmem>>, vector<32x128xf32>
    %dot_general3A_64 = arith.constant dense<0.000000e+00> : vector<512x128xf32>
    %dot_general3A_65 = tpu.matmul %add3A_60, %get3A_63, %dot_general3A_64 {dimension_numbers = #tpu.dot_dimension_numbers<[1], [0], [0], [1], [0, 0, 1, 1], [], []>, transpose_lhs_hint = false} : vector<512x32xf32>, vector<32x128xf32>, vector<512x128xf32> -> vector<512x128xf32>
    %get3A_66 = arith.constant 0 : index
    %get3A_67 = arith.constant 0 : index
    %get3A_68 = vector.load %arg5[%get3A_66, %get3A_67] : memref<512x32xf32, #tpu.memory_space<vmem>>, vector<512x32xf32>
    %get3A_69 = arith.constant 0 : index
    %get3A_70 = arith.constant 0 : index
    %get3A_71 = vector.load %arg17[%get3A_69, %get3A_70] : memref<32x128xf32, #tpu.memory_space<vmem>>, vector<32x128xf32>
    %dot_general3A_72 = arith.constant dense<0.000000e+00> : vector<512x128xf32>
    %dot_general3A_73 = tpu.matmul %get3A_68, %get3A_71, %dot_general3A_72 {dimension_numbers = #tpu.dot_dimension_numbers<[1], [0], [0], [1], [0, 0, 1, 1], [], []>, transpose_lhs_hint = false} : vector<512x32xf32>, vector<32x128xf32>, vector<512x128xf32> -> vector<512x128xf32>
    %add3A_74 = arith.addf %dot_general3A_65, %dot_general3A_73 : vector<512x128xf32>
    %get3A_75 = arith.constant 0 : index
    %get3A_76 = arith.constant 0 : index
    %get3A_77 = vector.load %arg18[%get3A_75, %get3A_76] : memref<1x128xf32, #tpu.memory_space<vmem>>, vector<1x128xf32>
    %add3A_78 = vector.broadcast %get3A_77 : vector<1x128xf32> to vector<512x128xf32>
    %add3A_79 = arith.addf %add3A_74, %add3A_78 : vector<512x128xf32>
    %slice3A = vector.extract_strided_slice %add3A_79 {offsets = [0, 0], sizes = [512, 32], strides = [1, 1]} : vector<512x128xf32> to vector<512x32xf32>
    %slice3A_80 = vector.extract_strided_slice %add3A_79 {offsets = [0, 32], sizes = [512, 32], strides = [1, 1]} : vector<512x128xf32> to vector<512x32xf32>
    %slice3A_81 = vector.extract_strided_slice %add3A_79 {offsets = [0, 64], sizes = [512, 32], strides = [1, 1]} : vector<512x128xf32> to vector<512x32xf32>
    %slice3A_82 = vector.extract_strided_slice %add3A_79 {offsets = [0, 96], sizes = [512, 32], strides = [1, 1]} : vector<512x128xf32> to vector<512x32xf32>
    %get3A_83 = arith.constant 0 : index
    %get3A_84 = arith.constant 0 : index
    %get3A_85 = vector.load %arg4[%get3A_83, %get3A_84] : memref<512x32xf32, #tpu.memory_space<vmem>>, vector<512x32xf32>
    %add3A_86 = arith.constant 1.000000e+00 : f32
    %add3A_87 = vector.broadcast %add3A_86 : f32 to vector<512x32xf32>
    %add3A_88 = arith.addf %slice3A_81, %add3A_87 : vector<512x32xf32>
    %neg3A = arith.constant 0.000000e+00 : f32
    %neg3A_89 = vector.broadcast %neg3A : f32 to vector<512x32xf32>
    %neg3A_90 = arith.subf %neg3A_89, %add3A_88 : vector<512x32xf32>
    %exp3A = math.exp %neg3A_90 : vector<512x32xf32>
    %add3A_91 = arith.constant 1.000000e+00 : f32
    %add3A_92 = vector.broadcast %add3A_91 : f32 to vector<512x32xf32>
    %add3A_93 = arith.addf %add3A_92, %exp3A : vector<512x32xf32>
    %div3A = arith.constant 1.000000e+00 : f32
    %div3A_94 = vector.broadcast %div3A : f32 to vector<512x32xf32>
    %div3A_95 = arith.divf %div3A_94, %add3A_93 : vector<512x32xf32>
    %mul3A = arith.mulf %get3A_85, %div3A_95 : vector<512x32xf32>
    %neg3A_96 = arith.constant 0.000000e+00 : f32
    %neg3A_97 = vector.broadcast %neg3A_96 : f32 to vector<512x32xf32>
    %neg3A_98 = arith.subf %neg3A_97, %slice3A : vector<512x32xf32>
    %exp3A_99 = math.exp %neg3A_98 : vector<512x32xf32>
    %add3A_100 = arith.constant 1.000000e+00 : f32
    %add3A_101 = vector.broadcast %add3A_100 : f32 to vector<512x32xf32>
    %add3A_102 = arith.addf %add3A_101, %exp3A_99 : vector<512x32xf32>
    %div3A_103 = arith.constant 1.000000e+00 : f32
    %div3A_104 = vector.broadcast %div3A_103 : f32 to vector<512x32xf32>
    %div3A_105 = arith.divf %div3A_104, %add3A_102 : vector<512x32xf32>
    %tanh3A = math.tanh %slice3A_80 : vector<512x32xf32>
    %mul3A_106 = arith.mulf %div3A_105, %tanh3A : vector<512x32xf32>
    %add3A_107 = arith.addf %mul3A, %mul3A_106 : vector<512x32xf32>
    %neg3A_108 = arith.constant 0.000000e+00 : f32
    %neg3A_109 = vector.broadcast %neg3A_108 : f32 to vector<512x32xf32>
    %neg3A_110 = arith.subf %neg3A_109, %slice3A_82 : vector<512x32xf32>
    %exp3A_111 = math.exp %neg3A_110 : vector<512x32xf32>
    %add3A_112 = arith.constant 1.000000e+00 : f32
    %add3A_113 = vector.broadcast %add3A_112 : f32 to vector<512x32xf32>
    %add3A_114 = arith.addf %add3A_113, %exp3A_111 : vector<512x32xf32>
    %div3A_115 = arith.constant 1.000000e+00 : f32
    %div3A_116 = vector.broadcast %div3A_115 : f32 to vector<512x32xf32>
    %div3A_117 = arith.divf %div3A_116, %add3A_114 : vector<512x32xf32>
    %tanh3A_118 = math.tanh %add3A_107 : vector<512x32xf32>
    %mul3A_119 = arith.mulf %div3A_117, %tanh3A_118 : vector<512x32xf32>
    %swap3A = arith.constant 0 : index
    %swap3A_120 = arith.constant 0 : index
    %swap3A_121 = vector.load %arg23[%swap3A, %swap3A_120] : memref<512x32xf32, #tpu.memory_space<vmem>>, vector<512x32xf32>
    tpu.vector_store %arg23[%swap3A, %swap3A_120], %add3A_107 {strides = array<i32>} : memref<512x32xf32, #tpu.memory_space<vmem>>, vector<512x32xf32>,
    %swap3A_122 = arith.constant 0 : index
    %swap3A_123 = arith.constant 0 : index
    %swap3A_124 = vector.load %arg24[%swap3A_122, %swap3A_123] : memref<512x32xf32, #tpu.memory_space<vmem>>, vector<512x32xf32>
    tpu.vector_store %arg24[%swap3A_122, %swap3A_123], %mul3A_119 {strides = array<i32>} : memref<512x32xf32, #tpu.memory_space<vmem>>, vector<512x32xf32>,
    %get3A_125 = arith.constant 0 : index
    %get3A_126 = arith.constant 0 : index
    %get3A_127 = vector.load %arg19[%get3A_125, %get3A_126] : memref<32x32xf32, #tpu.memory_space<vmem>>, vector<32x32xf32>
    %dot_general3A_128 = arith.constant dense<0.000000e+00> : vector<512x32xf32>
    %dot_general3A_129 = tpu.matmul %mul3A_119, %get3A_127, %dot_general3A_128 {dimension_numbers = #tpu.dot_dimension_numbers<[1], [0], [0], [1], [0, 0, 1, 1], [], []>, transpose_lhs_hint = false} : vector<512x32xf32>, vector<32x32xf32>, vector<512x32xf32> -> vector<512x32xf32>
    %slice3A_130 = vector.extract_strided_slice %dot_general3A_129 {offsets = [0, 0], sizes = [512, 16], strides = [1, 1]} : vector<512x32xf32> to vector<512x16xf32>
    %bitcast_convert_type3A = tpu.bitcast %slice3A_130 : vector<512x16xf32> -> vector<512x16xi32>
    %slice3A_131 = vector.extract_strided_slice %dot_general3A_129 {offsets = [0, 16], sizes = [512, 16], strides = [1, 1]} : vector<512x32xf32> to vector<512x16xf32>
    %bitcast_convert_type3A_132 = tpu.bitcast %slice3A_131 : vector<512x16xf32> -> vector<512x16xi32>
    %add3A_133 = arith.constant 32767 : i32
    %add3A_134 = vector.broadcast %add3A_133 : i32 to vector<512x16xi32>
    %add3A_135 = arith.addi %bitcast_convert_type3A, %add3A_134 : vector<512x16xi32>
    %shift_right_arithmetic3A = arith.constant 16 : i32
    %shift_right_arithmetic3A_136 = vector.broadcast %shift_right_arithmetic3A : i32 to vector<512x16xi32>
    %shift_right_arithmetic3A_137 = arith.shrsi %bitcast_convert_type3A, %shift_right_arithmetic3A_136 : vector<512x16xi32>
    %and3A = arith.constant 1 : i32
    %and3A_138 = vector.broadcast %and3A : i32 to vector<512x16xi32>
    %and3A_139 = arith.andi %shift_right_arithmetic3A_137, %and3A_138 : vector<512x16xi32>
    %add3A_140 = arith.addi %add3A_135, %and3A_139 : vector<512x16xi32>
    %shift_right_arithmetic3A_141 = arith.constant 16 : i32
    %shift_right_arithmetic3A_142 = vector.broadcast %shift_right_arithmetic3A_141 : i32 to vector<512x16xi32>
    %shift_right_arithmetic3A_143 = arith.shrsi %add3A_140, %shift_right_arithmetic3A_142 : vector<512x16xi32>
    %add3A_144 = arith.constant 32767 : i32
    %add3A_145 = vector.broadcast %add3A_144 : i32 to vector<512x16xi32>
    %add3A_146 = arith.addi %bitcast_convert_type3A_132, %add3A_145 : vector<512x16xi32>
    %shift_right_arithmetic3A_147 = arith.constant 16 : i32
    %shift_right_arithmetic3A_148 = vector.broadcast %shift_right_arithmetic3A_147 : i32 to vector<512x16xi32>
    %shift_right_arithmetic3A_149 = arith.shrsi %bitcast_convert_type3A_132, %shift_right_arithmetic3A_148 : vector<512x16xi32>
    %and3A_150 = arith.constant 1 : i32
    %and3A_151 = vector.broadcast %and3A_150 : i32 to vector<512x16xi32>
    %and3A_152 = arith.andi %shift_right_arithmetic3A_149, %and3A_151 : vector<512x16xi32>
    %add3A_153 = arith.addi %add3A_146, %and3A_152 : vector<512x16xi32>
    %and3A_154 = arith.constant -65536 : i32
    %and3A_155 = vector.broadcast %and3A_154 : i32 to vector<512x16xi32>
    %and3A_156 = arith.andi %add3A_153, %and3A_155 : vector<512x16xi32>
    %and3A_157 = arith.constant 65535 : i32
    %and3A_158 = vector.broadcast %and3A_157 : i32 to vector<512x16xi32>
    %and3A_159 = arith.andi %shift_right_arithmetic3A_143, %and3A_158 : vector<512x16xi32>
    %or3A = arith.ori %and3A_159, %and3A_156 : vector<512x16xi32>
    %swap3A_160 = arith.constant 0 : index
    %swap3A_161 = arith.constant 0 : index
    %swap3A_162 = vector.load %arg25[%swap3A_160, %swap3A_161] : memref<512x16xi32, #tpu.memory_space<vmem>>, vector<512x16xi32>
    tpu.vector_store %arg25[%swap3A_160, %swap3A_161], %or3A {strides = array<i32>} : memref<512x16xi32, #tpu.memory_space<vmem>>, vector<512x16xi32>,
    %get3A_163 = arith.constant 0 : index
    %get3A_164 = arith.constant 0 : index
    %get3A_165 = vector.load %arg20[%get3A_163, %get3A_164] : memref<32x32xf32, #tpu.memory_space<vmem>>, vector<32x32xf32>
    %dot_general3A_166 = arith.constant dense<0.000000e+00> : vector<512x32xf32>
    %dot_general3A_167 = tpu.matmul %mul3A_119, %get3A_165, %dot_general3A_166 {dimension_numbers = #tpu.dot_dimension_numbers<[1], [0], [0], [1], [0, 0, 1, 1], [], []>, transpose_lhs_hint = false} : vector<512x32xf32>, vector<32x32xf32>, vector<512x32xf32> -> vector<512x32xf32>
    %slice3A_168 = vector.extract_strided_slice %dot_general3A_167 {offsets = [0, 0], sizes = [512, 16], strides = [1, 1]} : vector<512x32xf32> to vector<512x16xf32>
    %bitcast_convert_type3A_169 = tpu.bitcast %slice3A_168 : vector<512x16xf32> -> vector<512x16xi32>
    %slice3A_170 = vector.extract_strided_slice %dot_general3A_167 {offsets = [0, 16], sizes = [512, 16], strides = [1, 1]} : vector<512x32xf32> to vector<512x16xf32>
    %bitcast_convert_type3A_171 = tpu.bitcast %slice3A_170 : vector<512x16xf32> -> vector<512x16xi32>
    %add3A_172 = arith.constant 32767 : i32
    %add3A_173 = vector.broadcast %add3A_172 : i32 to vector<512x16xi32>
    %add3A_174 = arith.addi %bitcast_convert_type3A_169, %add3A_173 : vector<512x16xi32>
    %shift_right_arithmetic3A_175 = arith.constant 16 : i32
    %shift_right_arithmetic3A_176 = vector.broadcast %shift_right_arithmetic3A_175 : i32 to vector<512x16xi32>
    %shift_right_arithmetic3A_177 = arith.shrsi %bitcast_convert_type3A_169, %shift_right_arithmetic3A_176 : vector<512x16xi32>
    %and3A_178 = arith.constant 1 : i32
    %and3A_179 = vector.broadcast %and3A_178 : i32 to vector<512x16xi32>
    %and3A_180 = arith.andi %shift_right_arithmetic3A_177, %and3A_179 : vector<512x16xi32>
    %add3A_181 = arith.addi %add3A_174, %and3A_180 : vector<512x16xi32>
    %shift_right_arithmetic3A_182 = arith.constant 16 : i32
    %shift_right_arithmetic3A_183 = vector.broadcast %shift_right_arithmetic3A_182 : i32 to vector<512x16xi32>
    %shift_right_arithmetic3A_184 = arith.shrsi %add3A_181, %shift_right_arithmetic3A_183 : vector<512x16xi32>
    %add3A_185 = arith.constant 32767 : i32
    %add3A_186 = vector.broadcast %add3A_185 : i32 to vector<512x16xi32>
    %add3A_187 = arith.addi %bitcast_convert_type3A_171, %add3A_186 : vector<512x16xi32>
    %shift_right_arithmetic3A_188 = arith.constant 16 : i32
    %shift_right_arithmetic3A_189 = vector.broadcast %shift_right_arithmetic3A_188 : i32 to vector<512x16xi32>
    %shift_right_arithmetic3A_190 = arith.shrsi %bitcast_convert_type3A_171, %shift_right_arithmetic3A_189 : vector<512x16xi32>
    %and3A_191 = arith.constant 1 : i32
    %and3A_192 = vector.broadcast %and3A_191 : i32 to vector<512x16xi32>
    %and3A_193 = arith.andi %shift_right_arithmetic3A_190, %and3A_192 : vector<512x16xi32>
    %add3A_194 = arith.addi %add3A_187, %and3A_193 : vector<512x16xi32>
    %and3A_195 = arith.constant -65536 : i32
    %and3A_196 = vector.broadcast %and3A_195 : i32 to vector<512x16xi32>
    %and3A_197 = arith.andi %add3A_194, %and3A_196 : vector<512x16xi32>
    %and3A_198 = arith.constant 65535 : i32
    %and3A_199 = vector.broadcast %and3A_198 : i32 to vector<512x16xi32>
    %and3A_200 = arith.andi %shift_right_arithmetic3A_184, %and3A_199 : vector<512x16xi32>
    %or3A_201 = arith.ori %and3A_200, %and3A_197 : vector<512x16xi32>
    %swap3A_202 = arith.constant 0 : index
    %swap3A_203 = arith.constant 0 : index
    %swap3A_204 = vector.load %arg26[%swap3A_202, %swap3A_203] : memref<512x16xi32, #tpu.memory_space<vmem>>, vector<512x16xi32>
    tpu.vector_store %arg26[%swap3A_202, %swap3A_203], %or3A_201 {strides = array<i32>} : memref<512x16xi32, #tpu.memory_space<vmem>>, vector<512x16xi32>,
    %get3A_205 = arith.constant 0 : index
    %get3A_206 = arith.constant 0 : index
    %get3A_207 = vector.load %arg21[%get3A_205, %get3A_206] : memref<32x9xf32, #tpu.memory_space<vmem>>, vector<32x9xf32>
    %dot_general3A_208 = arith.constant dense<0.000000e+00> : vector<512x9xf32>
    %dot_general3A_209 = tpu.matmul %mul3A_119, %get3A_207, %dot_general3A_208 {dimension_numbers = #tpu.dot_dimension_numbers<[1], [0], [0], [1], [0, 0, 1, 1], [], []>, transpose_lhs_hint = false} : vector<512x32xf32>, vector<32x9xf32>, vector<512x9xf32> -> vector<512x9xf32>
    %get3A_210 = arith.constant 0 : index
    %get3A_211 = arith.constant 0 : index
    %get3A_212 = vector.load %arg22[%get3A_210, %get3A_211] : memref<1x9xf32, #tpu.memory_space<vmem>>, vector<1x9xf32>
    %add3A_213 = vector.broadcast %get3A_212 : vector<1x9xf32> to vector<512x9xf32>
    %add3A_214 = arith.addf %dot_general3A_209, %add3A_213 : vector<512x9xf32>
    %reduce_max3A = arith.constant dense<0xFF800000> : vector<512xf32>
    %reduce_max3A_215 = vector.multi_reduction <maximumf>, %add3A_214, %reduce_max3A [1] : vector<512x9xf32> to vector<512xf32>
    %broadcast_in_dim3A = vector.shape_cast %reduce_max3A_215 : vector<512xf32> to vector<512x1xf32>
    %sub3A = vector.broadcast %broadcast_in_dim3A : vector<512x1xf32> to vector<512x9xf32>
    %sub3A_216 = arith.subf %add3A_214, %sub3A : vector<512x9xf32>
    %exp3A_217 = math.exp %sub3A_216 : vector<512x9xf32>
    %reduce_sum3A = arith.constant dense<0.000000e+00> : vector<512xf32>
    %reduce_sum3A_218 = vector.multi_reduction <add>, %exp3A_217, %reduce_sum3A [1] : vector<512x9xf32> to vector<512xf32>
    %broadcast_in_dim3A_219 = vector.shape_cast %reduce_sum3A_218 : vector<512xf32> to vector<512x1xf32>
    %log3A = math.log %broadcast_in_dim3A_219 : vector<512x1xf32>
    %add3A_220 = arith.addf %broadcast_in_dim3A, %log3A : vector<512x1xf32>
    %get3A_221 = arith.constant 0 : index
    %get3A_222 = arith.constant 0 : index
    %get3A_223 = arith.constant 0 : index
    %get3A_224 = vector.load %arg6[%get3A_221, %get3A_222, %get3A_223] : memref<1x1x512xi32, #tpu.memory_space<vmem>>, vector<1x1x512xi32>
    %reshape3A = vector.shape_cast %get3A_224 : vector<1x1x512xi32> to vector<512x1xi32>
    %iota3A = tpu.iota {dimensions = array<i32: 1>} : vector<512x9xi32>
    %eq3A = vector.broadcast %reshape3A : vector<512x1xi32> to vector<512x9xi32>
    %eq3A_225 = arith.cmpi eq, %eq3A, %iota3A : vector<512x9xi32>
    %convert_element_type3A = arith.extui %eq3A_225 : vector<512x9xi1> to vector<512x9xi32>
    %convert_element_type3A_226 = arith.sitofp %convert_element_type3A : vector<512x9xi32> to vector<512x9xf32>
    %mul3A_227 = arith.mulf %add3A_214, %convert_element_type3A_226 : vector<512x9xf32>
    %reduce_sum3A_228 = arith.constant dense<0.000000e+00> : vector<512xf32>
    %reduce_sum3A_229 = vector.multi_reduction <add>, %mul3A_227, %reduce_sum3A_228 [1] : vector<512x9xf32> to vector<512xf32>
    %broadcast_in_dim3A_230 = vector.shape_cast %reduce_sum3A_229 : vector<512xf32> to vector<512x1xf32>
    %sub3A_231 = arith.subf %add3A_220, %broadcast_in_dim3A_230 : vector<512x1xf32>
    %mul3A_232 = arith.constant 512 : i32
    %mul3A_233 = arith.muli %arg0, %mul3A_232 : i32
    %iota3A_234 = tpu.iota {dimensions = array<i32: 0>} : vector<512x1xi32>
    %add3A_235 = vector.broadcast %mul3A_233 : i32 to vector<512x1xi32>
    %add3A_236 = arith.addi %add3A_235, %iota3A_234 : vector<512x1xi32>
    %lt3A = arith.constant 50000 : i32
    %lt3A_237 = vector.broadcast %lt3A : i32 to vector<512x1xi32>
    %lt3A_238 = arith.cmpi slt, %add3A_236, %lt3A_237 : vector<512x1xi32>
    %jit3A = arith.constant 0.000000e+00 : f32
    %broadcast_in_dim3A_239 = vector.broadcast %jit3A : f32 to vector<512x1xf32>
    %select_n3A = arith.select %lt3A_238, %sub3A_231, %broadcast_in_dim3A_239 : vector<512x1xi1>, vector<512x1xf32>
    %reduce_sum3A_240 = vector.shape_cast %select_n3A : vector<512x1xf32> to vector<1x512x1xf32>
    %reduce_sum3A_241 = arith.constant dense<0.000000e+00> : vector<1xf32>
    %reduce_sum3A_242 = vector.multi_reduction <add>, %reduce_sum3A_240, %reduce_sum3A_241 [1, 2] : vector<1x512x1xf32> to vector<1xf32>
    %reduce_sum3A_243 = vector.shape_cast %reduce_sum3A_242 : vector<1xf32> to vector<1x1x1xf32>
    %reduce_sum3A_244 = vector.extract %reduce_sum3A_243[0, 0, 0] : f32 from vector<1x1x1xf32>
    %eq3A_245 = arith.constant 0 : i32
    %eq3A_246 = arith.cmpi eq, %arg0, %eq3A_245 : i32
    %convert_element_type3A_247 = arith.extui %eq3A_246 : i1 to i32
    %cond3A = arith.constant 0 : i32
    %cond3A_248 = arith.cmpi ne, %convert_element_type3A_247, %cond3A : i32
    scf.if %cond3A_248 {
      %reshape3A_253 = vector.broadcast %reduce_sum3A_244 : f32 to vector<1x1xf32>
      %swap3A_254 = arith.constant 0 : index
      %swap3A_255 = arith.constant 0 : index
      %swap3A_256 = vector.load %arg27[%swap3A_254, %swap3A_255] : memref<1x1xf32, #tpu.memory_space<vmem>>, vector<1x1xf32>
      tpu.vector_store %arg27[%swap3A_254, %swap3A_255], %reshape3A_253 {strides = array<i32>} : memref<1x1xf32, #tpu.memory_space<vmem>>, vector<1x1xf32>,
    } else {
    }
    %gt3A = arith.constant 0 : i32
    %gt3A_249 = arith.cmpi sgt, %arg0, %gt3A : i32
    %convert_element_type3A_250 = arith.extui %gt3A_249 : i1 to i32
    %cond3A_251 = arith.constant 0 : i32
    %cond3A_252 = arith.cmpi ne, %convert_element_type3A_250, %cond3A_251 : i32
    scf.if %cond3A_252 {
      %get3A_253 = arith.constant 0 : index
      %get3A_254 = arith.constant 0 : index
      %get3A_255 = vector.load %arg27[%get3A_253, %get3A_254] : memref<1x1xf32, #tpu.memory_space<vmem>>, vector<1x1xf32>
      %reshape3A_256 = vector.broadcast %reduce_sum3A_244 : f32 to vector<1x1xf32>
      %add3A_257 = arith.addf %get3A_255, %reshape3A_256 : vector<1x1xf32>
      %swap3A_258 = arith.constant 0 : index
      %swap3A_259 = arith.constant 0 : index
      %swap3A_260 = vector.load %arg27[%swap3A_258, %swap3A_259] : memref<1x1xf32, #tpu.memory_space<vmem>>, vector<1x1xf32>
      tpu.vector_store %arg27[%swap3A_258, %swap3A_259], %add3A_257 {strides = array<i32>} : memref<1x1xf32, #tpu.memory_space<vmem>>, vector<1x1xf32>,
    } else {
    }
    return
  }
  func.func @transform_0(%arg0: i32) -> (i32, i32) {
    %c0_i32 = arith.constant 0 : i32
    %c0_i32_0 = arith.constant 0 : i32
    return %arg0, %c0_i32 : i32, i32
  }
  func.func @transform_1(%arg0: i32) -> (i32, i32) {
    %c0_i32 = arith.constant 0 : i32
    %c0_i32_0 = arith.constant 0 : i32
    return %arg0, %c0_i32 : i32, i32
  }
  func.func @transform_2(%arg0: i32) -> (i32, i32) {
    %c0_i32 = arith.constant 0 : i32
    %c0_i32_0 = arith.constant 0 : i32
    return %arg0, %c0_i32 : i32, i32
  }
  func.func @transform_3(%arg0: i32) -> (i32, i32) {
    %c0_i32 = arith.constant 0 : i32
    %c0_i32_0 = arith.constant 0 : i32
    return %arg0, %c0_i32 : i32, i32
  }
  func.func @transform_4(%arg0: i32) -> (i32, i32) {
    %c0_i32 = arith.constant 0 : i32
    %c0_i32_0 = arith.constant 0 : i32
    return %arg0, %c0_i32 : i32, i32
  }
  func.func @transform_5(%arg0: i32) -> (i32, i32, i32) {
    %c0_i32 = arith.constant 0 : i32
    %c0_i32_0 = arith.constant 0 : i32
    %c0_i32_1 = arith.constant 0 : i32
    return %arg0, %c0_i32, %c0_i32_0 : i32, i32, i32
  }
  func.func @transform_6(%arg0: i32) -> (i32, i32) {
    %c0_i32 = arith.constant 0 : i32
    %c0_i32_0 = arith.constant 0 : i32
    %c0_i32_1 = arith.constant 0 : i32
    return %c0_i32, %c0_i32_0 : i32, i32
  }
  func.func @transform_7(%arg0: i32) -> (i32, i32) {
    %c0_i32 = arith.constant 0 : i32
    %c0_i32_0 = arith.constant 0 : i32
    %c0_i32_1 = arith.constant 0 : i32
    return %c0_i32, %c0_i32_0 : i32, i32
  }
  func.func @transform_8(%arg0: i32) -> (i32, i32) {
    %c0_i32 = arith.constant 0 : i32
    %c0_i32_0 = arith.constant 0 : i32
    %c0_i32_1 = arith.constant 0 : i32
    return %c0_i32, %c0_i32_0 : i32, i32
  }
  func.func @transform_9(%arg0: i32) -> (i32, i32) {
    %c0_i32 = arith.constant 0 : i32
    %c0_i32_0 = arith.constant 0 : i32
    %c0_i32_1 = arith.constant 0 : i32
    return %c0_i32, %c0_i32_0 : i32, i32
  }
  func.func @transform_10(%arg0: i32) -> (i32, i32) {
    %c0_i32 = arith.constant 0 : i32
    %c0_i32_0 = arith.constant 0 : i32
    %c0_i32_1 = arith.constant 0 : i32
    return %c0_i32, %c0_i32_0 : i32, i32
  }
  func.func @transform_11(%arg0: i32) -> (i32, i32) {
    %c0_i32 = arith.constant 0 : i32
    %c0_i32_0 = arith.constant 0 : i32
    %c0_i32_1 = arith.constant 0 : i32
    return %c0_i32, %c0_i32_0 : i32, i32
  }
  func.func @transform_12(%arg0: i32) -> (i32, i32) {
    %c0_i32 = arith.constant 0 : i32
    %c0_i32_0 = arith.constant 0 : i32
    %c0_i32_1 = arith.constant 0 : i32
    return %c0_i32, %c0_i32_0 : i32, i32
  }
  func.func @transform_13(%arg0: i32) -> (i32, i32) {
    %c0_i32 = arith.constant 0 : i32
    %c0_i32_0 = arith.constant 0 : i32
    %c0_i32_1 = arith.constant 0 : i32
    return %c0_i32, %c0_i32_0 : i32, i32
  }
  func.func @transform_14(%arg0: i32) -> (i32, i32) {
    %c0_i32 = arith.constant 0 : i32
    %c0_i32_0 = arith.constant 0 : i32
    %c0_i32_1 = arith.constant 0 : i32
    return %c0_i32, %c0_i32_0 : i32, i32
  }
  func.func @transform_15(%arg0: i32) -> (i32, i32) {
    %c0_i32 = arith.constant 0 : i32
    %c0_i32_0 = arith.constant 0 : i32
    %c0_i32_1 = arith.constant 0 : i32
    return %c0_i32, %c0_i32_0 : i32, i32
  }
  func.func @transform_16(%arg0: i32) -> (i32, i32) {
    %c0_i32 = arith.constant 0 : i32
    %c0_i32_0 = arith.constant 0 : i32
    %c0_i32_1 = arith.constant 0 : i32
    return %c0_i32, %c0_i32_0 : i32, i32
  }
  func.func @transform_17(%arg0: i32) -> (i32, i32) {
    %c0_i32 = arith.constant 0 : i32
    %c0_i32_0 = arith.constant 0 : i32
    %c0_i32_1 = arith.constant 0 : i32
    return %c0_i32, %c0_i32_0 : i32, i32
  }
  func.func @transform_18(%arg0: i32) -> (i32, i32) {
    %c0_i32 = arith.constant 0 : i32
    %c0_i32_0 = arith.constant 0 : i32
    %c0_i32_1 = arith.constant 0 : i32
    return %c0_i32, %c0_i32_0 : i32, i32
  }
  func.func @transform_19(%arg0: i32) -> (i32, i32) {
    %c0_i32 = arith.constant 0 : i32
    %c0_i32_0 = arith.constant 0 : i32
    %c0_i32_1 = arith.constant 0 : i32
    return %c0_i32, %c0_i32_0 : i32, i32
  }
  func.func @transform_20(%arg0: i32) -> (i32, i32) {
    %c0_i32 = arith.constant 0 : i32
    %c0_i32_0 = arith.constant 0 : i32
    %c0_i32_1 = arith.constant 0 : i32
    return %c0_i32, %c0_i32_0 : i32, i32
  }
  func.func @transform_21(%arg0: i32) -> (i32, i32) {
    %c0_i32 = arith.constant 0 : i32
    %c0_i32_0 = arith.constant 0 : i32
    %c0_i32_1 = arith.constant 0 : i32
    return %c0_i32, %c0_i32_0 : i32, i32
  }
  func.func @transform_22(%arg0: i32) -> (i32, i32) {
    %c0_i32 = arith.constant 0 : i32
    %c0_i32_0 = arith.constant 0 : i32
    return %arg0, %c0_i32 : i32, i32
  }
  func.func @transform_23(%arg0: i32) -> (i32, i32) {
    %c0_i32 = arith.constant 0 : i32
    %c0_i32_0 = arith.constant 0 : i32
    return %arg0, %c0_i32 : i32, i32
  }
  func.func @transform_24(%arg0: i32) -> (i32, i32) {
    %c0_i32 = arith.constant 0 : i32
    %c0_i32_0 = arith.constant 0 : i32
    return %arg0, %c0_i32 : i32, i32
  }
  func.func @transform_25(%arg0: i32) -> (i32, i32) {
    %c0_i32 = arith.constant 0 : i32
    %c0_i32_0 = arith.constant 0 : i32
    return %arg0, %c0_i32 : i32, i32
  }
  func.func @transform_26(%arg0: i32) -> (i32, i32) {
    %c0_i32 = arith.constant 0 : i32
    %c0_i32_0 = arith.constant 0 : i32
    %c0_i32_1 = arith.constant 0 : i32
    return %c0_i32, %c0_i32_0 : i32, i32
  }
}

</mosaic_0001>

<sc_bundles>
// kernel: kernel.15.cloned.1.call-start
scs
__scs_entry_jumppad:
0x0: {  	(pc) =	sbr.rel $0x88, $3  }
0x1: {  	(tag) =	ssettag $0x0;
	lr =	simm.s32 $0x1  }
0x2: {  	[smem:$0x3F82] =	sst lr;
	_ =	strace $0xD0000000  }
0x3: {  	_ = 	snop  }
0x4: {  	_ = 	snop  }
0x5: {  	_ = 	snop  }
0x6: {  	_ = 	snop  }
0x7: {  	_ = 	snop  }
__scs_overlays_trampoline_lowered:
0x8: {  	[smem:$0x3F91] =	sst s0  }
0x9: {  	[smem:$0x3F92] =	sst s1  }
0xa: {  	[smem:$0x3F93] =	sst s2  }
0xb: {  	[smem:$0x3F94] =	sst s3  }
0xc: {  	[smem:$0x3F95] =	sst s4  }
0xd: {  	[smem:$0x3F96] =	sst s5  }
0xe: {  	[smem:$0x3F97] =	sst s6  }
0xf: {  	[smem:$0x3F98] =	sst s7  }
0x10: {  	[smem:$0x3F99] =	sst s8  }
0x11: {  	[smem:$0x3F9A] =	sst s9;
	s0 =	simm.s32 @!p0 $0x0  }
0x12: {  	s1 =	sld [smem:$0x3F80];
	s0 =	simm.s32 @p0 $0x1  }
0x13: {  	[smem:$0x3F9B] =	sst s0;
	s0 =	simm.s32 @!p1 $0x0  }
0x14: {  	s2 =	sld [smem:$0x3F7F];
	s0 =	simm.s32 @p1 $0x1  }
0x15: {  	[smem:$0x3F9C] =	sst s0;
	s0 =	simm.s32 @!p2 $0x0  }
0x16: {  	s3 =	sld [smem:$0x3FDB];
	s0 =	simm.s32 @p2 $0x1  }
0x17: {  	s4 =	simm.s32 $0x1BF5;
	[smem:$0x3F9E] =	sst s0  }
0x18: {  	s0 =	sld [smem:$0x3F81];
	_ =	swait.ge [sflag:s4], $0x0  }
0x19: {  	s7 =	sld [smem:$0x3F82]  }
0x1a: {  	s8 =	sadd.s32 $0xFFFFE003, lr  }
0x1b: {  	s9 =	sadd.s32 $0xFFFFFEF7, lr;
	s5 =	simm.s32 $0xFFFFFFFF;
	p2 =	slt.u32 s8, $0xFFFFF086  }
0x1c: {  	p1 =	slt.u32 s9, $0xF7A;
	s5 =	simm.s32 @!p2 $0x0  }
0x1d: {  	s5 =	simm.s32 @p1 $0x1;
	p0 =	seq.s32 s7, s2  }
0x1e: {  	s7 =	smul.u32 @!p0 $0xF7A, s2;
	p2 =	seq.s32 @!p0 s5, $0x0  }
0x1f: {  	s9 =	smul.u32 $0xF7A, s1;
	s8 =	simm.s32 @!p0 $0x1BF5;
	p2 =	por !p2, p0  }
0x20: {  	[sflag:s8] =	ssyncset.s32 @!p0 $0xFFFFF086;
	s6 =	sadd.s32 @!p0 s3, s7;
	s7 =	simm.s32 @!p0 $0x108  }
0x21: {  	s3 =	sadd.s32 s3, s9;
	s6 =	sadd.s32 @!p0 $0x88, s6;
	s7 =	simm.s32 @p2 $0x1082  }
0x22: {  	[simem:s7], [sflag:s8] =	dma.local @!p0 [hbm:s6], $0xF7A  }
0x23: {  	s9 =	sor.u32 $0xD0000000, s2;
	s6 =	simm.s32 $0x108;
	_ =	swait.ge @!p0 [sflag:s8], $0x0  }
0x24: {  	s3 =	sadd.s32 $0x88, s3;
	s6 =	simm.s32 @!p1 $0x1082;
	[sflag:s4] =	ssyncset.s32 $0xFFFFF086  }
0x25: {  	[simem:s6], [sflag:s4] =	dma.local [hbm:s3], $0xF7A  }
0x26: {  	[smem:$0x3F82] =	sst s1;
	(tag) =	ssettag s2;
	_ =	strace s9  }
0x27: {  	s1 =	sld [smem:$0x3F92]  }
0x28: {  	s2 =	sld [smem:$0x3F93]  }
0x29: {  	s4 =	sld [smem:$0x3F95]  }
0x2a: {  	p0 =	seq.s32 s5, $0x0;
	s5 =	sld [smem:$0x3F96]  }
0x2b: {  	s6 =	sld [smem:$0x3F97]  }
0x2c: {  	s7 =	sld [smem:$0x3F98]  }
0x2d: {  	s3 =	simm.s32 $0x108;
	s8 =	sld [smem:$0x3F99]  }
0x2e: {  	s3 =	simm.s32 @!p0 $0x1082;
	s9 =	sld [smem:$0x3F9A]  }
0x2f: {  	lr =	sadd.s32 s0, s3;
	s0 =	sld [smem:$0x3F91]  }
0x30: {  	s3 =	sld [smem:$0x3F94]  }
0x31: {  	[smem:$0x3F9D] =	sst s10  }
0x32: {  	s10 =	sld [smem:$0x3F9B];
	_ =	sdelay $0x3  }
0x33: {  	p0 =	seq.s32 s10, $0x1;
	s10 =	sld [smem:$0x3F9D];
	_ =	sdelay $0x3  }
0x34: {  	[smem:$0x3F9D] =	sst s10  }
0x35: {  	s10 =	sld [smem:$0x3F9C];
	_ =	sdelay $0x3  }
0x36: {  	p1 =	seq.s32 s10, $0x1;
	s10 =	sld [smem:$0x3F9D];
	_ =	sdelay $0x3  }
0x37: {  	[smem:$0x3F9D] =	sst s10  }
0x38: {  	s10 =	sld [smem:$0x3F9E]  }
0x39: {  	_ = 	snop;
	(pc) =	sbr.ind lr, $3  }
0x3a: {  	_ = 	snop  }
0x3b: {  	_ = 	snop  }
0x3c: {  	p2 =	seq.s32 s10, $0x1;
	s10 =	sld [smem:$0x3F9D]  }
0x3d: {  	_ =	shalt  }
0x3e: {  	_ =	shalt  }
0x3f: {  	_ =	shalt  }
0x40: {  	_ =	shalt  }
0x41: {  	_ =	shalt  }
0x42: {  	_ =	shalt  }
0x43: {  	_ =	shalt  }
0x44: {  	_ =	shalt  }
0x45: {  	_ =	shalt  }
0x46: {  	_ =	shalt  }
0x47: {  	_ =	shalt  }
0x48: {  	_ =	shalt  }
0x49: {  	_ =	shalt  }
0x4a: {  	_ =	shalt  }
0x4b: {  	_ =	shalt  }
0x4c: {  	_ =	shalt  }
0x4d: {  	_ =	shalt  }
0x4e: {  	_ =	shalt  }
0x4f: {  	_ =	shalt  }
0x50: {  	_ =	shalt  }
0x51: {  	_ =	shalt  }
0x52: {  	_ =	shalt  }
0x53: {  	_ =	shalt  }
0x54: {  	_ =	shalt  }
0x55: {  	_ =	shalt  }
0x56: {  	_ =	shalt  }
0x57: {  	_ =	shalt  }
0x58: {  	_ =	shalt  }
0x59: {  	_ =	shalt  }
0x5a: {  	_ =	shalt  }
0x5b: {  	_ =	shalt  }
0x5c: {  	_ =	shalt  }
0x5d: {  	_ =	shalt  }
0x5e: {  	_ =	shalt  }
0x5f: {  	_ =	shalt  }
0x60: {  	_ =	shalt  }
0x61: {  	_ =	shalt  }
0x62: {  	_ =	shalt  }
0x63: {  	_ =	shalt  }
0x64: {  	_ =	shalt  }
0x65: {  	_ =	shalt  }
0x66: {  	_ =	shalt  }
0x67: {  	_ =	shalt  }
0x68: {  	_ =	shalt  }
0x69: {  	_ =	shalt  }
0x6a: {  	_ =	shalt  }
0x6b: {  	_ =	shalt  }
0x6c: {  	_ =	shalt  }
0x6d: {  	_ =	shalt  }
0x6e: {  	_ =	shalt  }
0x6f: {  	_ =	shalt  }
0x70: {  	_ =	shalt  }
0x71: {  	_ =	shalt  }
0x72: {  	_ =	shalt  }
0x73: {  	_ =	shalt  }
0x74: {  	_ =	shalt  }
0x75: {  	_ =	shalt  }
0x76: {  	_ =	shalt  }
0x77: {  	_ =	shalt  }
0x78: {  	_ =	shalt  }
0x79: {  	_ =	shalt  }
0x7a: {  	_ =	shalt  }
0x7b: {  	_ =	shalt  }
0x7c: {  	_ =	shalt  }
0x7d: {  	_ =	shalt  }
0x7e: {  	_ =	shalt  }
0x7f: {  	_ =	shalt  }
0x80: {  	_ =	shalt  }
0x81: {  	_ =	shalt  }
0x82: {  	_ =	shalt  }
0x83: {  	_ =	shalt  }
0x84: {  	_ =	shalt  }
0x85: {  	_ =	shalt  }
0x86: {  	_ =	shalt  }
0x87: {  	_ =	shalt  }
.Lfunc_end0:
.L_simem_size_0:
called_computation.3_lowered:
.L_overlay_start_0:
0x88: {  	s2 =	sld [smem:$0x3FD9]  }
0x89: {  	s3 =	sld [smem:$0x3FFE];
	_ =	sdelay $0x1  }
0x8a: {  	s1 =	srdreg.scid  }
0x8b: {  	s0 =	sand.u32 $0x1, s1  }
0x8c: {  	s16 =	sshll.u32 s0, $0xA;
	s2 =	sadd.s32 s3, s2  }
0x8d: {  	s2 =	sadd.s32 s2, s16  }
0x8e: {  	[smem:$0x3FA9] =	sst s2  }
0x8f: {  	_ = 	snop  }
0x90: {  	(tm) =	ssettm $0x1  }
0x91: {  	s17 =	sld [smem:$0x3FFB];
	_ =	sdelay $0x3  }
0x92: {  	_ =	strace s17  }
0x93: {  	s2 =	sld [smem:$0x3FFC];
	_ =	sdelay $0x3  }
0x94: {  	_ =	strace s2  }
0x95: {  	s2 =	sld [smem:$0x3FFD];
	_ =	sdelay $0x3  }
0x96: {  	_ =	strace s2  }
0x97: {  	_ =	strace $0x8FFFFFFF  }
0x98: {  	s18 =	sld [smem:$0x3FDB];
	_ =	sdelay $0x1  }
0x99: {  	s19 =	simm.s32 $_scs_section_size  }
0x9a: {  	s4 =	simm.s32 $_size__tile_overlayer_lowered;
	s5 =	simm.s32 $_tile_overlayer_lowered  }
0x9b: {  	s22 =	simm.s32 $0x1BFF;
	s21 =	sshll.u32 s5, $0x1;
	s2 =	sadd.s32 s19, s18  }
0x9c: {  	s6 =	simm.s32 $0x0;
	s20 =	sshll.u32 s4, $0x1;
	s4 =	sadd.s32 s21, s2  }
0x9d: {  	[timem:s6], [sflag:s22] =	dma.local [hbm:s4], s20  }
0x9e: {  	_ =	swait.ge [sflag:s22], s20  }
0x9f: {  	s3 =	ssub.s32 $0x0, s20;
	[sflag:s22] =	ssyncset.done $0x0  }
0xa0: {  	[sflag:s22] =	ssyncadd.s32 s3;
	_ =	sdelay $0x1  }
0xa1: {  	s23 =	simm.s32 $0x1B8B  }
0xa2: {  	_ =	swait.ge [sflag:s23], $0x1  }
0xa3: {  	[sflag:s23] =	ssyncset.done $0x0  }
0xa4: {  	s25 =	simm.s32 $0x1B8E;
	s24 =	sld [smem:$0x3FFE];
	[sflag:s23] =	ssyncadd.s32 $0xFFFFFFFF  }
0xa5: {  	s26 =	simm.s32 $execute0_lowered;
	[smem:$0x3FD2] =	sst s25  }
0xa6: {  	s4 =	sshll.u32 s26, $0x1;
	_ =	strace $0x80000046;
	[dreg:$0x1] =	wrdreg $0xFFFFFFFF  }
0xa7: {  	s28 =	simm.s32 $_size_execute0_lowered;
	s2 =	sadd.s32 s2, s4;
	[dreg:$0x0] =	wrdreg $0x0  }
0xa8: {  	s4 =	sshll.u32 s28, $0x1;
	[dreg:$0x2] =	wrdreg s2  }
0xa9: {  	[dreg:$0x3] =	wrdreg s4  }
0xaa: {  	[dreg:$0x4] =	wrdreg $0xC0  }
0xab: {  	_ =	task [dreg:s6], $0x5FFFF  }
0xac: {  	[dreg:$0x1] =	wrdreg $0xFFFFFFFF  }
0xad: {  	[dreg:$0x0] =	wrdreg $0x60  }
0xae: {  	[dreg:$0x2] =	wrdreg s24  }
0xaf: {  	[dreg:$0x3] =	wrdreg $0x9  }
0xb0: {  	_ =	task.clear_ibuf [dreg:s6], $0x4FFFF;
	_ =	strace $0x90000046  }
0xb1: {  	s29 =	simm.s32 $0x9;
	_ =	strace $0x80000048  }
0xb2: {  	_ =	swait.ge [sflag:s29], $0x1  }
0xb3: {  	[sflag:s29] =	ssyncadd.s32 $0xFFFFFFFF  }
0xb4: {  	_ =	strace $0x90000048  }
0xb5: {  	_ =	sfence  }
0xb6: {  	s30 =	sld [smem:$0x0];
	_ =	sdelay $0x2  }
0xb7: {  	s31 =	sshll.u32 s1, $0xD;
	s1 =	sshrl.u32 s1, $0x2  }
0xb8: {  	s3 =	sand.u32 $0x4000, s31;
	s1 =	sadd.s32 s1, s30  }
0xb9: {  	s0 =	sor.u32 s3, s0;
	s1 =	sshll.u32 s1, $0x11  }
0xba: {  	s0 =	sor.u32 s1, s0  }
0xbb: {  	s0 =	sadd.s32 $0x8F2B, s0  }
0xbc: {  	[sflag:s0] =	ssyncadd.remote.s32 $0x1  }
0xbd: {  	_ =	sfence.sel $0xFFFF  }
0xbe: {  	[dreg:$0x0] =	wrdreg $0xFFFFFFFF;
	(pc) =	sbr.abs _section_cstart, $3  }
0xbf: {  	[dreg:$0x1] =	wrdreg $0xFFFFFFFF  }
0xc0: {  	_ =	task.clear_ibuf [dreg:s6], $0x2FFFF;
	_ =	strace $0x9FFFFFFF  }
0xc1: {  	(tm) =	ssettm $0x7FFFFFFF  }
tec
execute0_lowered:
.L_overlay_start_1:
0x0: {  	(tag) =	ssettag $0x1  }
0x1: {  	s0 =	srdreg.scid  }
0x2: {  	s11 =	stileid.u32;
	s1 =	rddreg [dreg:$0x0]  }
0x3: {  	s2 =	simm.s32 $0x0;
	s17 =	simm.s32 $0x5;
	s18 =	simm.s32 $0x6400  }
0x4: {  	s19 =	simm.s32 $0x200;
	s20 =	simm.s32 $0xC800;
	s21 =	simm.s32 $0x10800  }
0x5: {  	s28 =	simm.s32 $0x3;
	s31 =	simm.s32 $0x4;
	s0 =	sand.u32 $0x1, s0  }
0x6: {  	s3 =	sshll.u32 s11, $0x1;
	[smem:$0x7FF] =	sst s2;
	s11 =	smul.u32 $0xC8000, s11  }
0x7: {  	s5 =	sor.u32 s0, s3;
	s8 =	ssub.s32 $0x2, s0;
	s0 =	smul.u32 $0x64000, s0  }
0x8: {  	s4 =	sadd.s32 $0x12200, s1;
	_ =	strace $0x80000047;
	s6 =	smul.u32 $0xC80, s5  }
0x9: {  	s3 =	sadd.s32 $0x2AA00, s1;
	s9 =	smul.u32 $0x64000, s5;
	s10 =	sshrl.u32 s8, $0x1  }
0xa: {  	s5 =	sadd.s32 $0x75200, s1;
	s22 =	ssub.s32 s8, s10;
	s0 =	sadd.s32 s0, s11  }
0xb: {  	s7 =	sadd.s32 s6, s1;
	s6 =	sadd.s32 $0x322200, s1;
	s24 =	sshrl.u32 s9, $0x3  }
0xc: {  	s9 =	smax.u32 s22, $0x1;
	s26 =	sadd.s32 $0x6000, s0;
	s29 =	sadd.s32 $0x4000, s0  }
0xd: {  	s22 =	simm.s32 $0x1;
	s1 =	simm.s32 $0x0;
	s23 =	sadd.s32 $0x43200, s7  }
.Ltmp0:
0xe: {  	s7 =	sadd.s32 $0x5C200, s7;
	s10 =	sadd.s32 s5, s24;
	(pc) =	sbr.rel .LBB2_1-.Ltmp0, $4  }
0xf: {  	s11 =	sadd.s32 s6, s24;
	s25 =	sor.u32 $0x400, s24;
	[dreg:$0x2] =	wrdreg s23  }
0x10: {  	s30 =	sshrl.u32 s26, $0x3;
	s26 =	simm.s32 $0x2;
	[dreg:$0x3] =	wrdreg s7  }
0x11: {  	s12 =	sadd.s32 s5, s25;
	s13 =	sadd.s32 s6, s25;
	s24 =	sadd.s32 s30, s6  }
0x12: {  	s0 =	sadd.s32 s30, s5;
	s23 =	simm.s32 $0xE800;
	s25 =	simm.s32 $0x12800  }
.LBB2_4:
0x13: {  	s1 =	sadd.s32 $0x1, s1  }
0x14: {  	_ =	swait.ge [sflag:s31], $0x2000;
	p0 =	sne.s32 s1, s9  }
.Ltmp1:
0x15: {  	[sflag:s31] =	ssyncset.done $0x0;
	(pc) =	sbr.rel @!p0 .LBB2_5-.Ltmp1, $4  }
0x16: {  	[sflag:s31] =	ssyncadd.s32 $0xFFFFE000  }
0x17: {  	_ =	swait.ge [sflag:s31], $0x2000  }
0x18: {  	[sflag:s31] =	ssyncset.done $0x0  }
0x19: {  	[sflag:s31] =	ssyncadd.s32 $0xFFFFE000  }
.LBB2_1:
0x1a: {  	s7 =	rddreg [dreg:$0x2]  }
0x1b: {  	[tilespmem:s2], [sflag:$0x5] =	stream.linear.gather [hbm4b:s7+s2], $0x6400, $0x38;
	[tilespmem:$0x14800] =	vst v63  }
0x1c: {  	_ =	swait.ge [sflag:s17], $0x6400  }
0x1d: {  	[sflag:s17] =	ssyncset.done $0x0  }
0x1e: {  	s8 =	rddreg [dreg:$0x3];
	[sflag:s17] =	ssyncadd.s32 $0xFFFF9C00  }
0x1f: {  	[tilespmem:s18], [sflag:$0x5] =	stream.linear.gather [hbm4b:s8+s2], $0x6400, $0x38;
	[tilespmem:$0x14800] =	vst v63  }
0x20: {  	_ =	swait.ge [sflag:s17], $0x6400  }
0x21: {  	[sflag:s17] =	ssyncset.done $0x0  }
0x22: {  	[sflag:s17] =	ssyncadd.s32 $0xFFFF9C00  }
0x23: {  	[tilespmem:s20], [sflag:$0x1] =	stream.indirect.gather [hbm4b:s3+s19], $0x10, s2, s19, $0xb8;
	[tilespmem:$0x14800] =	vst v63  }
0x24: {  	_ = 	snop  }
0x25: {  	[tilespmem:s21], [sflag:$0x1] =	stream.indirect.gather [hbm4b:s4+s19], $0x10, s18, s19, $0xb8;
	[tilespmem:$0x14800] =	vst v63  }
0x26: {  	_ =	swait.ge [sflag:s22], $0x2000  }
0x27: {  	[sflag:s22] =	ssyncset.done $0x0  }
0x28: {  	[sflag:s22] =	ssyncadd.s32 $0xFFFFE000  }
0x29: {  	_ =	swait.ge [sflag:s22], $0x2000  }
0x2a: {  	[sflag:s22] =	ssyncset.done $0x0  }
0x2b: {  	[sflag:s22] =	ssyncadd.s32 $0xFFFFE000  }
0x2c: {  	[hbm4b:s10+s2] =	stream.linear.scatter [tilespmem:s20], [sflag:$0x3], $0x2000, $0x38;
	[tilespmem:$0x14800] =	vst v63  }
0x2d: {  	_ = 	snop  }
0x2e: {  	[hbm4b:s11+s2] =	stream.linear.scatter [tilespmem:s21], [sflag:$0x3], $0x2000, $0x38;
	[tilespmem:$0x14800] =	vst v63  }
0x2f: {  	_ = 	snop  }
0x30: {  	[tilespmem:s23], [sflag:$0x2] =	stream.indirect.gather [hbm4b:s3+s19], $0x10, s19, s19, $0xb8;
	[tilespmem:$0x14800] =	vst v63  }
0x31: {  	s14 =	simm.s32 $0x6600  }
0x32: {  	[tilespmem:s25], [sflag:$0x2] =	stream.indirect.gather [hbm4b:s4+s19], $0x10, s14, s19, $0xb8;
	[tilespmem:$0x14800] =	vst v63  }
0x33: {  	_ =	swait.ge [sflag:s26], $0x2000  }
0x34: {  	[sflag:s26] =	ssyncset.done $0x0  }
0x35: {  	[sflag:s26] =	ssyncadd.s32 $0xFFFFE000  }
0x36: {  	_ =	swait.ge [sflag:s26], $0x2000  }
0x37: {  	[sflag:s26] =	ssyncset.done $0x0  }
0x38: {  	[sflag:s26] =	ssyncadd.s32 $0xFFFFE000  }
0x39: {  	[hbm4b:s12+s2] =	stream.linear.scatter [tilespmem:s23], [sflag:$0x4], $0x2000, $0x38;
	[tilespmem:$0x14800] =	vst v63  }
0x3a: {  	_ = 	snop  }
0x3b: {  	[hbm4b:s13+s2] =	stream.linear.scatter [tilespmem:s25], [sflag:$0x4], $0x2000, $0x38;
	[tilespmem:$0x14800] =	vst v63  }
0x3c: {  	_ =	swait.ge [sflag:s28], $0x2000  }
0x3d: {  	[sflag:s28] =	ssyncset.done $0x0  }
0x3e: {  	[sflag:s28] =	ssyncadd.s32 $0xFFFFE000  }
0x3f: {  	_ =	swait.ge [sflag:s28], $0x2000  }
0x40: {  	[sflag:s28] =	ssyncset.done $0x0  }
0x41: {  	s15 =	simm.s32 $0x400;
	[sflag:s28] =	ssyncadd.s32 $0xFFFFE000  }
0x42: {  	[tilespmem:s20], [sflag:$0x1] =	stream.indirect.gather [hbm4b:s3+s19], $0x10, s15, s19, $0xb8;
	[tilespmem:$0x14800] =	vst v63  }
0x43: {  	s16 =	simm.s32 $0x6800;
	s30 =	simm.s32 $0x0  }
0x44: {  	[tilespmem:s21], [sflag:$0x1] =	stream.indirect.gather [hbm4b:s4+s19], $0x10, s16, s19, $0xb8;
	[tilespmem:$0x14800] =	vst v63  }
0x45: {  	s14 =	smov.u32 s29;
	s15 =	smov.u32 s24;
	s16 =	smov.u32 s0  }
.LBB2_2:
0x46: {  	_ =	swait.ge [sflag:s22], $0x2000  }
0x47: {  	[sflag:s22] =	ssyncset.done $0x0  }
0x48: {  	[sflag:s22] =	ssyncadd.s32 $0xFFFFE000  }
0x49: {  	_ =	swait.ge [sflag:s22], $0x2000  }
0x4a: {  	s7 =	sshrl.u32 s14, $0x3;
	[sflag:s22] =	ssyncset.done $0x0  }
0x4b: {  	s8 =	sadd.s32 s5, s7;
	[sflag:s22] =	ssyncadd.s32 $0xFFFFE000  }
0x4c: {  	[hbm4b:s8+s2] =	stream.linear.scatter [tilespmem:s20], [sflag:$0x3], $0x2000, $0x38;
	[tilespmem:$0x14800] =	vst v63  }
0x4d: {  	s7 =	sadd.s32 s6, s7  }
0x4e: {  	[hbm4b:s7+s2] =	stream.linear.scatter [tilespmem:s21], [sflag:$0x3], $0x2000, $0x38;
	[tilespmem:$0x14800] =	vst v63  }
0x4f: {  	_ =	swait.ge [sflag:s31], $0x2000  }
0x50: {  	[sflag:s31] =	ssyncset.done $0x0  }
0x51: {  	[sflag:s31] =	ssyncadd.s32 $0xFFFFE000  }
0x52: {  	_ =	swait.ge [sflag:s31], $0x2000  }
0x53: {  	s7 =	sshra.s32 s30, $0x2;
	[sflag:s31] =	ssyncset.done $0x0  }
0x54: {  	s8 =	sadd.s32 $0x600, s7;
	[sflag:s31] =	ssyncadd.s32 $0xFFFFE000  }
0x55: {  	[tilespmem:s23], [sflag:$0x2] =	stream.indirect.gather [hbm4b:s3+s19], $0x10, s8, s19, $0xb8;
	[tilespmem:$0x14800] =	vst v63  }
0x56: {  	s8 =	sadd.s32 $0x6A00, s7  }
0x57: {  	[tilespmem:s25], [sflag:$0x2] =	stream.indirect.gather [hbm4b:s4+s19], $0x10, s8, s19, $0xb8;
	[tilespmem:$0x14800] =	vst v63  }
0x58: {  	_ =	swait.ge [sflag:s26], $0x2000  }
0x59: {  	[sflag:s26] =	ssyncset.done $0x0  }
0x5a: {  	[sflag:s26] =	ssyncadd.s32 $0xFFFFE000  }
0x5b: {  	_ =	swait.ge [sflag:s26], $0x2000  }
0x5c: {  	[sflag:s26] =	ssyncset.done $0x0  }
0x5d: {  	[sflag:s26] =	ssyncadd.s32 $0xFFFFE000  }
0x5e: {  	[hbm4b:s16+s2] =	stream.linear.scatter [tilespmem:s23], [sflag:$0x4], $0x2000, $0x38;
	[tilespmem:$0x14800] =	vst v63  }
0x5f: {  	_ = 	snop  }
0x60: {  	[hbm4b:s15+s2] =	stream.linear.scatter [tilespmem:s25], [sflag:$0x4], $0x2000, $0x38;
	[tilespmem:$0x14800] =	vst v63  }
0x61: {  	p0 =	seq.s32 s30, $0x17000;
	_ =	swait.ge [sflag:s28], $0x2000  }
.Ltmp2:
0x62: {  	[sflag:s28] =	ssyncset.done $0x0;
	(pc) =	sbr.rel @p0 .LBB2_4-.Ltmp2, $4  }
0x63: {  	[sflag:s28] =	ssyncadd.s32 $0xFFFFE000  }
0x64: {  	_ =	swait.ge [sflag:s28], $0x2000  }
0x65: {  	[sflag:s28] =	ssyncset.done $0x0  }
0x66: {  	[sflag:s28] =	ssyncadd.s32 $0xFFFFE000  }
.Ltmp3:
0x67: {  	(pc) =	sbr.rel .LBB2_2-.Ltmp3, $4  }
0x68: {  	s8 =	sadd.s32 $0x800, s7;
	s30 =	sadd.s32 $0x1000, s30;
	s14 =	sadd.s32 $0x4000, s14  }
0x69: {  	[tilespmem:s20], [sflag:$0x1] =	stream.indirect.gather [hbm4b:s3+s19], $0x10, s8, s19, $0xb8;
	[tilespmem:$0x14800] =	vst v63  }
0x6a: {  	s15 =	sadd.s32 $0x800, s15;
	s16 =	sadd.s32 $0x800, s16;
	s8 =	sadd.s32 $0x6C00, s7  }
0x6b: {  	[tilespmem:s21], [sflag:$0x1] =	stream.indirect.gather [hbm4b:s4+s19], $0x10, s8, s19, $0xb8;
	[tilespmem:$0x14800] =	vst v63  }
.LBB2_5:
0x6c: {  	_ =	sfence.sel $0x180000  }
0x6d: {  	[bflag:$0x0] =	sbarrier.arrive $0xFFFF  }
0x6e: {  	_ =	strace $0x90000047  }
0x6f: {  	s0 =	stileid.u32;
	[bflag:$0x2] =	sbarrier.arrive $0xFFFF  }
0x70: {  	p0 =	sne.s32 s0, $0x0;
	s0 =	rddreg [dreg:$0x1]  }
0x71: {  	s0 =	sadd.s32 @!p0 $0x100000, s0  }
0x72: {  	[sflag:s0] =	ssyncadd.tile.s32 @!p0 $0x1;
	_ =	shalt  }
.Lfunc_end2:
_tile_overlayer_lowered:
.L_overlay_start_2:
0x73: {  	(tag) =	ssettag $0x2  }
0x74: {  	s0 =	rddreg [dreg:$0x0];
	s2 =	stileid.u32  }
0x75: {  	s1 =	rddreg [dreg:$0x1];
	p0 =	sne.s32 s2, $0x0  }
0x76: {  	s3 =	rddreg [dreg:$0x2];
	[bflag:$0x3] =	sbarrier.arrive $0xFFFF;
	s2 =	simm.s32 @!p0 $0x1C05  }
0x77: {  	[timem:s3], [sflag:s2] =	dma.local @!p0 [hbm:s0], s1  }
0x78: {  	s0 =	simm.s32 @!p0 $0x5  }
0x79: {  	_ =	swait.ge @!p0 [sflag:s0], s1  }
0x7a: {  	s1 =	ssub.s32 @!p0 $0x0, s1;
	[sflag:s0] =	ssyncset.done @!p0 $0x0  }
0x7b: {  	[sflag:s0] =	ssyncadd.s32 @!p0 s1  }
0x7c: {  	[bflag:$0x3] =	sbarrier.arrive $0xFFFF  }
0x7d: {  	_ =	shalt  }

// kernel: kernel.18.cloned.1.call-start
scs
__scs_entry_jumppad:
0x0: {  	(pc) =	sbr.rel $0x88, $3  }
0x1: {  	(tag) =	ssettag $0x0;
	lr =	simm.s32 $0x1  }
0x2: {  	[smem:$0x3F82] =	sst lr;
	_ =	strace $0xD0000000  }
0x3: {  	_ = 	snop  }
0x4: {  	_ = 	snop  }
0x5: {  	_ = 	snop  }
0x6: {  	_ = 	snop  }
0x7: {  	_ = 	snop  }
__scs_overlays_trampoline_lowered:
0x8: {  	[smem:$0x3F91] =	sst s0  }
0x9: {  	[smem:$0x3F92] =	sst s1  }
0xa: {  	[smem:$0x3F93] =	sst s2  }
0xb: {  	[smem:$0x3F94] =	sst s3  }
0xc: {  	[smem:$0x3F95] =	sst s4  }
0xd: {  	[smem:$0x3F96] =	sst s5  }
0xe: {  	[smem:$0x3F97] =	sst s6  }
0xf: {  	[smem:$0x3F98] =	sst s7  }
0x10: {  	[smem:$0x3F99] =	sst s8  }
0x11: {  	[smem:$0x3F9A] =	sst s9;
	s0 =	simm.s32 @!p0 $0x0  }
0x12: {  	s1 =	sld [smem:$0x3F80];
	s0 =	simm.s32 @p0 $0x1  }
0x13: {  	[smem:$0x3F9B] =	sst s0;
	s0 =	simm.s32 @!p1 $0x0  }
0x14: {  	s2 =	sld [smem:$0x3F7F];
	s0 =	simm.s32 @p1 $0x1  }
0x15: {  	[smem:$0x3F9C] =	sst s0;
	s0 =	simm.s32 @!p2 $0x0  }
0x16: {  	s3 =	sld [smem:$0x3FDB];
	s0 =	simm.s32 @p2 $0x1  }
0x17: {  	s4 =	simm.s32 $0x1BF5;
	[smem:$0x3F9E] =	sst s0  }
0x18: {  	s0 =	sld [smem:$0x3F81];
	_ =	swait.ge [sflag:s4], $0x0  }
0x19: {  	s7 =	sld [smem:$0x3F82]  }
0x1a: {  	s8 =	sadd.s32 $0xFFFFE003, lr  }
0x1b: {  	s9 =	sadd.s32 $0xFFFFFEF7, lr;
	s5 =	simm.s32 $0xFFFFFFFF;
	p2 =	slt.u32 s8, $0xFFFFF086  }
0x1c: {  	p1 =	slt.u32 s9, $0xF7A;
	s5 =	simm.s32 @!p2 $0x0  }
0x1d: {  	s5 =	simm.s32 @p1 $0x1;
	p0 =	seq.s32 s7, s2  }
0x1e: {  	s7 =	smul.u32 @!p0 $0xF7A, s2;
	p2 =	seq.s32 @!p0 s5, $0x0  }
0x1f: {  	s9 =	smul.u32 $0xF7A, s1;
	s8 =	simm.s32 @!p0 $0x1BF5;
	p2 =	por !p2, p0  }
0x20: {  	[sflag:s8] =	ssyncset.s32 @!p0 $0xFFFFF086;
	s6 =	sadd.s32 @!p0 s3, s7;
	s7 =	simm.s32 @!p0 $0x108  }
0x21: {  	s3 =	sadd.s32 s3, s9;
	s6 =	sadd.s32 @!p0 $0x88, s6;
	s7 =	simm.s32 @p2 $0x1082  }
0x22: {  	[simem:s7], [sflag:s8] =	dma.local @!p0 [hbm:s6], $0xF7A  }
0x23: {  	s9 =	sor.u32 $0xD0000000, s2;
	s6 =	simm.s32 $0x108;
	_ =	swait.ge @!p0 [sflag:s8], $0x0  }
0x24: {  	s3 =	sadd.s32 $0x88, s3;
	s6 =	simm.s32 @!p1 $0x1082;
	[sflag:s4] =	ssyncset.s32 $0xFFFFF086  }
0x25: {  	[simem:s6], [sflag:s4] =	dma.local [hbm:s3], $0xF7A  }
0x26: {  	[smem:$0x3F82] =	sst s1;
	(tag) =	ssettag s2;
	_ =	strace s9  }
0x27: {  	s1 =	sld [smem:$0x3F92]  }
0x28: {  	s2 =	sld [smem:$0x3F93]  }
0x29: {  	s4 =	sld [smem:$0x3F95]  }
0x2a: {  	p0 =	seq.s32 s5, $0x0;
	s5 =	sld [smem:$0x3F96]  }
0x2b: {  	s6 =	sld [smem:$0x3F97]  }
0x2c: {  	s7 =	sld [smem:$0x3F98]  }
0x2d: {  	s3 =	simm.s32 $0x108;
	s8 =	sld [smem:$0x3F99]  }
0x2e: {  	s3 =	simm.s32 @!p0 $0x1082;
	s9 =	sld [smem:$0x3F9A]  }
0x2f: {  	lr =	sadd.s32 s0, s3;
	s0 =	sld [smem:$0x3F91]  }
0x30: {  	s3 =	sld [smem:$0x3F94]  }
0x31: {  	[smem:$0x3F9D] =	sst s10  }
0x32: {  	s10 =	sld [smem:$0x3F9B];
	_ =	sdelay $0x3  }
0x33: {  	p0 =	seq.s32 s10, $0x1;
	s10 =	sld [smem:$0x3F9D];
	_ =	sdelay $0x3  }
0x34: {  	[smem:$0x3F9D] =	sst s10  }
0x35: {  	s10 =	sld [smem:$0x3F9C];
	_ =	sdelay $0x3  }
0x36: {  	p1 =	seq.s32 s10, $0x1;
	s10 =	sld [smem:$0x3F9D];
	_ =	sdelay $0x3  }
0x37: {  	[smem:$0x3F9D] =	sst s10  }
0x38: {  	s10 =	sld [smem:$0x3F9E]  }
0x39: {  	_ = 	snop;
	(pc) =	sbr.ind lr, $3  }
0x3a: {  	_ = 	snop  }
0x3b: {  	_ = 	snop  }
0x3c: {  	p2 =	seq.s32 s10, $0x1;
	s10 =	sld [smem:$0x3F9D]  }
0x3d: {  	_ =	shalt  }
0x3e: {  	_ =	shalt  }
0x3f: {  	_ =	shalt  }
0x40: {  	_ =	shalt  }
0x41: {  	_ =	shalt  }
0x42: {  	_ =	shalt  }
0x43: {  	_ =	shalt  }
0x44: {  	_ =	shalt  }
0x45: {  	_ =	shalt  }
0x46: {  	_ =	shalt  }
0x47: {  	_ =	shalt  }
0x48: {  	_ =	shalt  }
0x49: {  	_ =	shalt  }
0x4a: {  	_ =	shalt  }
0x4b: {  	_ =	shalt  }
0x4c: {  	_ =	shalt  }
0x4d: {  	_ =	shalt  }
0x4e: {  	_ =	shalt  }
0x4f: {  	_ =	shalt  }
0x50: {  	_ =	shalt  }
0x51: {  	_ =	shalt  }
0x52: {  	_ =	shalt  }
0x53: {  	_ =	shalt  }
0x54: {  	_ =	shalt  }
0x55: {  	_ =	shalt  }
0x56: {  	_ =	shalt  }
0x57: {  	_ =	shalt  }
0x58: {  	_ =	shalt  }
0x59: {  	_ =	shalt  }
0x5a: {  	_ =	shalt  }
0x5b: {  	_ =	shalt  }
0x5c: {  	_ =	shalt  }
0x5d: {  	_ =	shalt  }
0x5e: {  	_ =	shalt  }
0x5f: {  	_ =	shalt  }
0x60: {  	_ =	shalt  }
0x61: {  	_ =	shalt  }
0x62: {  	_ =	shalt  }
0x63: {  	_ =	shalt  }
0x64: {  	_ =	shalt  }
0x65: {  	_ =	shalt  }
0x66: {  	_ =	shalt  }
0x67: {  	_ =	shalt  }
0x68: {  	_ =	shalt  }
0x69: {  	_ =	shalt  }
0x6a: {  	_ =	shalt  }
0x6b: {  	_ =	shalt  }
0x6c: {  	_ =	shalt  }
0x6d: {  	_ =	shalt  }
0x6e: {  	_ =	shalt  }
0x6f: {  	_ =	shalt  }
0x70: {  	_ =	shalt  }
0x71: {  	_ =	shalt  }
0x72: {  	_ =	shalt  }
0x73: {  	_ =	shalt  }
0x74: {  	_ =	shalt  }
0x75: {  	_ =	shalt  }
0x76: {  	_ =	shalt  }
0x77: {  	_ =	shalt  }
0x78: {  	_ =	shalt  }
0x79: {  	_ =	shalt  }
0x7a: {  	_ =	shalt  }
0x7b: {  	_ =	shalt  }
0x7c: {  	_ =	shalt  }
0x7d: {  	_ =	shalt  }
0x7e: {  	_ =	shalt  }
0x7f: {  	_ =	shalt  }
0x80: {  	_ =	shalt  }
0x81: {  	_ =	shalt  }
0x82: {  	_ =	shalt  }
0x83: {  	_ =	shalt  }
0x84: {  	_ =	shalt  }
0x85: {  	_ =	shalt  }
0x86: {  	_ =	shalt  }
0x87: {  	_ =	shalt  }
.Lfunc_end0:
.L_simem_size_0:
called_computation.4_lowered:
.L_overlay_start_0:
0x88: {  	s2 =	sld [smem:$0x3FD9]  }
0x89: {  	s3 =	sld [smem:$0x3FFE];
	_ =	sdelay $0x1  }
0x8a: {  	s1 =	srdreg.scid  }
0x8b: {  	s0 =	sand.u32 $0x1, s1  }
0x8c: {  	s16 =	sshll.u32 s0, $0xA;
	s2 =	sadd.s32 s3, s2  }
0x8d: {  	s2 =	sadd.s32 s2, s16  }
0x8e: {  	[smem:$0x3FA9] =	sst s2  }
0x8f: {  	_ = 	snop  }
0x90: {  	(tm) =	ssettm $0x1  }
0x91: {  	s17 =	sld [smem:$0x3FFB];
	_ =	sdelay $0x3  }
0x92: {  	_ =	strace s17  }
0x93: {  	s2 =	sld [smem:$0x3FFC];
	_ =	sdelay $0x3  }
0x94: {  	_ =	strace s2  }
0x95: {  	s2 =	sld [smem:$0x3FFD];
	_ =	sdelay $0x3  }
0x96: {  	_ =	strace s2  }
0x97: {  	_ =	strace $0x8FFFFFFF  }
0x98: {  	s18 =	sld [smem:$0x3FDB];
	_ =	sdelay $0x1  }
0x99: {  	s19 =	simm.s32 $_scs_section_size  }
0x9a: {  	s4 =	simm.s32 $_size__tile_overlayer_lowered;
	s5 =	simm.s32 $_tile_overlayer_lowered  }
0x9b: {  	s22 =	simm.s32 $0x1BFF;
	s21 =	sshll.u32 s5, $0x1;
	s2 =	sadd.s32 s19, s18  }
0x9c: {  	s6 =	simm.s32 $0x0;
	s20 =	sshll.u32 s4, $0x1;
	s4 =	sadd.s32 s21, s2  }
0x9d: {  	[timem:s6], [sflag:s22] =	dma.local [hbm:s4], s20  }
0x9e: {  	_ =	swait.ge [sflag:s22], s20  }
0x9f: {  	s3 =	ssub.s32 $0x0, s20;
	[sflag:s22] =	ssyncset.done $0x0  }
0xa0: {  	[sflag:s22] =	ssyncadd.s32 s3;
	_ =	sdelay $0x1  }
0xa1: {  	s23 =	simm.s32 $0x1B8B  }
0xa2: {  	_ =	swait.ge [sflag:s23], $0x1  }
0xa3: {  	[sflag:s23] =	ssyncset.done $0x0  }
0xa4: {  	s25 =	simm.s32 $0x1B8E;
	s24 =	sld [smem:$0x3FFE];
	[sflag:s23] =	ssyncadd.s32 $0xFFFFFFFF  }
0xa5: {  	s26 =	simm.s32 $execute0_lowered;
	[smem:$0x3FD2] =	sst s25  }
0xa6: {  	s4 =	sshll.u32 s26, $0x1;
	_ =	strace $0x8000004C;
	[dreg:$0x1] =	wrdreg $0xFFFFFFFF  }
0xa7: {  	s28 =	simm.s32 $_size_execute0_lowered;
	s2 =	sadd.s32 s2, s4;
	[dreg:$0x0] =	wrdreg $0x0  }
0xa8: {  	s4 =	sshll.u32 s28, $0x1;
	[dreg:$0x2] =	wrdreg s2  }
0xa9: {  	[dreg:$0x3] =	wrdreg s4  }
0xaa: {  	[dreg:$0x4] =	wrdreg $0xC0  }
0xab: {  	_ =	task [dreg:s6], $0x5FFFF  }
0xac: {  	[dreg:$0x1] =	wrdreg $0xFFFFFFFF  }
0xad: {  	[dreg:$0x0] =	wrdreg $0x60  }
0xae: {  	[dreg:$0x2] =	wrdreg s24  }
0xaf: {  	[dreg:$0x3] =	wrdreg $0x0  }
0xb0: {  	[dreg:$0x4] =	wrdreg $0x9  }
0xb1: {  	_ =	task.clear_ibuf [dreg:s6], $0x5FFFF;
	_ =	strace $0x9000004C  }
0xb2: {  	s29 =	simm.s32 $0x9;
	_ =	strace $0x8000004E  }
0xb3: {  	_ =	swait.ge [sflag:s29], $0x1  }
0xb4: {  	[sflag:s29] =	ssyncadd.s32 $0xFFFFFFFF  }
0xb5: {  	_ =	strace $0x9000004E  }
0xb6: {  	_ =	sfence  }
0xb7: {  	s30 =	sld [smem:$0x0];
	_ =	sdelay $0x2  }
0xb8: {  	s31 =	sshll.u32 s1, $0xD;
	s1 =	sshrl.u32 s1, $0x2  }
0xb9: {  	s3 =	sand.u32 $0x4000, s31;
	s1 =	sadd.s32 s1, s30  }
0xba: {  	s0 =	sor.u32 s3, s0;
	s1 =	sshll.u32 s1, $0x11  }
0xbb: {  	s0 =	sor.u32 s1, s0  }
0xbc: {  	s0 =	sadd.s32 $0x8F2B, s0  }
0xbd: {  	[sflag:s0] =	ssyncadd.remote.s32 $0x1  }
0xbe: {  	_ =	sfence.sel $0xFFFF  }
0xbf: {  	[dreg:$0x0] =	wrdreg $0xFFFFFFFF;
	(pc) =	sbr.abs _section_cstart, $3  }
0xc0: {  	[dreg:$0x1] =	wrdreg $0xFFFFFFFF  }
0xc1: {  	_ =	task.clear_ibuf [dreg:s6], $0x2FFFF;
	_ =	strace $0x9FFFFFFF  }
0xc2: {  	(tm) =	ssettm $0x7FFFFFFF  }
0xc3: {  	_ =	shalt  }
tec
execute0_lowered:
.L_overlay_start_1:
0x0: {  	(tag) =	ssettag $0x1  }
0x1: {  	s1 =	srdreg.scid  }
0x2: {  	s0 =	stileid.u32;
	s4 =	rddreg [dreg:$0x0]  }
0x3: {  	s2 =	rddreg [dreg:$0x1];
	s3 =	simm.s32 $0x0;
	s13 =	simm.s32 $0x18800  }
0x4: {  	s14 =	simm.s32 $0x80;
	s15 =	simm.s32 $0x19880;
	s6 =	smul.u32 $0x190000, s0  }
0x5: {  	s16 =	simm.s32 $0x1A880;
	s17 =	simm.s32 $0x1B880;
	s8 =	smul.u32 $0xC800, s0  }
0x6: {  	s5 =	sand.u32 $0x1, s1;
	s1 =	rddreg [dreg:$0x2];
	s9 =	smul.u32 $0x18800, s0  }
0x7: {  	s18 =	simm.s32 $0x0;
	[smem:$0x7FF] =	sst s3;
	s7 =	smul.u32 $0xC8000, s5  }
0x8: {  	s31 =	sshll.u32 s0, $0x6;
	s24 =	smul.u32 $0x6400, s5;
	_ =	strace $0x8000004D  }
0x9: {  	s28 =	ssub.s32 $0x2, s5;
	p0 =	seq.s32 s5, $0x1;
	s5 =	sor.u32 $0x1C01, s31  }
0xa: {  	s26 =	sshrl.u32 s9, $0x3;
	s29 =	sshrl.u32 s28, $0x1;
	s12 =	sadd.s32 s9, s2  }
0xb: {  	s9 =	simm.s32 $0x208C00;
	s6 =	sadd.s32 s7, s6;
	s25 =	sadd.s32 s24, s8  }
0xc: {  	s7 =	sadd.s32 s26, s4;
	s30 =	ssub.s32 s28, s29;
	s6 =	sshrl.u32 s6, $0x3  }
0xd: {  	s9 =	simm.s32 @!p0 $0x75200;
	s10 =	sadd.s32 s6, s4;
	s6 =	sshrl.u32 s25, $0x3  }
0xe: {  	s11 =	sadd.s32 s6, s4;
	s4 =	sadd.s32 $0x12200, s7;
	s6 =	smax.u32 s30, $0x1  }
0xf: {  	s7 =	sadd.s32 s9, s7;
	s8 =	sadd.s32 $0x7D2200, s10;
	s10 =	sshrl.u32 s12, $0x3  }
0x10: {  	s12 =	simm.s32 $0x18880;
	s9 =	sadd.s32 $0x43200, s11;
	s11 =	simm.s32 $0x1  }
.LBB2_1:
0x11: {  	[spmem:s10], [sflag:s5] =	dma.local [hbm:s4], $0x3100  }
0x12: {  	_ =	swait.ge [sflag:s11], $0x3100  }
0x13: {  	[sflag:s11] =	ssyncset.done $0x0  }
0x14: {  	[sflag:s11] =	ssyncadd.s32 $0xFFFFCF00  }
0x15: {  	[bflag:$0x0] =	sbarrier.arrive $0xFFFF  }
0x16: {  	[tilespmem:s12], [sflag:$0x1] =	stream.linear.gather [hbm4b:s8+s3], $0x4000, $0x38;
	[tilespmem:$0x1C880] =	vst v63  }
0x17: {  	_ =	swait.ge [sflag:s11], $0x4000  }
0x18: {  	[sflag:s11] =	ssyncset.done $0x0  }
0x19: {  	s19 =	sadd.s32 $0x0, s9;
	[sflag:s11] =	ssyncadd.s32 $0xFFFFC000  }
0x1a: {  	[tilespmem:s13], [sflag:$0x1] =	stream.linear.gather [hbm4b:s19+s3], $0x80, $0x38;
	[tilespmem:$0x1C880] =	vst v63  }
0x1b: {  	_ =	swait.ge [sflag:s11], $0x80  }
0x1c: {  	[sflag:s11] =	ssyncset.done $0x0  }
0x1d: {  	[sflag:s11] =	ssyncadd.s32 $0xFFFFFF80  }
0x1e: {  	[spmem:s2] =	stream.indirect.scatter.add.f32 [tilespmem:s12], [sflag:$0x1], $0x20, s13, s14, $0xb8;
	[tilespmem:$0x1C880] =	vst v63  }
0x1f: {  	_ =	swait.ge [sflag:s11], $0x1000  }
0x20: {  	[sflag:s11] =	ssyncset.done $0x0  }
0x21: {  	s20 =	sadd.s32 $0x10, s19;
	[sflag:s11] =	ssyncadd.s32 $0xFFFFF000  }
0x22: {  	[tilespmem:s13], [sflag:$0x1] =	stream.linear.gather [hbm4b:s20+s3], $0x80, $0x38;
	[tilespmem:$0x1C880] =	vst v63  }
0x23: {  	_ =	swait.ge [sflag:s11], $0x80  }
0x24: {  	[sflag:s11] =	ssyncset.done $0x0  }
0x25: {  	[sflag:s11] =	ssyncadd.s32 $0xFFFFFF80  }
0x26: {  	[spmem:s2] =	stream.indirect.scatter.add.f32 [tilespmem:s15], [sflag:$0x1], $0x20, s13, s14, $0xb8;
	[tilespmem:$0x1C880] =	vst v63  }
0x27: {  	_ =	swait.ge [sflag:s11], $0x1000  }
0x28: {  	[sflag:s11] =	ssyncset.done $0x0  }
0x29: {  	s31 =	sadd.s32 $0x20, s19;
	[sflag:s11] =	ssyncadd.s32 $0xFFFFF000  }
0x2a: {  	[tilespmem:s13], [sflag:$0x1] =	stream.linear.gather [hbm4b:s31+s3], $0x80, $0x38;
	[tilespmem:$0x1C880] =	vst v63  }
0x2b: {  	_ =	swait.ge [sflag:s11], $0x80  }
0x2c: {  	[sflag:s11] =	ssyncset.done $0x0  }
0x2d: {  	[sflag:s11] =	ssyncadd.s32 $0xFFFFFF80  }
0x2e: {  	[spmem:s2] =	stream.indirect.scatter.add.f32 [tilespmem:s16], [sflag:$0x1], $0x20, s13, s14, $0xb8;
	[tilespmem:$0x1C880] =	vst v63  }
0x2f: {  	_ =	swait.ge [sflag:s11], $0x1000  }
0x30: {  	[sflag:s11] =	ssyncset.done $0x0  }
0x31: {  	s19 =	sadd.s32 $0x30, s19;
	[sflag:s11] =	ssyncadd.s32 $0xFFFFF000  }
0x32: {  	[tilespmem:s13], [sflag:$0x1] =	stream.linear.gather [hbm4b:s19+s3], $0x80, $0x38;
	[tilespmem:$0x1C880] =	vst v63  }
0x33: {  	_ =	swait.ge [sflag:s11], $0x80  }
0x34: {  	[sflag:s11] =	ssyncset.done $0x0  }
0x35: {  	[sflag:s11] =	ssyncadd.s32 $0xFFFFFF80  }
0x36: {  	[spmem:s2] =	stream.indirect.scatter.add.f32 [tilespmem:s17], [sflag:$0x1], $0x20, s13, s14, $0xb8;
	[tilespmem:$0x1C880] =	vst v63  }
0x37: {  	_ =	swait.ge [sflag:s11], $0x1000  }
0x38: {  	s20 =	smov.u32 s8;
	s19 =	simm.s32 $0x40;
	[sflag:s11] =	ssyncset.done $0x0  }
.LBB2_2:
0x39: {  	p0 =	sne.s32 s19, $0xC40;
	[sflag:s11] =	ssyncadd.s32 $0xFFFFF000;
	s20 =	sadd.s32 $0x800, s20  }
0x3a: {  	[tilespmem:s12], [sflag:$0x1] =	stream.linear.gather [hbm4b:s20+s3], $0x4000, $0x38;
	[tilespmem:$0x1C880] =	vst v63  }
0x3b: {  	s21 =	smov.u32 s19;
	s19 =	sadd.s32 $0x40, s19;
	_ =	swait.ge [sflag:s11], $0x4000  }
0x3c: {  	[sflag:s11] =	ssyncset.done $0x0  }
0x3d: {  	s21 =	sadd.s32 s21, s9;
	[sflag:s11] =	ssyncadd.s32 $0xFFFFC000  }
0x3e: {  	[tilespmem:s13], [sflag:$0x1] =	stream.linear.gather [hbm4b:s21+s3], $0x80, $0x38;
	[tilespmem:$0x1C880] =	vst v63  }
0x3f: {  	_ =	swait.ge [sflag:s11], $0x80  }
0x40: {  	[sflag:s11] =	ssyncset.done $0x0  }
0x41: {  	[sflag:s11] =	ssyncadd.s32 $0xFFFFFF80  }
0x42: {  	[spmem:s2] =	stream.indirect.scatter.add.f32 [tilespmem:s12], [sflag:$0x1], $0x20, s13, s14, $0xb8;
	[tilespmem:$0x1C880] =	vst v63  }
0x43: {  	_ =	swait.ge [sflag:s11], $0x1000  }
0x44: {  	[sflag:s11] =	ssyncset.done $0x0  }
0x45: {  	s22 =	sadd.s32 $0x10, s21;
	[sflag:s11] =	ssyncadd.s32 $0xFFFFF000  }
0x46: {  	[tilespmem:s13], [sflag:$0x1] =	stream.linear.gather [hbm4b:s22+s3], $0x80, $0x38;
	[tilespmem:$0x1C880] =	vst v63  }
0x47: {  	_ =	swait.ge [sflag:s11], $0x80  }
0x48: {  	[sflag:s11] =	ssyncset.done $0x0  }
0x49: {  	[sflag:s11] =	ssyncadd.s32 $0xFFFFFF80  }
0x4a: {  	[spmem:s2] =	stream.indirect.scatter.add.f32 [tilespmem:s15], [sflag:$0x1], $0x20, s13, s14, $0xb8;
	[tilespmem:$0x1C880] =	vst v63  }
0x4b: {  	_ =	swait.ge [sflag:s11], $0x1000  }
0x4c: {  	[sflag:s11] =	ssyncset.done $0x0  }
0x4d: {  	s22 =	sadd.s32 $0x20, s21;
	[sflag:s11] =	ssyncadd.s32 $0xFFFFF000  }
0x4e: {  	[tilespmem:s13], [sflag:$0x1] =	stream.linear.gather [hbm4b:s22+s3], $0x80, $0x38;
	[tilespmem:$0x1C880] =	vst v63  }
0x4f: {  	_ =	swait.ge [sflag:s11], $0x80  }
0x50: {  	[sflag:s11] =	ssyncset.done $0x0  }
0x51: {  	[sflag:s11] =	ssyncadd.s32 $0xFFFFFF80  }
0x52: {  	[spmem:s2] =	stream.indirect.scatter.add.f32 [tilespmem:s16], [sflag:$0x1], $0x20, s13, s14, $0xb8;
	[tilespmem:$0x1C880] =	vst v63  }
0x53: {  	_ =	swait.ge [sflag:s11], $0x1000  }
0x54: {  	[sflag:s11] =	ssyncset.done $0x0  }
0x55: {  	s21 =	sadd.s32 $0x30, s21;
	[sflag:s11] =	ssyncadd.s32 $0xFFFFF000  }
0x56: {  	[tilespmem:s13], [sflag:$0x1] =	stream.linear.gather [hbm4b:s21+s3], $0x80, $0x38;
	[tilespmem:$0x1C880] =	vst v63  }
0x57: {  	_ =	swait.ge [sflag:s11], $0x80  }
.Ltmp0:
0x58: {  	[sflag:s11] =	ssyncset.done $0x0;
	(pc) =	sbr.rel @p0 .LBB2_2-.Ltmp0, $4  }
0x59: {  	[sflag:s11] =	ssyncadd.s32 $0xFFFFFF80  }
0x5a: {  	[spmem:s2] =	stream.indirect.scatter.add.f32 [tilespmem:s17], [sflag:$0x1], $0x20, s13, s14, $0xb8;
	[tilespmem:$0x1C880] =	vst v63  }
0x5b: {  	_ =	swait.ge [sflag:s11], $0x1000  }
0x5c: {  	[sflag:s11] =	ssyncset.done $0x0  }
0x5d: {  	s18 =	sadd.s32 $0x1, s18  }
0x5e: {  	[sflag:s11] =	ssyncadd.s32 $0xFFFFF000;
	p0 =	sne.s32 s18, s6  }
.Ltmp1:
0x5f: {  	[bflag:$0x0] =	sbarrier.arrive $0xFFFF;
	(pc) =	sbr.rel @p0 .LBB2_1-.Ltmp1, $4  }
0x60: {  	[hbm:s7], [sflag:s5] =	dma.local [spmem:s10], $0x3100  }
0x61: {  	_ =	swait.ge [sflag:s11], $0x3100  }
0x62: {  	[sflag:s11] =	ssyncset.done $0x0  }
0x63: {  	[sflag:s11] =	ssyncadd.s32 $0xFFFFCF00  }
0x64: {  	_ =	sfence.sel $0x180000  }
0x65: {  	[bflag:$0x0] =	sbarrier.arrive $0xFFFF  }
0x66: {  	p0 =	sne.s32 s0, $0x0;
	_ =	strace $0x9000004D  }
0x67: {  	s0 =	sadd.s32 @!p0 $0x100000, s1;
	[bflag:$0x2] =	sbarrier.arrive $0xFFFF  }
0x68: {  	[sflag:s0] =	ssyncadd.tile.s32 @!p0 $0x1;
	_ =	shalt  }
.Lfunc_end2:
_tile_overlayer_lowered:
.L_overlay_start_2:
0x69: {  	(tag) =	ssettag $0x2  }
0x6a: {  	s0 =	rddreg [dreg:$0x0];
	s2 =	stileid.u32  }
0x6b: {  	s1 =	rddreg [dreg:$0x1];
	p0 =	sne.s32 s2, $0x0  }
0x6c: {  	s3 =	rddreg [dreg:$0x2];
	[bflag:$0x3] =	sbarrier.arrive $0xFFFF;
	s2 =	simm.s32 @!p0 $0x1C01  }
0x6d: {  	[timem:s3], [sflag:s2] =	dma.local @!p0 [hbm:s0], s1  }
0x6e: {  	s0 =	simm.s32 @!p0 $0x1  }
0x6f: {  	_ =	swait.ge @!p0 [sflag:s0], s1  }
0x70: {  	s1 =	ssub.s32 @!p0 $0x0, s1;
	[sflag:s0] =	ssyncset.done @!p0 $0x0  }
0x71: {  	[sflag:s0] =	ssyncadd.s32 @!p0 s1  }
0x72: {  	[bflag:$0x3] =	sbarrier.arrive $0xFFFF  }
0x73: {  	_ =	shalt  }

// kernel: kernel.21.cloned.1.call-start
scs
__scs_entry_jumppad:
0x0: {  	(pc) =	sbr.rel $0x88, $3  }
0x1: {  	(tag) =	ssettag $0x0;
	lr =	simm.s32 $0x1  }
0x2: {  	[smem:$0x3F82] =	sst lr;
	_ =	strace $0xD0000000  }
0x3: {  	_ = 	snop  }
0x4: {  	_ = 	snop  }
0x5: {  	_ = 	snop  }
0x6: {  	_ = 	snop  }
0x7: {  	_ = 	snop  }
__scs_overlays_trampoline_lowered:
0x8: {  	[smem:$0x3F91] =	sst s0  }
0x9: {  	[smem:$0x3F92] =	sst s1  }
0xa: {  	[smem:$0x3F93] =	sst s2  }
0xb: {  	[smem:$0x3F94] =	sst s3  }
0xc: {  	[smem:$0x3F95] =	sst s4  }
0xd: {  	[smem:$0x3F96] =	sst s5  }
0xe: {  	[smem:$0x3F97] =	sst s6  }
0xf: {  	[smem:$0x3F98] =	sst s7  }
0x10: {  	[smem:$0x3F99] =	sst s8  }
0x11: {  	[smem:$0x3F9A] =	sst s9;
	s0 =	simm.s32 @!p0 $0x0  }
0x12: {  	s1 =	sld [smem:$0x3F80];
	s0 =	simm.s32 @p0 $0x1  }
0x13: {  	[smem:$0x3F9B] =	sst s0;
	s0 =	simm.s32 @!p1 $0x0  }
0x14: {  	s2 =	sld [smem:$0x3F7F];
	s0 =	simm.s32 @p1 $0x1  }
0x15: {  	[smem:$0x3F9C] =	sst s0;
	s0 =	simm.s32 @!p2 $0x0  }
0x16: {  	s3 =	sld [smem:$0x3FDB];
	s0 =	simm.s32 @p2 $0x1  }
0x17: {  	s4 =	simm.s32 $0x1BF5;
	[smem:$0x3F9E] =	sst s0  }
0x18: {  	s0 =	sld [smem:$0x3F81];
	_ =	swait.ge [sflag:s4], $0x0  }
0x19: {  	s7 =	sld [smem:$0x3F82]  }
0x1a: {  	s8 =	sadd.s32 $0xFFFFE003, lr  }
0x1b: {  	s9 =	sadd.s32 $0xFFFFFEF7, lr;
	s5 =	simm.s32 $0xFFFFFFFF;
	p2 =	slt.u32 s8, $0xFFFFF086  }
0x1c: {  	p1 =	slt.u32 s9, $0xF7A;
	s5 =	simm.s32 @!p2 $0x0  }
0x1d: {  	s5 =	simm.s32 @p1 $0x1;
	p0 =	seq.s32 s7, s2  }
0x1e: {  	s7 =	smul.u32 @!p0 $0xF7A, s2;
	p2 =	seq.s32 @!p0 s5, $0x0  }
0x1f: {  	s9 =	smul.u32 $0xF7A, s1;
	s8 =	simm.s32 @!p0 $0x1BF5;
	p2 =	por !p2, p0  }
0x20: {  	[sflag:s8] =	ssyncset.s32 @!p0 $0xFFFFF086;
	s6 =	sadd.s32 @!p0 s3, s7;
	s7 =	simm.s32 @!p0 $0x108  }
0x21: {  	s3 =	sadd.s32 s3, s9;
	s6 =	sadd.s32 @!p0 $0x88, s6;
	s7 =	simm.s32 @p2 $0x1082  }
0x22: {  	[simem:s7], [sflag:s8] =	dma.local @!p0 [hbm:s6], $0xF7A  }
0x23: {  	s9 =	sor.u32 $0xD0000000, s2;
	s6 =	simm.s32 $0x108;
	_ =	swait.ge @!p0 [sflag:s8], $0x0  }
0x24: {  	s3 =	sadd.s32 $0x88, s3;
	s6 =	simm.s32 @!p1 $0x1082;
	[sflag:s4] =	ssyncset.s32 $0xFFFFF086  }
0x25: {  	[simem:s6], [sflag:s4] =	dma.local [hbm:s3], $0xF7A  }
0x26: {  	[smem:$0x3F82] =	sst s1;
	(tag) =	ssettag s2;
	_ =	strace s9  }
0x27: {  	s1 =	sld [smem:$0x3F92]  }
0x28: {  	s2 =	sld [smem:$0x3F93]  }
0x29: {  	s4 =	sld [smem:$0x3F95]  }
0x2a: {  	p0 =	seq.s32 s5, $0x0;
	s5 =	sld [smem:$0x3F96]  }
0x2b: {  	s6 =	sld [smem:$0x3F97]  }
0x2c: {  	s7 =	sld [smem:$0x3F98]  }
0x2d: {  	s3 =	simm.s32 $0x108;
	s8 =	sld [smem:$0x3F99]  }
0x2e: {  	s3 =	simm.s32 @!p0 $0x1082;
	s9 =	sld [smem:$0x3F9A]  }
0x2f: {  	lr =	sadd.s32 s0, s3;
	s0 =	sld [smem:$0x3F91]  }
0x30: {  	s3 =	sld [smem:$0x3F94]  }
0x31: {  	[smem:$0x3F9D] =	sst s10  }
0x32: {  	s10 =	sld [smem:$0x3F9B];
	_ =	sdelay $0x3  }
0x33: {  	p0 =	seq.s32 s10, $0x1;
	s10 =	sld [smem:$0x3F9D];
	_ =	sdelay $0x3  }
0x34: {  	[smem:$0x3F9D] =	sst s10  }
0x35: {  	s10 =	sld [smem:$0x3F9C];
	_ =	sdelay $0x3  }
0x36: {  	p1 =	seq.s32 s10, $0x1;
	s10 =	sld [smem:$0x3F9D];
	_ =	sdelay $0x3  }
0x37: {  	[smem:$0x3F9D] =	sst s10  }
0x38: {  	s10 =	sld [smem:$0x3F9E]  }
0x39: {  	_ = 	snop;
	(pc) =	sbr.ind lr, $3  }
0x3a: {  	_ = 	snop  }
0x3b: {  	_ = 	snop  }
0x3c: {  	p2 =	seq.s32 s10, $0x1;
	s10 =	sld [smem:$0x3F9D]  }
0x3d: {  	_ =	shalt  }
0x3e: {  	_ =	shalt  }
0x3f: {  	_ =	shalt  }
0x40: {  	_ =	shalt  }
0x41: {  	_ =	shalt  }
0x42: {  	_ =	shalt  }
0x43: {  	_ =	shalt  }
0x44: {  	_ =	shalt  }
0x45: {  	_ =	shalt  }
0x46: {  	_ =	shalt  }
0x47: {  	_ =	shalt  }
0x48: {  	_ =	shalt  }
0x49: {  	_ =	shalt  }
0x4a: {  	_ =	shalt  }
0x4b: {  	_ =	shalt  }
0x4c: {  	_ =	shalt  }
0x4d: {  	_ =	shalt  }
0x4e: {  	_ =	shalt  }
0x4f: {  	_ =	shalt  }
0x50: {  	_ =	shalt  }
0x51: {  	_ =	shalt  }
0x52: {  	_ =	shalt  }
0x53: {  	_ =	shalt  }
0x54: {  	_ =	shalt  }
0x55: {  	_ =	shalt  }
0x56: {  	_ =	shalt  }
0x57: {  	_ =	shalt  }
0x58: {  	_ =	shalt  }
0x59: {  	_ =	shalt  }
0x5a: {  	_ =	shalt  }
0x5b: {  	_ =	shalt  }
0x5c: {  	_ =	shalt  }
0x5d: {  	_ =	shalt  }
0x5e: {  	_ =	shalt  }
0x5f: {  	_ =	shalt  }
0x60: {  	_ =	shalt  }
0x61: {  	_ =	shalt  }
0x62: {  	_ =	shalt  }
0x63: {  	_ =	shalt  }
0x64: {  	_ =	shalt  }
0x65: {  	_ =	shalt  }
0x66: {  	_ =	shalt  }
0x67: {  	_ =	shalt  }
0x68: {  	_ =	shalt  }
0x69: {  	_ =	shalt  }
0x6a: {  	_ =	shalt  }
0x6b: {  	_ =	shalt  }
0x6c: {  	_ =	shalt  }
0x6d: {  	_ =	shalt  }
0x6e: {  	_ =	shalt  }
0x6f: {  	_ =	shalt  }
0x70: {  	_ =	shalt  }
0x71: {  	_ =	shalt  }
0x72: {  	_ =	shalt  }
0x73: {  	_ =	shalt  }
0x74: {  	_ =	shalt  }
0x75: {  	_ =	shalt  }
0x76: {  	_ =	shalt  }
0x77: {  	_ =	shalt  }
0x78: {  	_ =	shalt  }
0x79: {  	_ =	shalt  }
0x7a: {  	_ =	shalt  }
0x7b: {  	_ =	shalt  }
0x7c: {  	_ =	shalt  }
0x7d: {  	_ =	shalt  }
0x7e: {  	_ =	shalt  }
0x7f: {  	_ =	shalt  }
0x80: {  	_ =	shalt  }
0x81: {  	_ =	shalt  }
0x82: {  	_ =	shalt  }
0x83: {  	_ =	shalt  }
0x84: {  	_ =	shalt  }
0x85: {  	_ =	shalt  }
0x86: {  	_ =	shalt  }
0x87: {  	_ =	shalt  }
.Lfunc_end0:
.L_simem_size_0:
called_computation.5_lowered:
.L_overlay_start_0:
0x88: {  	s2 =	sld [smem:$0x3FD9]  }
0x89: {  	s3 =	sld [smem:$0x3FFE];
	_ =	sdelay $0x1  }
0x8a: {  	s1 =	srdreg.scid  }
0x8b: {  	s0 =	sand.u32 $0x1, s1  }
0x8c: {  	s16 =	sshll.u32 s0, $0xA;
	s2 =	sadd.s32 s3, s2  }
0x8d: {  	s2 =	sadd.s32 s2, s16  }
0x8e: {  	[smem:$0x3FA9] =	sst s2  }
0x8f: {  	_ = 	snop  }
0x90: {  	(tm) =	ssettm $0x1  }
0x91: {  	s17 =	sld [smem:$0x3FFB];
	_ =	sdelay $0x3  }
0x92: {  	_ =	strace s17  }
0x93: {  	s2 =	sld [smem:$0x3FFC];
	_ =	sdelay $0x3  }
0x94: {  	_ =	strace s2  }
0x95: {  	s2 =	sld [smem:$0x3FFD];
	_ =	sdelay $0x3  }
0x96: {  	_ =	strace s2  }
0x97: {  	_ =	strace $0x8FFFFFFF  }
0x98: {  	s18 =	sld [smem:$0x3FDB];
	_ =	sdelay $0x1  }
0x99: {  	s19 =	simm.s32 $_scs_section_size  }
0x9a: {  	s4 =	simm.s32 $_size__tile_overlayer_lowered;
	s5 =	simm.s32 $_tile_overlayer_lowered  }
0x9b: {  	s22 =	simm.s32 $0x1BFF;
	s21 =	sshll.u32 s5, $0x1;
	s2 =	sadd.s32 s19, s18  }
0x9c: {  	s6 =	simm.s32 $0x0;
	s20 =	sshll.u32 s4, $0x1;
	s4 =	sadd.s32 s21, s2  }
0x9d: {  	[timem:s6], [sflag:s22] =	dma.local [hbm:s4], s20  }
0x9e: {  	_ =	swait.ge [sflag:s22], s20  }
0x9f: {  	s3 =	ssub.s32 $0x0, s20;
	[sflag:s22] =	ssyncset.done $0x0  }
0xa0: {  	[sflag:s22] =	ssyncadd.s32 s3;
	_ =	sdelay $0x1  }
0xa1: {  	s23 =	simm.s32 $0x1B8B  }
0xa2: {  	_ =	swait.ge [sflag:s23], $0x1  }
0xa3: {  	[sflag:s23] =	ssyncset.done $0x0  }
0xa4: {  	s25 =	simm.s32 $0x1B8E;
	s24 =	sld [smem:$0x3FFE];
	[sflag:s23] =	ssyncadd.s32 $0xFFFFFFFF  }
0xa5: {  	s26 =	simm.s32 $execute0_lowered;
	[smem:$0x3FD2] =	sst s25  }
0xa6: {  	s4 =	sshll.u32 s26, $0x1;
	_ =	strace $0x8000004F;
	[dreg:$0x1] =	wrdreg $0xFFFFFFFF  }
0xa7: {  	s28 =	simm.s32 $_size_execute0_lowered;
	s2 =	sadd.s32 s2, s4;
	[dreg:$0x0] =	wrdreg $0x0  }
0xa8: {  	s4 =	sshll.u32 s28, $0x1;
	[dreg:$0x2] =	wrdreg s2  }
0xa9: {  	[dreg:$0x3] =	wrdreg s4  }
0xaa: {  	[dreg:$0x4] =	wrdreg $0xC0  }
0xab: {  	_ =	task [dreg:s6], $0x5FFFF  }
0xac: {  	[dreg:$0x1] =	wrdreg $0xFFFFFFFF  }
0xad: {  	[dreg:$0x0] =	wrdreg $0x60  }
0xae: {  	[dreg:$0x2] =	wrdreg s24  }
0xaf: {  	[dreg:$0x3] =	wrdreg $0x9  }
0xb0: {  	_ =	task.clear_ibuf [dreg:s6], $0x4FFFF;
	_ =	strace $0x9000004F  }
0xb1: {  	s29 =	simm.s32 $0x9;
	_ =	strace $0x80000051  }
0xb2: {  	_ =	swait.ge [sflag:s29], $0x1  }
0xb3: {  	[sflag:s29] =	ssyncadd.s32 $0xFFFFFFFF  }
0xb4: {  	_ =	strace $0x90000051  }
0xb5: {  	_ =	sfence  }
0xb6: {  	s30 =	sld [smem:$0x0];
	_ =	sdelay $0x2  }
0xb7: {  	s31 =	sshll.u32 s1, $0xD;
	s1 =	sshrl.u32 s1, $0x2  }
0xb8: {  	s3 =	sand.u32 $0x4000, s31;
	s1 =	sadd.s32 s1, s30  }
0xb9: {  	s0 =	sor.u32 s3, s0;
	s1 =	sshll.u32 s1, $0x11  }
0xba: {  	s0 =	sor.u32 s1, s0  }
0xbb: {  	s0 =	sadd.s32 $0x8F2B, s0  }
0xbc: {  	[sflag:s0] =	ssyncadd.remote.s32 $0x1  }
0xbd: {  	_ =	sfence.sel $0xFFFF  }
0xbe: {  	[dreg:$0x0] =	wrdreg $0xFFFFFFFF;
	(pc) =	sbr.abs _section_cstart, $3  }
0xbf: {  	[dreg:$0x1] =	wrdreg $0xFFFFFFFF  }
0xc0: {  	_ =	task.clear_ibuf [dreg:s6], $0x2FFFF;
	_ =	strace $0x9FFFFFFF  }
0xc1: {  	(tm) =	ssettm $0x7FFFFFFF  }
tec
execute0_lowered:
.L_overlay_start_1:
0x0: {  	(tag) =	ssettag $0x1  }
0x1: {  	s0 =	rddreg [dreg:$0x0]  }
0x2: {  	s1 =	srdreg.scid;
	s11 =	stileid.u32  }
0x3: {  	s2 =	simm.s32 $0x0;
	s17 =	simm.s32 $0x5;
	s18 =	simm.s32 $0x6400  }
0x4: {  	s19 =	simm.s32 $0x200;
	s20 =	simm.s32 $0xC800;
	s28 =	simm.s32 $0x3  }
0x5: {  	s31 =	simm.s32 $0x4;
	s1 =	sand.u32 $0x1, s1;
	s3 =	sshll.u32 s11, $0x1  }
0x6: {  	[smem:$0x7FF] =	sst s2;
	s11 =	smul.u32 $0xC8000, s11;
	s5 =	sor.u32 s1, s3  }
0x7: {  	_ =	strace $0x80000050;
	s8 =	ssub.s32 $0x2, s1;
	s1 =	smul.u32 $0x64000, s1  }
0x8: {  	s4 =	sadd.s32 $0x23C000, s0;
	s3 =	sadd.s32 $0x208C00, s0;
	s6 =	smul.u32 $0xC80, s5  }
0x9: {  	s9 =	smul.u32 $0x64000, s5;
	s5 =	sadd.s32 $0x75200, s0;
	s10 =	sshrl.u32 s8, $0x1  }
0xa: {  	s21 =	ssub.s32 s8, s10;
	s24 =	sadd.s32 s1, s11;
	s7 =	sadd.s32 s6, s0  }
0xb: {  	s6 =	sadd.s32 $0x322200, s0;
	s23 =	sshrl.u32 s9, $0x3;
	s9 =	smax.u32 s21, $0x1  }
0xc: {  	s26 =	sadd.s32 $0x6000, s24;
	s29 =	sadd.s32 $0x4000, s24;
	s21 =	simm.s32 $0x10800  }
0xd: {  	s0 =	simm.s32 $0x0;
	s22 =	sadd.s32 $0x43200, s7;
	s7 =	sadd.s32 $0x5C200, s7  }
.Ltmp0:
0xe: {  	s10 =	sadd.s32 s5, s23;
	s11 =	sadd.s32 s6, s23;
	(pc) =	sbr.rel .LBB2_1-.Ltmp0, $4  }
0xf: {  	s25 =	sor.u32 $0x400, s23;
	s30 =	sshrl.u32 s26, $0x3;
	[dreg:$0x2] =	wrdreg s22  }
0x10: {  	s23 =	simm.s32 $0xE800;
	s26 =	simm.s32 $0x2;
	[dreg:$0x3] =	wrdreg s7  }
0x11: {  	s12 =	sadd.s32 s5, s25;
	s13 =	sadd.s32 s6, s25;
	s24 =	sadd.s32 s30, s6  }
0x12: {  	s1 =	sadd.s32 s30, s5;
	s22 =	simm.s32 $0x1;
	s25 =	simm.s32 $0x12800  }
.LBB2_4:
0x13: {  	s0 =	sadd.s32 $0x1, s0  }
0x14: {  	_ =	swait.ge [sflag:s31], $0x2000;
	p0 =	sne.s32 s0, s9  }
.Ltmp1:
0x15: {  	[sflag:s31] =	ssyncset.done $0x0;
	(pc) =	sbr.rel @!p0 .LBB2_5-.Ltmp1, $4  }
0x16: {  	[sflag:s31] =	ssyncadd.s32 $0xFFFFE000  }
0x17: {  	_ =	swait.ge [sflag:s31], $0x2000  }
0x18: {  	[sflag:s31] =	ssyncset.done $0x0  }
0x19: {  	[sflag:s31] =	ssyncadd.s32 $0xFFFFE000  }
.LBB2_1:
0x1a: {  	s7 =	rddreg [dreg:$0x2]  }
0x1b: {  	[tilespmem:s2], [sflag:$0x5] =	stream.linear.gather [hbm4b:s7+s2], $0x6400, $0x38;
	[tilespmem:$0x14800] =	vst v63  }
0x1c: {  	_ =	swait.ge [sflag:s17], $0x6400  }
0x1d: {  	[sflag:s17] =	ssyncset.done $0x0  }
0x1e: {  	s8 =	rddreg [dreg:$0x3];
	[sflag:s17] =	ssyncadd.s32 $0xFFFF9C00  }
0x1f: {  	[tilespmem:s18], [sflag:$0x5] =	stream.linear.gather [hbm4b:s8+s2], $0x6400, $0x38;
	[tilespmem:$0x14800] =	vst v63  }
0x20: {  	_ =	swait.ge [sflag:s17], $0x6400  }
0x21: {  	[sflag:s17] =	ssyncset.done $0x0  }
0x22: {  	[sflag:s17] =	ssyncadd.s32 $0xFFFF9C00  }
0x23: {  	[tilespmem:s20], [sflag:$0x1] =	stream.indirect.gather [hbm4b:s3+s19], $0x10, s2, s19, $0xb8;
	[tilespmem:$0x14800] =	vst v63  }
0x24: {  	_ = 	snop  }
0x25: {  	[tilespmem:s21], [sflag:$0x1] =	stream.indirect.gather [hbm4b:s4+s19], $0x10, s18, s19, $0xb8;
	[tilespmem:$0x14800] =	vst v63  }
0x26: {  	_ =	swait.ge [sflag:s22], $0x2000  }
0x27: {  	[sflag:s22] =	ssyncset.done $0x0  }
0x28: {  	[sflag:s22] =	ssyncadd.s32 $0xFFFFE000  }
0x29: {  	_ =	swait.ge [sflag:s22], $0x2000  }
0x2a: {  	[sflag:s22] =	ssyncset.done $0x0  }
0x2b: {  	[sflag:s22] =	ssyncadd.s32 $0xFFFFE000  }
0x2c: {  	[hbm4b:s10+s2] =	stream.linear.scatter [tilespmem:s20], [sflag:$0x3], $0x2000, $0x38;
	[tilespmem:$0x14800] =	vst v63  }
0x2d: {  	_ = 	snop  }
0x2e: {  	[hbm4b:s11+s2] =	stream.linear.scatter [tilespmem:s21], [sflag:$0x3], $0x2000, $0x38;
	[tilespmem:$0x14800] =	vst v63  }
0x2f: {  	_ = 	snop  }
0x30: {  	[tilespmem:s23], [sflag:$0x2] =	stream.indirect.gather [hbm4b:s3+s19], $0x10, s19, s19, $0xb8;
	[tilespmem:$0x14800] =	vst v63  }
0x31: {  	s14 =	simm.s32 $0x6600  }
0x32: {  	[tilespmem:s25], [sflag:$0x2] =	stream.indirect.gather [hbm4b:s4+s19], $0x10, s14, s19, $0xb8;
	[tilespmem:$0x14800] =	vst v63  }
0x33: {  	_ =	swait.ge [sflag:s26], $0x2000  }
0x34: {  	[sflag:s26] =	ssyncset.done $0x0  }
0x35: {  	[sflag:s26] =	ssyncadd.s32 $0xFFFFE000  }
0x36: {  	_ =	swait.ge [sflag:s26], $0x2000  }
0x37: {  	[sflag:s26] =	ssyncset.done $0x0  }
0x38: {  	[sflag:s26] =	ssyncadd.s32 $0xFFFFE000  }
0x39: {  	[hbm4b:s12+s2] =	stream.linear.scatter [tilespmem:s23], [sflag:$0x4], $0x2000, $0x38;
	[tilespmem:$0x14800] =	vst v63  }
0x3a: {  	_ = 	snop  }
0x3b: {  	[hbm4b:s13+s2] =	stream.linear.scatter [tilespmem:s25], [sflag:$0x4], $0x2000, $0x38;
	[tilespmem:$0x14800] =	vst v63  }
0x3c: {  	_ =	swait.ge [sflag:s28], $0x2000  }
0x3d: {  	[sflag:s28] =	ssyncset.done $0x0  }
0x3e: {  	[sflag:s28] =	ssyncadd.s32 $0xFFFFE000  }
0x3f: {  	_ =	swait.ge [sflag:s28], $0x2000  }
0x40: {  	[sflag:s28] =	ssyncset.done $0x0  }
0x41: {  	s15 =	simm.s32 $0x400;
	[sflag:s28] =	ssyncadd.s32 $0xFFFFE000  }
0x42: {  	[tilespmem:s20], [sflag:$0x1] =	stream.indirect.gather [hbm4b:s3+s19], $0x10, s15, s19, $0xb8;
	[tilespmem:$0x14800] =	vst v63  }
0x43: {  	s16 =	simm.s32 $0x6800;
	s30 =	simm.s32 $0x0  }
0x44: {  	[tilespmem:s21], [sflag:$0x1] =	stream.indirect.gather [hbm4b:s4+s19], $0x10, s16, s19, $0xb8;
	[tilespmem:$0x14800] =	vst v63  }
0x45: {  	s14 =	smov.u32 s29;
	s15 =	smov.u32 s24;
	s16 =	smov.u32 s1  }
.LBB2_2:
0x46: {  	_ =	swait.ge [sflag:s22], $0x2000  }
0x47: {  	[sflag:s22] =	ssyncset.done $0x0  }
0x48: {  	[sflag:s22] =	ssyncadd.s32 $0xFFFFE000  }
0x49: {  	_ =	swait.ge [sflag:s22], $0x2000  }
0x4a: {  	s7 =	sshrl.u32 s14, $0x3;
	[sflag:s22] =	ssyncset.done $0x0  }
0x4b: {  	s8 =	sadd.s32 s5, s7;
	[sflag:s22] =	ssyncadd.s32 $0xFFFFE000  }
0x4c: {  	[hbm4b:s8+s2] =	stream.linear.scatter [tilespmem:s20], [sflag:$0x3], $0x2000, $0x38;
	[tilespmem:$0x14800] =	vst v63  }
0x4d: {  	s7 =	sadd.s32 s6, s7  }
0x4e: {  	[hbm4b:s7+s2] =	stream.linear.scatter [tilespmem:s21], [sflag:$0x3], $0x2000, $0x38;
	[tilespmem:$0x14800] =	vst v63  }
0x4f: {  	_ =	swait.ge [sflag:s31], $0x2000  }
0x50: {  	[sflag:s31] =	ssyncset.done $0x0  }
0x51: {  	[sflag:s31] =	ssyncadd.s32 $0xFFFFE000  }
0x52: {  	_ =	swait.ge [sflag:s31], $0x2000  }
0x53: {  	s7 =	sshra.s32 s30, $0x2;
	[sflag:s31] =	ssyncset.done $0x0  }
0x54: {  	s8 =	sadd.s32 $0x600, s7;
	[sflag:s31] =	ssyncadd.s32 $0xFFFFE000  }
0x55: {  	[tilespmem:s23], [sflag:$0x2] =	stream.indirect.gather [hbm4b:s3+s19], $0x10, s8, s19, $0xb8;
	[tilespmem:$0x14800] =	vst v63  }
0x56: {  	s8 =	sadd.s32 $0x6A00, s7  }
0x57: {  	[tilespmem:s25], [sflag:$0x2] =	stream.indirect.gather [hbm4b:s4+s19], $0x10, s8, s19, $0xb8;
	[tilespmem:$0x14800] =	vst v63  }
0x58: {  	_ =	swait.ge [sflag:s26], $0x2000  }
0x59: {  	[sflag:s26] =	ssyncset.done $0x0  }
0x5a: {  	[sflag:s26] =	ssyncadd.s32 $0xFFFFE000  }
0x5b: {  	_ =	swait.ge [sflag:s26], $0x2000  }
0x5c: {  	[sflag:s26] =	ssyncset.done $0x0  }
0x5d: {  	[sflag:s26] =	ssyncadd.s32 $0xFFFFE000  }
0x5e: {  	[hbm4b:s16+s2] =	stream.linear.scatter [tilespmem:s23], [sflag:$0x4], $0x2000, $0x38;
	[tilespmem:$0x14800] =	vst v63  }
0x5f: {  	_ = 	snop  }
0x60: {  	[hbm4b:s15+s2] =	stream.linear.scatter [tilespmem:s25], [sflag:$0x4], $0x2000, $0x38;
	[tilespmem:$0x14800] =	vst v63  }
0x61: {  	p0 =	seq.s32 s30, $0x17000;
	_ =	swait.ge [sflag:s28], $0x2000  }
.Ltmp2:
0x62: {  	[sflag:s28] =	ssyncset.done $0x0;
	(pc) =	sbr.rel @p0 .LBB2_4-.Ltmp2, $4  }
0x63: {  	[sflag:s28] =	ssyncadd.s32 $0xFFFFE000  }
0x64: {  	_ =	swait.ge [sflag:s28], $0x2000  }
0x65: {  	[sflag:s28] =	ssyncset.done $0x0  }
0x66: {  	[sflag:s28] =	ssyncadd.s32 $0xFFFFE000  }
.Ltmp3:
0x67: {  	(pc) =	sbr.rel .LBB2_2-.Ltmp3, $4  }
0x68: {  	s8 =	sadd.s32 $0x800, s7;
	s30 =	sadd.s32 $0x1000, s30;
	s14 =	sadd.s32 $0x4000, s14  }
0x69: {  	[tilespmem:s20], [sflag:$0x1] =	stream.indirect.gather [hbm4b:s3+s19], $0x10, s8, s19, $0xb8;
	[tilespmem:$0x14800] =	vst v63  }
0x6a: {  	s15 =	sadd.s32 $0x800, s15;
	s16 =	sadd.s32 $0x800, s16;
	s8 =	sadd.s32 $0x6C00, s7  }
0x6b: {  	[tilespmem:s21], [sflag:$0x1] =	stream.indirect.gather [hbm4b:s4+s19], $0x10, s8, s19, $0xb8;
	[tilespmem:$0x14800] =	vst v63  }
.LBB2_5:
0x6c: {  	_ =	sfence.sel $0x180000  }
0x6d: {  	[bflag:$0x0] =	sbarrier.arrive $0xFFFF  }
0x6e: {  	_ =	strace $0x90000050  }
0x6f: {  	s0 =	stileid.u32;
	[bflag:$0x2] =	sbarrier.arrive $0xFFFF  }
0x70: {  	p0 =	sne.s32 s0, $0x0;
	s0 =	rddreg [dreg:$0x1]  }
0x71: {  	s0 =	sadd.s32 @!p0 $0x100000, s0  }
0x72: {  	[sflag:s0] =	ssyncadd.tile.s32 @!p0 $0x1;
	_ =	shalt  }
.Lfunc_end2:
_tile_overlayer_lowered:
.L_overlay_start_2:
0x73: {  	(tag) =	ssettag $0x2  }
0x74: {  	s0 =	rddreg [dreg:$0x0];
	s2 =	stileid.u32  }
0x75: {  	s1 =	rddreg [dreg:$0x1];
	p0 =	sne.s32 s2, $0x0  }
0x76: {  	s3 =	rddreg [dreg:$0x2];
	[bflag:$0x3] =	sbarrier.arrive $0xFFFF;
	s2 =	simm.s32 @!p0 $0x1C05  }
0x77: {  	[timem:s3], [sflag:s2] =	dma.local @!p0 [hbm:s0], s1  }
0x78: {  	s0 =	simm.s32 @!p0 $0x5  }
0x79: {  	_ =	swait.ge @!p0 [sflag:s0], s1  }
0x7a: {  	s1 =	ssub.s32 @!p0 $0x0, s1;
	[sflag:s0] =	ssyncset.done @!p0 $0x0  }
0x7b: {  	[sflag:s0] =	ssyncadd.s32 @!p0 s1  }
0x7c: {  	[bflag:$0x3] =	sbarrier.arrive $0xFFFF  }
0x7d: {  	_ =	shalt  }

// kernel: kernel.24.cloned.1.call-start
scs
__scs_entry_jumppad:
0x0: {  	(pc) =	sbr.rel $0x88, $3  }
0x1: {  	(tag) =	ssettag $0x0;
	lr =	simm.s32 $0x1  }
0x2: {  	[smem:$0x3F82] =	sst lr;
	_ =	strace $0xD0000000  }
0x3: {  	_ = 	snop  }
0x4: {  	_ = 	snop  }
0x5: {  	_ = 	snop  }
0x6: {  	_ = 	snop  }
0x7: {  	_ = 	snop  }
__scs_overlays_trampoline_lowered:
0x8: {  	[smem:$0x3F91] =	sst s0  }
0x9: {  	[smem:$0x3F92] =	sst s1  }
0xa: {  	[smem:$0x3F93] =	sst s2  }
0xb: {  	[smem:$0x3F94] =	sst s3  }
0xc: {  	[smem:$0x3F95] =	sst s4  }
0xd: {  	[smem:$0x3F96] =	sst s5  }
0xe: {  	[smem:$0x3F97] =	sst s6  }
0xf: {  	[smem:$0x3F98] =	sst s7  }
0x10: {  	[smem:$0x3F99] =	sst s8  }
0x11: {  	[smem:$0x3F9A] =	sst s9;
	s0 =	simm.s32 @!p0 $0x0  }
0x12: {  	s1 =	sld [smem:$0x3F80];
	s0 =	simm.s32 @p0 $0x1  }
0x13: {  	[smem:$0x3F9B] =	sst s0;
	s0 =	simm.s32 @!p1 $0x0  }
0x14: {  	s2 =	sld [smem:$0x3F7F];
	s0 =	simm.s32 @p1 $0x1  }
0x15: {  	[smem:$0x3F9C] =	sst s0;
	s0 =	simm.s32 @!p2 $0x0  }
0x16: {  	s3 =	sld [smem:$0x3FDB];
	s0 =	simm.s32 @p2 $0x1  }
0x17: {  	s4 =	simm.s32 $0x1BF5;
	[smem:$0x3F9E] =	sst s0  }
0x18: {  	s0 =	sld [smem:$0x3F81];
	_ =	swait.ge [sflag:s4], $0x0  }
0x19: {  	s7 =	sld [smem:$0x3F82]  }
0x1a: {  	s8 =	sadd.s32 $0xFFFFE003, lr  }
0x1b: {  	s9 =	sadd.s32 $0xFFFFFEF7, lr;
	s5 =	simm.s32 $0xFFFFFFFF;
	p2 =	slt.u32 s8, $0xFFFFF086  }
0x1c: {  	p1 =	slt.u32 s9, $0xF7A;
	s5 =	simm.s32 @!p2 $0x0  }
0x1d: {  	s5 =	simm.s32 @p1 $0x1;
	p0 =	seq.s32 s7, s2  }
0x1e: {  	s7 =	smul.u32 @!p0 $0xF7A, s2;
	p2 =	seq.s32 @!p0 s5, $0x0  }
0x1f: {  	s9 =	smul.u32 $0xF7A, s1;
	s8 =	simm.s32 @!p0 $0x1BF5;
	p2 =	por !p2, p0  }
0x20: {  	[sflag:s8] =	ssyncset.s32 @!p0 $0xFFFFF086;
	s6 =	sadd.s32 @!p0 s3, s7;
	s7 =	simm.s32 @!p0 $0x108  }
0x21: {  	s3 =	sadd.s32 s3, s9;
	s6 =	sadd.s32 @!p0 $0x88, s6;
	s7 =	simm.s32 @p2 $0x1082  }
0x22: {  	[simem:s7], [sflag:s8] =	dma.local @!p0 [hbm:s6], $0xF7A  }
0x23: {  	s9 =	sor.u32 $0xD0000000, s2;
	s6 =	simm.s32 $0x108;
	_ =	swait.ge @!p0 [sflag:s8], $0x0  }
0x24: {  	s3 =	sadd.s32 $0x88, s3;
	s6 =	simm.s32 @!p1 $0x1082;
	[sflag:s4] =	ssyncset.s32 $0xFFFFF086  }
0x25: {  	[simem:s6], [sflag:s4] =	dma.local [hbm:s3], $0xF7A  }
0x26: {  	[smem:$0x3F82] =	sst s1;
	(tag) =	ssettag s2;
	_ =	strace s9  }
0x27: {  	s1 =	sld [smem:$0x3F92]  }
0x28: {  	s2 =	sld [smem:$0x3F93]  }
0x29: {  	s4 =	sld [smem:$0x3F95]  }
0x2a: {  	p0 =	seq.s32 s5, $0x0;
	s5 =	sld [smem:$0x3F96]  }
0x2b: {  	s6 =	sld [smem:$0x3F97]  }
0x2c: {  	s7 =	sld [smem:$0x3F98]  }
0x2d: {  	s3 =	simm.s32 $0x108;
	s8 =	sld [smem:$0x3F99]  }
0x2e: {  	s3 =	simm.s32 @!p0 $0x1082;
	s9 =	sld [smem:$0x3F9A]  }
0x2f: {  	lr =	sadd.s32 s0, s3;
	s0 =	sld [smem:$0x3F91]  }
0x30: {  	s3 =	sld [smem:$0x3F94]  }
0x31: {  	[smem:$0x3F9D] =	sst s10  }
0x32: {  	s10 =	sld [smem:$0x3F9B];
	_ =	sdelay $0x3  }
0x33: {  	p0 =	seq.s32 s10, $0x1;
	s10 =	sld [smem:$0x3F9D];
	_ =	sdelay $0x3  }
0x34: {  	[smem:$0x3F9D] =	sst s10  }
0x35: {  	s10 =	sld [smem:$0x3F9C];
	_ =	sdelay $0x3  }
0x36: {  	p1 =	seq.s32 s10, $0x1;
	s10 =	sld [smem:$0x3F9D];
	_ =	sdelay $0x3  }
0x37: {  	[smem:$0x3F9D] =	sst s10  }
0x38: {  	s10 =	sld [smem:$0x3F9E]  }
0x39: {  	_ = 	snop;
	(pc) =	sbr.ind lr, $3  }
0x3a: {  	_ = 	snop  }
0x3b: {  	_ = 	snop  }
0x3c: {  	p2 =	seq.s32 s10, $0x1;
	s10 =	sld [smem:$0x3F9D]  }
0x3d: {  	_ =	shalt  }
0x3e: {  	_ =	shalt  }
0x3f: {  	_ =	shalt  }
0x40: {  	_ =	shalt  }
0x41: {  	_ =	shalt  }
0x42: {  	_ =	shalt  }
0x43: {  	_ =	shalt  }
0x44: {  	_ =	shalt  }
0x45: {  	_ =	shalt  }
0x46: {  	_ =	shalt  }
0x47: {  	_ =	shalt  }
0x48: {  	_ =	shalt  }
0x49: {  	_ =	shalt  }
0x4a: {  	_ =	shalt  }
0x4b: {  	_ =	shalt  }
0x4c: {  	_ =	shalt  }
0x4d: {  	_ =	shalt  }
0x4e: {  	_ =	shalt  }
0x4f: {  	_ =	shalt  }
0x50: {  	_ =	shalt  }
0x51: {  	_ =	shalt  }
0x52: {  	_ =	shalt  }
0x53: {  	_ =	shalt  }
0x54: {  	_ =	shalt  }
0x55: {  	_ =	shalt  }
0x56: {  	_ =	shalt  }
0x57: {  	_ =	shalt  }
0x58: {  	_ =	shalt  }
0x59: {  	_ =	shalt  }
0x5a: {  	_ =	shalt  }
0x5b: {  	_ =	shalt  }
0x5c: {  	_ =	shalt  }
0x5d: {  	_ =	shalt  }
0x5e: {  	_ =	shalt  }
0x5f: {  	_ =	shalt  }
0x60: {  	_ =	shalt  }
0x61: {  	_ =	shalt  }
0x62: {  	_ =	shalt  }
0x63: {  	_ =	shalt  }
0x64: {  	_ =	shalt  }
0x65: {  	_ =	shalt  }
0x66: {  	_ =	shalt  }
0x67: {  	_ =	shalt  }
0x68: {  	_ =	shalt  }
0x69: {  	_ =	shalt  }
0x6a: {  	_ =	shalt  }
0x6b: {  	_ =	shalt  }
0x6c: {  	_ =	shalt  }
0x6d: {  	_ =	shalt  }
0x6e: {  	_ =	shalt  }
0x6f: {  	_ =	shalt  }
0x70: {  	_ =	shalt  }
0x71: {  	_ =	shalt  }
0x72: {  	_ =	shalt  }
0x73: {  	_ =	shalt  }
0x74: {  	_ =	shalt  }
0x75: {  	_ =	shalt  }
0x76: {  	_ =	shalt  }
0x77: {  	_ =	shalt  }
0x78: {  	_ =	shalt  }
0x79: {  	_ =	shalt  }
0x7a: {  	_ =	shalt  }
0x7b: {  	_ =	shalt  }
0x7c: {  	_ =	shalt  }
0x7d: {  	_ =	shalt  }
0x7e: {  	_ =	shalt  }
0x7f: {  	_ =	shalt  }
0x80: {  	_ =	shalt  }
0x81: {  	_ =	shalt  }
0x82: {  	_ =	shalt  }
0x83: {  	_ =	shalt  }
0x84: {  	_ =	shalt  }
0x85: {  	_ =	shalt  }
0x86: {  	_ =	shalt  }
0x87: {  	_ =	shalt  }
.Lfunc_end0:
.L_simem_size_0:
called_computation.6_lowered:
.L_overlay_start_0:
0x88: {  	s2 =	sld [smem:$0x3FD9]  }
0x89: {  	s3 =	sld [smem:$0x3FFE];
	_ =	sdelay $0x1  }
0x8a: {  	s1 =	srdreg.scid  }
0x8b: {  	s0 =	sand.u32 $0x1, s1  }
0x8c: {  	s16 =	sshll.u32 s0, $0xA;
	s2 =	sadd.s32 s3, s2  }
0x8d: {  	s2 =	sadd.s32 s2, s16  }
0x8e: {  	[smem:$0x3FA9] =	sst s2  }
0x8f: {  	_ = 	snop  }
0x90: {  	(tm) =	ssettm $0x1  }
0x91: {  	s17 =	sld [smem:$0x3FFB];
	_ =	sdelay $0x3  }
0x92: {  	_ =	strace s17  }
0x93: {  	s2 =	sld [smem:$0x3FFC];
	_ =	sdelay $0x3  }
0x94: {  	_ =	strace s2  }
0x95: {  	s2 =	sld [smem:$0x3FFD];
	_ =	sdelay $0x3  }
0x96: {  	_ =	strace s2  }
0x97: {  	_ =	strace $0x8FFFFFFF  }
0x98: {  	s18 =	sld [smem:$0x3FDB];
	_ =	sdelay $0x1  }
0x99: {  	s19 =	simm.s32 $_scs_section_size  }
0x9a: {  	s4 =	simm.s32 $_size__tile_overlayer_lowered;
	s5 =	simm.s32 $_tile_overlayer_lowered  }
0x9b: {  	s22 =	simm.s32 $0x1BFF;
	s21 =	sshll.u32 s5, $0x1;
	s2 =	sadd.s32 s19, s18  }
0x9c: {  	s6 =	simm.s32 $0x0;
	s20 =	sshll.u32 s4, $0x1;
	s4 =	sadd.s32 s21, s2  }
0x9d: {  	[timem:s6], [sflag:s22] =	dma.local [hbm:s4], s20  }
0x9e: {  	_ =	swait.ge [sflag:s22], s20  }
0x9f: {  	s3 =	ssub.s32 $0x0, s20;
	[sflag:s22] =	ssyncset.done $0x0  }
0xa0: {  	[sflag:s22] =	ssyncadd.s32 s3;
	_ =	sdelay $0x1  }
0xa1: {  	s23 =	simm.s32 $0x1B8B  }
0xa2: {  	_ =	swait.ge [sflag:s23], $0x1  }
0xa3: {  	[sflag:s23] =	ssyncset.done $0x0  }
0xa4: {  	s25 =	simm.s32 $0x1B8E;
	s24 =	sld [smem:$0x3FFE];
	[sflag:s23] =	ssyncadd.s32 $0xFFFFFFFF  }
0xa5: {  	s26 =	simm.s32 $execute0_lowered;
	[smem:$0x3FD2] =	sst s25  }
0xa6: {  	s4 =	sshll.u32 s26, $0x1;
	_ =	strace $0x80000055;
	[dreg:$0x1] =	wrdreg $0xFFFFFFFF  }
0xa7: {  	s28 =	simm.s32 $_size_execute0_lowered;
	s2 =	sadd.s32 s2, s4;
	[dreg:$0x0] =	wrdreg $0x0  }
0xa8: {  	s4 =	sshll.u32 s28, $0x1;
	[dreg:$0x2] =	wrdreg s2  }
0xa9: {  	[dreg:$0x3] =	wrdreg s4  }
0xaa: {  	[dreg:$0x4] =	wrdreg $0xC0  }
0xab: {  	_ =	task [dreg:s6], $0x5FFFF  }
0xac: {  	[dreg:$0x1] =	wrdreg $0xFFFFFFFF  }
0xad: {  	[dreg:$0x0] =	wrdreg $0x60  }
0xae: {  	[dreg:$0x2] =	wrdreg s24  }
0xaf: {  	[dreg:$0x3] =	wrdreg $0x0  }
0xb0: {  	[dreg:$0x4] =	wrdreg $0x9  }
0xb1: {  	_ =	task.clear_ibuf [dreg:s6], $0x5FFFF;
	_ =	strace $0x90000055  }
0xb2: {  	s29 =	simm.s32 $0x9;
	_ =	strace $0x80000057  }
0xb3: {  	_ =	swait.ge [sflag:s29], $0x1  }
0xb4: {  	[sflag:s29] =	ssyncadd.s32 $0xFFFFFFFF  }
0xb5: {  	_ =	strace $0x90000057  }
0xb6: {  	_ =	sfence  }
0xb7: {  	s30 =	sld [smem:$0x0];
	_ =	sdelay $0x2  }
0xb8: {  	s31 =	sshll.u32 s1, $0xD;
	s1 =	sshrl.u32 s1, $0x2  }
0xb9: {  	s3 =	sand.u32 $0x4000, s31;
	s1 =	sadd.s32 s1, s30  }
0xba: {  	s0 =	sor.u32 s3, s0;
	s1 =	sshll.u32 s1, $0x11  }
0xbb: {  	s0 =	sor.u32 s1, s0  }
0xbc: {  	s0 =	sadd.s32 $0x8F2B, s0  }
0xbd: {  	[sflag:s0] =	ssyncadd.remote.s32 $0x1  }
0xbe: {  	_ =	sfence.sel $0xFFFF  }
0xbf: {  	[dreg:$0x0] =	wrdreg $0xFFFFFFFF;
	(pc) =	sbr.abs _section_cstart, $3  }
0xc0: {  	[dreg:$0x1] =	wrdreg $0xFFFFFFFF  }
0xc1: {  	_ =	task.clear_ibuf [dreg:s6], $0x2FFFF;
	_ =	strace $0x9FFFFFFF  }
0xc2: {  	(tm) =	ssettm $0x7FFFFFFF  }
0xc3: {  	_ =	shalt  }
tec
execute0_lowered:
.L_overlay_start_1:
0x0: {  	(tag) =	ssettag $0x1  }
0x1: {  	s1 =	srdreg.scid  }
0x2: {  	s0 =	stileid.u32;
	s4 =	rddreg [dreg:$0x0]  }
0x3: {  	s2 =	rddreg [dreg:$0x1];
	s3 =	simm.s32 $0x0;
	s13 =	simm.s32 $0x18800  }
0x4: {  	s14 =	simm.s32 $0x80;
	s15 =	simm.s32 $0x19880;
	s6 =	smul.u32 $0x190000, s0  }
0x5: {  	s16 =	simm.s32 $0x1A880;
	s17 =	simm.s32 $0x1B880;
	s8 =	smul.u32 $0xC800, s0  }
0x6: {  	s5 =	sand.u32 $0x1, s1;
	s1 =	rddreg [dreg:$0x2];
	s9 =	smul.u32 $0x18800, s0  }
0x7: {  	s18 =	simm.s32 $0x0;
	[smem:$0x7FF] =	sst s3;
	s7 =	smul.u32 $0xC8000, s5  }
0x8: {  	s31 =	sshll.u32 s0, $0x6;
	s24 =	smul.u32 $0x6400, s5;
	_ =	strace $0x80000056  }
0x9: {  	s28 =	ssub.s32 $0x2, s5;
	p0 =	seq.s32 s5, $0x1;
	s5 =	sor.u32 $0x1C01, s31  }
0xa: {  	s26 =	sshrl.u32 s9, $0x3;
	s29 =	sshrl.u32 s28, $0x1;
	s12 =	sadd.s32 s9, s2  }
0xb: {  	s9 =	simm.s32 $0x208C00;
	s6 =	sadd.s32 s7, s6;
	s25 =	sadd.s32 s24, s8  }
0xc: {  	s7 =	sadd.s32 s26, s4;
	s30 =	ssub.s32 s28, s29;
	s6 =	sshrl.u32 s6, $0x3  }
0xd: {  	s9 =	simm.s32 @!p0 $0x75200;
	s10 =	sadd.s32 s6, s4;
	s6 =	sshrl.u32 s25, $0x3  }
0xe: {  	s11 =	sadd.s32 s6, s4;
	s4 =	sadd.s32 $0x12200, s7;
	s6 =	smax.u32 s30, $0x1  }
0xf: {  	s7 =	sadd.s32 s9, s7;
	s8 =	sadd.s32 $0xADA200, s10;
	s10 =	sshrl.u32 s12, $0x3  }
0x10: {  	s12 =	simm.s32 $0x18880;
	s9 =	sadd.s32 $0x43200, s11;
	s11 =	simm.s32 $0x1  }
.LBB2_1:
0x11: {  	[spmem:s10], [sflag:s5] =	dma.local [hbm:s4], $0x3100  }
0x12: {  	_ =	swait.ge [sflag:s11], $0x3100  }
0x13: {  	[sflag:s11] =	ssyncset.done $0x0  }
0x14: {  	[sflag:s11] =	ssyncadd.s32 $0xFFFFCF00  }
0x15: {  	[bflag:$0x0] =	sbarrier.arrive $0xFFFF  }
0x16: {  	[tilespmem:s12], [sflag:$0x1] =	stream.linear.gather [hbm4b:s8+s3], $0x4000, $0x38;
	[tilespmem:$0x1C880] =	vst v63  }
0x17: {  	_ =	swait.ge [sflag:s11], $0x4000  }
0x18: {  	[sflag:s11] =	ssyncset.done $0x0  }
0x19: {  	s19 =	sadd.s32 $0x0, s9;
	[sflag:s11] =	ssyncadd.s32 $0xFFFFC000  }
0x1a: {  	[tilespmem:s13], [sflag:$0x1] =	stream.linear.gather [hbm4b:s19+s3], $0x80, $0x38;
	[tilespmem:$0x1C880] =	vst v63  }
0x1b: {  	_ =	swait.ge [sflag:s11], $0x80  }
0x1c: {  	[sflag:s11] =	ssyncset.done $0x0  }
0x1d: {  	[sflag:s11] =	ssyncadd.s32 $0xFFFFFF80  }
0x1e: {  	[spmem:s2] =	stream.indirect.scatter.add.f32 [tilespmem:s12], [sflag:$0x1], $0x20, s13, s14, $0xb8;
	[tilespmem:$0x1C880] =	vst v63  }
0x1f: {  	_ =	swait.ge [sflag:s11], $0x1000  }
0x20: {  	[sflag:s11] =	ssyncset.done $0x0  }
0x21: {  	s20 =	sadd.s32 $0x10, s19;
	[sflag:s11] =	ssyncadd.s32 $0xFFFFF000  }
0x22: {  	[tilespmem:s13], [sflag:$0x1] =	stream.linear.gather [hbm4b:s20+s3], $0x80, $0x38;
	[tilespmem:$0x1C880] =	vst v63  }
0x23: {  	_ =	swait.ge [sflag:s11], $0x80  }
0x24: {  	[sflag:s11] =	ssyncset.done $0x0  }
0x25: {  	[sflag:s11] =	ssyncadd.s32 $0xFFFFFF80  }
0x26: {  	[spmem:s2] =	stream.indirect.scatter.add.f32 [tilespmem:s15], [sflag:$0x1], $0x20, s13, s14, $0xb8;
	[tilespmem:$0x1C880] =	vst v63  }
0x27: {  	_ =	swait.ge [sflag:s11], $0x1000  }
0x28: {  	[sflag:s11] =	ssyncset.done $0x0  }
0x29: {  	s31 =	sadd.s32 $0x20, s19;
	[sflag:s11] =	ssyncadd.s32 $0xFFFFF000  }
0x2a: {  	[tilespmem:s13], [sflag:$0x1] =	stream.linear.gather [hbm4b:s31+s3], $0x80, $0x38;
	[tilespmem:$0x1C880] =	vst v63  }
0x2b: {  	_ =	swait.ge [sflag:s11], $0x80  }
0x2c: {  	[sflag:s11] =	ssyncset.done $0x0  }
0x2d: {  	[sflag:s11] =	ssyncadd.s32 $0xFFFFFF80  }
0x2e: {  	[spmem:s2] =	stream.indirect.scatter.add.f32 [tilespmem:s16], [sflag:$0x1], $0x20, s13, s14, $0xb8;
	[tilespmem:$0x1C880] =	vst v63  }
0x2f: {  	_ =	swait.ge [sflag:s11], $0x1000  }
0x30: {  	[sflag:s11] =	ssyncset.done $0x0  }
0x31: {  	s19 =	sadd.s32 $0x30, s19;
	[sflag:s11] =	ssyncadd.s32 $0xFFFFF000  }
0x32: {  	[tilespmem:s13], [sflag:$0x1] =	stream.linear.gather [hbm4b:s19+s3], $0x80, $0x38;
	[tilespmem:$0x1C880] =	vst v63  }
0x33: {  	_ =	swait.ge [sflag:s11], $0x80  }
0x34: {  	[sflag:s11] =	ssyncset.done $0x0  }
0x35: {  	[sflag:s11] =	ssyncadd.s32 $0xFFFFFF80  }
0x36: {  	[spmem:s2] =	stream.indirect.scatter.add.f32 [tilespmem:s17], [sflag:$0x1], $0x20, s13, s14, $0xb8;
	[tilespmem:$0x1C880] =	vst v63  }
0x37: {  	_ =	swait.ge [sflag:s11], $0x1000  }
0x38: {  	s20 =	smov.u32 s8;
	s19 =	simm.s32 $0x40;
	[sflag:s11] =	ssyncset.done $0x0  }
.LBB2_2:
0x39: {  	p0 =	sne.s32 s19, $0xC40;
	[sflag:s11] =	ssyncadd.s32 $0xFFFFF000;
	s20 =	sadd.s32 $0x800, s20  }
0x3a: {  	[tilespmem:s12], [sflag:$0x1] =	stream.linear.gather [hbm4b:s20+s3], $0x4000, $0x38;
	[tilespmem:$0x1C880] =	vst v63  }
0x3b: {  	s21 =	smov.u32 s19;
	s19 =	sadd.s32 $0x40, s19;
	_ =	swait.ge [sflag:s11], $0x4000  }
0x3c: {  	[sflag:s11] =	ssyncset.done $0x0  }
0x3d: {  	s21 =	sadd.s32 s21, s9;
	[sflag:s11] =	ssyncadd.s32 $0xFFFFC000  }
0x3e: {  	[tilespmem:s13], [sflag:$0x1] =	stream.linear.gather [hbm4b:s21+s3], $0x80, $0x38;
	[tilespmem:$0x1C880] =	vst v63  }
0x3f: {  	_ =	swait.ge [sflag:s11], $0x80  }
0x40: {  	[sflag:s11] =	ssyncset.done $0x0  }
0x41: {  	[sflag:s11] =	ssyncadd.s32 $0xFFFFFF80  }
0x42: {  	[spmem:s2] =	stream.indirect.scatter.add.f32 [tilespmem:s12], [sflag:$0x1], $0x20, s13, s14, $0xb8;
	[tilespmem:$0x1C880] =	vst v63  }
0x43: {  	_ =	swait.ge [sflag:s11], $0x1000  }
0x44: {  	[sflag:s11] =	ssyncset.done $0x0  }
0x45: {  	s22 =	sadd.s32 $0x10, s21;
	[sflag:s11] =	ssyncadd.s32 $0xFFFFF000  }
0x46: {  	[tilespmem:s13], [sflag:$0x1] =	stream.linear.gather [hbm4b:s22+s3], $0x80, $0x38;
	[tilespmem:$0x1C880] =	vst v63  }
0x47: {  	_ =	swait.ge [sflag:s11], $0x80  }
0x48: {  	[sflag:s11] =	ssyncset.done $0x0  }
0x49: {  	[sflag:s11] =	ssyncadd.s32 $0xFFFFFF80  }
0x4a: {  	[spmem:s2] =	stream.indirect.scatter.add.f32 [tilespmem:s15], [sflag:$0x1], $0x20, s13, s14, $0xb8;
	[tilespmem:$0x1C880] =	vst v63  }
0x4b: {  	_ =	swait.ge [sflag:s11], $0x1000  }
0x4c: {  	[sflag:s11] =	ssyncset.done $0x0  }
0x4d: {  	s22 =	sadd.s32 $0x20, s21;
	[sflag:s11] =	ssyncadd.s32 $0xFFFFF000  }
0x4e: {  	[tilespmem:s13], [sflag:$0x1] =	stream.linear.gather [hbm4b:s22+s3], $0x80, $0x38;
	[tilespmem:$0x1C880] =	vst v63  }
0x4f: {  	_ =	swait.ge [sflag:s11], $0x80  }
0x50: {  	[sflag:s11] =	ssyncset.done $0x0  }
0x51: {  	[sflag:s11] =	ssyncadd.s32 $0xFFFFFF80  }
0x52: {  	[spmem:s2] =	stream.indirect.scatter.add.f32 [tilespmem:s16], [sflag:$0x1], $0x20, s13, s14, $0xb8;
	[tilespmem:$0x1C880] =	vst v63  }
0x53: {  	_ =	swait.ge [sflag:s11], $0x1000  }
0x54: {  	[sflag:s11] =	ssyncset.done $0x0  }
0x55: {  	s21 =	sadd.s32 $0x30, s21;
	[sflag:s11] =	ssyncadd.s32 $0xFFFFF000  }
0x56: {  	[tilespmem:s13], [sflag:$0x1] =	stream.linear.gather [hbm4b:s21+s3], $0x80, $0x38;
	[tilespmem:$0x1C880] =	vst v63  }
0x57: {  	_ =	swait.ge [sflag:s11], $0x80  }
.Ltmp0:
0x58: {  	[sflag:s11] =	ssyncset.done $0x0;
	(pc) =	sbr.rel @p0 .LBB2_2-.Ltmp0, $4  }
0x59: {  	[sflag:s11] =	ssyncadd.s32 $0xFFFFFF80  }
0x5a: {  	[spmem:s2] =	stream.indirect.scatter.add.f32 [tilespmem:s17], [sflag:$0x1], $0x20, s13, s14, $0xb8;
	[tilespmem:$0x1C880] =	vst v63  }
0x5b: {  	_ =	swait.ge [sflag:s11], $0x1000  }
0x5c: {  	[sflag:s11] =	ssyncset.done $0x0  }
0x5d: {  	s18 =	sadd.s32 $0x1, s18  }
0x5e: {  	[sflag:s11] =	ssyncadd.s32 $0xFFFFF000;
	p0 =	sne.s32 s18, s6  }
.Ltmp1:
0x5f: {  	[bflag:$0x0] =	sbarrier.arrive $0xFFFF;
	(pc) =	sbr.rel @p0 .LBB2_1-.Ltmp1, $4  }
0x60: {  	[hbm:s7], [sflag:s5] =	dma.local [spmem:s10], $0x3100  }
0x61: {  	_ =	swait.ge [sflag:s11], $0x3100  }
0x62: {  	[sflag:s11] =	ssyncset.done $0x0  }
0x63: {  	[sflag:s11] =	ssyncadd.s32 $0xFFFFCF00  }
0x64: {  	_ =	sfence.sel $0x180000  }
0x65: {  	[bflag:$0x0] =	sbarrier.arrive $0xFFFF  }
0x66: {  	p0 =	sne.s32 s0, $0x0;
	_ =	strace $0x90000056  }
0x67: {  	s0 =	sadd.s32 @!p0 $0x100000, s1;
	[bflag:$0x2] =	sbarrier.arrive $0xFFFF  }
0x68: {  	[sflag:s0] =	ssyncadd.tile.s32 @!p0 $0x1;
	_ =	shalt  }
.Lfunc_end2:
_tile_overlayer_lowered:
.L_overlay_start_2:
0x69: {  	(tag) =	ssettag $0x2  }
0x6a: {  	s0 =	rddreg [dreg:$0x0];
	s2 =	stileid.u32  }
0x6b: {  	s1 =	rddreg [dreg:$0x1];
	p0 =	sne.s32 s2, $0x0  }
0x6c: {  	s3 =	rddreg [dreg:$0x2];
	[bflag:$0x3] =	sbarrier.arrive $0xFFFF;
	s2 =	simm.s32 @!p0 $0x1C01  }
0x6d: {  	[timem:s3], [sflag:s2] =	dma.local @!p0 [hbm:s0], s1  }
0x6e: {  	s0 =	simm.s32 @!p0 $0x1  }
0x6f: {  	_ =	swait.ge @!p0 [sflag:s0], s1  }
0x70: {  	s1 =	ssub.s32 @!p0 $0x0, s1;
	[sflag:s0] =	ssyncset.done @!p0 $0x0  }
0x71: {  	[sflag:s0] =	ssyncadd.s32 @!p0 s1  }
0x72: {  	[bflag:$0x3] =	sbarrier.arrive $0xFFFF  }
0x73: {  	_ =	shalt  }

// kernel: kernel.27.cloned.1.call-start
scs
__scs_entry_jumppad:
0x0: {  	(pc) =	sbr.rel $0x88, $3  }
0x1: {  	(tag) =	ssettag $0x0;
	lr =	simm.s32 $0x1  }
0x2: {  	[smem:$0x3F82] =	sst lr;
	_ =	strace $0xD0000000  }
0x3: {  	_ = 	snop  }
0x4: {  	_ = 	snop  }
0x5: {  	_ = 	snop  }
0x6: {  	_ = 	snop  }
0x7: {  	_ = 	snop  }
__scs_overlays_trampoline_lowered:
0x8: {  	[smem:$0x3F91] =	sst s0  }
0x9: {  	[smem:$0x3F92] =	sst s1  }
0xa: {  	[smem:$0x3F93] =	sst s2  }
0xb: {  	[smem:$0x3F94] =	sst s3  }
0xc: {  	[smem:$0x3F95] =	sst s4  }
0xd: {  	[smem:$0x3F96] =	sst s5  }
0xe: {  	[smem:$0x3F97] =	sst s6  }
0xf: {  	[smem:$0x3F98] =	sst s7  }
0x10: {  	[smem:$0x3F99] =	sst s8  }
0x11: {  	[smem:$0x3F9A] =	sst s9;
	s0 =	simm.s32 @!p0 $0x0  }
0x12: {  	s1 =	sld [smem:$0x3F80];
	s0 =	simm.s32 @p0 $0x1  }
0x13: {  	[smem:$0x3F9B] =	sst s0;
	s0 =	simm.s32 @!p1 $0x0  }
0x14: {  	s2 =	sld [smem:$0x3F7F];
	s0 =	simm.s32 @p1 $0x1  }
0x15: {  	[smem:$0x3F9C] =	sst s0;
	s0 =	simm.s32 @!p2 $0x0  }
0x16: {  	s3 =	sld [smem:$0x3FDB];
	s0 =	simm.s32 @p2 $0x1  }
0x17: {  	s4 =	simm.s32 $0x1BF5;
	[smem:$0x3F9E] =	sst s0  }
0x18: {  	s0 =	sld [smem:$0x3F81];
	_ =	swait.ge [sflag:s4], $0x0  }
0x19: {  	s7 =	sld [smem:$0x3F82]  }
0x1a: {  	s8 =	sadd.s32 $0xFFFFE003, lr  }
0x1b: {  	s9 =	sadd.s32 $0xFFFFFEF7, lr;
	s5 =	simm.s32 $0xFFFFFFFF;
	p2 =	slt.u32 s8, $0xFFFFF086  }
0x1c: {  	p1 =	slt.u32 s9, $0xF7A;
	s5 =	simm.s32 @!p2 $0x0  }
0x1d: {  	s5 =	simm.s32 @p1 $0x1;
	p0 =	seq.s32 s7, s2  }
0x1e: {  	s7 =	smul.u32 @!p0 $0xF7A, s2;
	p2 =	seq.s32 @!p0 s5, $0x0  }
0x1f: {  	s9 =	smul.u32 $0xF7A, s1;
	s8 =	simm.s32 @!p0 $0x1BF5;
	p2 =	por !p2, p0  }
0x20: {  	[sflag:s8] =	ssyncset.s32 @!p0 $0xFFFFF086;
	s6 =	sadd.s32 @!p0 s3, s7;
	s7 =	simm.s32 @!p0 $0x108  }
0x21: {  	s3 =	sadd.s32 s3, s9;
	s6 =	sadd.s32 @!p0 $0x88, s6;
	s7 =	simm.s32 @p2 $0x1082  }
0x22: {  	[simem:s7], [sflag:s8] =	dma.local @!p0 [hbm:s6], $0xF7A  }
0x23: {  	s9 =	sor.u32 $0xD0000000, s2;
	s6 =	simm.s32 $0x108;
	_ =	swait.ge @!p0 [sflag:s8], $0x0  }
0x24: {  	s3 =	sadd.s32 $0x88, s3;
	s6 =	simm.s32 @!p1 $0x1082;
	[sflag:s4] =	ssyncset.s32 $0xFFFFF086  }
0x25: {  	[simem:s6], [sflag:s4] =	dma.local [hbm:s3], $0xF7A  }
0x26: {  	[smem:$0x3F82] =	sst s1;
	(tag) =	ssettag s2;
	_ =	strace s9  }
0x27: {  	s1 =	sld [smem:$0x3F92]  }
0x28: {  	s2 =	sld [smem:$0x3F93]  }
0x29: {  	s4 =	sld [smem:$0x3F95]  }
0x2a: {  	p0 =	seq.s32 s5, $0x0;
	s5 =	sld [smem:$0x3F96]  }
0x2b: {  	s6 =	sld [smem:$0x3F97]  }
0x2c: {  	s7 =	sld [smem:$0x3F98]  }
0x2d: {  	s3 =	simm.s32 $0x108;
	s8 =	sld [smem:$0x3F99]  }
0x2e: {  	s3 =	simm.s32 @!p0 $0x1082;
	s9 =	sld [smem:$0x3F9A]  }
0x2f: {  	lr =	sadd.s32 s0, s3;
	s0 =	sld [smem:$0x3F91]  }
0x30: {  	s3 =	sld [smem:$0x3F94]  }
0x31: {  	[smem:$0x3F9D] =	sst s10  }
0x32: {  	s10 =	sld [smem:$0x3F9B];
	_ =	sdelay $0x3  }
0x33: {  	p0 =	seq.s32 s10, $0x1;
	s10 =	sld [smem:$0x3F9D];
	_ =	sdelay $0x3  }
0x34: {  	[smem:$0x3F9D] =	sst s10  }
0x35: {  	s10 =	sld [smem:$0x3F9C];
	_ =	sdelay $0x3  }
0x36: {  	p1 =	seq.s32 s10, $0x1;
	s10 =	sld [smem:$0x3F9D];
	_ =	sdelay $0x3  }
0x37: {  	[smem:$0x3F9D] =	sst s10  }
0x38: {  	s10 =	sld [smem:$0x3F9E]  }
0x39: {  	_ = 	snop;
	(pc) =	sbr.ind lr, $3  }
0x3a: {  	_ = 	snop  }
0x3b: {  	_ = 	snop  }
0x3c: {  	p2 =	seq.s32 s10, $0x1;
	s10 =	sld [smem:$0x3F9D]  }
0x3d: {  	_ =	shalt  }
0x3e: {  	_ =	shalt  }
0x3f: {  	_ =	shalt  }
0x40: {  	_ =	shalt  }
0x41: {  	_ =	shalt  }
0x42: {  	_ =	shalt  }
0x43: {  	_ =	shalt  }
0x44: {  	_ =	shalt  }
0x45: {  	_ =	shalt  }
0x46: {  	_ =	shalt  }
0x47: {  	_ =	shalt  }
0x48: {  	_ =	shalt  }
0x49: {  	_ =	shalt  }
0x4a: {  	_ =	shalt  }
0x4b: {  	_ =	shalt  }
0x4c: {  	_ =	shalt  }
0x4d: {  	_ =	shalt  }
0x4e: {  	_ =	shalt  }
0x4f: {  	_ =	shalt  }
0x50: {  	_ =	shalt  }
0x51: {  	_ =	shalt  }
0x52: {  	_ =	shalt  }
0x53: {  	_ =	shalt  }
0x54: {  	_ =	shalt  }
0x55: {  	_ =	shalt  }
0x56: {  	_ =	shalt  }
0x57: {  	_ =	shalt  }
0x58: {  	_ =	shalt  }
0x59: {  	_ =	shalt  }
0x5a: {  	_ =	shalt  }
0x5b: {  	_ =	shalt  }
0x5c: {  	_ =	shalt  }
0x5d: {  	_ =	shalt  }
0x5e: {  	_ =	shalt  }
0x5f: {  	_ =	shalt  }
0x60: {  	_ =	shalt  }
0x61: {  	_ =	shalt  }
0x62: {  	_ =	shalt  }
0x63: {  	_ =	shalt  }
0x64: {  	_ =	shalt  }
0x65: {  	_ =	shalt  }
0x66: {  	_ =	shalt  }
0x67: {  	_ =	shalt  }
0x68: {  	_ =	shalt  }
0x69: {  	_ =	shalt  }
0x6a: {  	_ =	shalt  }
0x6b: {  	_ =	shalt  }
0x6c: {  	_ =	shalt  }
0x6d: {  	_ =	shalt  }
0x6e: {  	_ =	shalt  }
0x6f: {  	_ =	shalt  }
0x70: {  	_ =	shalt  }
0x71: {  	_ =	shalt  }
0x72: {  	_ =	shalt  }
0x73: {  	_ =	shalt  }
0x74: {  	_ =	shalt  }
0x75: {  	_ =	shalt  }
0x76: {  	_ =	shalt  }
0x77: {  	_ =	shalt  }
0x78: {  	_ =	shalt  }
0x79: {  	_ =	shalt  }
0x7a: {  	_ =	shalt  }
0x7b: {  	_ =	shalt  }
0x7c: {  	_ =	shalt  }
0x7d: {  	_ =	shalt  }
0x7e: {  	_ =	shalt  }
0x7f: {  	_ =	shalt  }
0x80: {  	_ =	shalt  }
0x81: {  	_ =	shalt  }
0x82: {  	_ =	shalt  }
0x83: {  	_ =	shalt  }
0x84: {  	_ =	shalt  }
0x85: {  	_ =	shalt  }
0x86: {  	_ =	shalt  }
0x87: {  	_ =	shalt  }
.Lfunc_end0:
.L_simem_size_0:
called_computation.7_lowered:
.L_overlay_start_0:
0x88: {  	s2 =	sld [smem:$0x3FD9]  }
0x89: {  	s3 =	sld [smem:$0x3FFE];
	_ =	sdelay $0x1  }
0x8a: {  	s1 =	srdreg.scid  }
0x8b: {  	s0 =	sand.u32 $0x1, s1  }
0x8c: {  	s16 =	sshll.u32 s0, $0xA;
	s2 =	sadd.s32 s3, s2  }
0x8d: {  	s2 =	sadd.s32 s2, s16  }
0x8e: {  	[smem:$0x3FA9] =	sst s2  }
0x8f: {  	_ = 	snop  }
0x90: {  	(tm) =	ssettm $0x1  }
0x91: {  	s17 =	sld [smem:$0x3FFB];
	_ =	sdelay $0x3  }
0x92: {  	_ =	strace s17  }
0x93: {  	s2 =	sld [smem:$0x3FFC];
	_ =	sdelay $0x3  }
0x94: {  	_ =	strace s2  }
0x95: {  	s2 =	sld [smem:$0x3FFD];
	_ =	sdelay $0x3  }
0x96: {  	_ =	strace s2  }
0x97: {  	_ =	strace $0x8FFFFFFF  }
0x98: {  	s18 =	sld [smem:$0x3FDB];
	_ =	sdelay $0x1  }
0x99: {  	s19 =	simm.s32 $_scs_section_size  }
0x9a: {  	s4 =	simm.s32 $_size__tile_overlayer_lowered;
	s5 =	simm.s32 $_tile_overlayer_lowered  }
0x9b: {  	s22 =	simm.s32 $0x1BFF;
	s21 =	sshll.u32 s5, $0x1;
	s2 =	sadd.s32 s19, s18  }
0x9c: {  	s6 =	simm.s32 $0x0;
	s20 =	sshll.u32 s4, $0x1;
	s4 =	sadd.s32 s21, s2  }
0x9d: {  	[timem:s6], [sflag:s22] =	dma.local [hbm:s4], s20  }
0x9e: {  	_ =	swait.ge [sflag:s22], s20  }
0x9f: {  	s3 =	ssub.s32 $0x0, s20;
	[sflag:s22] =	ssyncset.done $0x0  }
0xa0: {  	[sflag:s22] =	ssyncadd.s32 s3;
	_ =	sdelay $0x1  }
0xa1: {  	s23 =	simm.s32 $0x1B8B  }
0xa2: {  	_ =	swait.ge [sflag:s23], $0x1  }
0xa3: {  	[sflag:s23] =	ssyncset.done $0x0  }
0xa4: {  	s25 =	simm.s32 $0x1B8E;
	s24 =	sld [smem:$0x3FFE];
	[sflag:s23] =	ssyncadd.s32 $0xFFFFFFFF  }
0xa5: {  	s26 =	simm.s32 $execute0_lowered;
	[smem:$0x3FD2] =	sst s25  }
0xa6: {  	s4 =	sshll.u32 s26, $0x1;
	_ =	strace $0x80000058;
	[dreg:$0x1] =	wrdreg $0xFFFFFFFF  }
0xa7: {  	s28 =	simm.s32 $_size_execute0_lowered;
	s2 =	sadd.s32 s2, s4;
	[dreg:$0x0] =	wrdreg $0x0  }
0xa8: {  	s4 =	sshll.u32 s28, $0x1;
	[dreg:$0x2] =	wrdreg s2  }
0xa9: {  	[dreg:$0x3] =	wrdreg s4  }
0xaa: {  	[dreg:$0x4] =	wrdreg $0xC0  }
0xab: {  	_ =	task [dreg:s6], $0x5FFFF  }
0xac: {  	[dreg:$0x1] =	wrdreg $0xFFFFFFFF  }
0xad: {  	[dreg:$0x0] =	wrdreg $0x60  }
0xae: {  	[dreg:$0x2] =	wrdreg s24  }
0xaf: {  	[dreg:$0x3] =	wrdreg $0x9  }
0xb0: {  	_ =	task.clear_ibuf [dreg:s6], $0x4FFFF;
	_ =	strace $0x90000058  }
0xb1: {  	s29 =	simm.s32 $0x9;
	_ =	strace $0x8000005A  }
0xb2: {  	_ =	swait.ge [sflag:s29], $0x1  }
0xb3: {  	[sflag:s29] =	ssyncadd.s32 $0xFFFFFFFF  }
0xb4: {  	_ =	strace $0x9000005A  }
0xb5: {  	_ =	sfence  }
0xb6: {  	s30 =	sld [smem:$0x0];
	_ =	sdelay $0x2  }
0xb7: {  	s31 =	sshll.u32 s1, $0xD;
	s1 =	sshrl.u32 s1, $0x2  }
0xb8: {  	s3 =	sand.u32 $0x4000, s31;
	s1 =	sadd.s32 s1, s30  }
0xb9: {  	s0 =	sor.u32 s3, s0;
	s1 =	sshll.u32 s1, $0x11  }
0xba: {  	s0 =	sor.u32 s1, s0  }
0xbb: {  	s0 =	sadd.s32 $0x8F2B, s0  }
0xbc: {  	[sflag:s0] =	ssyncadd.remote.s32 $0x1  }
0xbd: {  	_ =	sfence.sel $0xFFFF  }
0xbe: {  	[dreg:$0x0] =	wrdreg $0xFFFFFFFF;
	(pc) =	sbr.abs _section_cstart, $3  }
0xbf: {  	[dreg:$0x1] =	wrdreg $0xFFFFFFFF  }
0xc0: {  	_ =	task.clear_ibuf [dreg:s6], $0x2FFFF;
	_ =	strace $0x9FFFFFFF  }
0xc1: {  	(tm) =	ssettm $0x7FFFFFFF  }
tec
execute0_lowered:
.L_overlay_start_1:
0x0: {  	(tag) =	ssettag $0x1  }
0x1: {  	s0 =	rddreg [dreg:$0x0]  }
0x2: {  	s1 =	srdreg.scid;
	s11 =	stileid.u32  }
0x3: {  	s2 =	simm.s32 $0x0;
	s17 =	simm.s32 $0x5;
	s18 =	simm.s32 $0x6400  }
0x4: {  	s19 =	simm.s32 $0x200;
	s20 =	simm.s32 $0xC800;
	s28 =	simm.s32 $0x3  }
0x5: {  	s1 =	sand.u32 $0x1, s1;
	s3 =	sshll.u32 s11, $0x1;
	[smem:$0x7FF] =	sst s2  }
0x6: {  	s4 =	sadd.s32 $0x208C00, s0;
	s11 =	smul.u32 $0xC8000, s11;
	s5 =	sor.u32 s1, s3  }
0x7: {  	_ =	strace $0x80000059;
	s8 =	ssub.s32 $0x2, s1;
	s1 =	smul.u32 $0x64000, s1  }
0x8: {  	s31 =	simm.s32 $0x4;
	s3 =	sadd.s32 $0x23C200, s0;
	s6 =	smul.u32 $0xC80, s5  }
0x9: {  	s9 =	smul.u32 $0x64000, s5;
	s5 =	sadd.s32 $0x75200, s0;
	s10 =	sshrl.u32 s8, $0x1  }
0xa: {  	s21 =	ssub.s32 s8, s10;
	s24 =	sadd.s32 s1, s11;
	s7 =	sadd.s32 s6, s0  }
0xb: {  	s6 =	sadd.s32 $0x322200, s0;
	s23 =	sshrl.u32 s9, $0x3;
	s9 =	smax.u32 s21, $0x1  }
0xc: {  	s26 =	sadd.s32 $0x6000, s24;
	s29 =	sadd.s32 $0x4000, s24;
	s21 =	simm.s32 $0x10800  }
0xd: {  	s0 =	simm.s32 $0x0;
	s22 =	sadd.s32 $0x43200, s7;
	s7 =	sadd.s32 $0x5C200, s7  }
.Ltmp0:
0xe: {  	s10 =	sadd.s32 s5, s23;
	s11 =	sadd.s32 s6, s23;
	(pc) =	sbr.rel .LBB2_1-.Ltmp0, $4  }
0xf: {  	s25 =	sor.u32 $0x400, s23;
	s30 =	sshrl.u32 s26, $0x3;
	[dreg:$0x2] =	wrdreg s22  }
0x10: {  	s23 =	simm.s32 $0xE800;
	s26 =	simm.s32 $0x2;
	[dreg:$0x3] =	wrdreg s7  }
0x11: {  	s12 =	sadd.s32 s5, s25;
	s13 =	sadd.s32 s6, s25;
	s24 =	sadd.s32 s30, s6  }
0x12: {  	s1 =	sadd.s32 s30, s5;
	s22 =	simm.s32 $0x1;
	s25 =	simm.s32 $0x12800  }
.LBB2_4:
0x13: {  	s0 =	sadd.s32 $0x1, s0  }
0x14: {  	_ =	swait.ge [sflag:s31], $0x2000;
	p0 =	sne.s32 s0, s9  }
.Ltmp1:
0x15: {  	[sflag:s31] =	ssyncset.done $0x0;
	(pc) =	sbr.rel @!p0 .LBB2_5-.Ltmp1, $4  }
0x16: {  	[sflag:s31] =	ssyncadd.s32 $0xFFFFE000  }
0x17: {  	_ =	swait.ge [sflag:s31], $0x2000  }
0x18: {  	[sflag:s31] =	ssyncset.done $0x0  }
0x19: {  	[sflag:s31] =	ssyncadd.s32 $0xFFFFE000  }
.LBB2_1:
0x1a: {  	s7 =	rddreg [dreg:$0x2]  }
0x1b: {  	[tilespmem:s2], [sflag:$0x5] =	stream.linear.gather [hbm4b:s7+s2], $0x6400, $0x38;
	[tilespmem:$0x14800] =	vst v63  }
0x1c: {  	_ =	swait.ge [sflag:s17], $0x6400  }
0x1d: {  	[sflag:s17] =	ssyncset.done $0x0  }
0x1e: {  	s8 =	rddreg [dreg:$0x3];
	[sflag:s17] =	ssyncadd.s32 $0xFFFF9C00  }
0x1f: {  	[tilespmem:s18], [sflag:$0x5] =	stream.linear.gather [hbm4b:s8+s2], $0x6400, $0x38;
	[tilespmem:$0x14800] =	vst v63  }
0x20: {  	_ =	swait.ge [sflag:s17], $0x6400  }
0x21: {  	[sflag:s17] =	ssyncset.done $0x0  }
0x22: {  	[sflag:s17] =	ssyncadd.s32 $0xFFFF9C00  }
0x23: {  	[tilespmem:s20], [sflag:$0x1] =	stream.indirect.gather [hbm4b:s3+s19], $0x10, s2, s19, $0xb8;
	[tilespmem:$0x14800] =	vst v63  }
0x24: {  	_ = 	snop  }
0x25: {  	[tilespmem:s21], [sflag:$0x1] =	stream.indirect.gather [hbm4b:s4+s19], $0x10, s18, s19, $0xb8;
	[tilespmem:$0x14800] =	vst v63  }
0x26: {  	_ =	swait.ge [sflag:s22], $0x2000  }
0x27: {  	[sflag:s22] =	ssyncset.done $0x0  }
0x28: {  	[sflag:s22] =	ssyncadd.s32 $0xFFFFE000  }
0x29: {  	_ =	swait.ge [sflag:s22], $0x2000  }
0x2a: {  	[sflag:s22] =	ssyncset.done $0x0  }
0x2b: {  	[sflag:s22] =	ssyncadd.s32 $0xFFFFE000  }
0x2c: {  	[hbm4b:s10+s2] =	stream.linear.scatter [tilespmem:s20], [sflag:$0x3], $0x2000, $0x38;
	[tilespmem:$0x14800] =	vst v63  }
0x2d: {  	_ = 	snop  }
0x2e: {  	[hbm4b:s11+s2] =	stream.linear.scatter [tilespmem:s21], [sflag:$0x3], $0x2000, $0x38;
	[tilespmem:$0x14800] =	vst v63  }
0x2f: {  	_ = 	snop  }
0x30: {  	[tilespmem:s23], [sflag:$0x2] =	stream.indirect.gather [hbm4b:s3+s19], $0x10, s19, s19, $0xb8;
	[tilespmem:$0x14800] =	vst v63  }
0x31: {  	s14 =	simm.s32 $0x6600  }
0x32: {  	[tilespmem:s25], [sflag:$0x2] =	stream.indirect.gather [hbm4b:s4+s19], $0x10, s14, s19, $0xb8;
	[tilespmem:$0x14800] =	vst v63  }
0x33: {  	_ =	swait.ge [sflag:s26], $0x2000  }
0x34: {  	[sflag:s26] =	ssyncset.done $0x0  }
0x35: {  	[sflag:s26] =	ssyncadd.s32 $0xFFFFE000  }
0x36: {  	_ =	swait.ge [sflag:s26], $0x2000  }
0x37: {  	[sflag:s26] =	ssyncset.done $0x0  }
0x38: {  	[sflag:s26] =	ssyncadd.s32 $0xFFFFE000  }
0x39: {  	[hbm4b:s12+s2] =	stream.linear.scatter [tilespmem:s23], [sflag:$0x4], $0x2000, $0x38;
	[tilespmem:$0x14800] =	vst v63  }
0x3a: {  	_ = 	snop  }
0x3b: {  	[hbm4b:s13+s2] =	stream.linear.scatter [tilespmem:s25], [sflag:$0x4], $0x2000, $0x38;
	[tilespmem:$0x14800] =	vst v63  }
0x3c: {  	_ =	swait.ge [sflag:s28], $0x2000  }
0x3d: {  	[sflag:s28] =	ssyncset.done $0x0  }
0x3e: {  	[sflag:s28] =	ssyncadd.s32 $0xFFFFE000  }
0x3f: {  	_ =	swait.ge [sflag:s28], $0x2000  }
0x40: {  	[sflag:s28] =	ssyncset.done $0x0  }
0x41: {  	s15 =	simm.s32 $0x400;
	[sflag:s28] =	ssyncadd.s32 $0xFFFFE000  }
0x42: {  	[tilespmem:s20], [sflag:$0x1] =	stream.indirect.gather [hbm4b:s3+s19], $0x10, s15, s19, $0xb8;
	[tilespmem:$0x14800] =	vst v63  }
0x43: {  	s16 =	simm.s32 $0x6800;
	s30 =	simm.s32 $0x0  }
0x44: {  	[tilespmem:s21], [sflag:$0x1] =	stream.indirect.gather [hbm4b:s4+s19], $0x10, s16, s19, $0xb8;
	[tilespmem:$0x14800] =	vst v63  }
0x45: {  	s14 =	smov.u32 s29;
	s15 =	smov.u32 s24;
	s16 =	smov.u32 s1  }
.LBB2_2:
0x46: {  	_ =	swait.ge [sflag:s22], $0x2000  }
0x47: {  	[sflag:s22] =	ssyncset.done $0x0  }
0x48: {  	[sflag:s22] =	ssyncadd.s32 $0xFFFFE000  }
0x49: {  	_ =	swait.ge [sflag:s22], $0x2000  }
0x4a: {  	s7 =	sshrl.u32 s14, $0x3;
	[sflag:s22] =	ssyncset.done $0x0  }
0x4b: {  	s8 =	sadd.s32 s5, s7;
	[sflag:s22] =	ssyncadd.s32 $0xFFFFE000  }
0x4c: {  	[hbm4b:s8+s2] =	stream.linear.scatter [tilespmem:s20], [sflag:$0x3], $0x2000, $0x38;
	[tilespmem:$0x14800] =	vst v63  }
0x4d: {  	s7 =	sadd.s32 s6, s7  }
0x4e: {  	[hbm4b:s7+s2] =	stream.linear.scatter [tilespmem:s21], [sflag:$0x3], $0x2000, $0x38;
	[tilespmem:$0x14800] =	vst v63  }
0x4f: {  	_ =	swait.ge [sflag:s31], $0x2000  }
0x50: {  	[sflag:s31] =	ssyncset.done $0x0  }
0x51: {  	[sflag:s31] =	ssyncadd.s32 $0xFFFFE000  }
0x52: {  	_ =	swait.ge [sflag:s31], $0x2000  }
0x53: {  	s7 =	sshra.s32 s30, $0x2;
	[sflag:s31] =	ssyncset.done $0x0  }
0x54: {  	s8 =	sadd.s32 $0x600, s7;
	[sflag:s31] =	ssyncadd.s32 $0xFFFFE000  }
0x55: {  	[tilespmem:s23], [sflag:$0x2] =	stream.indirect.gather [hbm4b:s3+s19], $0x10, s8, s19, $0xb8;
	[tilespmem:$0x14800] =	vst v63  }
0x56: {  	s8 =	sadd.s32 $0x6A00, s7  }
0x57: {  	[tilespmem:s25], [sflag:$0x2] =	stream.indirect.gather [hbm4b:s4+s19], $0x10, s8, s19, $0xb8;
	[tilespmem:$0x14800] =	vst v63  }
0x58: {  	_ =	swait.ge [sflag:s26], $0x2000  }
0x59: {  	[sflag:s26] =	ssyncset.done $0x0  }
0x5a: {  	[sflag:s26] =	ssyncadd.s32 $0xFFFFE000  }
0x5b: {  	_ =	swait.ge [sflag:s26], $0x2000  }
0x5c: {  	[sflag:s26] =	ssyncset.done $0x0  }
0x5d: {  	[sflag:s26] =	ssyncadd.s32 $0xFFFFE000  }
0x5e: {  	[hbm4b:s16+s2] =	stream.linear.scatter [tilespmem:s23], [sflag:$0x4], $0x2000, $0x38;
	[tilespmem:$0x14800] =	vst v63  }
0x5f: {  	_ = 	snop  }
0x60: {  	[hbm4b:s15+s2] =	stream.linear.scatter [tilespmem:s25], [sflag:$0x4], $0x2000, $0x38;
	[tilespmem:$0x14800] =	vst v63  }
0x61: {  	p0 =	seq.s32 s30, $0x17000;
	_ =	swait.ge [sflag:s28], $0x2000  }
.Ltmp2:
0x62: {  	[sflag:s28] =	ssyncset.done $0x0;
	(pc) =	sbr.rel @p0 .LBB2_4-.Ltmp2, $4  }
0x63: {  	[sflag:s28] =	ssyncadd.s32 $0xFFFFE000  }
0x64: {  	_ =	swait.ge [sflag:s28], $0x2000  }
0x65: {  	[sflag:s28] =	ssyncset.done $0x0  }
0x66: {  	[sflag:s28] =	ssyncadd.s32 $0xFFFFE000  }
.Ltmp3:
0x67: {  	(pc) =	sbr.rel .LBB2_2-.Ltmp3, $4  }
0x68: {  	s8 =	sadd.s32 $0x800, s7;
	s30 =	sadd.s32 $0x1000, s30;
	s14 =	sadd.s32 $0x4000, s14  }
0x69: {  	[tilespmem:s20], [sflag:$0x1] =	stream.indirect.gather [hbm4b:s3+s19], $0x10, s8, s19, $0xb8;
	[tilespmem:$0x14800] =	vst v63  }
0x6a: {  	s15 =	sadd.s32 $0x800, s15;
	s16 =	sadd.s32 $0x800, s16;
	s8 =	sadd.s32 $0x6C00, s7  }
0x6b: {  	[tilespmem:s21], [sflag:$0x1] =	stream.indirect.gather [hbm4b:s4+s19], $0x10, s8, s19, $0xb8;
	[tilespmem:$0x14800] =	vst v63  }
.LBB2_5:
0x6c: {  	_ =	sfence.sel $0x180000  }
0x6d: {  	[bflag:$0x0] =	sbarrier.arrive $0xFFFF  }
0x6e: {  	_ =	strace $0x90000059  }
0x6f: {  	s0 =	stileid.u32;
	[bflag:$0x2] =	sbarrier.arrive $0xFFFF  }
0x70: {  	p0 =	sne.s32 s0, $0x0;
	s0 =	rddreg [dreg:$0x1]  }
0x71: {  	s0 =	sadd.s32 @!p0 $0x100000, s0  }
0x72: {  	[sflag:s0] =	ssyncadd.tile.s32 @!p0 $0x1;
	_ =	shalt  }
.Lfunc_end2:
_tile_overlayer_lowered:
.L_overlay_start_2:
0x73: {  	(tag) =	ssettag $0x2  }
0x74: {  	s0 =	rddreg [dreg:$0x0];
	s2 =	stileid.u32  }
0x75: {  	s1 =	rddreg [dreg:$0x1];
	p0 =	sne.s32 s2, $0x0  }
0x76: {  	s3 =	rddreg [dreg:$0x2];
	[bflag:$0x3] =	sbarrier.arrive $0xFFFF;
	s2 =	simm.s32 @!p0 $0x1C05  }
0x77: {  	[timem:s3], [sflag:s2] =	dma.local @!p0 [hbm:s0], s1  }
0x78: {  	s0 =	simm.s32 @!p0 $0x5  }
0x79: {  	_ =	swait.ge @!p0 [sflag:s0], s1  }
0x7a: {  	s1 =	ssub.s32 @!p0 $0x0, s1;
	[sflag:s0] =	ssyncset.done @!p0 $0x0  }
0x7b: {  	[sflag:s0] =	ssyncadd.s32 @!p0 s1  }
0x7c: {  	[bflag:$0x3] =	sbarrier.arrive $0xFFFF  }
0x7d: {  	_ =	shalt  }

// kernel: kernel.30.cloned.1.call-start
scs
__scs_entry_jumppad:
0x0: {  	(pc) =	sbr.rel $0x88, $3  }
0x1: {  	(tag) =	ssettag $0x0;
	lr =	simm.s32 $0x1  }
0x2: {  	[smem:$0x3F82] =	sst lr;
	_ =	strace $0xD0000000  }
0x3: {  	_ = 	snop  }
0x4: {  	_ = 	snop  }
0x5: {  	_ = 	snop  }
0x6: {  	_ = 	snop  }
0x7: {  	_ = 	snop  }
__scs_overlays_trampoline_lowered:
0x8: {  	[smem:$0x3F91] =	sst s0  }
0x9: {  	[smem:$0x3F92] =	sst s1  }
0xa: {  	[smem:$0x3F93] =	sst s2  }
0xb: {  	[smem:$0x3F94] =	sst s3  }
0xc: {  	[smem:$0x3F95] =	sst s4  }
0xd: {  	[smem:$0x3F96] =	sst s5  }
0xe: {  	[smem:$0x3F97] =	sst s6  }
0xf: {  	[smem:$0x3F98] =	sst s7  }
0x10: {  	[smem:$0x3F99] =	sst s8  }
0x11: {  	[smem:$0x3F9A] =	sst s9;
	s0 =	simm.s32 @!p0 $0x0  }
0x12: {  	s1 =	sld [smem:$0x3F80];
	s0 =	simm.s32 @p0 $0x1  }
0x13: {  	[smem:$0x3F9B] =	sst s0;
	s0 =	simm.s32 @!p1 $0x0  }
0x14: {  	s2 =	sld [smem:$0x3F7F];
	s0 =	simm.s32 @p1 $0x1  }
0x15: {  	[smem:$0x3F9C] =	sst s0;
	s0 =	simm.s32 @!p2 $0x0  }
0x16: {  	s3 =	sld [smem:$0x3FDB];
	s0 =	simm.s32 @p2 $0x1  }
0x17: {  	s4 =	simm.s32 $0x1BF5;
	[smem:$0x3F9E] =	sst s0  }
0x18: {  	s0 =	sld [smem:$0x3F81];
	_ =	swait.ge [sflag:s4], $0x0  }
0x19: {  	s7 =	sld [smem:$0x3F82]  }
0x1a: {  	s8 =	sadd.s32 $0xFFFFE003, lr  }
0x1b: {  	s9 =	sadd.s32 $0xFFFFFEF7, lr;
	s5 =	simm.s32 $0xFFFFFFFF;
	p2 =	slt.u32 s8, $0xFFFFF086  }
0x1c: {  	p1 =	slt.u32 s9, $0xF7A;
	s5 =	simm.s32 @!p2 $0x0  }
0x1d: {  	s5 =	simm.s32 @p1 $0x1;
	p0 =	seq.s32 s7, s2  }
0x1e: {  	s7 =	smul.u32 @!p0 $0xF7A, s2;
	p2 =	seq.s32 @!p0 s5, $0x0  }
0x1f: {  	s9 =	smul.u32 $0xF7A, s1;
	s8 =	simm.s32 @!p0 $0x1BF5;
	p2 =	por !p2, p0  }
0x20: {  	[sflag:s8] =	ssyncset.s32 @!p0 $0xFFFFF086;
	s6 =	sadd.s32 @!p0 s3, s7;
	s7 =	simm.s32 @!p0 $0x108  }
0x21: {  	s3 =	sadd.s32 s3, s9;
	s6 =	sadd.s32 @!p0 $0x88, s6;
	s7 =	simm.s32 @p2 $0x1082  }
0x22: {  	[simem:s7], [sflag:s8] =	dma.local @!p0 [hbm:s6], $0xF7A  }
0x23: {  	s9 =	sor.u32 $0xD0000000, s2;
	s6 =	simm.s32 $0x108;
	_ =	swait.ge @!p0 [sflag:s8], $0x0  }
0x24: {  	s3 =	sadd.s32 $0x88, s3;
	s6 =	simm.s32 @!p1 $0x1082;
	[sflag:s4] =	ssyncset.s32 $0xFFFFF086  }
0x25: {  	[simem:s6], [sflag:s4] =	dma.local [hbm:s3], $0xF7A  }
0x26: {  	[smem:$0x3F82] =	sst s1;
	(tag) =	ssettag s2;
	_ =	strace s9  }
0x27: {  	s1 =	sld [smem:$0x3F92]  }
0x28: {  	s2 =	sld [smem:$0x3F93]  }
0x29: {  	s4 =	sld [smem:$0x3F95]  }
0x2a: {  	p0 =	seq.s32 s5, $0x0;
	s5 =	sld [smem:$0x3F96]  }
0x2b: {  	s6 =	sld [smem:$0x3F97]  }
0x2c: {  	s7 =	sld [smem:$0x3F98]  }
0x2d: {  	s3 =	simm.s32 $0x108;
	s8 =	sld [smem:$0x3F99]  }
0x2e: {  	s3 =	simm.s32 @!p0 $0x1082;
	s9 =	sld [smem:$0x3F9A]  }
0x2f: {  	lr =	sadd.s32 s0, s3;
	s0 =	sld [smem:$0x3F91]  }
0x30: {  	s3 =	sld [smem:$0x3F94]  }
0x31: {  	[smem:$0x3F9D] =	sst s10  }
0x32: {  	s10 =	sld [smem:$0x3F9B];
	_ =	sdelay $0x3  }
0x33: {  	p0 =	seq.s32 s10, $0x1;
	s10 =	sld [smem:$0x3F9D];
	_ =	sdelay $0x3  }
0x34: {  	[smem:$0x3F9D] =	sst s10  }
0x35: {  	s10 =	sld [smem:$0x3F9C];
	_ =	sdelay $0x3  }
0x36: {  	p1 =	seq.s32 s10, $0x1;
	s10 =	sld [smem:$0x3F9D];
	_ =	sdelay $0x3  }
0x37: {  	[smem:$0x3F9D] =	sst s10  }
0x38: {  	s10 =	sld [smem:$0x3F9E]  }
0x39: {  	_ = 	snop;
	(pc) =	sbr.ind lr, $3  }
0x3a: {  	_ = 	snop  }
0x3b: {  	_ = 	snop  }
0x3c: {  	p2 =	seq.s32 s10, $0x1;
	s10 =	sld [smem:$0x3F9D]  }
0x3d: {  	_ =	shalt  }
0x3e: {  	_ =	shalt  }
0x3f: {  	_ =	shalt  }
0x40: {  	_ =	shalt  }
0x41: {  	_ =	shalt  }
0x42: {  	_ =	shalt  }
0x43: {  	_ =	shalt  }
0x44: {  	_ =	shalt  }
0x45: {  	_ =	shalt  }
0x46: {  	_ =	shalt  }
0x47: {  	_ =	shalt  }
0x48: {  	_ =	shalt  }
0x49: {  	_ =	shalt  }
0x4a: {  	_ =	shalt  }
0x4b: {  	_ =	shalt  }
0x4c: {  	_ =	shalt  }
0x4d: {  	_ =	shalt  }
0x4e: {  	_ =	shalt  }
0x4f: {  	_ =	shalt  }
0x50: {  	_ =	shalt  }
0x51: {  	_ =	shalt  }
0x52: {  	_ =	shalt  }
0x53: {  	_ =	shalt  }
0x54: {  	_ =	shalt  }
0x55: {  	_ =	shalt  }
0x56: {  	_ =	shalt  }
0x57: {  	_ =	shalt  }
0x58: {  	_ =	shalt  }
0x59: {  	_ =	shalt  }
0x5a: {  	_ =	shalt  }
0x5b: {  	_ =	shalt  }
0x5c: {  	_ =	shalt  }
0x5d: {  	_ =	shalt  }
0x5e: {  	_ =	shalt  }
0x5f: {  	_ =	shalt  }
0x60: {  	_ =	shalt  }
0x61: {  	_ =	shalt  }
0x62: {  	_ =	shalt  }
0x63: {  	_ =	shalt  }
0x64: {  	_ =	shalt  }
0x65: {  	_ =	shalt  }
0x66: {  	_ =	shalt  }
0x67: {  	_ =	shalt  }
0x68: {  	_ =	shalt  }
0x69: {  	_ =	shalt  }
0x6a: {  	_ =	shalt  }
0x6b: {  	_ =	shalt  }
0x6c: {  	_ =	shalt  }
0x6d: {  	_ =	shalt  }
0x6e: {  	_ =	shalt  }
0x6f: {  	_ =	shalt  }
0x70: {  	_ =	shalt  }
0x71: {  	_ =	shalt  }
0x72: {  	_ =	shalt  }
0x73: {  	_ =	shalt  }
0x74: {  	_ =	shalt  }
0x75: {  	_ =	shalt  }
0x76: {  	_ =	shalt  }
0x77: {  	_ =	shalt  }
0x78: {  	_ =	shalt  }
0x79: {  	_ =	shalt  }
0x7a: {  	_ =	shalt  }
0x7b: {  	_ =	shalt  }
0x7c: {  	_ =	shalt  }
0x7d: {  	_ =	shalt  }
0x7e: {  	_ =	shalt  }
0x7f: {  	_ =	shalt  }
0x80: {  	_ =	shalt  }
0x81: {  	_ =	shalt  }
0x82: {  	_ =	shalt  }
0x83: {  	_ =	shalt  }
0x84: {  	_ =	shalt  }
0x85: {  	_ =	shalt  }
0x86: {  	_ =	shalt  }
0x87: {  	_ =	shalt  }
.Lfunc_end0:
.L_simem_size_0:
called_computation.8_lowered:
.L_overlay_start_0:
0x88: {  	s2 =	sld [smem:$0x3FD9]  }
0x89: {  	s3 =	sld [smem:$0x3FFE];
	_ =	sdelay $0x1  }
0x8a: {  	s1 =	srdreg.scid  }
0x8b: {  	s0 =	sand.u32 $0x1, s1  }
0x8c: {  	s16 =	sshll.u32 s0, $0xA;
	s2 =	sadd.s32 s3, s2  }
0x8d: {  	s2 =	sadd.s32 s2, s16  }
0x8e: {  	[smem:$0x3FA9] =	sst s2  }
0x8f: {  	_ = 	snop  }
0x90: {  	(tm) =	ssettm $0x1  }
0x91: {  	s17 =	sld [smem:$0x3FFB];
	_ =	sdelay $0x3  }
0x92: {  	_ =	strace s17  }
0x93: {  	s2 =	sld [smem:$0x3FFC];
	_ =	sdelay $0x3  }
0x94: {  	_ =	strace s2  }
0x95: {  	s2 =	sld [smem:$0x3FFD];
	_ =	sdelay $0x3  }
0x96: {  	_ =	strace s2  }
0x97: {  	_ =	strace $0x8FFFFFFF  }
0x98: {  	s18 =	sld [smem:$0x3FDB];
	_ =	sdelay $0x1  }
0x99: {  	s19 =	simm.s32 $_scs_section_size  }
0x9a: {  	s4 =	simm.s32 $_size__tile_overlayer_lowered;
	s5 =	simm.s32 $_tile_overlayer_lowered  }
0x9b: {  	s22 =	simm.s32 $0x1BFF;
	s21 =	sshll.u32 s5, $0x1;
	s2 =	sadd.s32 s19, s18  }
0x9c: {  	s6 =	simm.s32 $0x0;
	s20 =	sshll.u32 s4, $0x1;
	s4 =	sadd.s32 s21, s2  }
0x9d: {  	[timem:s6], [sflag:s22] =	dma.local [hbm:s4], s20  }
0x9e: {  	_ =	swait.ge [sflag:s22], s20  }
0x9f: {  	s3 =	ssub.s32 $0x0, s20;
	[sflag:s22] =	ssyncset.done $0x0  }
0xa0: {  	[sflag:s22] =	ssyncadd.s32 s3;
	_ =	sdelay $0x1  }
0xa1: {  	s23 =	simm.s32 $0x1B8B  }
0xa2: {  	_ =	swait.ge [sflag:s23], $0x1  }
0xa3: {  	[sflag:s23] =	ssyncset.done $0x0  }
0xa4: {  	s25 =	simm.s32 $0x1B8E;
	s24 =	sld [smem:$0x3FFE];
	[sflag:s23] =	ssyncadd.s32 $0xFFFFFFFF  }
0xa5: {  	s26 =	simm.s32 $execute0_lowered;
	[smem:$0x3FD2] =	sst s25  }
0xa6: {  	s4 =	sshll.u32 s26, $0x1;
	_ =	strace $0x8000005E;
	[dreg:$0x1] =	wrdreg $0xFFFFFFFF  }
0xa7: {  	s28 =	simm.s32 $_size_execute0_lowered;
	s2 =	sadd.s32 s2, s4;
	[dreg:$0x0] =	wrdreg $0x0  }
0xa8: {  	s4 =	sshll.u32 s28, $0x1;
	[dreg:$0x2] =	wrdreg s2  }
0xa9: {  	[dreg:$0x3] =	wrdreg s4  }
0xaa: {  	[dreg:$0x4] =	wrdreg $0xC0  }
0xab: {  	_ =	task [dreg:s6], $0x5FFFF  }
0xac: {  	[dreg:$0x1] =	wrdreg $0xFFFFFFFF  }
0xad: {  	[dreg:$0x0] =	wrdreg $0x60  }
0xae: {  	[dreg:$0x2] =	wrdreg s24  }
0xaf: {  	[dreg:$0x3] =	wrdreg $0x0  }
0xb0: {  	[dreg:$0x4] =	wrdreg $0x9  }
0xb1: {  	_ =	task.clear_ibuf [dreg:s6], $0x5FFFF;
	_ =	strace $0x9000005E  }
0xb2: {  	s29 =	simm.s32 $0x9;
	_ =	strace $0x80000060  }
0xb3: {  	_ =	swait.ge [sflag:s29], $0x1  }
0xb4: {  	[sflag:s29] =	ssyncadd.s32 $0xFFFFFFFF  }
0xb5: {  	_ =	strace $0x90000060  }
0xb6: {  	_ =	sfence  }
0xb7: {  	s30 =	sld [smem:$0x0];
	_ =	sdelay $0x2  }
0xb8: {  	s31 =	sshll.u32 s1, $0xD;
	s1 =	sshrl.u32 s1, $0x2  }
0xb9: {  	s3 =	sand.u32 $0x4000, s31;
	s1 =	sadd.s32 s1, s30  }
0xba: {  	s0 =	sor.u32 s3, s0;
	s1 =	sshll.u32 s1, $0x11  }
0xbb: {  	s0 =	sor.u32 s1, s0  }
0xbc: {  	s0 =	sadd.s32 $0x8F2B, s0  }
0xbd: {  	[sflag:s0] =	ssyncadd.remote.s32 $0x1  }
0xbe: {  	_ =	sfence.sel $0xFFFF  }
0xbf: {  	[dreg:$0x0] =	wrdreg $0xFFFFFFFF;
	(pc) =	sbr.abs _section_cstart, $3  }
0xc0: {  	[dreg:$0x1] =	wrdreg $0xFFFFFFFF  }
0xc1: {  	_ =	task.clear_ibuf [dreg:s6], $0x2FFFF;
	_ =	strace $0x9FFFFFFF  }
0xc2: {  	(tm) =	ssettm $0x7FFFFFFF  }
0xc3: {  	_ =	shalt  }
tec
execute0_lowered:
.L_overlay_start_1:
0x0: {  	(tag) =	ssettag $0x1  }
0x1: {  	s1 =	srdreg.scid  }
0x2: {  	s0 =	stileid.u32;
	s4 =	rddreg [dreg:$0x0]  }
0x3: {  	s2 =	rddreg [dreg:$0x1];
	s3 =	simm.s32 $0x0;
	s13 =	simm.s32 $0x18800  }
0x4: {  	s14 =	simm.s32 $0x80;
	s15 =	simm.s32 $0x19880;
	s6 =	smul.u32 $0x190000, s0  }
0x5: {  	s16 =	simm.s32 $0x1A880;
	s17 =	simm.s32 $0x1B880;
	s8 =	smul.u32 $0xC800, s0  }
0x6: {  	s5 =	sand.u32 $0x1, s1;
	s1 =	rddreg [dreg:$0x2];
	s9 =	smul.u32 $0x18800, s0  }
0x7: {  	s18 =	simm.s32 $0x0;
	[smem:$0x7FF] =	sst s3;
	s7 =	smul.u32 $0xC8000, s5  }
0x8: {  	s31 =	sshll.u32 s0, $0x6;
	s24 =	smul.u32 $0x6400, s5;
	_ =	strace $0x8000005F  }
0x9: {  	s28 =	ssub.s32 $0x2, s5;
	p0 =	seq.s32 s5, $0x1;
	s5 =	sor.u32 $0x1C01, s31  }
0xa: {  	s26 =	sshrl.u32 s9, $0x3;
	s29 =	sshrl.u32 s28, $0x1;
	s12 =	sadd.s32 s9, s2  }
0xb: {  	s9 =	simm.s32 $0x632200;
	s6 =	sadd.s32 s7, s6;
	s25 =	sadd.s32 s24, s8  }
0xc: {  	s7 =	sadd.s32 s26, s4;
	s30 =	ssub.s32 s28, s29;
	s6 =	sshrl.u32 s6, $0x3  }
0xd: {  	s9 =	simm.s32 @!p0 $0x663200;
	s10 =	sadd.s32 s6, s4;
	s6 =	sshrl.u32 s25, $0x3  }
0xe: {  	s11 =	sadd.s32 s6, s4;
	s4 =	sadd.s32 $0x12200, s7;
	s6 =	smax.u32 s30, $0x1  }
0xf: {  	s7 =	sadd.s32 s9, s7;
	s8 =	sadd.s32 $0xB9E200, s10;
	s10 =	sshrl.u32 s12, $0x3  }
0x10: {  	s12 =	simm.s32 $0x18880;
	s9 =	sadd.s32 $0x43200, s11;
	s11 =	simm.s32 $0x1  }
.LBB2_1:
0x11: {  	[spmem:s10], [sflag:s5] =	dma.local [hbm:s4], $0x3100  }
0x12: {  	_ =	swait.ge [sflag:s11], $0x3100  }
0x13: {  	[sflag:s11] =	ssyncset.done $0x0  }
0x14: {  	[sflag:s11] =	ssyncadd.s32 $0xFFFFCF00  }
0x15: {  	[bflag:$0x0] =	sbarrier.arrive $0xFFFF  }
0x16: {  	[tilespmem:s12], [sflag:$0x1] =	stream.linear.gather [hbm4b:s8+s3], $0x4000, $0x38;
	[tilespmem:$0x1C880] =	vst v63  }
0x17: {  	_ =	swait.ge [sflag:s11], $0x4000  }
0x18: {  	[sflag:s11] =	ssyncset.done $0x0  }
0x19: {  	s19 =	sadd.s32 $0x0, s9;
	[sflag:s11] =	ssyncadd.s32 $0xFFFFC000  }
0x1a: {  	[tilespmem:s13], [sflag:$0x1] =	stream.linear.gather [hbm4b:s19+s3], $0x80, $0x38;
	[tilespmem:$0x1C880] =	vst v63  }
0x1b: {  	_ =	swait.ge [sflag:s11], $0x80  }
0x1c: {  	[sflag:s11] =	ssyncset.done $0x0  }
0x1d: {  	[sflag:s11] =	ssyncadd.s32 $0xFFFFFF80  }
0x1e: {  	[spmem:s2] =	stream.indirect.scatter.add.f32 [tilespmem:s12], [sflag:$0x1], $0x20, s13, s14, $0xb8;
	[tilespmem:$0x1C880] =	vst v63  }
0x1f: {  	_ =	swait.ge [sflag:s11], $0x1000  }
0x20: {  	[sflag:s11] =	ssyncset.done $0x0  }
0x21: {  	s20 =	sadd.s32 $0x10, s19;
	[sflag:s11] =	ssyncadd.s32 $0xFFFFF000  }
0x22: {  	[tilespmem:s13], [sflag:$0x1] =	stream.linear.gather [hbm4b:s20+s3], $0x80, $0x38;
	[tilespmem:$0x1C880] =	vst v63  }
0x23: {  	_ =	swait.ge [sflag:s11], $0x80  }
0x24: {  	[sflag:s11] =	ssyncset.done $0x0  }
0x25: {  	[sflag:s11] =	ssyncadd.s32 $0xFFFFFF80  }
0x26: {  	[spmem:s2] =	stream.indirect.scatter.add.f32 [tilespmem:s15], [sflag:$0x1], $0x20, s13, s14, $0xb8;
	[tilespmem:$0x1C880] =	vst v63  }
0x27: {  	_ =	swait.ge [sflag:s11], $0x1000  }
0x28: {  	[sflag:s11] =	ssyncset.done $0x0  }
0x29: {  	s31 =	sadd.s32 $0x20, s19;
	[sflag:s11] =	ssyncadd.s32 $0xFFFFF000  }
0x2a: {  	[tilespmem:s13], [sflag:$0x1] =	stream.linear.gather [hbm4b:s31+s3], $0x80, $0x38;
	[tilespmem:$0x1C880] =	vst v63  }
0x2b: {  	_ =	swait.ge [sflag:s11], $0x80  }
0x2c: {  	[sflag:s11] =	ssyncset.done $0x0  }
0x2d: {  	[sflag:s11] =	ssyncadd.s32 $0xFFFFFF80  }
0x2e: {  	[spmem:s2] =	stream.indirect.scatter.add.f32 [tilespmem:s16], [sflag:$0x1], $0x20, s13, s14, $0xb8;
	[tilespmem:$0x1C880] =	vst v63  }
0x2f: {  	_ =	swait.ge [sflag:s11], $0x1000  }
0x30: {  	[sflag:s11] =	ssyncset.done $0x0  }
0x31: {  	s19 =	sadd.s32 $0x30, s19;
	[sflag:s11] =	ssyncadd.s32 $0xFFFFF000  }
0x32: {  	[tilespmem:s13], [sflag:$0x1] =	stream.linear.gather [hbm4b:s19+s3], $0x80, $0x38;
	[tilespmem:$0x1C880] =	vst v63  }
0x33: {  	_ =	swait.ge [sflag:s11], $0x80  }
0x34: {  	[sflag:s11] =	ssyncset.done $0x0  }
0x35: {  	[sflag:s11] =	ssyncadd.s32 $0xFFFFFF80  }
0x36: {  	[spmem:s2] =	stream.indirect.scatter.add.f32 [tilespmem:s17], [sflag:$0x1], $0x20, s13, s14, $0xb8;
	[tilespmem:$0x1C880] =	vst v63  }
0x37: {  	_ =	swait.ge [sflag:s11], $0x1000  }
0x38: {  	s20 =	smov.u32 s8;
	s19 =	simm.s32 $0x40;
	[sflag:s11] =	ssyncset.done $0x0  }
.LBB2_2:
0x39: {  	p0 =	sne.s32 s19, $0xC40;
	[sflag:s11] =	ssyncadd.s32 $0xFFFFF000;
	s20 =	sadd.s32 $0x800, s20  }
0x3a: {  	[tilespmem:s12], [sflag:$0x1] =	stream.linear.gather [hbm4b:s20+s3], $0x4000, $0x38;
	[tilespmem:$0x1C880] =	vst v63  }
0x3b: {  	s21 =	smov.u32 s19;
	s19 =	sadd.s32 $0x40, s19;
	_ =	swait.ge [sflag:s11], $0x4000  }
0x3c: {  	[sflag:s11] =	ssyncset.done $0x0  }
0x3d: {  	s21 =	sadd.s32 s21, s9;
	[sflag:s11] =	ssyncadd.s32 $0xFFFFC000  }
0x3e: {  	[tilespmem:s13], [sflag:$0x1] =	stream.linear.gather [hbm4b:s21+s3], $0x80, $0x38;
	[tilespmem:$0x1C880] =	vst v63  }
0x3f: {  	_ =	swait.ge [sflag:s11], $0x80  }
0x40: {  	[sflag:s11] =	ssyncset.done $0x0  }
0x41: {  	[sflag:s11] =	ssyncadd.s32 $0xFFFFFF80  }
0x42: {  	[spmem:s2] =	stream.indirect.scatter.add.f32 [tilespmem:s12], [sflag:$0x1], $0x20, s13, s14, $0xb8;
	[tilespmem:$0x1C880] =	vst v63  }
0x43: {  	_ =	swait.ge [sflag:s11], $0x1000  }
0x44: {  	[sflag:s11] =	ssyncset.done $0x0  }
0x45: {  	s22 =	sadd.s32 $0x10, s21;
	[sflag:s11] =	ssyncadd.s32 $0xFFFFF000  }
0x46: {  	[tilespmem:s13], [sflag:$0x1] =	stream.linear.gather [hbm4b:s22+s3], $0x80, $0x38;
	[tilespmem:$0x1C880] =	vst v63  }
0x47: {  	_ =	swait.ge [sflag:s11], $0x80  }
0x48: {  	[sflag:s11] =	ssyncset.done $0x0  }
0x49: {  	[sflag:s11] =	ssyncadd.s32 $0xFFFFFF80  }
0x4a: {  	[spmem:s2] =	stream.indirect.scatter.add.f32 [tilespmem:s15], [sflag:$0x1], $0x20, s13, s14, $0xb8;
	[tilespmem:$0x1C880] =	vst v63  }
0x4b: {  	_ =	swait.ge [sflag:s11], $0x1000  }
0x4c: {  	[sflag:s11] =	ssyncset.done $0x0  }
0x4d: {  	s22 =	sadd.s32 $0x20, s21;
	[sflag:s11] =	ssyncadd.s32 $0xFFFFF000  }
0x4e: {  	[tilespmem:s13], [sflag:$0x1] =	stream.linear.gather [hbm4b:s22+s3], $0x80, $0x38;
	[tilespmem:$0x1C880] =	vst v63  }
0x4f: {  	_ =	swait.ge [sflag:s11], $0x80  }
0x50: {  	[sflag:s11] =	ssyncset.done $0x0  }
0x51: {  	[sflag:s11] =	ssyncadd.s32 $0xFFFFFF80  }
0x52: {  	[spmem:s2] =	stream.indirect.scatter.add.f32 [tilespmem:s16], [sflag:$0x1], $0x20, s13, s14, $0xb8;
	[tilespmem:$0x1C880] =	vst v63  }
0x53: {  	_ =	swait.ge [sflag:s11], $0x1000  }
0x54: {  	[sflag:s11] =	ssyncset.done $0x0  }
0x55: {  	s21 =	sadd.s32 $0x30, s21;
	[sflag:s11] =	ssyncadd.s32 $0xFFFFF000  }
0x56: {  	[tilespmem:s13], [sflag:$0x1] =	stream.linear.gather [hbm4b:s21+s3], $0x80, $0x38;
	[tilespmem:$0x1C880] =	vst v63  }
0x57: {  	_ =	swait.ge [sflag:s11], $0x80  }
.Ltmp0:
0x58: {  	[sflag:s11] =	ssyncset.done $0x0;
	(pc) =	sbr.rel @p0 .LBB2_2-.Ltmp0, $4  }
0x59: {  	[sflag:s11] =	ssyncadd.s32 $0xFFFFFF80  }
0x5a: {  	[spmem:s2] =	stream.indirect.scatter.add.f32 [tilespmem:s17], [sflag:$0x1], $0x20, s13, s14, $0xb8;
	[tilespmem:$0x1C880] =	vst v63  }
0x5b: {  	_ =	swait.ge [sflag:s11], $0x1000  }
0x5c: {  	[sflag:s11] =	ssyncset.done $0x0  }
0x5d: {  	s18 =	sadd.s32 $0x1, s18  }
0x5e: {  	[sflag:s11] =	ssyncadd.s32 $0xFFFFF000;
	p0 =	sne.s32 s18, s6  }
.Ltmp1:
0x5f: {  	[bflag:$0x0] =	sbarrier.arrive $0xFFFF;
	(pc) =	sbr.rel @p0 .LBB2_1-.Ltmp1, $4  }
0x60: {  	[hbm:s7], [sflag:s5] =	dma.local [spmem:s10], $0x3100  }
0x61: {  	_ =	swait.ge [sflag:s11], $0x3100  }
0x62: {  	[sflag:s11] =	ssyncset.done $0x0  }
0x63: {  	[sflag:s11] =	ssyncadd.s32 $0xFFFFCF00  }
0x64: {  	_ =	sfence.sel $0x180000  }
0x65: {  	[bflag:$0x0] =	sbarrier.arrive $0xFFFF  }
0x66: {  	p0 =	sne.s32 s0, $0x0;
	_ =	strace $0x9000005F  }
0x67: {  	s0 =	sadd.s32 @!p0 $0x100000, s1;
	[bflag:$0x2] =	sbarrier.arrive $0xFFFF  }
0x68: {  	[sflag:s0] =	ssyncadd.tile.s32 @!p0 $0x1;
	_ =	shalt  }
.Lfunc_end2:
_tile_overlayer_lowered:
.L_overlay_start_2:
0x69: {  	(tag) =	ssettag $0x2  }
0x6a: {  	s0 =	rddreg [dreg:$0x0];
	s2 =	stileid.u32  }
0x6b: {  	s1 =	rddreg [dreg:$0x1];
	p0 =	sne.s32 s2, $0x0  }
0x6c: {  	s3 =	rddreg [dreg:$0x2];
	[bflag:$0x3] =	sbarrier.arrive $0xFFFF;
	s2 =	simm.s32 @!p0 $0x1C01  }
0x6d: {  	[timem:s3], [sflag:s2] =	dma.local @!p0 [hbm:s0], s1  }
0x6e: {  	s0 =	simm.s32 @!p0 $0x1  }
0x6f: {  	_ =	swait.ge @!p0 [sflag:s0], s1  }
0x70: {  	s1 =	ssub.s32 @!p0 $0x0, s1;
	[sflag:s0] =	ssyncset.done @!p0 $0x0  }
0x71: {  	[sflag:s0] =	ssyncadd.s32 @!p0 s1  }
0x72: {  	[bflag:$0x3] =	sbarrier.arrive $0xFFFF  }
0x73: {  	_ =	shalt  }

// kernel: sparse-core-data-format-call.1.cloned.1.call-start
scs
called_computation.1_lowered:
.L_overlay_start_0:
0x0: {  	s1 =	sld [smem:$0x3FD9]  }
0x1: {  	s2 =	sld [smem:$0x3FFE];
	_ =	sdelay $0x1  }
0x2: {  	s3 =	srdreg.scid  }
0x3: {  	s0 =	sand.u32 $0x1, s3  }
0x4: {  	s17 =	sshll.u32 s0, $0xA;
	s1 =	sadd.s32 s2, s1  }
0x5: {  	s1 =	sadd.s32 s1, s17  }
0x6: {  	[smem:$0x3FA9] =	sst s1  }
0x7: {  	_ = 	snop  }
0x8: {  	(tm) =	ssettm $0x1  }
0x9: {  	s18 =	sld [smem:$0x3FFB];
	_ =	sdelay $0x3  }
0xa: {  	_ =	strace s18  }
0xb: {  	s1 =	sld [smem:$0x3FFC];
	_ =	sdelay $0x3  }
0xc: {  	_ =	strace s1  }
0xd: {  	s1 =	sld [smem:$0x3FFD];
	_ =	sdelay $0x3  }
0xe: {  	_ =	strace s1  }
0xf: {  	_ =	strace $0x8FFFFFFF  }
0x10: {  	s19 =	sld [smem:$0x3FDB];
	_ =	sdelay $0x1  }
0x11: {  	s20 =	simm.s32 $_scs_section_size  }
0x12: {  	s4 =	simm.s32 $_size__tile_overlayer_lowered;
	s5 =	simm.s32 $_tile_overlayer_lowered  }
0x13: {  	s23 =	simm.s32 $0x1BFF;
	s22 =	sshll.u32 s5, $0x1;
	s1 =	sadd.s32 s20, s19  }
0x14: {  	s6 =	simm.s32 $0x0;
	s21 =	sshll.u32 s4, $0x1;
	s4 =	sadd.s32 s22, s1  }
0x15: {  	[timem:s6], [sflag:s23] =	dma.local [hbm:s4], s21  }
0x16: {  	_ =	swait.ge [sflag:s23], s21  }
0x17: {  	s2 =	ssub.s32 $0x0, s21;
	[sflag:s23] =	ssyncset.done $0x0  }
0x18: {  	[sflag:s23] =	ssyncadd.s32 s2;
	_ =	sdelay $0x1  }
0x19: {  	s24 =	simm.s32 $0x1B8B  }
0x1a: {  	_ =	swait.ge [sflag:s24], $0x1  }
0x1b: {  	[sflag:s24] =	ssyncset.done $0x0  }
0x1c: {  	s26 =	simm.s32 $0x1B8E;
	s25 =	sld [smem:$0x3FFE];
	[sflag:s24] =	ssyncadd.s32 $0xFFFFFFFF  }
0x1d: {  	s27 =	simm.s32 $execute0_lowered;
	[smem:$0x3FD2] =	sst s26  }
0x1e: {  	s4 =	sshll.u32 s27, $0x1;
	_ =	strace $0x80000052;
	[dreg:$0x1] =	wrdreg $0xFFFFFFFF  }
0x1f: {  	s28 =	simm.s32 $_size_execute0_lowered;
	s1 =	sadd.s32 s1, s4;
	[dreg:$0x0] =	wrdreg $0x0  }
0x20: {  	s4 =	sshll.u32 s28, $0x1;
	[dreg:$0x2] =	wrdreg s1  }
0x21: {  	[dreg:$0x3] =	wrdreg s4  }
0x22: {  	[dreg:$0x4] =	wrdreg $0xC0  }
0x23: {  	_ =	task [dreg:s6], $0x5FFFF  }
0x24: {  	[dreg:$0x1] =	wrdreg $0xFFFFFFFF  }
0x25: {  	[dreg:$0x0] =	wrdreg $0x60  }
0x26: {  	[dreg:$0x2] =	wrdreg s25  }
0x27: {  	[dreg:$0x3] =	wrdreg $0x9  }
0x28: {  	_ =	task.clear_ibuf [dreg:s6], $0x4FFFF;
	_ =	strace $0x90000052  }
0x29: {  	s29 =	simm.s32 $0x9;
	_ =	strace $0x80000054  }
0x2a: {  	_ =	swait.ge [sflag:s29], $0x1  }
0x2b: {  	[sflag:s29] =	ssyncadd.s32 $0xFFFFFFFF  }
0x2c: {  	_ =	strace $0x90000054  }
0x2d: {  	_ =	sfence  }
0x2e: {  	s30 =	sld [smem:$0x0];
	_ =	sdelay $0x2  }
0x2f: {  	s31 =	sshll.u32 s3, $0xD;
	s3 =	sshrl.u32 s3, $0x2  }
0x30: {  	s2 =	sand.u32 $0x4000, s31;
	s1 =	sadd.s32 s3, s30  }
0x31: {  	s0 =	sor.u32 s2, s0;
	s1 =	sshll.u32 s1, $0x11  }
0x32: {  	s0 =	sor.u32 s1, s0  }
0x33: {  	s0 =	sadd.s32 $0x8F2B, s0  }
0x34: {  	[sflag:s0] =	ssyncadd.remote.s32 $0x1  }
0x35: {  	_ =	sfence.sel $0xFFFF  }
0x36: {  	[dreg:$0x0] =	wrdreg $0xFFFFFFFF;
	(pc) =	sbr.abs _section_cstart, $3  }
0x37: {  	[dreg:$0x1] =	wrdreg $0xFFFFFFFF  }
0x38: {  	_ =	task.clear_ibuf [dreg:s6], $0x2FFFF;
	_ =	strace $0x9FFFFFFF  }
0x39: {  	(tm) =	ssettm $0x7FFFFFFF  }
tec
execute0_lowered:
.L_overlay_start_1:
0x0: {  	(tag) =	ssettag $0x1  }
0x1: {  	s0 =	srdreg.scid  }
0x2: {  	s1 =	sshll.u32 s0, $0x4  }
0x3: {  	s4 =	rddreg [dreg:$0x0];
	s0 =	stileid.u32;
	s1 =	sand.u32 $0x10, s1  }
0x4: {  	s7 =	simm.s32 $0x1;
	s8 =	simm.s32 $0x2;
	s2 =	sor.u32 s0, s1  }
0x5: {  	s9 =	simm.s32 $0x0;
	s12 =	simm.s32 $0x0;
	s2 =	sshll.u32 s2, $0x3  }
0x6: {  	s11 =	simm.s32 $0x0;
	s3 =	sadd.s32 $0x7BA200, s4;
	s6 =	ssub.s32 $0x3200, s2  }
.Ltmp0:
0x7: {  	s4 =	sadd.s32 $0xADA200, s4;
	s5 =	sand.u32 $0xF8, s6;
	(pc) =	sbr.rel .LBB1_1-.Ltmp0, $4  }
0x8: {  	s1 =	rddreg [dreg:$0x1];
	_ =	strace $0x80000053;
	p0 =	sne.s32 s5, $0x0  }
0x9: {  	s6 =	sshrl.u32 s6, $0x8;
	s5 =	simm.s32 $0x1;
	s7 =	simm.s32 @!p0 $0x0  }
0xa: {  	s10 =	smov.u32 s2;
	[sflag:s5] =	ssyncpa.u1 $0x0;
	s6 =	sadd.s32 s7, s6  }
0xb: {  	[sflag:s8] =	ssyncpa.u1 $0x0;
	s8 =	simm.s32 $0x0;
	s7 =	sadd.s32 $0x1, s6  }
.LBB1_9:
0xc: {  	s14 =	sadd.s32 $0x100, s10  }
0xd: {  	p1 =	sgt.s32 s14, $0x31FF  }
0xe: {  	s14 =	smov.u32 @p1 s2;
	p1 =	sne.s32 s11, s7  }
.Ltmp1:
0xf: {  	p0 =	slt.u32 s11, $0x2;
	(pc) =	sbr.rel @!p1 .LBB1_10-.Ltmp1, $4  }
0x10: {  	s13 =	simm.s32 @!p0 $0x2  }
0x11: {  	s15 =	sadd.s32 $0x1, s11;
	_ =	swait.ge @!p0 [sflag:s13], $0x4000  }
0x12: {  	s12 =	smov.u32 s10;
	s9 =	sadd.s32 $0x4000, s9;
	[sflag:s13] =	ssyncset.done @!p0 $0x0  }
0x13: {  	s11 =	smov.u32 s15;
	s10 =	smov.u32 s14;
	[sflag:s13] =	ssyncadd.s32 @!p0 $0xFFFFC000  }
.LBB1_1:
0x14: {  	p0 =	sge.u32 s11, s6  }
0x15: {  	s13 =	sxor.u32 @!p0 $0xFFFFFFFF, s11  }
0x16: {  	s31 =	sadd.s32 $0xFFFFFFFF, s11;
	s14 =	sshll.u32 @!p0 s10, $0x8;
	s13 =	sshll.u32 @!p0 s13, $0xE  }
0x17: {  	s15 =	simm.s32 @!p0 $0x0;
	s14 =	sadd.s32 @!p0 s3, s14;
	s13 =	sand.u32 @!p0 $0x4000, s13  }
0x18: {  	[tilespmem:s13], [sflag:$0x1] =	stream.linear.gather @!p0 [hbm4b:s14+s15], $0x4000, $0x38;
	[tilespmem:$0x10000] =	vst v63  }
0x19: {  	p0 =	sge.u32 s31, s6  }
.Ltmp2:
0x1a: {  	_ = 	snop;
	(pc) =	sbr.rel @p0 .LBB1_9-.Ltmp2, $1  }
0x1b: {  	_ =	sdelay $0x3  }
0x1c: {  	s13 =	sshll.u32 s9, $0x2;
	_ =	swait.ge [sflag:s5], $0x4000;
	s14 =	sshll.u32 s11, $0xE  }
0x1d: {  	s16 =	simm.s32 $0x0;
	s17 =	simm.s32 $0x0;
	s15 =	sand.u32 $0x10000, s13  }
0x1e: {  	[sflag:s5] =	ssyncset.done $0x0;
	s31 =	sand.u32 $0x4000, s14;
	s14 =	sshrl.u32 s15, $0x2  }
0x1f: {  	[sflag:s5] =	ssyncadd.s32 $0xFFFFC000;
	s13 =	sor.u32 $0x8000, s31;
	s15 =	sor.u32 $0x8000, s14  }
.LBB1_3:
0x20: {  	s18 =	sshra.s32 s16, $0x2  }
0x21: {  	v0 =	vmov s18;
	_ =	sdelay $0x3  }
0x22: {  	p1 =	por $0x1, $0x1;
	s18 =	simm.s32 $0x0  }
.LBB1_4:
0x23: {  	_ = 	snop  }
0x24: {  	s19 =	sshll.u32 s18, $0xA  }
0x25: {  	s19 =	sand.u32 $0x3FFFFC00, s19  }
0x26: {  	s19 =	sadd.s32 s19, s14  }
0x27: {  	v5 =	vld.idx.msk [tilespmem:v0+s19+$0x70 ss:$0x1], $0xffff  }
0x28: {  	v6 =	vld.idx.msk [tilespmem:v0+s19+$0x10 ss:$0x1], $0xffff  }
0x29: {  	v7 =	vld.idx.msk [tilespmem:v0+s19+$0x20 ss:$0x1], $0xffff  }
0x2a: {  	s31 =	sshll.u32 s18, $0x7;
	v1 =	vld.idx.msk [tilespmem:v0+s19+$0x30 ss:$0x1], $0xffff  }
0x2b: {  	s18 =	sand.u32 $0x3FFFFF80, s31;
	v2 =	vld.idx.msk [tilespmem:v0+s19+$0x40 ss:$0x1], $0xffff  }
0x2c: {  	s18 =	sadd.s32 s18, s15;
	v3 =	vld.idx.msk [tilespmem:v0+s19+$0x50 ss:$0x1], $0xffff  }
0x2d: {  	v4 =	vld.idx.msk [tilespmem:v0+s19+$0x60 ss:$0x1], $0xffff;
	[tilespmem:v0+s18+$0x70 ss:$0x1] =	vst.idx.msk $0xffff, v5  }
0x2e: {  	v5 =	vld.idx.msk [tilespmem:v0+s19+$0x0 ss:$0x1], $0xffff;
	[tilespmem:v0+s18+$0x10 ss:$0x1] =	vst.idx.msk $0xffff, v6;
	s19 =	sadd.s32 $0x80, s19  }
0x2f: {  	p0 =	por p1, p1;
	s20 =	simm.s32 $0x6;
	[tilespmem:v0+s18+$0x20 ss:$0x1] =	vst.idx.msk $0xffff, v7;
	v6 =	vld.idx.msk [tilespmem:v0+s19+$0x70 ss:$0x1], $0xffff  }
.LBB1_5:
0x30: {  	p1 =	sne.s32 s20, $0x1;
	v7 =	vld.idx.msk [tilespmem:v0+s19+$0x10 ss:$0x1], $0xffff;
	[tilespmem:v0+s18+$0x30 ss:$0x1] =	vst.idx.msk $0xffff, v1  }
0x31: {  	v8 =	vld.idx.msk [tilespmem:v0+s19+$0x20 ss:$0x1], $0xffff;
	[tilespmem:v0+s18+$0x40 ss:$0x1] =	vst.idx.msk $0xffff, v2  }
0x32: {  	v1 =	vld.idx.msk [tilespmem:v0+s19+$0x30 ss:$0x1], $0xffff;
	[tilespmem:v0+s18+$0x50 ss:$0x1] =	vst.idx.msk $0xffff, v3  }
.Ltmp3:
0x33: {  	v2 =	vld.idx.msk [tilespmem:v0+s19+$0x40 ss:$0x1], $0xffff;
	[tilespmem:v0+s18+$0x60 ss:$0x1] =	vst.idx.msk $0xffff, v4;
	(pc) =	sbr.rel @p1 .LBB1_5-.Ltmp3, $4  }
0x34: {  	v3 =	vld.idx.msk [tilespmem:v0+s19+$0x50 ss:$0x1], $0xffff;
	[tilespmem:v0+s18+$0x0 ss:$0x1] =	vst.idx.msk $0xffff, v5;
	s18 =	sadd.s32 $0x100, s18  }
0x35: {  	v4 =	vld.idx.msk [tilespmem:v0+s19+$0x60 ss:$0x1], $0xffff;
	[tilespmem:v0+s18+$0x70 ss:$0x1] =	vst.idx.msk $0xffff, v6  }
0x36: {  	v5 =	vld.idx.msk [tilespmem:v0+s19+$0x0 ss:$0x1], $0xffff;
	[tilespmem:v0+s18+$0x10 ss:$0x1] =	vst.idx.msk $0xffff, v7;
	s19 =	sadd.s32 $0x80, s19  }
0x37: {  	s20 =	sadd.s32 $0xFFFFFFFF, s20;
	v6 =	vld.idx.msk [tilespmem:v0+s19+$0x70 ss:$0x1], $0xffff;
	[tilespmem:v0+s18+$0x20 ss:$0x1] =	vst.idx.msk $0xffff, v8  }
0x38: {  	_ =	sdelay $0x3  }
0x39: {  	[tilespmem:v0+s18+$0x30 ss:$0x1] =	vst.idx.msk $0xffff, v1  }
0x3a: {  	v1 =	vld.idx.msk [tilespmem:v0+s19+$0x10 ss:$0x1], $0xffff;
	[tilespmem:v0+s18+$0x40 ss:$0x1] =	vst.idx.msk $0xffff, v2  }
0x3b: {  	v2 =	vld.idx.msk [tilespmem:v0+s19+$0x20 ss:$0x1], $0xffff;
	[tilespmem:v0+s18+$0x50 ss:$0x1] =	vst.idx.msk $0xffff, v3  }
0x3c: {  	v61 =	vld.idx.msk [tilespmem:v0+s19+$0x40 ss:$0x1], $0xffff;
	[tilespmem:v0+s18+$0x60 ss:$0x1] =	vst.idx.msk $0xffff, v4  }
0x3d: {  	s31 =	sadd.s32 $0x100, s18;
	v62 =	vld.idx.msk [tilespmem:v0+s19+$0x50 ss:$0x1], $0xffff;
	[tilespmem:v0+s18+$0x0 ss:$0x1] =	vst.idx.msk $0xffff, v5  }
0x3e: {  	v63 =	vld.idx.msk [tilespmem:v0+s19+$0x60 ss:$0x1], $0xffff;
	[tilespmem:v0+s31+$0x70 ss:$0x1] =	vst.idx.msk $0xffff, v6  }
0x3f: {  	v3 =	vld.idx.msk [tilespmem:v0+s19+$0x30 ss:$0x1], $0xffff;
	[tilespmem:v0+s31+$0x10 ss:$0x1] =	vst.idx.msk $0xffff, v1  }
0x40: {  	v1 =	vld.idx.msk [tilespmem:v0+s19+$0x0 ss:$0x1], $0xffff;
	[tilespmem:v0+s31+$0x20 ss:$0x1] =	vst.idx.msk $0xffff, v2  }
.Ltmp4:
0x41: {  	[tilespmem:v0+s31+$0x40 ss:$0x1] =	vst.idx.msk $0xffff, v61;
	(pc) =	sbr.rel @p0 .LBB1_4-.Ltmp4, $4  }
0x42: {  	[tilespmem:v0+s31+$0x50 ss:$0x1] =	vst.idx.msk $0xffff, v62  }
0x43: {  	[tilespmem:v0+s31+$0x60 ss:$0x1] =	vst.idx.msk $0xffff, v63  }
0x44: {  	[tilespmem:v0+s31+$0x30 ss:$0x1] =	vst.idx.msk $0xffff, v3  }
0x45: {  	p1 =	por $0x0, $0x0;
	s18 =	simm.s32 $0x1;
	[tilespmem:v0+s31+$0x0 ss:$0x1] =	vst.idx.msk $0xffff, v1  }
0x46: {  	s17 =	sadd.s32 $0x1, s17  }
0x47: {  	p0 =	sne.s32 s17, $0x8  }
.Ltmp5:
0x48: {  	_ = 	snop;
	(pc) =	sbr.rel @p0 .LBB1_3-.Ltmp5, $2  }
0x49: {  	_ =	sdelay $0x2  }
0x4a: {  	s16 =	sadd.s32 $0x2000, s16  }
.Ltmp6:
0x4b: {  	(pc) =	sbr.rel .LBB1_9-.Ltmp6, $4  }
0x4c: {  	_ = 	snop  }
0x4d: {  	s12 =	sshll.u32 s12, $0x8  }
0x4e: {  	s12 =	sadd.s32 s4, s12  }
0x4f: {  	[hbm4b:s12+s8] =	stream.linear.scatter [tilespmem:s13], [sflag:$0x2], $0x4000, $0x38;
	[tilespmem:$0x10000] =	vst v63  }
.LBB1_10:
0x50: {  	_ =	sfence.sel $0x180000  }
0x51: {  	s2 =	simm.s32 $0x1;
	[bflag:$0x0] =	sbarrier.arrive $0xFFFF  }
0x52: {  	s31 =	simm.s32 $0x2;
	[sflag:s2] =	ssyncpa.u1 $0x1  }
0x53: {  	[sflag:s31] =	ssyncpa.u1 $0x1  }
0x54: {  	p0 =	sne.s32 s0, $0x0;
	_ =	strace $0x90000053  }
0x55: {  	s0 =	sadd.s32 @!p0 $0x100000, s1;
	[bflag:$0x2] =	sbarrier.arrive $0xFFFF  }
0x56: {  	[sflag:s0] =	ssyncadd.tile.s32 @!p0 $0x1;
	_ =	shalt  }
.Lfunc_end1:
_tile_overlayer_lowered:
.L_overlay_start_2:
0x57: {  	(tag) =	ssettag $0x2  }
0x58: {  	s0 =	rddreg [dreg:$0x0];
	s2 =	stileid.u32  }
0x59: {  	s1 =	rddreg [dreg:$0x1];
	p0 =	sne.s32 s2, $0x0  }
0x5a: {  	s3 =	rddreg [dreg:$0x2];
	[bflag:$0x3] =	sbarrier.arrive $0xFFFF;
	s2 =	simm.s32 @!p0 $0x1C01  }
0x5b: {  	[timem:s3], [sflag:s2] =	dma.local @!p0 [hbm:s0], s1  }
0x5c: {  	s0 =	simm.s32 @!p0 $0x1  }
0x5d: {  	_ =	swait.ge @!p0 [sflag:s0], s1  }
0x5e: {  	s1 =	ssub.s32 @!p0 $0x0, s1;
	[sflag:s0] =	ssyncset.done @!p0 $0x0  }
0x5f: {  	[sflag:s0] =	ssyncadd.s32 @!p0 s1  }
0x60: {  	[bflag:$0x3] =	sbarrier.arrive $0xFFFF  }
0x61: {  	_ =	shalt  }

// kernel: sparse-core-data-format-call.2.cloned.1.call-start
scs
called_computation.2_lowered:
.L_overlay_start_0:
0x0: {  	s1 =	sld [smem:$0x3FD9]  }
0x1: {  	s2 =	sld [smem:$0x3FFE];
	_ =	sdelay $0x1  }
0x2: {  	s3 =	srdreg.scid  }
0x3: {  	s0 =	sand.u32 $0x1, s3  }
0x4: {  	s17 =	sshll.u32 s0, $0xA;
	s1 =	sadd.s32 s2, s1  }
0x5: {  	s1 =	sadd.s32 s1, s17  }
0x6: {  	[smem:$0x3FA9] =	sst s1  }
0x7: {  	_ = 	snop  }
0x8: {  	(tm) =	ssettm $0x1  }
0x9: {  	s18 =	sld [smem:$0x3FFB];
	_ =	sdelay $0x3  }
0xa: {  	_ =	strace s18  }
0xb: {  	s1 =	sld [smem:$0x3FFC];
	_ =	sdelay $0x3  }
0xc: {  	_ =	strace s1  }
0xd: {  	s1 =	sld [smem:$0x3FFD];
	_ =	sdelay $0x3  }
0xe: {  	_ =	strace s1  }
0xf: {  	_ =	strace $0x8FFFFFFF  }
0x10: {  	s19 =	sld [smem:$0x3FDB];
	_ =	sdelay $0x1  }
0x11: {  	s20 =	simm.s32 $_scs_section_size  }
0x12: {  	s4 =	simm.s32 $_size__tile_overlayer_lowered;
	s5 =	simm.s32 $_tile_overlayer_lowered  }
0x13: {  	s23 =	simm.s32 $0x1BFF;
	s22 =	sshll.u32 s5, $0x1;
	s1 =	sadd.s32 s20, s19  }
0x14: {  	s6 =	simm.s32 $0x0;
	s21 =	sshll.u32 s4, $0x1;
	s4 =	sadd.s32 s22, s1  }
0x15: {  	[timem:s6], [sflag:s23] =	dma.local [hbm:s4], s21  }
0x16: {  	_ =	swait.ge [sflag:s23], s21  }
0x17: {  	s2 =	ssub.s32 $0x0, s21;
	[sflag:s23] =	ssyncset.done $0x0  }
0x18: {  	[sflag:s23] =	ssyncadd.s32 s2;
	_ =	sdelay $0x1  }
0x19: {  	s24 =	simm.s32 $0x1B8B  }
0x1a: {  	_ =	swait.ge [sflag:s24], $0x1  }
0x1b: {  	[sflag:s24] =	ssyncset.done $0x0  }
0x1c: {  	s26 =	simm.s32 $0x1B8E;
	s25 =	sld [smem:$0x3FFE];
	[sflag:s24] =	ssyncadd.s32 $0xFFFFFFFF  }
0x1d: {  	s27 =	simm.s32 $execute0_lowered;
	[smem:$0x3FD2] =	sst s26  }
0x1e: {  	s4 =	sshll.u32 s27, $0x1;
	_ =	strace $0x80000049;
	[dreg:$0x1] =	wrdreg $0xFFFFFFFF  }
0x1f: {  	s28 =	simm.s32 $_size_execute0_lowered;
	s1 =	sadd.s32 s1, s4;
	[dreg:$0x0] =	wrdreg $0x0  }
0x20: {  	s4 =	sshll.u32 s28, $0x1;
	[dreg:$0x2] =	wrdreg s1  }
0x21: {  	[dreg:$0x3] =	wrdreg s4  }
0x22: {  	[dreg:$0x4] =	wrdreg $0xC0  }
0x23: {  	_ =	task [dreg:s6], $0x5FFFF  }
0x24: {  	[dreg:$0x1] =	wrdreg $0xFFFFFFFF  }
0x25: {  	[dreg:$0x0] =	wrdreg $0x60  }
0x26: {  	[dreg:$0x2] =	wrdreg s25  }
0x27: {  	[dreg:$0x3] =	wrdreg $0x9  }
0x28: {  	_ =	task.clear_ibuf [dreg:s6], $0x4FFFF;
	_ =	strace $0x90000049  }
0x29: {  	s29 =	simm.s32 $0x9;
	_ =	strace $0x8000004B  }
0x2a: {  	_ =	swait.ge [sflag:s29], $0x1  }
0x2b: {  	[sflag:s29] =	ssyncadd.s32 $0xFFFFFFFF  }
0x2c: {  	_ =	strace $0x9000004B  }
0x2d: {  	_ =	sfence  }
0x2e: {  	s30 =	sld [smem:$0x0];
	_ =	sdelay $0x2  }
0x2f: {  	s31 =	sshll.u32 s3, $0xD;
	s3 =	sshrl.u32 s3, $0x2  }
0x30: {  	s2 =	sand.u32 $0x4000, s31;
	s1 =	sadd.s32 s3, s30  }
0x31: {  	s0 =	sor.u32 s2, s0;
	s1 =	sshll.u32 s1, $0x11  }
0x32: {  	s0 =	sor.u32 s1, s0  }
0x33: {  	s0 =	sadd.s32 $0x8F2B, s0  }
0x34: {  	[sflag:s0] =	ssyncadd.remote.s32 $0x1  }
0x35: {  	_ =	sfence.sel $0xFFFF  }
0x36: {  	[dreg:$0x0] =	wrdreg $0xFFFFFFFF;
	(pc) =	sbr.abs _section_cstart, $3  }
0x37: {  	[dreg:$0x1] =	wrdreg $0xFFFFFFFF  }
0x38: {  	_ =	task.clear_ibuf [dreg:s6], $0x2FFFF;
	_ =	strace $0x9FFFFFFF  }
0x39: {  	(tm) =	ssettm $0x7FFFFFFF  }
tec
execute0_lowered:
.L_overlay_start_1:
0x0: {  	(tag) =	ssettag $0x1  }
0x1: {  	s0 =	srdreg.scid  }
0x2: {  	s1 =	sshll.u32 s0, $0x4  }
0x3: {  	s4 =	rddreg [dreg:$0x0];
	s0 =	stileid.u32;
	s1 =	sand.u32 $0x10, s1  }
0x4: {  	s7 =	simm.s32 $0x1;
	s8 =	simm.s32 $0x2;
	s2 =	sor.u32 s0, s1  }
0x5: {  	s9 =	simm.s32 $0x0;
	s12 =	simm.s32 $0x0;
	s2 =	sshll.u32 s2, $0x3  }
0x6: {  	s11 =	simm.s32 $0x0;
	s3 =	sadd.s32 $0x4B2200, s4;
	s6 =	ssub.s32 $0x3200, s2  }
.Ltmp0:
0x7: {  	s4 =	sadd.s32 $0x7D2200, s4;
	s5 =	sand.u32 $0xF8, s6;
	(pc) =	sbr.rel .LBB1_1-.Ltmp0, $4  }
0x8: {  	s1 =	rddreg [dreg:$0x1];
	_ =	strace $0x8000004A;
	p0 =	sne.s32 s5, $0x0  }
0x9: {  	s6 =	sshrl.u32 s6, $0x8;
	s5 =	simm.s32 $0x1;
	s7 =	simm.s32 @!p0 $0x0  }
0xa: {  	s10 =	smov.u32 s2;
	[sflag:s5] =	ssyncpa.u1 $0x0;
	s6 =	sadd.s32 s7, s6  }
0xb: {  	[sflag:s8] =	ssyncpa.u1 $0x0;
	s8 =	simm.s32 $0x0;
	s7 =	sadd.s32 $0x1, s6  }
.LBB1_9:
0xc: {  	s14 =	sadd.s32 $0x100, s10  }
0xd: {  	p1 =	sgt.s32 s14, $0x31FF  }
0xe: {  	s14 =	smov.u32 @p1 s2;
	p1 =	sne.s32 s11, s7  }
.Ltmp1:
0xf: {  	p0 =	slt.u32 s11, $0x2;
	(pc) =	sbr.rel @!p1 .LBB1_10-.Ltmp1, $4  }
0x10: {  	s13 =	simm.s32 @!p0 $0x2  }
0x11: {  	s15 =	sadd.s32 $0x1, s11;
	_ =	swait.ge @!p0 [sflag:s13], $0x4000  }
0x12: {  	s12 =	smov.u32 s10;
	s9 =	sadd.s32 $0x4000, s9;
	[sflag:s13] =	ssyncset.done @!p0 $0x0  }
0x13: {  	s11 =	smov.u32 s15;
	s10 =	smov.u32 s14;
	[sflag:s13] =	ssyncadd.s32 @!p0 $0xFFFFC000  }
.LBB1_1:
0x14: {  	p0 =	sge.u32 s11, s6  }
0x15: {  	s13 =	sxor.u32 @!p0 $0xFFFFFFFF, s11  }
0x16: {  	s31 =	sadd.s32 $0xFFFFFFFF, s11;
	s14 =	sshll.u32 @!p0 s10, $0x8;
	s13 =	sshll.u32 @!p0 s13, $0xE  }
0x17: {  	s15 =	simm.s32 @!p0 $0x0;
	s14 =	sadd.s32 @!p0 s3, s14;
	s13 =	sand.u32 @!p0 $0x4000, s13  }
0x18: {  	[tilespmem:s13], [sflag:$0x1] =	stream.linear.gather @!p0 [hbm4b:s14+s15], $0x4000, $0x38;
	[tilespmem:$0x10000] =	vst v63  }
0x19: {  	p0 =	sge.u32 s31, s6  }
.Ltmp2:
0x1a: {  	_ = 	snop;
	(pc) =	sbr.rel @p0 .LBB1_9-.Ltmp2, $1  }
0x1b: {  	_ =	sdelay $0x3  }
0x1c: {  	s13 =	sshll.u32 s9, $0x2;
	_ =	swait.ge [sflag:s5], $0x4000;
	s14 =	sshll.u32 s11, $0xE  }
0x1d: {  	s16 =	simm.s32 $0x0;
	s17 =	simm.s32 $0x0;
	s15 =	sand.u32 $0x10000, s13  }
0x1e: {  	[sflag:s5] =	ssyncset.done $0x0;
	s31 =	sand.u32 $0x4000, s14;
	s14 =	sshrl.u32 s15, $0x2  }
0x1f: {  	[sflag:s5] =	ssyncadd.s32 $0xFFFFC000;
	s13 =	sor.u32 $0x8000, s31;
	s15 =	sor.u32 $0x8000, s14  }
.LBB1_3:
0x20: {  	s18 =	sshra.s32 s16, $0x2  }
0x21: {  	v0 =	vmov s18;
	_ =	sdelay $0x3  }
0x22: {  	p1 =	por $0x1, $0x1;
	s18 =	simm.s32 $0x0  }
.LBB1_4:
0x23: {  	_ = 	snop  }
0x24: {  	s19 =	sshll.u32 s18, $0xA  }
0x25: {  	s19 =	sand.u32 $0x3FFFFC00, s19  }
0x26: {  	s19 =	sadd.s32 s19, s14  }
0x27: {  	v5 =	vld.idx.msk [tilespmem:v0+s19+$0x70 ss:$0x1], $0xffff  }
0x28: {  	v6 =	vld.idx.msk [tilespmem:v0+s19+$0x10 ss:$0x1], $0xffff  }
0x29: {  	v7 =	vld.idx.msk [tilespmem:v0+s19+$0x20 ss:$0x1], $0xffff  }
0x2a: {  	s31 =	sshll.u32 s18, $0x7;
	v1 =	vld.idx.msk [tilespmem:v0+s19+$0x30 ss:$0x1], $0xffff  }
0x2b: {  	s18 =	sand.u32 $0x3FFFFF80, s31;
	v2 =	vld.idx.msk [tilespmem:v0+s19+$0x40 ss:$0x1], $0xffff  }
0x2c: {  	s18 =	sadd.s32 s18, s15;
	v3 =	vld.idx.msk [tilespmem:v0+s19+$0x50 ss:$0x1], $0xffff  }
0x2d: {  	v4 =	vld.idx.msk [tilespmem:v0+s19+$0x60 ss:$0x1], $0xffff;
	[tilespmem:v0+s18+$0x70 ss:$0x1] =	vst.idx.msk $0xffff, v5  }
0x2e: {  	v5 =	vld.idx.msk [tilespmem:v0+s19+$0x0 ss:$0x1], $0xffff;
	[tilespmem:v0+s18+$0x10 ss:$0x1] =	vst.idx.msk $0xffff, v6;
	s19 =	sadd.s32 $0x80, s19  }
0x2f: {  	p0 =	por p1, p1;
	s20 =	simm.s32 $0x6;
	[tilespmem:v0+s18+$0x20 ss:$0x1] =	vst.idx.msk $0xffff, v7;
	v6 =	vld.idx.msk [tilespmem:v0+s19+$0x70 ss:$0x1], $0xffff  }
.LBB1_5:
0x30: {  	p1 =	sne.s32 s20, $0x1;
	v7 =	vld.idx.msk [tilespmem:v0+s19+$0x10 ss:$0x1], $0xffff;
	[tilespmem:v0+s18+$0x30 ss:$0x1] =	vst.idx.msk $0xffff, v1  }
0x31: {  	v8 =	vld.idx.msk [tilespmem:v0+s19+$0x20 ss:$0x1], $0xffff;
	[tilespmem:v0+s18+$0x40 ss:$0x1] =	vst.idx.msk $0xffff, v2  }
0x32: {  	v1 =	vld.idx.msk [tilespmem:v0+s19+$0x30 ss:$0x1], $0xffff;
	[tilespmem:v0+s18+$0x50 ss:$0x1] =	vst.idx.msk $0xffff, v3  }
.Ltmp3:
0x33: {  	v2 =	vld.idx.msk [tilespmem:v0+s19+$0x40 ss:$0x1], $0xffff;
	[tilespmem:v0+s18+$0x60 ss:$0x1] =	vst.idx.msk $0xffff, v4;
	(pc) =	sbr.rel @p1 .LBB1_5-.Ltmp3, $4  }
0x34: {  	v3 =	vld.idx.msk [tilespmem:v0+s19+$0x50 ss:$0x1], $0xffff;
	[tilespmem:v0+s18+$0x0 ss:$0x1] =	vst.idx.msk $0xffff, v5;
	s18 =	sadd.s32 $0x100, s18  }
0x35: {  	v4 =	vld.idx.msk [tilespmem:v0+s19+$0x60 ss:$0x1], $0xffff;
	[tilespmem:v0+s18+$0x70 ss:$0x1] =	vst.idx.msk $0xffff, v6  }
0x36: {  	v5 =	vld.idx.msk [tilespmem:v0+s19+$0x0 ss:$0x1], $0xffff;
	[tilespmem:v0+s18+$0x10 ss:$0x1] =	vst.idx.msk $0xffff, v7;
	s19 =	sadd.s32 $0x80, s19  }
0x37: {  	s20 =	sadd.s32 $0xFFFFFFFF, s20;
	v6 =	vld.idx.msk [tilespmem:v0+s19+$0x70 ss:$0x1], $0xffff;
	[tilespmem:v0+s18+$0x20 ss:$0x1] =	vst.idx.msk $0xffff, v8  }
0x38: {  	_ =	sdelay $0x3  }
0x39: {  	[tilespmem:v0+s18+$0x30 ss:$0x1] =	vst.idx.msk $0xffff, v1  }
0x3a: {  	v1 =	vld.idx.msk [tilespmem:v0+s19+$0x10 ss:$0x1], $0xffff;
	[tilespmem:v0+s18+$0x40 ss:$0x1] =	vst.idx.msk $0xffff, v2  }
0x3b: {  	v2 =	vld.idx.msk [tilespmem:v0+s19+$0x20 ss:$0x1], $0xffff;
	[tilespmem:v0+s18+$0x50 ss:$0x1] =	vst.idx.msk $0xffff, v3  }
0x3c: {  	v61 =	vld.idx.msk [tilespmem:v0+s19+$0x40 ss:$0x1], $0xffff;
	[tilespmem:v0+s18+$0x60 ss:$0x1] =	vst.idx.msk $0xffff, v4  }
0x3d: {  	s31 =	sadd.s32 $0x100, s18;
	v62 =	vld.idx.msk [tilespmem:v0+s19+$0x50 ss:$0x1], $0xffff;
	[tilespmem:v0+s18+$0x0 ss:$0x1] =	vst.idx.msk $0xffff, v5  }
0x3e: {  	v63 =	vld.idx.msk [tilespmem:v0+s19+$0x60 ss:$0x1], $0xffff;
	[tilespmem:v0+s31+$0x70 ss:$0x1] =	vst.idx.msk $0xffff, v6  }
0x3f: {  	v3 =	vld.idx.msk [tilespmem:v0+s19+$0x30 ss:$0x1], $0xffff;
	[tilespmem:v0+s31+$0x10 ss:$0x1] =	vst.idx.msk $0xffff, v1  }
0x40: {  	v1 =	vld.idx.msk [tilespmem:v0+s19+$0x0 ss:$0x1], $0xffff;
	[tilespmem:v0+s31+$0x20 ss:$0x1] =	vst.idx.msk $0xffff, v2  }
.Ltmp4:
0x41: {  	[tilespmem:v0+s31+$0x40 ss:$0x1] =	vst.idx.msk $0xffff, v61;
	(pc) =	sbr.rel @p0 .LBB1_4-.Ltmp4, $4  }
0x42: {  	[tilespmem:v0+s31+$0x50 ss:$0x1] =	vst.idx.msk $0xffff, v62  }
0x43: {  	[tilespmem:v0+s31+$0x60 ss:$0x1] =	vst.idx.msk $0xffff, v63  }
0x44: {  	[tilespmem:v0+s31+$0x30 ss:$0x1] =	vst.idx.msk $0xffff, v3  }
0x45: {  	p1 =	por $0x0, $0x0;
	s18 =	simm.s32 $0x1;
	[tilespmem:v0+s31+$0x0 ss:$0x1] =	vst.idx.msk $0xffff, v1  }
0x46: {  	s17 =	sadd.s32 $0x1, s17  }
0x47: {  	p0 =	sne.s32 s17, $0x8  }
.Ltmp5:
0x48: {  	_ = 	snop;
	(pc) =	sbr.rel @p0 .LBB1_3-.Ltmp5, $2  }
0x49: {  	_ =	sdelay $0x2  }
0x4a: {  	s16 =	sadd.s32 $0x2000, s16  }
.Ltmp6:
0x4b: {  	(pc) =	sbr.rel .LBB1_9-.Ltmp6, $4  }
0x4c: {  	_ = 	snop  }
0x4d: {  	s12 =	sshll.u32 s12, $0x8  }
0x4e: {  	s12 =	sadd.s32 s4, s12  }
0x4f: {  	[hbm4b:s12+s8] =	stream.linear.scatter [tilespmem:s13], [sflag:$0x2], $0x4000, $0x38;
	[tilespmem:$0x10000] =	vst v63  }
.LBB1_10:
0x50: {  	_ =	sfence.sel $0x180000  }
0x51: {  	s2 =	simm.s32 $0x1;
	[bflag:$0x0] =	sbarrier.arrive $0xFFFF  }
0x52: {  	s31 =	simm.s32 $0x2;
	[sflag:s2] =	ssyncpa.u1 $0x1  }
0x53: {  	[sflag:s31] =	ssyncpa.u1 $0x1  }
0x54: {  	p0 =	sne.s32 s0, $0x0;
	_ =	strace $0x9000004A  }
0x55: {  	s0 =	sadd.s32 @!p0 $0x100000, s1;
	[bflag:$0x2] =	sbarrier.arrive $0xFFFF  }
0x56: {  	[sflag:s0] =	ssyncadd.tile.s32 @!p0 $0x1;
	_ =	shalt  }
.Lfunc_end1:
_tile_overlayer_lowered:
.L_overlay_start_2:
0x57: {  	(tag) =	ssettag $0x2  }
0x58: {  	s0 =	rddreg [dreg:$0x0];
	s2 =	stileid.u32  }
0x59: {  	s1 =	rddreg [dreg:$0x1];
	p0 =	sne.s32 s2, $0x0  }
0x5a: {  	s3 =	rddreg [dreg:$0x2];
	[bflag:$0x3] =	sbarrier.arrive $0xFFFF;
	s2 =	simm.s32 @!p0 $0x1C01  }
0x5b: {  	[timem:s3], [sflag:s2] =	dma.local @!p0 [hbm:s0], s1  }
0x5c: {  	s0 =	simm.s32 @!p0 $0x1  }
0x5d: {  	_ =	swait.ge @!p0 [sflag:s0], s1  }
0x5e: {  	s1 =	ssub.s32 @!p0 $0x0, s1;
	[sflag:s0] =	ssyncset.done @!p0 $0x0  }
0x5f: {  	[sflag:s0] =	ssyncadd.s32 @!p0 s1  }
0x60: {  	[bflag:$0x3] =	sbarrier.arrive $0xFFFF  }
0x61: {  	_ =	shalt  }

// kernel: sparse-core-data-format-call.cloned.1.call-start
scs
called_computation_lowered:
.L_overlay_start_0:
0x0: {  	s1 =	sld [smem:$0x3FD9]  }
0x1: {  	s2 =	sld [smem:$0x3FFE];
	_ =	sdelay $0x1  }
0x2: {  	s3 =	srdreg.scid  }
0x3: {  	s0 =	sand.u32 $0x1, s3  }
0x4: {  	s17 =	sshll.u32 s0, $0xA;
	s1 =	sadd.s32 s2, s1  }
0x5: {  	s1 =	sadd.s32 s1, s17  }
0x6: {  	[smem:$0x3FA9] =	sst s1  }
0x7: {  	_ = 	snop  }
0x8: {  	(tm) =	ssettm $0x1  }
0x9: {  	s18 =	sld [smem:$0x3FFB];
	_ =	sdelay $0x3  }
0xa: {  	_ =	strace s18  }
0xb: {  	s1 =	sld [smem:$0x3FFC];
	_ =	sdelay $0x3  }
0xc: {  	_ =	strace s1  }
0xd: {  	s1 =	sld [smem:$0x3FFD];
	_ =	sdelay $0x3  }
0xe: {  	_ =	strace s1  }
0xf: {  	_ =	strace $0x8FFFFFFF  }
0x10: {  	s19 =	sld [smem:$0x3FDB];
	_ =	sdelay $0x1  }
0x11: {  	s20 =	simm.s32 $_scs_section_size  }
0x12: {  	s4 =	simm.s32 $_size__tile_overlayer_lowered;
	s5 =	simm.s32 $_tile_overlayer_lowered  }
0x13: {  	s23 =	simm.s32 $0x1BFF;
	s22 =	sshll.u32 s5, $0x1;
	s1 =	sadd.s32 s20, s19  }
0x14: {  	s6 =	simm.s32 $0x0;
	s21 =	sshll.u32 s4, $0x1;
	s4 =	sadd.s32 s22, s1  }
0x15: {  	[timem:s6], [sflag:s23] =	dma.local [hbm:s4], s21  }
0x16: {  	_ =	swait.ge [sflag:s23], s21  }
0x17: {  	s2 =	ssub.s32 $0x0, s21;
	[sflag:s23] =	ssyncset.done $0x0  }
0x18: {  	[sflag:s23] =	ssyncadd.s32 s2;
	_ =	sdelay $0x1  }
0x19: {  	s24 =	simm.s32 $0x1B8B  }
0x1a: {  	_ =	swait.ge [sflag:s24], $0x1  }
0x1b: {  	[sflag:s24] =	ssyncset.done $0x0  }
0x1c: {  	s26 =	simm.s32 $0x1B8E;
	s25 =	sld [smem:$0x3FFE];
	[sflag:s24] =	ssyncadd.s32 $0xFFFFFFFF  }
0x1d: {  	s27 =	simm.s32 $execute0_lowered;
	[smem:$0x3FD2] =	sst s26  }
0x1e: {  	s4 =	sshll.u32 s27, $0x1;
	_ =	strace $0x8000005B;
	[dreg:$0x1] =	wrdreg $0xFFFFFFFF  }
0x1f: {  	s28 =	simm.s32 $_size_execute0_lowered;
	s1 =	sadd.s32 s1, s4;
	[dreg:$0x0] =	wrdreg $0x0  }
0x20: {  	s4 =	sshll.u32 s28, $0x1;
	[dreg:$0x2] =	wrdreg s1  }
0x21: {  	[dreg:$0x3] =	wrdreg s4  }
0x22: {  	[dreg:$0x4] =	wrdreg $0xC0  }
0x23: {  	_ =	task [dreg:s6], $0x5FFFF  }
0x24: {  	[dreg:$0x1] =	wrdreg $0xFFFFFFFF  }
0x25: {  	[dreg:$0x0] =	wrdreg $0x60  }
0x26: {  	[dreg:$0x2] =	wrdreg s25  }
0x27: {  	[dreg:$0x3] =	wrdreg $0x9  }
0x28: {  	_ =	task.clear_ibuf [dreg:s6], $0x4FFFF;
	_ =	strace $0x9000005B  }
0x29: {  	s29 =	simm.s32 $0x9;
	_ =	strace $0x8000005D  }
0x2a: {  	_ =	swait.ge [sflag:s29], $0x1  }
0x2b: {  	[sflag:s29] =	ssyncadd.s32 $0xFFFFFFFF  }
0x2c: {  	_ =	strace $0x9000005D  }
0x2d: {  	_ =	sfence  }
0x2e: {  	s30 =	sld [smem:$0x0];
	_ =	sdelay $0x2  }
0x2f: {  	s31 =	sshll.u32 s3, $0xD;
	s3 =	sshrl.u32 s3, $0x2  }
0x30: {  	s2 =	sand.u32 $0x4000, s31;
	s1 =	sadd.s32 s3, s30  }
0x31: {  	s0 =	sor.u32 s2, s0;
	s1 =	sshll.u32 s1, $0x11  }
0x32: {  	s0 =	sor.u32 s1, s0  }
0x33: {  	s0 =	sadd.s32 $0x8F2B, s0  }
0x34: {  	[sflag:s0] =	ssyncadd.remote.s32 $0x1  }
0x35: {  	_ =	sfence.sel $0xFFFF  }
0x36: {  	[dreg:$0x0] =	wrdreg $0xFFFFFFFF;
	(pc) =	sbr.abs _section_cstart, $3  }
0x37: {  	[dreg:$0x1] =	wrdreg $0xFFFFFFFF  }
0x38: {  	_ =	task.clear_ibuf [dreg:s6], $0x2FFFF;
	_ =	strace $0x9FFFFFFF  }
0x39: {  	(tm) =	ssettm $0x7FFFFFFF  }
tec
execute0_lowered:
.L_overlay_start_1:
0x0: {  	(tag) =	ssettag $0x1  }
0x1: {  	s0 =	srdreg.scid  }
0x2: {  	s1 =	sshll.u32 s0, $0x4  }
0x3: {  	s4 =	rddreg [dreg:$0x0];
	s0 =	stileid.u32;
	s1 =	sand.u32 $0x10, s1  }
0x4: {  	s7 =	simm.s32 $0x1;
	s8 =	simm.s32 $0x2;
	s2 =	sor.u32 s0, s1  }
0x5: {  	s9 =	simm.s32 $0x0;
	s12 =	simm.s32 $0x0;
	s2 =	sshll.u32 s2, $0x3  }
0x6: {  	s11 =	simm.s32 $0x0;
	s3 =	sadd.s32 $0x87E200, s4;
	s6 =	ssub.s32 $0x3200, s2  }
.Ltmp0:
0x7: {  	s4 =	sadd.s32 $0xB9E200, s4;
	s5 =	sand.u32 $0xF8, s6;
	(pc) =	sbr.rel .LBB1_1-.Ltmp0, $4  }
0x8: {  	s1 =	rddreg [dreg:$0x1];
	_ =	strace $0x8000005C;
	p0 =	sne.s32 s5, $0x0  }
0x9: {  	s6 =	sshrl.u32 s6, $0x8;
	s5 =	simm.s32 $0x1;
	s7 =	simm.s32 @!p0 $0x0  }
0xa: {  	s10 =	smov.u32 s2;
	[sflag:s5] =	ssyncpa.u1 $0x0;
	s6 =	sadd.s32 s7, s6  }
0xb: {  	[sflag:s8] =	ssyncpa.u1 $0x0;
	s8 =	simm.s32 $0x0;
	s7 =	sadd.s32 $0x1, s6  }
.LBB1_9:
0xc: {  	s14 =	sadd.s32 $0x100, s10  }
0xd: {  	p1 =	sgt.s32 s14, $0x31FF  }
0xe: {  	s14 =	smov.u32 @p1 s2;
	p1 =	sne.s32 s11, s7  }
.Ltmp1:
0xf: {  	p0 =	slt.u32 s11, $0x2;
	(pc) =	sbr.rel @!p1 .LBB1_10-.Ltmp1, $4  }
0x10: {  	s13 =	simm.s32 @!p0 $0x2  }
0x11: {  	s15 =	sadd.s32 $0x1, s11;
	_ =	swait.ge @!p0 [sflag:s13], $0x4000  }
0x12: {  	s12 =	smov.u32 s10;
	s9 =	sadd.s32 $0x4000, s9;
	[sflag:s13] =	ssyncset.done @!p0 $0x0  }
0x13: {  	s11 =	smov.u32 s15;
	s10 =	smov.u32 s14;
	[sflag:s13] =	ssyncadd.s32 @!p0 $0xFFFFC000  }
.LBB1_1:
0x14: {  	p0 =	sge.u32 s11, s6  }
0x15: {  	s13 =	sxor.u32 @!p0 $0xFFFFFFFF, s11  }
0x16: {  	s31 =	sadd.s32 $0xFFFFFFFF, s11;
	s14 =	sshll.u32 @!p0 s10, $0x8;
	s13 =	sshll.u32 @!p0 s13, $0xE  }
0x17: {  	s15 =	simm.s32 @!p0 $0x0;
	s14 =	sadd.s32 @!p0 s3, s14;
	s13 =	sand.u32 @!p0 $0x4000, s13  }
0x18: {  	[tilespmem:s13], [sflag:$0x1] =	stream.linear.gather @!p0 [hbm4b:s14+s15], $0x4000, $0x38;
	[tilespmem:$0x10000] =	vst v63  }
0x19: {  	p0 =	sge.u32 s31, s6  }
.Ltmp2:
0x1a: {  	_ = 	snop;
	(pc) =	sbr.rel @p0 .LBB1_9-.Ltmp2, $1  }
0x1b: {  	_ =	sdelay $0x3  }
0x1c: {  	s13 =	sshll.u32 s9, $0x2;
	_ =	swait.ge [sflag:s5], $0x4000;
	s14 =	sshll.u32 s11, $0xE  }
0x1d: {  	s16 =	simm.s32 $0x0;
	s17 =	simm.s32 $0x0;
	s15 =	sand.u32 $0x10000, s13  }
0x1e: {  	[sflag:s5] =	ssyncset.done $0x0;
	s31 =	sand.u32 $0x4000, s14;
	s14 =	sshrl.u32 s15, $0x2  }
0x1f: {  	[sflag:s5] =	ssyncadd.s32 $0xFFFFC000;
	s13 =	sor.u32 $0x8000, s31;
	s15 =	sor.u32 $0x8000, s14  }
.LBB1_3:
0x20: {  	s18 =	sshra.s32 s16, $0x2  }
0x21: {  	v0 =	vmov s18;
	_ =	sdelay $0x3  }
0x22: {  	p1 =	por $0x1, $0x1;
	s18 =	simm.s32 $0x0  }
.LBB1_4:
0x23: {  	_ = 	snop  }
0x24: {  	s19 =	sshll.u32 s18, $0xA  }
0x25: {  	s19 =	sand.u32 $0x3FFFFC00, s19  }
0x26: {  	s19 =	sadd.s32 s19, s14  }
0x27: {  	v5 =	vld.idx.msk [tilespmem:v0+s19+$0x70 ss:$0x1], $0xffff  }
0x28: {  	v6 =	vld.idx.msk [tilespmem:v0+s19+$0x10 ss:$0x1], $0xffff  }
0x29: {  	v7 =	vld.idx.msk [tilespmem:v0+s19+$0x20 ss:$0x1], $0xffff  }
0x2a: {  	s31 =	sshll.u32 s18, $0x7;
	v1 =	vld.idx.msk [tilespmem:v0+s19+$0x30 ss:$0x1], $0xffff  }
0x2b: {  	s18 =	sand.u32 $0x3FFFFF80, s31;
	v2 =	vld.idx.msk [tilespmem:v0+s19+$0x40 ss:$0x1], $0xffff  }
0x2c: {  	s18 =	sadd.s32 s18, s15;
	v3 =	vld.idx.msk [tilespmem:v0+s19+$0x50 ss:$0x1], $0xffff  }
0x2d: {  	v4 =	vld.idx.msk [tilespmem:v0+s19+$0x60 ss:$0x1], $0xffff;
	[tilespmem:v0+s18+$0x70 ss:$0x1] =	vst.idx.msk $0xffff, v5  }
0x2e: {  	v5 =	vld.idx.msk [tilespmem:v0+s19+$0x0 ss:$0x1], $0xffff;
	[tilespmem:v0+s18+$0x10 ss:$0x1] =	vst.idx.msk $0xffff, v6;
	s19 =	sadd.s32 $0x80, s19  }
0x2f: {  	p0 =	por p1, p1;
	s20 =	simm.s32 $0x6;
	[tilespmem:v0+s18+$0x20 ss:$0x1] =	vst.idx.msk $0xffff, v7;
	v6 =	vld.idx.msk [tilespmem:v0+s19+$0x70 ss:$0x1], $0xffff  }
.LBB1_5:
0x30: {  	p1 =	sne.s32 s20, $0x1;
	v7 =	vld.idx.msk [tilespmem:v0+s19+$0x10 ss:$0x1], $0xffff;
	[tilespmem:v0+s18+$0x30 ss:$0x1] =	vst.idx.msk $0xffff, v1  }
0x31: {  	v8 =	vld.idx.msk [tilespmem:v0+s19+$0x20 ss:$0x1], $0xffff;
	[tilespmem:v0+s18+$0x40 ss:$0x1] =	vst.idx.msk $0xffff, v2  }
0x32: {  	v1 =	vld.idx.msk [tilespmem:v0+s19+$0x30 ss:$0x1], $0xffff;
	[tilespmem:v0+s18+$0x50 ss:$0x1] =	vst.idx.msk $0xffff, v3  }
.Ltmp3:
0x33: {  	v2 =	vld.idx.msk [tilespmem:v0+s19+$0x40 ss:$0x1], $0xffff;
	[tilespmem:v0+s18+$0x60 ss:$0x1] =	vst.idx.msk $0xffff, v4;
	(pc) =	sbr.rel @p1 .LBB1_5-.Ltmp3, $4  }
0x34: {  	v3 =	vld.idx.msk [tilespmem:v0+s19+$0x50 ss:$0x1], $0xffff;
	[tilespmem:v0+s18+$0x0 ss:$0x1] =	vst.idx.msk $0xffff, v5;
	s18 =	sadd.s32 $0x100, s18  }
0x35: {  	v4 =	vld.idx.msk [tilespmem:v0+s19+$0x60 ss:$0x1], $0xffff;
	[tilespmem:v0+s18+$0x70 ss:$0x1] =	vst.idx.msk $0xffff, v6  }
0x36: {  	v5 =	vld.idx.msk [tilespmem:v0+s19+$0x0 ss:$0x1], $0xffff;
	[tilespmem:v0+s18+$0x10 ss:$0x1] =	vst.idx.msk $0xffff, v7;
	s19 =	sadd.s32 $0x80, s19  }
0x37: {  	s20 =	sadd.s32 $0xFFFFFFFF, s20;
	v6 =	vld.idx.msk [tilespmem:v0+s19+$0x70 ss:$0x1], $0xffff;
	[tilespmem:v0+s18+$0x20 ss:$0x1] =	vst.idx.msk $0xffff, v8  }
0x38: {  	_ =	sdelay $0x3  }
0x39: {  	[tilespmem:v0+s18+$0x30 ss:$0x1] =	vst.idx.msk $0xffff, v1  }
0x3a: {  	v1 =	vld.idx.msk [tilespmem:v0+s19+$0x10 ss:$0x1], $0xffff;
	[tilespmem:v0+s18+$0x40 ss:$0x1] =	vst.idx.msk $0xffff, v2  }
0x3b: {  	v2 =	vld.idx.msk [tilespmem:v0+s19+$0x20 ss:$0x1], $0xffff;
	[tilespmem:v0+s18+$0x50 ss:$0x1] =	vst.idx.msk $0xffff, v3  }
0x3c: {  	v61 =	vld.idx.msk [tilespmem:v0+s19+$0x40 ss:$0x1], $0xffff;
	[tilespmem:v0+s18+$0x60 ss:$0x1] =	vst.idx.msk $0xffff, v4  }
0x3d: {  	s31 =	sadd.s32 $0x100, s18;
	v62 =	vld.idx.msk [tilespmem:v0+s19+$0x50 ss:$0x1], $0xffff;
	[tilespmem:v0+s18+$0x0 ss:$0x1] =	vst.idx.msk $0xffff, v5  }
0x3e: {  	v63 =	vld.idx.msk [tilespmem:v0+s19+$0x60 ss:$0x1], $0xffff;
	[tilespmem:v0+s31+$0x70 ss:$0x1] =	vst.idx.msk $0xffff, v6  }
0x3f: {  	v3 =	vld.idx.msk [tilespmem:v0+s19+$0x30 ss:$0x1], $0xffff;
	[tilespmem:v0+s31+$0x10 ss:$0x1] =	vst.idx.msk $0xffff, v1  }
0x40: {  	v1 =	vld.idx.msk [tilespmem:v0+s19+$0x0 ss:$0x1], $0xffff;
	[tilespmem:v0+s31+$0x20 ss:$0x1] =	vst.idx.msk $0xffff, v2  }
.Ltmp4:
0x41: {  	[tilespmem:v0+s31+$0x40 ss:$0x1] =	vst.idx.msk $0xffff, v61;
	(pc) =	sbr.rel @p0 .LBB1_4-.Ltmp4, $4  }
0x42: {  	[tilespmem:v0+s31+$0x50 ss:$0x1] =	vst.idx.msk $0xffff, v62  }
0x43: {  	[tilespmem:v0+s31+$0x60 ss:$0x1] =	vst.idx.msk $0xffff, v63  }
0x44: {  	[tilespmem:v0+s31+$0x30 ss:$0x1] =	vst.idx.msk $0xffff, v3  }
0x45: {  	p1 =	por $0x0, $0x0;
	s18 =	simm.s32 $0x1;
	[tilespmem:v0+s31+$0x0 ss:$0x1] =	vst.idx.msk $0xffff, v1  }
0x46: {  	s17 =	sadd.s32 $0x1, s17  }
0x47: {  	p0 =	sne.s32 s17, $0x8  }
.Ltmp5:
0x48: {  	_ = 	snop;
	(pc) =	sbr.rel @p0 .LBB1_3-.Ltmp5, $2  }
0x49: {  	_ =	sdelay $0x2  }
0x4a: {  	s16 =	sadd.s32 $0x2000, s16  }
.Ltmp6:
0x4b: {  	(pc) =	sbr.rel .LBB1_9-.Ltmp6, $4  }
0x4c: {  	_ = 	snop  }
0x4d: {  	s12 =	sshll.u32 s12, $0x8  }
0x4e: {  	s12 =	sadd.s32 s4, s12  }
0x4f: {  	[hbm4b:s12+s8] =	stream.linear.scatter [tilespmem:s13], [sflag:$0x2], $0x4000, $0x38;
	[tilespmem:$0x10000] =	vst v63  }
.LBB1_10:
0x50: {  	_ =	sfence.sel $0x180000  }
0x51: {  	s2 =	simm.s32 $0x1;
	[bflag:$0x0] =	sbarrier.arrive $0xFFFF  }
0x52: {  	s31 =	simm.s32 $0x2;
	[sflag:s2] =	ssyncpa.u1 $0x1  }
0x53: {  	[sflag:s31] =	ssyncpa.u1 $0x1  }
0x54: {  	p0 =	sne.s32 s0, $0x0;
	_ =	strace $0x9000005C  }
0x55: {  	s0 =	sadd.s32 @!p0 $0x100000, s1;
	[bflag:$0x2] =	sbarrier.arrive $0xFFFF  }
0x56: {  	[sflag:s0] =	ssyncadd.tile.s32 @!p0 $0x1;
	_ =	shalt  }
.Lfunc_end1:
_tile_overlayer_lowered:
.L_overlay_start_2:
0x57: {  	(tag) =	ssettag $0x2  }
0x58: {  	s0 =	rddreg [dreg:$0x0];
	s2 =	stileid.u32  }
0x59: {  	s1 =	rddreg [dreg:$0x1];
	p0 =	sne.s32 s2, $0x0  }
0x5a: {  	s3 =	rddreg [dreg:$0x2];
	[bflag:$0x3] =	sbarrier.arrive $0xFFFF;
	s2 =	simm.s32 @!p0 $0x1C01  }
0x5b: {  	[timem:s3], [sflag:s2] =	dma.local @!p0 [hbm:s0], s1  }
0x5c: {  	s0 =	simm.s32 @!p0 $0x1  }
0x5d: {  	_ =	swait.ge @!p0 [sflag:s0], s1  }
0x5e: {  	s1 =	ssub.s32 @!p0 $0x0, s1;
	[sflag:s0] =	ssyncset.done @!p0 $0x0  }
0x5f: {  	[sflag:s0] =	ssyncadd.s32 @!p0 s1  }
0x60: {  	[bflag:$0x3] =	sbarrier.arrive $0xFFFF  }
0x61: {  	_ =	shalt  }

</sc_bundles>
